<compile_context>
chip_gen: v7x
topology: tpu7x:2x2x1
jax: 0.10.2.dev20260603
libtpu: 0.0.44.dev20260713+nightly
codegen_flags: <defaults>
</compile_context>

<pallas_src>
import functools

import jax
import jax.numpy as jnp
from jax import lax
from jax.experimental import pallas as pl
from jax.experimental.pallas import tpu as pltpu
from jax.experimental.pallas import tpu_sc as plsc

_L = 16


_CPAD = 5


@functools.partial(jax.jit, static_argnums=(3, 4, 5))
def _project(img_1d, tvals, consts, Bn, n_row, n_col):
    ncp = n_col + _CPAD
    npix = n_row * ncp
    n_ray, width = tvals.shape
    nseg = width - 1

    mesh = plsc.VectorSubcoreMesh(core_axis_name="c", subcore_axis_name="s")
    n_workers = mesh.num_cores * mesh.num_subcores
    chunks_per_batch = n_workers // Bn
    rays_per_worker = n_ray // chunks_per_batch
    rchunk = 32
    n_chunks = rays_per_worker // rchunk
    n_sub = rchunk // _L

    @functools.partial(
        pl.kernel,
        out_type=jax.ShapeDtypeStruct((Bn * n_ray,), jnp.float32),
        mesh=mesh,
        scratch_types=[
            pltpu.VMEM((npix,), jnp.float32),
            pltpu.VMEM((rchunk, width), jnp.float32),
            pltpu.VMEM((rchunk, width), jnp.float32),
            pltpu.VMEM((rchunk, 8), jnp.float32),
            pltpu.VMEM((rchunk, 8), jnp.float32),
            pltpu.VMEM((rays_per_worker,), jnp.float32),
            pltpu.SemaphoreType.DMA,
            pltpu.SemaphoreType.DMA,
            pltpu.SemaphoreType.DMA,
            pltpu.SemaphoreType.DMA,
        ],
        compiler_params=pltpu.CompilerParams(use_tc_tiling_on_sc=False,
                                             needs_layout_passes=False),
    )
    def proj(img_hbm, tv_hbm, cst_hbm, out_hbm,
             img_v, tv0, tv1, c0, c1, out_v, st0, sc0, st1, sc1):
        nc = mesh.num_cores
        wid = lax.axis_index("s") * nc + lax.axis_index("c")
        batch = wid // chunks_per_batch
        ray0 = (wid % chunks_per_batch) * rays_per_worker

        pltpu.sync_copy(img_hbm.at[pl.ds(batch * npix, npix)], img_v)

        lanes = lax.iota(jnp.int32, _L)
        zeros_i = jnp.zeros((_L,), jnp.int32)
        fzero = jnp.zeros((_L,), jnp.float32)

        def issue(ci, tvb, cvb, st, sc2):
            base = ray0 + ci * rchunk
            pltpu.make_async_copy(
                tv_hbm.at[pl.ds(base, rchunk)], tvb, st).start()
            pltpu.make_async_copy(
                cst_hbm.at[pl.ds(base, rchunk)], cvb, sc2).start()

        def wait(tvb, cvb, st, sc2):
            pltpu.make_async_copy(
                tv_hbm.at[pl.ds(0, rchunk)], tvb, st).wait()
            pltpu.make_async_copy(
                cst_hbm.at[pl.ds(0, rchunk)], cvb, sc2).wait()

        def process(ci, tv_v, c_v):
            rids = [lanes + (sub * _L) for sub in range(n_sub)]
            qsr_l, qsc_l, dr_l, dc_l, rl_l = [], [], [], [], []
            blk_lo = blk_end = in_lo = in_end = None
            for sub in range(n_sub):
                rid = rids[sub]
                qsr = plsc.load_gather(c_v, [rid, zeros_i])
                qsc = plsc.load_gather(c_v, [rid, zeros_i + 1])
                dr = plsc.load_gather(c_v, [rid, zeros_i + 2])
                dc = plsc.load_gather(c_v, [rid, zeros_i + 3])
                rl = plsc.load_gather(c_v, [rid, zeros_i + 4])
                qsr_l.append(qsr)
                qsc_l.append(qsc)
                dr_l.append(dr)
                dc_l.append(dc)
                rl_l.append(rl)

                eps = 1e-9
                drs = jnp.where(jnp.abs(dr) < eps, eps, dr)
                dcs = jnp.where(jnp.abs(dc) < eps, eps, dc)
                tr0 = (0.0 - qsr) / drs
                tr1 = (float(n_row) - qsr) / drs
                tc0 = (0.0 - qsc) / dcs
                tc1 = (float(n_col) - qsc) / dcs
                t_en = jnp.maximum(jnp.maximum(jnp.minimum(tr0, tr1),
                                               jnp.minimum(tc0, tc1)),
                                   0.0) - 1e-4
                t_ex = jnp.minimum(jnp.minimum(jnp.maximum(tr0, tr1),
                                               jnp.maximum(tc0, tc1)),
                                   1.0) + 1e-4

                t_en_in = t_en + 2e-4
                t_ex_in = t_ex - 2e-4

                cnt_le = jnp.zeros((_L,), jnp.int32)
                cnt_lt = jnp.zeros((_L,), jnp.int32)
                cnt_lt_in = jnp.zeros((_L,), jnp.int32)
                cnt_le_in = jnp.zeros((_L,), jnp.int32)
                step = 512
                while step >= 1:
                    for which in range(4):
                        cnt = (cnt_le, cnt_lt, cnt_lt_in, cnt_le_in)[which]
                        cand = cnt + step
                        okc = cand <= width
                        probe = plsc.load_gather(
                            tv_v, [rid, jnp.minimum(cand, width) - 1])
                        if which == 0:
                            take = okc & (probe <= t_en)
                            cnt_le = jnp.where(take, cand, cnt_le)
                        elif which == 1:
                            take = okc & (probe < t_ex)
                            cnt_lt = jnp.where(take, cand, cnt_lt)
                        elif which == 2:
                            take = okc & (probe < t_en_in)
                            cnt_lt_in = jnp.where(take, cand, cnt_lt_in)
                        else:
                            take = okc & (probe <= t_ex_in)
                            cnt_le_in = jnp.where(take, cand, cnt_le_in)
                    step //= 2
                b_lo = jnp.min(jnp.maximum(cnt_le - 1, 0))
                b_end = jnp.max(jnp.minimum(cnt_lt, nseg))
                i_lo = jnp.max(cnt_lt_in)
                i_end = jnp.min(cnt_le_in) - 1
                if sub == 0:
                    blk_lo, blk_end, in_lo, in_end = b_lo, b_end, i_lo, i_end
                else:
                    blk_lo = jnp.minimum(blk_lo, b_lo)
                    blk_end = jnp.maximum(blk_end, b_end)
                    in_lo = jnp.maximum(in_lo, i_lo)
                    in_end = jnp.minimum(in_end, i_end)
            blk_end = jnp.maximum(blk_end, blk_lo)
            in_lo = jnp.clip(in_lo, blk_lo, blk_end)
            in_end = jnp.clip(in_end, in_lo, blk_end)

            def seg_step(t_cur, acc, col, sub):
                t_nxt = plsc.load_gather(tv_v, [rids[sub], col])
                tm = 0.5 * (t_cur + t_nxt)
                pr = qsr_l[sub] + tm * dr_l[sub]
                pc = qsc_l[sub] + tm * dc_l[sub]
                seg = (t_nxt - t_cur) * rl_l[sub]
                inb = ((pr >= 0.0) & (pr < float(n_row))
                       & (pc >= 0.0) & (pc < float(n_col)))
                rs = jnp.clip(pr, 0.0, float(n_row - 1)).astype(jnp.int32)
                cs = jnp.clip(pc, 0.0, float(n_col - 1)).astype(jnp.int32)
                vals = plsc.load_gather(img_v, [rs * ncp + cs])
                return t_nxt, acc + vals * jnp.where(inb, seg, 0.0)

            def fast_step(t_cur, acc, col, sub):
                t_nxt = plsc.load_gather(tv_v, [rids[sub], col])
                tm = 0.5 * (t_cur + t_nxt)
                pr = qsr_l[sub] + tm * dr_l[sub]
                pc = qsc_l[sub] + tm * dc_l[sub]
                seg = (t_nxt - t_cur) * rl_l[sub]
                flat = pr.astype(jnp.int32) * ncp + pc.astype(jnp.int32)
                vals = plsc.load_gather(img_v, [flat])
                return t_nxt, acc + vals * seg

            def multi(step_fn):
                def body(s, carry):
                    ts, accs = carry
                    col = jnp.full((_L,), s + 1, jnp.int32)
                    new = [step_fn(ts[h], accs[h], col, h)
                           for h in range(n_sub)]
                    return tuple(t for t, _ in new), tuple(a for _, a in new)
                return body

            col0 = jnp.full((_L,), blk_lo, jnp.int32)
            ts0 = tuple(plsc.load_gather(tv_v, [rids[h], col0])
                        for h in range(n_sub))
            accs0 = tuple(fzero for _ in range(n_sub))
            carry = lax.fori_loop(blk_lo, in_lo, multi(seg_step),
                                  (ts0, accs0))
            carry = lax.fori_loop(in_lo, in_end, multi(fast_step), carry)
            _, accs = lax.fori_loop(in_end, blk_end, multi(seg_step), carry)
            for sub in range(n_sub):
                out_v[pl.ds(ci * rchunk + sub * _L, _L)] = accs[sub]

        issue(0, tv0, c0, st0, sc0)

        def pair_body(gi, carry):
            ci0 = gi * 2
            wait(tv0, c0, st0, sc0)
            issue(ci0 + 1, tv1, c1, st1, sc1)
            process(ci0, tv0, c0)
            wait(tv1, c1, st1, sc1)

            @pl.when(ci0 + 2 < n_chunks)
            def _():
                issue(ci0 + 2, tv0, c0, st0, sc0)

            process(ci0 + 1, tv1, c1)
            return carry

        lax.fori_loop(0, n_chunks // 2, pair_body, 0)
        if n_chunks % 2:
            wait(tv0, c0, st0, sc0)
            process(n_chunks - 1, tv0, c0)
        pltpu.sync_copy(
            out_v, out_hbm.at[pl.ds(batch * n_ray + ray0, rays_per_worker)])

    return proj(img_1d, tvals, consts).reshape(Bn, n_ray)


def kernel(image, tvals, M, b, src, dst):
    squeeze = image.ndim == 2
    img = image[None] if squeeze else image
    Bn, n_row, n_col = img.shape

    Minv = jnp.linalg.inv(M)
    qs = (src - b[None, :]) @ Minv.T
    qd = (dst - b[None, :]) @ Minv.T
    d = qd - qs
    rl = jnp.linalg.norm(dst - src, axis=1)
    zero = jnp.zeros_like(rl)
    consts = jnp.stack([qs[:, 0], qs[:, 1], d[:, 0], d[:, 1], rl,
                        zero, zero, zero], axis=1)

    imgp = jnp.pad(img.astype(jnp.float32),
                   ((0, 0), (0, 0), (0, _CPAD)))
    img_1d = imgp.reshape(Bn * n_row * (n_col + _CPAD))
    sino = _project(img_1d, tvals.astype(jnp.float32), consts,
                    Bn, n_row, n_col)
    return sino[0] if squeeze else sino

# --- scband reference (transcript-rebuilt; emitter-appended) ---
"""Pipeline reference for scband-ctprojector2-dmodule-32306744000769 (READ-ONLY COPY).

The authoritative reference and input builder live on the scoring server;
editing this copy changes nothing except your own understanding.
"""

import jax, jax.numpy as jnp
import numpy as np

N_ROW = 256
N_COL = 256
N_VIEWS = 180
N_DET = 256
BATCH = 2


def compute_intersections_2d(n_row, n_col, M, b, src, dst):
    # Map world-space ray endpoints into pixel-index coordinates via inverse affine
    Minv = jnp.linalg.inv(M)
    qs = (src - b[None, :]) @ Minv.T
    qd = (dst - b[None, :]) @ Minv.T
    d = qd - qs
    eps = 1e-9
    dr = jnp.where(jnp.abs(d[:, 0:1]) < eps, eps, d[:, 0:1])
    dc = jnp.where(jnp.abs(d[:, 1:2]) < eps, eps, d[:, 1:2])
    planes_r = jnp.arange(n_row + 1, dtype=jnp.float32)
    planes_c = jnp.arange(n_col + 1, dtype=jnp.float32)
    t_r = (planes_r[None, :] - qs[:, 0:1]) / dr
    t_c = (planes_c[None, :] - qs[:, 1:2]) / dc
    n_ray = src.shape[0]
    ends = jnp.concatenate([jnp.zeros((n_ray, 1), jnp.float32),
                            jnp.ones((n_ray, 1), jnp.float32)], axis=1)
    t_all = jnp.concatenate([t_r, t_c, ends], axis=1)
    t_all = jnp.clip(t_all, 0.0, 1.0)
    return jnp.sort(t_all, axis=1)


def make_geometry():
    angles = np.linspace(0.0, np.pi, N_VIEWS, endpoint=False)
    det = (np.arange(N_DET) - (N_DET - 1) / 2.0) * (N_ROW * 1.5 / N_DET)
    cx, cy = N_ROW / 2.0, N_COL / 2.0
    R = float(N_ROW)
    A, T = np.meshgrid(angles, det, indexing='ij')
    dirx, diry = np.cos(A), np.sin(A)
    px, py = -np.sin(A), np.cos(A)
    src = np.stack([cx + T * px - R * dirx, cy + T * py - R * diry], axis=-1).reshape(-1, 2)
    dst = np.stack([cx + T * px + R * dirx, cy + T * py + R * diry], axis=-1).reshape(-1, 2)
    return jnp.asarray(src, jnp.float32), jnp.asarray(dst, jnp.float32)


def setup_inputs(seed: int = 0) -> dict:
    key = jax.random.key(seed)
    src, dst = make_geometry()
    M = jnp.eye(2, dtype=jnp.float32)
    b = jnp.zeros((2,), jnp.float32)
    tvals = compute_intersections_2d(N_ROW, N_COL, M, b, src, dst)
    image = jax.random.normal(key, (BATCH, N_ROW, N_COL), dtype=jnp.float32)
    return {"image": image, "tvals": tvals, "M": M, "b": b, "src": src, "dst": dst}


def reference(image, tvals, M, b, src, dst):
    squeeze = (image.ndim == 2)
    img = image[None] if squeeze else image
    Bn, n_row, n_col = img.shape
    Minv = jnp.linalg.inv(M)
    qs = (src - b[None, :]) @ Minv.T
    qd = (dst - b[None, :]) @ Minv.T
    d = qd - qs
    t0, t1 = tvals[:, :-1], tvals[:, 1:]
    tm = 0.5 * (t0 + t1)
    ray_len = jnp.linalg.norm(dst - src, axis=1, keepdims=True)
    seg = (t1 - t0) * ray_len
    pr = qs[:, 0:1] + tm * d[:, 0:1]
    pc = qs[:, 1:2] + tm * d[:, 1:2]
    ri = jnp.floor(pr).astype(jnp.int32)
    ci = jnp.floor(pc).astype(jnp.int32)
    valid = (ri >= 0) & (ri < n_row) & (ci >= 0) & (ci < n_col) & (seg > 0)
    rs = jnp.clip(ri, 0, n_row - 1)
    cs = jnp.clip(ci, 0, n_col - 1)
    flat = (rs * n_col + cs).reshape(-1)
    w = jnp.where(valid, seg, 0.0)
    img_flat = img.reshape(Bn, n_row * n_col)
    vals = jnp.take(img_flat, flat, axis=1).reshape(Bn, w.shape[0], w.shape[1])
    sino = jnp.sum(vals * w[None, :, :], axis=-1)
    return sino[0] if squeeze else sino

if __name__ == "__main__":
    import jax
    _d = setup_inputs()
    print(jax.jit(kernel)(*tuple(_d.values())))

</pallas_src>

<mosaic_0001>
#map = affine_map<(d0, d1) -> (0)>
#map1 = affine_map<(d0, d1) -> (0, 0)>
module attributes {stable_mosaic.version = 14 : i64} {
  func.func @proj(%arg0: i32, %arg1: i32, %arg2: memref<133632xf32, #tpu.memory_space<hbm>>, %arg3: memref<46080x516xf32, #tpu.memory_space<hbm>>, %arg4: memref<46080x8xf32, #tpu.memory_space<hbm>>, %arg5: memref<92160xf32, #tpu.memory_space<hbm>>, %arg6: memref<66816xf32, #tpu.memory_space<vmem>>, %arg7: memref<32x516xf32, #tpu.memory_space<vmem>>, %arg8: memref<32x516xf32, #tpu.memory_space<vmem>>, %arg9: memref<32x8xf32, #tpu.memory_space<vmem>>, %arg10: memref<32x8xf32, #tpu.memory_space<vmem>>, %arg11: memref<2880xf32, #tpu.memory_space<vmem>>, %arg12: memref<!tpu.dma_semaphore, #tpu.memory_space<semaphore_mem>>, %arg13: memref<!tpu.dma_semaphore, #tpu.memory_space<semaphore_mem>>, %arg14: memref<!tpu.dma_semaphore, #tpu.memory_space<semaphore_mem>>, %arg15: memref<!tpu.dma_semaphore, #tpu.memory_space<semaphore_mem>>) attributes {dimension_semantics = [#tpu.dimension_semantics<core_parallel>, #tpu.dimension_semantics<subcore_parallel>], iteration_bounds = array<i64: 2, 16>, scalar_prefetch = 0 : i64, scratch_operands = 10 : i64, tpu.core_type = #tpu.core_type<sc_vector_subcore>, window_params = [{transform_indices = #map}, {transform_indices = #map1}, {transform_indices = #map1}, {transform_indices = #map}]} {
    %mul3A = arith.constant 2 : i32
    %mul3A_0 = arith.muli %arg1, %mul3A : i32
    %add3A = arith.addi %mul3A_0, %arg0 : i32
    %jit3A = arith.constant 16 : i32
    %div3A = arith.divsi %add3A, %jit3A : i32
    %sign3A = arith.constant 0 : i32
    %sign3A_1 = arith.cmpi sgt, %add3A, %sign3A : i32
    %sign3A_2 = arith.extui %sign3A_1 : i1 to i32
    %sign3A_3 = arith.constant 0 : i32
    %sign3A_4 = arith.cmpi slt, %add3A, %sign3A_3 : i32
    %sign3A_5 = arith.extui %sign3A_4 : i1 to i32
    %sign3A_6 = arith.subi %sign3A_2, %sign3A_5 : i32
    %sign3A_7 = arith.constant 0 : i32
    %sign3A_8 = arith.cmpi sgt, %jit3A, %sign3A_7 : i32
    %sign3A_9 = arith.extui %sign3A_8 : i1 to i32
    %sign3A_10 = arith.constant 0 : i32
    %sign3A_11 = arith.cmpi slt, %jit3A, %sign3A_10 : i32
    %sign3A_12 = arith.extui %sign3A_11 : i1 to i32
    %sign3A_13 = arith.subi %sign3A_9, %sign3A_12 : i32
    %ne3A = arith.cmpi ne, %sign3A_6, %sign3A_13 : i32
    %rem3A = arith.remsi %add3A, %jit3A : i32
    %ne3A_14 = arith.constant 0 : i32
    %ne3A_15 = arith.cmpi ne, %rem3A, %ne3A_14 : i32
    %and3A = arith.andi %ne3A, %ne3A_15 : i1
    %sub3A = arith.constant 1 : i32
    %sub3A_16 = arith.subi %div3A, %sub3A : i32
    %select_n3A = arith.select %and3A, %sub3A_16, %div3A : i32
    %jit3A_17 = arith.constant 16 : i32
    %eq3A = arith.constant 0 : i32
    %eq3A_18 = arith.cmpi eq, %jit3A_17, %eq3A : i32
    %jit3A_19 = arith.constant 1 : i32
    %select_n3A_20 = arith.select %eq3A_18, %jit3A_19, %jit3A_17 : i32
    %rem3A_21 = arith.remsi %add3A, %select_n3A_20 : i32
    %ne3A_22 = arith.constant 0 : i32
    %ne3A_23 = arith.cmpi ne, %rem3A_21, %ne3A_22 : i32
    %lt3A = arith.constant 0 : i32
    %lt3A_24 = arith.cmpi slt, %rem3A_21, %lt3A : i32
    %lt3A_25 = arith.constant 0 : i32
    %lt3A_26 = arith.cmpi slt, %select_n3A_20, %lt3A_25 : i32
    %ne3A_27 = arith.xori %lt3A_24, %lt3A_26 : i1
    %and3A_28 = arith.andi %ne3A_27, %ne3A_23 : i1
    %add3A_29 = arith.addi %rem3A_21, %select_n3A_20 : i32
    %select_n3A_30 = arith.select %and3A_28, %add3A_29, %rem3A_21 : i32
    %mul3A_31 = arith.constant 2880 : i32
    %mul3A_32 = arith.muli %select_n3A_30, %mul3A_31 : i32
    %mul3A_33 = arith.constant 66816 : i32
    %mul3A_34 = arith.muli %select_n3A, %mul3A_33 : i32
    "tpu.region"() ({
      %run_scoped3A = tpu.sem_alloc : memref<!tpu.dma_semaphore, #tpu.memory_space<semaphore_mem>>
      %dma_start3A_55 = tpu.memref_slice %arg2[%mul3A_34] : memref<133632xf32, #tpu.memory_space<hbm>> -> memref<66816xf32, #tpu.memory_space<hbm>>
      %dma_start3A_56 = tpu.memref_slice %arg2[%mul3A_34] : memref<133632xf32, #tpu.memory_space<hbm>> -> memref<66816xf32, #tpu.memory_space<hbm>>
      tpu.enqueue_dma source(%dma_start3A_56 : memref<66816xf32, #tpu.memory_space<hbm>>) target(%arg6 : memref<66816xf32, #tpu.memory_space<vmem>>) target_semaphore(%run_scoped3A : memref<!tpu.dma_semaphore, #tpu.memory_space<semaphore_mem>>)
      %dma_wait3A = tpu.memref_slice %arg2[%mul3A_34] : memref<133632xf32, #tpu.memory_space<hbm>> -> memref<66816xf32, #tpu.memory_space<hbm>>
      %dma_wait3A_57 = tpu.memref_slice %arg2[%mul3A_34] : memref<133632xf32, #tpu.memory_space<hbm>> -> memref<66816xf32, #tpu.memory_space<hbm>>
      tpu.wait_dma2 semaphore(%run_scoped3A : memref<!tpu.dma_semaphore, #tpu.memory_space<semaphore_mem>>) src(%dma_wait3A_57 : memref<66816xf32, #tpu.memory_space<hbm>>) dst(%arg6 : memref<66816xf32, #tpu.memory_space<vmem>>)
      tpu.yield
    }) : () -> ()
    %iota3A = tpu.iota {dimensions = array<i32: 0>} : vector<16xi32>
    %broadcast_in_dim3A = arith.constant 0 : i32
    %broadcast_in_dim3A_35 = vector.broadcast %broadcast_in_dim3A : i32 to vector<16xi32>
    %broadcast_in_dim3A_36 = arith.constant 0.000000e+00 : f32
    %broadcast_in_dim3A_37 = vector.broadcast %broadcast_in_dim3A_36 : f32 to vector<16xf32>
    %add3A_38 = arith.constant 0 : i32
    %add3A_39 = arith.addi %mul3A_32, %add3A_38 : i32
    %dma_start3A = arith.constant 0 : i32
    %dma_start3A_40 = tpu.memref_slice %arg3[%add3A_39, %dma_start3A] : memref<46080x516xf32, #tpu.memory_space<hbm>> -> memref<32x516xf32, #tpu.memory_space<hbm>>
    %dma_start3A_41 = arith.constant 0 : i32
    %dma_start3A_42 = tpu.memref_slice %arg3[%add3A_39, %dma_start3A_41] : memref<46080x516xf32, #tpu.memory_space<hbm>> -> memref<32x516xf32, #tpu.memory_space<hbm>>
    tpu.enqueue_dma source(%dma_start3A_42 : memref<32x516xf32, #tpu.memory_space<hbm>>) target(%arg7 : memref<32x516xf32, #tpu.memory_space<vmem>>) target_semaphore(%arg12 : memref<!tpu.dma_semaphore, #tpu.memory_space<semaphore_mem>>)
    %dma_start3A_43 = arith.constant 0 : i32
    %dma_start3A_44 = tpu.memref_slice %arg4[%add3A_39, %dma_start3A_43] : memref<46080x8xf32, #tpu.memory_space<hbm>> -> memref<32x8xf32, #tpu.memory_space<hbm>>
    %dma_start3A_45 = arith.constant 0 : i32
    %dma_start3A_46 = tpu.memref_slice %arg4[%add3A_39, %dma_start3A_45] : memref<46080x8xf32, #tpu.memory_space<hbm>> -> memref<32x8xf32, #tpu.memory_space<hbm>>
    tpu.enqueue_dma source(%dma_start3A_46 : memref<32x8xf32, #tpu.memory_space<hbm>>) target(%arg9 : memref<32x8xf32, #tpu.memory_space<vmem>>) target_semaphore(%arg13 : memref<!tpu.dma_semaphore, #tpu.memory_space<semaphore_mem>>)
    %scan3A = arith.constant 0 : i32
    %scan3A_47 = arith.constant 0 : i32
    %scan3A_48 = arith.constant 45 : i32
    %scan3A_49 = arith.addi %scan3A_47, %scan3A_48 : i32
    %scan3A_50 = arith.constant 1 : i32
    scf.for %scan3A_55 = %scan3A_47 to %scan3A_49 step %scan3A_50  : i32 {
      %mul3A_56 = arith.constant 2 : i32
      %mul3A_57 = arith.muli %scan3A_55, %mul3A_56 : i32
      %dma_wait3A = arith.constant 0 : i32
      %dma_wait3A_58 = arith.constant 0 : i32
      %dma_wait3A_59 = tpu.memref_slice %arg3[%dma_wait3A, %dma_wait3A_58] : memref<46080x516xf32, #tpu.memory_space<hbm>> -> memref<32x516xf32, #tpu.memory_space<hbm>>
      %dma_wait3A_60 = arith.constant 0 : i32
      %dma_wait3A_61 = arith.constant 0 : i32
      %dma_wait3A_62 = tpu.memref_slice %arg3[%dma_wait3A_60, %dma_wait3A_61] : memref<46080x516xf32, #tpu.memory_space<hbm>> -> memref<32x516xf32, #tpu.memory_space<hbm>>
      tpu.wait_dma2 semaphore(%arg12 : memref<!tpu.dma_semaphore, #tpu.memory_space<semaphore_mem>>) src(%dma_wait3A_62 : memref<32x516xf32, #tpu.memory_space<hbm>>) dst(%arg7 : memref<32x516xf32, #tpu.memory_space<vmem>>)
      %dma_wait3A_63 = arith.constant 0 : i32
      %dma_wait3A_64 = arith.constant 0 : i32
      %dma_wait3A_65 = tpu.memref_slice %arg4[%dma_wait3A_63, %dma_wait3A_64] : memref<46080x8xf32, #tpu.memory_space<hbm>> -> memref<32x8xf32, #tpu.memory_space<hbm>>
      %dma_wait3A_66 = arith.constant 0 : i32
      %dma_wait3A_67 = arith.constant 0 : i32
      %dma_wait3A_68 = tpu.memref_slice %arg4[%dma_wait3A_66, %dma_wait3A_67] : memref<46080x8xf32, #tpu.memory_space<hbm>> -> memref<32x8xf32, #tpu.memory_space<hbm>>
      tpu.wait_dma2 semaphore(%arg13 : memref<!tpu.dma_semaphore, #tpu.memory_space<semaphore_mem>>) src(%dma_wait3A_68 : memref<32x8xf32, #tpu.memory_space<hbm>>) dst(%arg9 : memref<32x8xf32, #tpu.memory_space<vmem>>)
      %add3A_69 = arith.constant 1 : i32
      %add3A_70 = arith.addi %mul3A_57, %add3A_69 : i32
      %mul3A_71 = arith.constant 32 : i32
      %mul3A_72 = arith.muli %add3A_70, %mul3A_71 : i32
      %add3A_73 = arith.addi %mul3A_32, %mul3A_72 : i32
      %dma_start3A_74 = arith.constant 0 : i32
      %dma_start3A_75 = tpu.memref_slice %arg3[%add3A_73, %dma_start3A_74] : memref<46080x516xf32, #tpu.memory_space<hbm>> -> memref<32x516xf32, #tpu.memory_space<hbm>>
      %dma_start3A_76 = arith.constant 0 : i32
      %dma_start3A_77 = tpu.memref_slice %arg3[%add3A_73, %dma_start3A_76] : memref<46080x516xf32, #tpu.memory_space<hbm>> -> memref<32x516xf32, #tpu.memory_space<hbm>>
      tpu.enqueue_dma source(%dma_start3A_77 : memref<32x516xf32, #tpu.memory_space<hbm>>) target(%arg8 : memref<32x516xf32, #tpu.memory_space<vmem>>) target_semaphore(%arg14 : memref<!tpu.dma_semaphore, #tpu.memory_space<semaphore_mem>>)
      %dma_start3A_78 = arith.constant 0 : i32
      %dma_start3A_79 = tpu.memref_slice %arg4[%add3A_73, %dma_start3A_78] : memref<46080x8xf32, #tpu.memory_space<hbm>> -> memref<32x8xf32, #tpu.memory_space<hbm>>
      %dma_start3A_80 = arith.constant 0 : i32
      %dma_start3A_81 = tpu.memref_slice %arg4[%add3A_73, %dma_start3A_80] : memref<46080x8xf32, #tpu.memory_space<hbm>> -> memref<32x8xf32, #tpu.memory_space<hbm>>
      tpu.enqueue_dma source(%dma_start3A_81 : memref<32x8xf32, #tpu.memory_space<hbm>>) target(%arg10 : memref<32x8xf32, #tpu.memory_space<vmem>>) target_semaphore(%arg15 : memref<!tpu.dma_semaphore, #tpu.memory_space<semaphore_mem>>)
      %add3A_82 = arith.constant 0 : i32
      %add3A_83 = vector.broadcast %add3A_82 : i32 to vector<16xi32>
      %add3A_84 = arith.addi %iota3A, %add3A_83 : vector<16xi32>
      %add3A_85 = arith.constant 16 : i32
      %add3A_86 = vector.broadcast %add3A_85 : i32 to vector<16xi32>
      %add3A_87 = arith.addi %iota3A, %add3A_86 : vector<16xi32>
      %gather3A = tpu.vector_load_idx %arg9[%add3A_84, %broadcast_in_dim3A_35] : memref<32x8xf32, #tpu.memory_space<vmem>>[vector<16xi32>, vector<16xi32>], vector<16xf32>,
      %add3A_88 = arith.constant 1 : i32
      %add3A_89 = vector.broadcast %add3A_88 : i32 to vector<16xi32>
      %add3A_90 = arith.addi %broadcast_in_dim3A_35, %add3A_89 : vector<16xi32>
      %gather3A_91 = tpu.vector_load_idx %arg9[%add3A_84, %add3A_90] : memref<32x8xf32, #tpu.memory_space<vmem>>[vector<16xi32>, vector<16xi32>], vector<16xf32>,
      %add3A_92 = arith.constant 2 : i32
      %add3A_93 = vector.broadcast %add3A_92 : i32 to vector<16xi32>
      %add3A_94 = arith.addi %broadcast_in_dim3A_35, %add3A_93 : vector<16xi32>
      %gather3A_95 = tpu.vector_load_idx %arg9[%add3A_84, %add3A_94] : memref<32x8xf32, #tpu.memory_space<vmem>>[vector<16xi32>, vector<16xi32>], vector<16xf32>,
      %add3A_96 = arith.constant 3 : i32
      %add3A_97 = vector.broadcast %add3A_96 : i32 to vector<16xi32>
      %add3A_98 = arith.addi %broadcast_in_dim3A_35, %add3A_97 : vector<16xi32>
      %gather3A_99 = tpu.vector_load_idx %arg9[%add3A_84, %add3A_98] : memref<32x8xf32, #tpu.memory_space<vmem>>[vector<16xi32>, vector<16xi32>], vector<16xf32>,
      %add3A_100 = arith.constant 4 : i32
      %add3A_101 = vector.broadcast %add3A_100 : i32 to vector<16xi32>
      %add3A_102 = arith.addi %broadcast_in_dim3A_35, %add3A_101 : vector<16xi32>
      %gather3A_103 = tpu.vector_load_idx %arg9[%add3A_84, %add3A_102] : memref<32x8xf32, #tpu.memory_space<vmem>>[vector<16xi32>, vector<16xi32>], vector<16xf32>,
      %abs3A = math.absf %gather3A_95 : vector<16xf32>
      %lt3A_104 = arith.constant 9.99999971E-10 : f32
      %lt3A_105 = vector.broadcast %lt3A_104 : f32 to vector<16xf32>
      %lt3A_106 = arith.cmpf olt, %abs3A, %lt3A_105 : vector<16xf32>
      %jit3A_107 = arith.constant 9.99999971E-10 : f32
      %broadcast_in_dim3A_108 = vector.broadcast %jit3A_107 : f32 to vector<16xf32>
      %select_n3A_109 = arith.select %lt3A_106, %broadcast_in_dim3A_108, %gather3A_95 : vector<16xi1>, vector<16xf32>
      %abs3A_110 = math.absf %gather3A_99 : vector<16xf32>
      %lt3A_111 = arith.constant 9.99999971E-10 : f32
      %lt3A_112 = vector.broadcast %lt3A_111 : f32 to vector<16xf32>
      %lt3A_113 = arith.cmpf olt, %abs3A_110, %lt3A_112 : vector<16xf32>
      %jit3A_114 = arith.constant 9.99999971E-10 : f32
      %broadcast_in_dim3A_115 = vector.broadcast %jit3A_114 : f32 to vector<16xf32>
      %select_n3A_116 = arith.select %lt3A_113, %broadcast_in_dim3A_115, %gather3A_99 : vector<16xi1>, vector<16xf32>
      %sub3A_117 = arith.constant 0.000000e+00 : f32
      %sub3A_118 = vector.broadcast %sub3A_117 : f32 to vector<16xf32>
      %sub3A_119 = arith.subf %sub3A_118, %gather3A : vector<16xf32>
      %div3A_120 = arith.divf %sub3A_119, %select_n3A_109 : vector<16xf32>
      %sub3A_121 = arith.constant 2.560000e+02 : f32
      %sub3A_122 = vector.broadcast %sub3A_121 : f32 to vector<16xf32>
      %sub3A_123 = arith.subf %sub3A_122, %gather3A : vector<16xf32>
      %div3A_124 = arith.divf %sub3A_123, %select_n3A_109 : vector<16xf32>
      %sub3A_125 = arith.constant 0.000000e+00 : f32
      %sub3A_126 = vector.broadcast %sub3A_125 : f32 to vector<16xf32>
      %sub3A_127 = arith.subf %sub3A_126, %gather3A_91 : vector<16xf32>
      %div3A_128 = arith.divf %sub3A_127, %select_n3A_116 : vector<16xf32>
      %sub3A_129 = arith.constant 2.560000e+02 : f32
      %sub3A_130 = vector.broadcast %sub3A_129 : f32 to vector<16xf32>
      %sub3A_131 = arith.subf %sub3A_130, %gather3A_91 : vector<16xf32>
      %div3A_132 = arith.divf %sub3A_131, %select_n3A_116 : vector<16xf32>
      %min3A = arith.minimumf %div3A_120, %div3A_124 : vector<16xf32>
      %min3A_133 = arith.minimumf %div3A_128, %div3A_132 : vector<16xf32>
      %max3A = arith.maximumf %min3A, %min3A_133 : vector<16xf32>
      %max3A_134 = arith.constant 0.000000e+00 : f32
      %max3A_135 = vector.broadcast %max3A_134 : f32 to vector<16xf32>
      %max3A_136 = arith.maximumf %max3A, %max3A_135 : vector<16xf32>
      %sub3A_137 = arith.constant 9.99999974E-5 : f32
      %sub3A_138 = vector.broadcast %sub3A_137 : f32 to vector<16xf32>
      %sub3A_139 = arith.subf %max3A_136, %sub3A_138 : vector<16xf32>
      %max3A_140 = arith.maximumf %div3A_120, %div3A_124 : vector<16xf32>
      %max3A_141 = arith.maximumf %div3A_128, %div3A_132 : vector<16xf32>
      %min3A_142 = arith.minimumf %max3A_140, %max3A_141 : vector<16xf32>
      %min3A_143 = arith.constant 1.000000e+00 : f32
      %min3A_144 = vector.broadcast %min3A_143 : f32 to vector<16xf32>
      %min3A_145 = arith.minimumf %min3A_142, %min3A_144 : vector<16xf32>
      %add3A_146 = arith.constant 9.99999974E-5 : f32
      %add3A_147 = vector.broadcast %add3A_146 : f32 to vector<16xf32>
      %add3A_148 = arith.addf %min3A_145, %add3A_147 : vector<16xf32>
      %add3A_149 = arith.constant 2.000000e-04 : f32
      %add3A_150 = vector.broadcast %add3A_149 : f32 to vector<16xf32>
      %add3A_151 = arith.addf %sub3A_139, %add3A_150 : vector<16xf32>
      %sub3A_152 = arith.constant 2.000000e-04 : f32
      %sub3A_153 = vector.broadcast %sub3A_152 : f32 to vector<16xf32>
      %sub3A_154 = arith.subf %add3A_148, %sub3A_153 : vector<16xf32>
      %broadcast_in_dim3A_155 = arith.constant 0 : i32
      %broadcast_in_dim3A_156 = vector.broadcast %broadcast_in_dim3A_155 : i32 to vector<16xi32>
      %broadcast_in_dim3A_157 = arith.constant 0 : i32
      %broadcast_in_dim3A_158 = vector.broadcast %broadcast_in_dim3A_157 : i32 to vector<16xi32>
      %broadcast_in_dim3A_159 = arith.constant 0 : i32
      %broadcast_in_dim3A_160 = vector.broadcast %broadcast_in_dim3A_159 : i32 to vector<16xi32>
      %broadcast_in_dim3A_161 = arith.constant 0 : i32
      %broadcast_in_dim3A_162 = vector.broadcast %broadcast_in_dim3A_161 : i32 to vector<16xi32>
      %add3A_163 = arith.constant 512 : i32
      %add3A_164 = vector.broadcast %add3A_163 : i32 to vector<16xi32>
      %add3A_165 = arith.addi %broadcast_in_dim3A_156, %add3A_164 : vector<16xi32>
      %le3A = arith.constant 516 : i32
      %le3A_166 = vector.broadcast %le3A : i32 to vector<16xi32>
      %le3A_167 = arith.cmpi sle, %add3A_165, %le3A_166 : vector<16xi32>
      %min3A_168 = arith.constant 516 : i32
      %min3A_169 = vector.broadcast %min3A_168 : i32 to vector<16xi32>
      %min3A_170 = arith.minsi %add3A_165, %min3A_169 : vector<16xi32>
      %sub3A_171 = arith.constant 1 : i32
      %sub3A_172 = vector.broadcast %sub3A_171 : i32 to vector<16xi32>
      %sub3A_173 = arith.subi %min3A_170, %sub3A_172 : vector<16xi32>
      %gather3A_174 = tpu.vector_load_idx %arg7[%add3A_84, %sub3A_173] : memref<32x516xf32, #tpu.memory_space<vmem>>[vector<16xi32>, vector<16xi32>], vector<16xf32>,
      %le3A_175 = arith.cmpf ole, %gather3A_174, %sub3A_139 : vector<16xf32>
      %and3A_176 = arith.andi %le3A_167, %le3A_175 : vector<16xi1>
      %select_n3A_177 = arith.select %and3A_176, %add3A_165, %broadcast_in_dim3A_156 : vector<16xi1>, vector<16xi32>
      %add3A_178 = arith.constant 512 : i32
      %add3A_179 = vector.broadcast %add3A_178 : i32 to vector<16xi32>
      %add3A_180 = arith.addi %broadcast_in_dim3A_158, %add3A_179 : vector<16xi32>
      %le3A_181 = arith.constant 516 : i32
      %le3A_182 = vector.broadcast %le3A_181 : i32 to vector<16xi32>
      %le3A_183 = arith.cmpi sle, %add3A_180, %le3A_182 : vector<16xi32>
      %min3A_184 = arith.constant 516 : i32
      %min3A_185 = vector.broadcast %min3A_184 : i32 to vector<16xi32>
      %min3A_186 = arith.minsi %add3A_180, %min3A_185 : vector<16xi32>
      %sub3A_187 = arith.constant 1 : i32
      %sub3A_188 = vector.broadcast %sub3A_187 : i32 to vector<16xi32>
      %sub3A_189 = arith.subi %min3A_186, %sub3A_188 : vector<16xi32>
      %gather3A_190 = tpu.vector_load_idx %arg7[%add3A_84, %sub3A_189] : memref<32x516xf32, #tpu.memory_space<vmem>>[vector<16xi32>, vector<16xi32>], vector<16xf32>,
      %lt3A_191 = arith.cmpf olt, %gather3A_190, %add3A_148 : vector<16xf32>
      %and3A_192 = arith.andi %le3A_183, %lt3A_191 : vector<16xi1>
      %select_n3A_193 = arith.select %and3A_192, %add3A_180, %broadcast_in_dim3A_158 : vector<16xi1>, vector<16xi32>
      %add3A_194 = arith.constant 512 : i32
      %add3A_195 = vector.broadcast %add3A_194 : i32 to vector<16xi32>
      %add3A_196 = arith.addi %broadcast_in_dim3A_160, %add3A_195 : vector<16xi32>
      %le3A_197 = arith.constant 516 : i32
      %le3A_198 = vector.broadcast %le3A_197 : i32 to vector<16xi32>
      %le3A_199 = arith.cmpi sle, %add3A_196, %le3A_198 : vector<16xi32>
      %min3A_200 = arith.constant 516 : i32
      %min3A_201 = vector.broadcast %min3A_200 : i32 to vector<16xi32>
      %min3A_202 = arith.minsi %add3A_196, %min3A_201 : vector<16xi32>
      %sub3A_203 = arith.constant 1 : i32
      %sub3A_204 = vector.broadcast %sub3A_203 : i32 to vector<16xi32>
      %sub3A_205 = arith.subi %min3A_202, %sub3A_204 : vector<16xi32>
      %gather3A_206 = tpu.vector_load_idx %arg7[%add3A_84, %sub3A_205] : memref<32x516xf32, #tpu.memory_space<vmem>>[vector<16xi32>, vector<16xi32>], vector<16xf32>,
      %lt3A_207 = arith.cmpf olt, %gather3A_206, %add3A_151 : vector<16xf32>
      %and3A_208 = arith.andi %le3A_199, %lt3A_207 : vector<16xi1>
      %select_n3A_209 = arith.select %and3A_208, %add3A_196, %broadcast_in_dim3A_160 : vector<16xi1>, vector<16xi32>
      %add3A_210 = arith.constant 512 : i32
      %add3A_211 = vector.broadcast %add3A_210 : i32 to vector<16xi32>
      %add3A_212 = arith.addi %broadcast_in_dim3A_162, %add3A_211 : vector<16xi32>
      %le3A_213 = arith.constant 516 : i32
      %le3A_214 = vector.broadcast %le3A_213 : i32 to vector<16xi32>
      %le3A_215 = arith.cmpi sle, %add3A_212, %le3A_214 : vector<16xi32>
      %min3A_216 = arith.constant 516 : i32
      %min3A_217 = vector.broadcast %min3A_216 : i32 to vector<16xi32>
      %min3A_218 = arith.minsi %add3A_212, %min3A_217 : vector<16xi32>
      %sub3A_219 = arith.constant 1 : i32
      %sub3A_220 = vector.broadcast %sub3A_219 : i32 to vector<16xi32>
      %sub3A_221 = arith.subi %min3A_218, %sub3A_220 : vector<16xi32>
      %gather3A_222 = tpu.vector_load_idx %arg7[%add3A_84, %sub3A_221] : memref<32x516xf32, #tpu.memory_space<vmem>>[vector<16xi32>, vector<16xi32>], vector<16xf32>,
      %le3A_223 = arith.cmpf ole, %gather3A_222, %sub3A_154 : vector<16xf32>
      %and3A_224 = arith.andi %le3A_215, %le3A_223 : vector<16xi1>
      %select_n3A_225 = arith.select %and3A_224, %add3A_212, %broadcast_in_dim3A_162 : vector<16xi1>, vector<16xi32>
      %add3A_226 = arith.constant 256 : i32
      %add3A_227 = vector.broadcast %add3A_226 : i32 to vector<16xi32>
      %add3A_228 = arith.addi %select_n3A_177, %add3A_227 : vector<16xi32>
      %le3A_229 = arith.constant 516 : i32
      %le3A_230 = vector.broadcast %le3A_229 : i32 to vector<16xi32>
      %le3A_231 = arith.cmpi sle, %add3A_228, %le3A_230 : vector<16xi32>
      %min3A_232 = arith.constant 516 : i32
      %min3A_233 = vector.broadcast %min3A_232 : i32 to vector<16xi32>
      %min3A_234 = arith.minsi %add3A_228, %min3A_233 : vector<16xi32>
      %sub3A_235 = arith.constant 1 : i32
      %sub3A_236 = vector.broadcast %sub3A_235 : i32 to vector<16xi32>
      %sub3A_237 = arith.subi %min3A_234, %sub3A_236 : vector<16xi32>
      %gather3A_238 = tpu.vector_load_idx %arg7[%add3A_84, %sub3A_237] : memref<32x516xf32, #tpu.memory_space<vmem>>[vector<16xi32>, vector<16xi32>], vector<16xf32>,
      %le3A_239 = arith.cmpf ole, %gather3A_238, %sub3A_139 : vector<16xf32>
      %and3A_240 = arith.andi %le3A_231, %le3A_239 : vector<16xi1>
      %select_n3A_241 = arith.select %and3A_240, %add3A_228, %select_n3A_177 : vector<16xi1>, vector<16xi32>
      %add3A_242 = arith.constant 256 : i32
      %add3A_243 = vector.broadcast %add3A_242 : i32 to vector<16xi32>
      %add3A_244 = arith.addi %select_n3A_193, %add3A_243 : vector<16xi32>
      %le3A_245 = arith.constant 516 : i32
      %le3A_246 = vector.broadcast %le3A_245 : i32 to vector<16xi32>
      %le3A_247 = arith.cmpi sle, %add3A_244, %le3A_246 : vector<16xi32>
      %min3A_248 = arith.constant 516 : i32
      %min3A_249 = vector.broadcast %min3A_248 : i32 to vector<16xi32>
      %min3A_250 = arith.minsi %add3A_244, %min3A_249 : vector<16xi32>
      %sub3A_251 = arith.constant 1 : i32
      %sub3A_252 = vector.broadcast %sub3A_251 : i32 to vector<16xi32>
      %sub3A_253 = arith.subi %min3A_250, %sub3A_252 : vector<16xi32>
      %gather3A_254 = tpu.vector_load_idx %arg7[%add3A_84, %sub3A_253] : memref<32x516xf32, #tpu.memory_space<vmem>>[vector<16xi32>, vector<16xi32>], vector<16xf32>,
      %lt3A_255 = arith.cmpf olt, %gather3A_254, %add3A_148 : vector<16xf32>
      %and3A_256 = arith.andi %le3A_247, %lt3A_255 : vector<16xi1>
      %select_n3A_257 = arith.select %and3A_256, %add3A_244, %select_n3A_193 : vector<16xi1>, vector<16xi32>
      %add3A_258 = arith.constant 256 : i32
      %add3A_259 = vector.broadcast %add3A_258 : i32 to vector<16xi32>
      %add3A_260 = arith.addi %select_n3A_209, %add3A_259 : vector<16xi32>
      %le3A_261 = arith.constant 516 : i32
      %le3A_262 = vector.broadcast %le3A_261 : i32 to vector<16xi32>
      %le3A_263 = arith.cmpi sle, %add3A_260, %le3A_262 : vector<16xi32>
      %min3A_264 = arith.constant 516 : i32
      %min3A_265 = vector.broadcast %min3A_264 : i32 to vector<16xi32>
      %min3A_266 = arith.minsi %add3A_260, %min3A_265 : vector<16xi32>
      %sub3A_267 = arith.constant 1 : i32
      %sub3A_268 = vector.broadcast %sub3A_267 : i32 to vector<16xi32>
      %sub3A_269 = arith.subi %min3A_266, %sub3A_268 : vector<16xi32>
      %gather3A_270 = tpu.vector_load_idx %arg7[%add3A_84, %sub3A_269] : memref<32x516xf32, #tpu.memory_space<vmem>>[vector<16xi32>, vector<16xi32>], vector<16xf32>,
      %lt3A_271 = arith.cmpf olt, %gather3A_270, %add3A_151 : vector<16xf32>
      %and3A_272 = arith.andi %le3A_263, %lt3A_271 : vector<16xi1>
      %select_n3A_273 = arith.select %and3A_272, %add3A_260, %select_n3A_209 : vector<16xi1>, vector<16xi32>
      %add3A_274 = arith.constant 256 : i32
      %add3A_275 = vector.broadcast %add3A_274 : i32 to vector<16xi32>
      %add3A_276 = arith.addi %select_n3A_225, %add3A_275 : vector<16xi32>
      %le3A_277 = arith.constant 516 : i32
      %le3A_278 = vector.broadcast %le3A_277 : i32 to vector<16xi32>
      %le3A_279 = arith.cmpi sle, %add3A_276, %le3A_278 : vector<16xi32>
      %min3A_280 = arith.constant 516 : i32
      %min3A_281 = vector.broadcast %min3A_280 : i32 to vector<16xi32>
      %min3A_282 = arith.minsi %add3A_276, %min3A_281 : vector<16xi32>
      %sub3A_283 = arith.constant 1 : i32
      %sub3A_284 = vector.broadcast %sub3A_283 : i32 to vector<16xi32>
      %sub3A_285 = arith.subi %min3A_282, %sub3A_284 : vector<16xi32>
      %gather3A_286 = tpu.vector_load_idx %arg7[%add3A_84, %sub3A_285] : memref<32x516xf32, #tpu.memory_space<vmem>>[vector<16xi32>, vector<16xi32>], vector<16xf32>,
      %le3A_287 = arith.cmpf ole, %gather3A_286, %sub3A_154 : vector<16xf32>
      %and3A_288 = arith.andi %le3A_279, %le3A_287 : vector<16xi1>
      %select_n3A_289 = arith.select %and3A_288, %add3A_276, %select_n3A_225 : vector<16xi1>, vector<16xi32>
      %add3A_290 = arith.constant 128 : i32
      %add3A_291 = vector.broadcast %add3A_290 : i32 to vector<16xi32>
      %add3A_292 = arith.addi %select_n3A_241, %add3A_291 : vector<16xi32>
      %le3A_293 = arith.constant 516 : i32
      %le3A_294 = vector.broadcast %le3A_293 : i32 to vector<16xi32>
      %le3A_295 = arith.cmpi sle, %add3A_292, %le3A_294 : vector<16xi32>
      %min3A_296 = arith.constant 516 : i32
      %min3A_297 = vector.broadcast %min3A_296 : i32 to vector<16xi32>
      %min3A_298 = arith.minsi %add3A_292, %min3A_297 : vector<16xi32>
      %sub3A_299 = arith.constant 1 : i32
      %sub3A_300 = vector.broadcast %sub3A_299 : i32 to vector<16xi32>
      %sub3A_301 = arith.subi %min3A_298, %sub3A_300 : vector<16xi32>
      %gather3A_302 = tpu.vector_load_idx %arg7[%add3A_84, %sub3A_301] : memref<32x516xf32, #tpu.memory_space<vmem>>[vector<16xi32>, vector<16xi32>], vector<16xf32>,
      %le3A_303 = arith.cmpf ole, %gather3A_302, %sub3A_139 : vector<16xf32>
      %and3A_304 = arith.andi %le3A_295, %le3A_303 : vector<16xi1>
      %select_n3A_305 = arith.select %and3A_304, %add3A_292, %select_n3A_241 : vector<16xi1>, vector<16xi32>
      %add3A_306 = arith.constant 128 : i32
      %add3A_307 = vector.broadcast %add3A_306 : i32 to vector<16xi32>
      %add3A_308 = arith.addi %select_n3A_257, %add3A_307 : vector<16xi32>
      %le3A_309 = arith.constant 516 : i32
      %le3A_310 = vector.broadcast %le3A_309 : i32 to vector<16xi32>
      %le3A_311 = arith.cmpi sle, %add3A_308, %le3A_310 : vector<16xi32>
      %min3A_312 = arith.constant 516 : i32
      %min3A_313 = vector.broadcast %min3A_312 : i32 to vector<16xi32>
      %min3A_314 = arith.minsi %add3A_308, %min3A_313 : vector<16xi32>
      %sub3A_315 = arith.constant 1 : i32
      %sub3A_316 = vector.broadcast %sub3A_315 : i32 to vector<16xi32>
      %sub3A_317 = arith.subi %min3A_314, %sub3A_316 : vector<16xi32>
      %gather3A_318 = tpu.vector_load_idx %arg7[%add3A_84, %sub3A_317] : memref<32x516xf32, #tpu.memory_space<vmem>>[vector<16xi32>, vector<16xi32>], vector<16xf32>,
      %lt3A_319 = arith.cmpf olt, %gather3A_318, %add3A_148 : vector<16xf32>
      %and3A_320 = arith.andi %le3A_311, %lt3A_319 : vector<16xi1>
      %select_n3A_321 = arith.select %and3A_320, %add3A_308, %select_n3A_257 : vector<16xi1>, vector<16xi32>
      %add3A_322 = arith.constant 128 : i32
      %add3A_323 = vector.broadcast %add3A_322 : i32 to vector<16xi32>
      %add3A_324 = arith.addi %select_n3A_273, %add3A_323 : vector<16xi32>
      %le3A_325 = arith.constant 516 : i32
      %le3A_326 = vector.broadcast %le3A_325 : i32 to vector<16xi32>
      %le3A_327 = arith.cmpi sle, %add3A_324, %le3A_326 : vector<16xi32>
      %min3A_328 = arith.constant 516 : i32
      %min3A_329 = vector.broadcast %min3A_328 : i32 to vector<16xi32>
      %min3A_330 = arith.minsi %add3A_324, %min3A_329 : vector<16xi32>
      %sub3A_331 = arith.constant 1 : i32
      %sub3A_332 = vector.broadcast %sub3A_331 : i32 to vector<16xi32>
      %sub3A_333 = arith.subi %min3A_330, %sub3A_332 : vector<16xi32>
      %gather3A_334 = tpu.vector_load_idx %arg7[%add3A_84, %sub3A_333] : memref<32x516xf32, #tpu.memory_space<vmem>>[vector<16xi32>, vector<16xi32>], vector<16xf32>,
      %lt3A_335 = arith.cmpf olt, %gather3A_334, %add3A_151 : vector<16xf32>
      %and3A_336 = arith.andi %le3A_327, %lt3A_335 : vector<16xi1>
      %select_n3A_337 = arith.select %and3A_336, %add3A_324, %select_n3A_273 : vector<16xi1>, vector<16xi32>
      %add3A_338 = arith.constant 128 : i32
      %add3A_339 = vector.broadcast %add3A_338 : i32 to vector<16xi32>
      %add3A_340 = arith.addi %select_n3A_289, %add3A_339 : vector<16xi32>
      %le3A_341 = arith.constant 516 : i32
      %le3A_342 = vector.broadcast %le3A_341 : i32 to vector<16xi32>
      %le3A_343 = arith.cmpi sle, %add3A_340, %le3A_342 : vector<16xi32>
      %min3A_344 = arith.constant 516 : i32
      %min3A_345 = vector.broadcast %min3A_344 : i32 to vector<16xi32>
      %min3A_346 = arith.minsi %add3A_340, %min3A_345 : vector<16xi32>
      %sub3A_347 = arith.constant 1 : i32
      %sub3A_348 = vector.broadcast %sub3A_347 : i32 to vector<16xi32>
      %sub3A_349 = arith.subi %min3A_346, %sub3A_348 : vector<16xi32>
      %gather3A_350 = tpu.vector_load_idx %arg7[%add3A_84, %sub3A_349] : memref<32x516xf32, #tpu.memory_space<vmem>>[vector<16xi32>, vector<16xi32>], vector<16xf32>,
      %le3A_351 = arith.cmpf ole, %gather3A_350, %sub3A_154 : vector<16xf32>
      %and3A_352 = arith.andi %le3A_343, %le3A_351 : vector<16xi1>
      %select_n3A_353 = arith.select %and3A_352, %add3A_340, %select_n3A_289 : vector<16xi1>, vector<16xi32>
      %add3A_354 = arith.constant 64 : i32
      %add3A_355 = vector.broadcast %add3A_354 : i32 to vector<16xi32>
      %add3A_356 = arith.addi %select_n3A_305, %add3A_355 : vector<16xi32>
      %le3A_357 = arith.constant 516 : i32
      %le3A_358 = vector.broadcast %le3A_357 : i32 to vector<16xi32>
      %le3A_359 = arith.cmpi sle, %add3A_356, %le3A_358 : vector<16xi32>
      %min3A_360 = arith.constant 516 : i32
      %min3A_361 = vector.broadcast %min3A_360 : i32 to vector<16xi32>
      %min3A_362 = arith.minsi %add3A_356, %min3A_361 : vector<16xi32>
      %sub3A_363 = arith.constant 1 : i32
      %sub3A_364 = vector.broadcast %sub3A_363 : i32 to vector<16xi32>
      %sub3A_365 = arith.subi %min3A_362, %sub3A_364 : vector<16xi32>
      %gather3A_366 = tpu.vector_load_idx %arg7[%add3A_84, %sub3A_365] : memref<32x516xf32, #tpu.memory_space<vmem>>[vector<16xi32>, vector<16xi32>], vector<16xf32>,
      %le3A_367 = arith.cmpf ole, %gather3A_366, %sub3A_139 : vector<16xf32>
      %and3A_368 = arith.andi %le3A_359, %le3A_367 : vector<16xi1>
      %select_n3A_369 = arith.select %and3A_368, %add3A_356, %select_n3A_305 : vector<16xi1>, vector<16xi32>
      %add3A_370 = arith.constant 64 : i32
      %add3A_371 = vector.broadcast %add3A_370 : i32 to vector<16xi32>
      %add3A_372 = arith.addi %select_n3A_321, %add3A_371 : vector<16xi32>
      %le3A_373 = arith.constant 516 : i32
      %le3A_374 = vector.broadcast %le3A_373 : i32 to vector<16xi32>
      %le3A_375 = arith.cmpi sle, %add3A_372, %le3A_374 : vector<16xi32>
      %min3A_376 = arith.constant 516 : i32
      %min3A_377 = vector.broadcast %min3A_376 : i32 to vector<16xi32>
      %min3A_378 = arith.minsi %add3A_372, %min3A_377 : vector<16xi32>
      %sub3A_379 = arith.constant 1 : i32
      %sub3A_380 = vector.broadcast %sub3A_379 : i32 to vector<16xi32>
      %sub3A_381 = arith.subi %min3A_378, %sub3A_380 : vector<16xi32>
      %gather3A_382 = tpu.vector_load_idx %arg7[%add3A_84, %sub3A_381] : memref<32x516xf32, #tpu.memory_space<vmem>>[vector<16xi32>, vector<16xi32>], vector<16xf32>,
      %lt3A_383 = arith.cmpf olt, %gather3A_382, %add3A_148 : vector<16xf32>
      %and3A_384 = arith.andi %le3A_375, %lt3A_383 : vector<16xi1>
      %select_n3A_385 = arith.select %and3A_384, %add3A_372, %select_n3A_321 : vector<16xi1>, vector<16xi32>
      %add3A_386 = arith.constant 64 : i32
      %add3A_387 = vector.broadcast %add3A_386 : i32 to vector<16xi32>
      %add3A_388 = arith.addi %select_n3A_337, %add3A_387 : vector<16xi32>
      %le3A_389 = arith.constant 516 : i32
      %le3A_390 = vector.broadcast %le3A_389 : i32 to vector<16xi32>
      %le3A_391 = arith.cmpi sle, %add3A_388, %le3A_390 : vector<16xi32>
      %min3A_392 = arith.constant 516 : i32
      %min3A_393 = vector.broadcast %min3A_392 : i32 to vector<16xi32>
      %min3A_394 = arith.minsi %add3A_388, %min3A_393 : vector<16xi32>
      %sub3A_395 = arith.constant 1 : i32
      %sub3A_396 = vector.broadcast %sub3A_395 : i32 to vector<16xi32>
      %sub3A_397 = arith.subi %min3A_394, %sub3A_396 : vector<16xi32>
      %gather3A_398 = tpu.vector_load_idx %arg7[%add3A_84, %sub3A_397] : memref<32x516xf32, #tpu.memory_space<vmem>>[vector<16xi32>, vector<16xi32>], vector<16xf32>,
      %lt3A_399 = arith.cmpf olt, %gather3A_398, %add3A_151 : vector<16xf32>
      %and3A_400 = arith.andi %le3A_391, %lt3A_399 : vector<16xi1>
      %select_n3A_401 = arith.select %and3A_400, %add3A_388, %select_n3A_337 : vector<16xi1>, vector<16xi32>
      %add3A_402 = arith.constant 64 : i32
      %add3A_403 = vector.broadcast %add3A_402 : i32 to vector<16xi32>
      %add3A_404 = arith.addi %select_n3A_353, %add3A_403 : vector<16xi32>
      %le3A_405 = arith.constant 516 : i32
      %le3A_406 = vector.broadcast %le3A_405 : i32 to vector<16xi32>
      %le3A_407 = arith.cmpi sle, %add3A_404, %le3A_406 : vector<16xi32>
      %min3A_408 = arith.constant 516 : i32
      %min3A_409 = vector.broadcast %min3A_408 : i32 to vector<16xi32>
      %min3A_410 = arith.minsi %add3A_404, %min3A_409 : vector<16xi32>
      %sub3A_411 = arith.constant 1 : i32
      %sub3A_412 = vector.broadcast %sub3A_411 : i32 to vector<16xi32>
      %sub3A_413 = arith.subi %min3A_410, %sub3A_412 : vector<16xi32>
      %gather3A_414 = tpu.vector_load_idx %arg7[%add3A_84, %sub3A_413] : memref<32x516xf32, #tpu.memory_space<vmem>>[vector<16xi32>, vector<16xi32>], vector<16xf32>,
      %le3A_415 = arith.cmpf ole, %gather3A_414, %sub3A_154 : vector<16xf32>
      %and3A_416 = arith.andi %le3A_407, %le3A_415 : vector<16xi1>
      %select_n3A_417 = arith.select %and3A_416, %add3A_404, %select_n3A_353 : vector<16xi1>, vector<16xi32>
      %add3A_418 = arith.constant 32 : i32
      %add3A_419 = vector.broadcast %add3A_418 : i32 to vector<16xi32>
      %add3A_420 = arith.addi %select_n3A_369, %add3A_419 : vector<16xi32>
      %le3A_421 = arith.constant 516 : i32
      %le3A_422 = vector.broadcast %le3A_421 : i32 to vector<16xi32>
      %le3A_423 = arith.cmpi sle, %add3A_420, %le3A_422 : vector<16xi32>
      %min3A_424 = arith.constant 516 : i32
      %min3A_425 = vector.broadcast %min3A_424 : i32 to vector<16xi32>
      %min3A_426 = arith.minsi %add3A_420, %min3A_425 : vector<16xi32>
      %sub3A_427 = arith.constant 1 : i32
      %sub3A_428 = vector.broadcast %sub3A_427 : i32 to vector<16xi32>
      %sub3A_429 = arith.subi %min3A_426, %sub3A_428 : vector<16xi32>
      %gather3A_430 = tpu.vector_load_idx %arg7[%add3A_84, %sub3A_429] : memref<32x516xf32, #tpu.memory_space<vmem>>[vector<16xi32>, vector<16xi32>], vector<16xf32>,
      %le3A_431 = arith.cmpf ole, %gather3A_430, %sub3A_139 : vector<16xf32>
      %and3A_432 = arith.andi %le3A_423, %le3A_431 : vector<16xi1>
      %select_n3A_433 = arith.select %and3A_432, %add3A_420, %select_n3A_369 : vector<16xi1>, vector<16xi32>
      %add3A_434 = arith.constant 32 : i32
      %add3A_435 = vector.broadcast %add3A_434 : i32 to vector<16xi32>
      %add3A_436 = arith.addi %select_n3A_385, %add3A_435 : vector<16xi32>
      %le3A_437 = arith.constant 516 : i32
      %le3A_438 = vector.broadcast %le3A_437 : i32 to vector<16xi32>
      %le3A_439 = arith.cmpi sle, %add3A_436, %le3A_438 : vector<16xi32>
      %min3A_440 = arith.constant 516 : i32
      %min3A_441 = vector.broadcast %min3A_440 : i32 to vector<16xi32>
      %min3A_442 = arith.minsi %add3A_436, %min3A_441 : vector<16xi32>
      %sub3A_443 = arith.constant 1 : i32
      %sub3A_444 = vector.broadcast %sub3A_443 : i32 to vector<16xi32>
      %sub3A_445 = arith.subi %min3A_442, %sub3A_444 : vector<16xi32>
      %gather3A_446 = tpu.vector_load_idx %arg7[%add3A_84, %sub3A_445] : memref<32x516xf32, #tpu.memory_space<vmem>>[vector<16xi32>, vector<16xi32>], vector<16xf32>,
      %lt3A_447 = arith.cmpf olt, %gather3A_446, %add3A_148 : vector<16xf32>
      %and3A_448 = arith.andi %le3A_439, %lt3A_447 : vector<16xi1>
      %select_n3A_449 = arith.select %and3A_448, %add3A_436, %select_n3A_385 : vector<16xi1>, vector<16xi32>
      %add3A_450 = arith.constant 32 : i32
      %add3A_451 = vector.broadcast %add3A_450 : i32 to vector<16xi32>
      %add3A_452 = arith.addi %select_n3A_401, %add3A_451 : vector<16xi32>
      %le3A_453 = arith.constant 516 : i32
      %le3A_454 = vector.broadcast %le3A_453 : i32 to vector<16xi32>
      %le3A_455 = arith.cmpi sle, %add3A_452, %le3A_454 : vector<16xi32>
      %min3A_456 = arith.constant 516 : i32
      %min3A_457 = vector.broadcast %min3A_456 : i32 to vector<16xi32>
      %min3A_458 = arith.minsi %add3A_452, %min3A_457 : vector<16xi32>
      %sub3A_459 = arith.constant 1 : i32
      %sub3A_460 = vector.broadcast %sub3A_459 : i32 to vector<16xi32>
      %sub3A_461 = arith.subi %min3A_458, %sub3A_460 : vector<16xi32>
      %gather3A_462 = tpu.vector_load_idx %arg7[%add3A_84, %sub3A_461] : memref<32x516xf32, #tpu.memory_space<vmem>>[vector<16xi32>, vector<16xi32>], vector<16xf32>,
      %lt3A_463 = arith.cmpf olt, %gather3A_462, %add3A_151 : vector<16xf32>
      %and3A_464 = arith.andi %le3A_455, %lt3A_463 : vector<16xi1>
      %select_n3A_465 = arith.select %and3A_464, %add3A_452, %select_n3A_401 : vector<16xi1>, vector<16xi32>
      %add3A_466 = arith.constant 32 : i32
      %add3A_467 = vector.broadcast %add3A_466 : i32 to vector<16xi32>
      %add3A_468 = arith.addi %select_n3A_417, %add3A_467 : vector<16xi32>
      %le3A_469 = arith.constant 516 : i32
      %le3A_470 = vector.broadcast %le3A_469 : i32 to vector<16xi32>
      %le3A_471 = arith.cmpi sle, %add3A_468, %le3A_470 : vector<16xi32>
      %min3A_472 = arith.constant 516 : i32
      %min3A_473 = vector.broadcast %min3A_472 : i32 to vector<16xi32>
      %min3A_474 = arith.minsi %add3A_468, %min3A_473 : vector<16xi32>
      %sub3A_475 = arith.constant 1 : i32
      %sub3A_476 = vector.broadcast %sub3A_475 : i32 to vector<16xi32>
      %sub3A_477 = arith.subi %min3A_474, %sub3A_476 : vector<16xi32>
      %gather3A_478 = tpu.vector_load_idx %arg7[%add3A_84, %sub3A_477] : memref<32x516xf32, #tpu.memory_space<vmem>>[vector<16xi32>, vector<16xi32>], vector<16xf32>,
      %le3A_479 = arith.cmpf ole, %gather3A_478, %sub3A_154 : vector<16xf32>
      %and3A_480 = arith.andi %le3A_471, %le3A_479 : vector<16xi1>
      %select_n3A_481 = arith.select %and3A_480, %add3A_468, %select_n3A_417 : vector<16xi1>, vector<16xi32>
      %add3A_482 = arith.constant 16 : i32
      %add3A_483 = vector.broadcast %add3A_482 : i32 to vector<16xi32>
      %add3A_484 = arith.addi %select_n3A_433, %add3A_483 : vector<16xi32>
      %le3A_485 = arith.constant 516 : i32
      %le3A_486 = vector.broadcast %le3A_485 : i32 to vector<16xi32>
      %le3A_487 = arith.cmpi sle, %add3A_484, %le3A_486 : vector<16xi32>
      %min3A_488 = arith.constant 516 : i32
      %min3A_489 = vector.broadcast %min3A_488 : i32 to vector<16xi32>
      %min3A_490 = arith.minsi %add3A_484, %min3A_489 : vector<16xi32>
      %sub3A_491 = arith.constant 1 : i32
      %sub3A_492 = vector.broadcast %sub3A_491 : i32 to vector<16xi32>
      %sub3A_493 = arith.subi %min3A_490, %sub3A_492 : vector<16xi32>
      %gather3A_494 = tpu.vector_load_idx %arg7[%add3A_84, %sub3A_493] : memref<32x516xf32, #tpu.memory_space<vmem>>[vector<16xi32>, vector<16xi32>], vector<16xf32>,
      %le3A_495 = arith.cmpf ole, %gather3A_494, %sub3A_139 : vector<16xf32>
      %and3A_496 = arith.andi %le3A_487, %le3A_495 : vector<16xi1>
      %select_n3A_497 = arith.select %and3A_496, %add3A_484, %select_n3A_433 : vector<16xi1>, vector<16xi32>
      %add3A_498 = arith.constant 16 : i32
      %add3A_499 = vector.broadcast %add3A_498 : i32 to vector<16xi32>
      %add3A_500 = arith.addi %select_n3A_449, %add3A_499 : vector<16xi32>
      %le3A_501 = arith.constant 516 : i32
      %le3A_502 = vector.broadcast %le3A_501 : i32 to vector<16xi32>
      %le3A_503 = arith.cmpi sle, %add3A_500, %le3A_502 : vector<16xi32>
      %min3A_504 = arith.constant 516 : i32
      %min3A_505 = vector.broadcast %min3A_504 : i32 to vector<16xi32>
      %min3A_506 = arith.minsi %add3A_500, %min3A_505 : vector<16xi32>
      %sub3A_507 = arith.constant 1 : i32
      %sub3A_508 = vector.broadcast %sub3A_507 : i32 to vector<16xi32>
      %sub3A_509 = arith.subi %min3A_506, %sub3A_508 : vector<16xi32>
      %gather3A_510 = tpu.vector_load_idx %arg7[%add3A_84, %sub3A_509] : memref<32x516xf32, #tpu.memory_space<vmem>>[vector<16xi32>, vector<16xi32>], vector<16xf32>,
      %lt3A_511 = arith.cmpf olt, %gather3A_510, %add3A_148 : vector<16xf32>
      %and3A_512 = arith.andi %le3A_503, %lt3A_511 : vector<16xi1>
      %select_n3A_513 = arith.select %and3A_512, %add3A_500, %select_n3A_449 : vector<16xi1>, vector<16xi32>
      %add3A_514 = arith.constant 16 : i32
      %add3A_515 = vector.broadcast %add3A_514 : i32 to vector<16xi32>
      %add3A_516 = arith.addi %select_n3A_465, %add3A_515 : vector<16xi32>
      %le3A_517 = arith.constant 516 : i32
      %le3A_518 = vector.broadcast %le3A_517 : i32 to vector<16xi32>
      %le3A_519 = arith.cmpi sle, %add3A_516, %le3A_518 : vector<16xi32>
      %min3A_520 = arith.constant 516 : i32
      %min3A_521 = vector.broadcast %min3A_520 : i32 to vector<16xi32>
      %min3A_522 = arith.minsi %add3A_516, %min3A_521 : vector<16xi32>
      %sub3A_523 = arith.constant 1 : i32
      %sub3A_524 = vector.broadcast %sub3A_523 : i32 to vector<16xi32>
      %sub3A_525 = arith.subi %min3A_522, %sub3A_524 : vector<16xi32>
      %gather3A_526 = tpu.vector_load_idx %arg7[%add3A_84, %sub3A_525] : memref<32x516xf32, #tpu.memory_space<vmem>>[vector<16xi32>, vector<16xi32>], vector<16xf32>,
      %lt3A_527 = arith.cmpf olt, %gather3A_526, %add3A_151 : vector<16xf32>
      %and3A_528 = arith.andi %le3A_519, %lt3A_527 : vector<16xi1>
      %select_n3A_529 = arith.select %and3A_528, %add3A_516, %select_n3A_465 : vector<16xi1>, vector<16xi32>
      %add3A_530 = arith.constant 16 : i32
      %add3A_531 = vector.broadcast %add3A_530 : i32 to vector<16xi32>
      %add3A_532 = arith.addi %select_n3A_481, %add3A_531 : vector<16xi32>
      %le3A_533 = arith.constant 516 : i32
      %le3A_534 = vector.broadcast %le3A_533 : i32 to vector<16xi32>
      %le3A_535 = arith.cmpi sle, %add3A_532, %le3A_534 : vector<16xi32>
      %min3A_536 = arith.constant 516 : i32
      %min3A_537 = vector.broadcast %min3A_536 : i32 to vector<16xi32>
      %min3A_538 = arith.minsi %add3A_532, %min3A_537 : vector<16xi32>
      %sub3A_539 = arith.constant 1 : i32
      %sub3A_540 = vector.broadcast %sub3A_539 : i32 to vector<16xi32>
      %sub3A_541 = arith.subi %min3A_538, %sub3A_540 : vector<16xi32>
      %gather3A_542 = tpu.vector_load_idx %arg7[%add3A_84, %sub3A_541] : memref<32x516xf32, #tpu.memory_space<vmem>>[vector<16xi32>, vector<16xi32>], vector<16xf32>,
      %le3A_543 = arith.cmpf ole, %gather3A_542, %sub3A_154 : vector<16xf32>
      %and3A_544 = arith.andi %le3A_535, %le3A_543 : vector<16xi1>
      %select_n3A_545 = arith.select %and3A_544, %add3A_532, %select_n3A_481 : vector<16xi1>, vector<16xi32>
      %add3A_546 = arith.constant 8 : i32
      %add3A_547 = vector.broadcast %add3A_546 : i32 to vector<16xi32>
      %add3A_548 = arith.addi %select_n3A_497, %add3A_547 : vector<16xi32>
      %le3A_549 = arith.constant 516 : i32
      %le3A_550 = vector.broadcast %le3A_549 : i32 to vector<16xi32>
      %le3A_551 = arith.cmpi sle, %add3A_548, %le3A_550 : vector<16xi32>
      %min3A_552 = arith.constant 516 : i32
      %min3A_553 = vector.broadcast %min3A_552 : i32 to vector<16xi32>
      %min3A_554 = arith.minsi %add3A_548, %min3A_553 : vector<16xi32>
      %sub3A_555 = arith.constant 1 : i32
      %sub3A_556 = vector.broadcast %sub3A_555 : i32 to vector<16xi32>
      %sub3A_557 = arith.subi %min3A_554, %sub3A_556 : vector<16xi32>
      %gather3A_558 = tpu.vector_load_idx %arg7[%add3A_84, %sub3A_557] : memref<32x516xf32, #tpu.memory_space<vmem>>[vector<16xi32>, vector<16xi32>], vector<16xf32>,
      %le3A_559 = arith.cmpf ole, %gather3A_558, %sub3A_139 : vector<16xf32>
      %and3A_560 = arith.andi %le3A_551, %le3A_559 : vector<16xi1>
      %select_n3A_561 = arith.select %and3A_560, %add3A_548, %select_n3A_497 : vector<16xi1>, vector<16xi32>
      %add3A_562 = arith.constant 8 : i32
      %add3A_563 = vector.broadcast %add3A_562 : i32 to vector<16xi32>
      %add3A_564 = arith.addi %select_n3A_513, %add3A_563 : vector<16xi32>
      %le3A_565 = arith.constant 516 : i32
      %le3A_566 = vector.broadcast %le3A_565 : i32 to vector<16xi32>
      %le3A_567 = arith.cmpi sle, %add3A_564, %le3A_566 : vector<16xi32>
      %min3A_568 = arith.constant 516 : i32
      %min3A_569 = vector.broadcast %min3A_568 : i32 to vector<16xi32>
      %min3A_570 = arith.minsi %add3A_564, %min3A_569 : vector<16xi32>
      %sub3A_571 = arith.constant 1 : i32
      %sub3A_572 = vector.broadcast %sub3A_571 : i32 to vector<16xi32>
      %sub3A_573 = arith.subi %min3A_570, %sub3A_572 : vector<16xi32>
      %gather3A_574 = tpu.vector_load_idx %arg7[%add3A_84, %sub3A_573] : memref<32x516xf32, #tpu.memory_space<vmem>>[vector<16xi32>, vector<16xi32>], vector<16xf32>,
      %lt3A_575 = arith.cmpf olt, %gather3A_574, %add3A_148 : vector<16xf32>
      %and3A_576 = arith.andi %le3A_567, %lt3A_575 : vector<16xi1>
      %select_n3A_577 = arith.select %and3A_576, %add3A_564, %select_n3A_513 : vector<16xi1>, vector<16xi32>
      %add3A_578 = arith.constant 8 : i32
      %add3A_579 = vector.broadcast %add3A_578 : i32 to vector<16xi32>
      %add3A_580 = arith.addi %select_n3A_529, %add3A_579 : vector<16xi32>
      %le3A_581 = arith.constant 516 : i32
      %le3A_582 = vector.broadcast %le3A_581 : i32 to vector<16xi32>
      %le3A_583 = arith.cmpi sle, %add3A_580, %le3A_582 : vector<16xi32>
      %min3A_584 = arith.constant 516 : i32
      %min3A_585 = vector.broadcast %min3A_584 : i32 to vector<16xi32>
      %min3A_586 = arith.minsi %add3A_580, %min3A_585 : vector<16xi32>
      %sub3A_587 = arith.constant 1 : i32
      %sub3A_588 = vector.broadcast %sub3A_587 : i32 to vector<16xi32>
      %sub3A_589 = arith.subi %min3A_586, %sub3A_588 : vector<16xi32>
      %gather3A_590 = tpu.vector_load_idx %arg7[%add3A_84, %sub3A_589] : memref<32x516xf32, #tpu.memory_space<vmem>>[vector<16xi32>, vector<16xi32>], vector<16xf32>,
      %lt3A_591 = arith.cmpf olt, %gather3A_590, %add3A_151 : vector<16xf32>
      %and3A_592 = arith.andi %le3A_583, %lt3A_591 : vector<16xi1>
      %select_n3A_593 = arith.select %and3A_592, %add3A_580, %select_n3A_529 : vector<16xi1>, vector<16xi32>
      %add3A_594 = arith.constant 8 : i32
      %add3A_595 = vector.broadcast %add3A_594 : i32 to vector<16xi32>
      %add3A_596 = arith.addi %select_n3A_545, %add3A_595 : vector<16xi32>
      %le3A_597 = arith.constant 516 : i32
      %le3A_598 = vector.broadcast %le3A_597 : i32 to vector<16xi32>
      %le3A_599 = arith.cmpi sle, %add3A_596, %le3A_598 : vector<16xi32>
      %min3A_600 = arith.constant 516 : i32
      %min3A_601 = vector.broadcast %min3A_600 : i32 to vector<16xi32>
      %min3A_602 = arith.minsi %add3A_596, %min3A_601 : vector<16xi32>
      %sub3A_603 = arith.constant 1 : i32
      %sub3A_604 = vector.broadcast %sub3A_603 : i32 to vector<16xi32>
      %sub3A_605 = arith.subi %min3A_602, %sub3A_604 : vector<16xi32>
      %gather3A_606 = tpu.vector_load_idx %arg7[%add3A_84, %sub3A_605] : memref<32x516xf32, #tpu.memory_space<vmem>>[vector<16xi32>, vector<16xi32>], vector<16xf32>,
      %le3A_607 = arith.cmpf ole, %gather3A_606, %sub3A_154 : vector<16xf32>
      %and3A_608 = arith.andi %le3A_599, %le3A_607 : vector<16xi1>
      %select_n3A_609 = arith.select %and3A_608, %add3A_596, %select_n3A_545 : vector<16xi1>, vector<16xi32>
      %add3A_610 = arith.constant 4 : i32
      %add3A_611 = vector.broadcast %add3A_610 : i32 to vector<16xi32>
      %add3A_612 = arith.addi %select_n3A_561, %add3A_611 : vector<16xi32>
      %le3A_613 = arith.constant 516 : i32
      %le3A_614 = vector.broadcast %le3A_613 : i32 to vector<16xi32>
      %le3A_615 = arith.cmpi sle, %add3A_612, %le3A_614 : vector<16xi32>
      %min3A_616 = arith.constant 516 : i32
      %min3A_617 = vector.broadcast %min3A_616 : i32 to vector<16xi32>
      %min3A_618 = arith.minsi %add3A_612, %min3A_617 : vector<16xi32>
      %sub3A_619 = arith.constant 1 : i32
      %sub3A_620 = vector.broadcast %sub3A_619 : i32 to vector<16xi32>
      %sub3A_621 = arith.subi %min3A_618, %sub3A_620 : vector<16xi32>
      %gather3A_622 = tpu.vector_load_idx %arg7[%add3A_84, %sub3A_621] : memref<32x516xf32, #tpu.memory_space<vmem>>[vector<16xi32>, vector<16xi32>], vector<16xf32>,
      %le3A_623 = arith.cmpf ole, %gather3A_622, %sub3A_139 : vector<16xf32>
      %and3A_624 = arith.andi %le3A_615, %le3A_623 : vector<16xi1>
      %select_n3A_625 = arith.select %and3A_624, %add3A_612, %select_n3A_561 : vector<16xi1>, vector<16xi32>
      %add3A_626 = arith.constant 4 : i32
      %add3A_627 = vector.broadcast %add3A_626 : i32 to vector<16xi32>
      %add3A_628 = arith.addi %select_n3A_577, %add3A_627 : vector<16xi32>
      %le3A_629 = arith.constant 516 : i32
      %le3A_630 = vector.broadcast %le3A_629 : i32 to vector<16xi32>
      %le3A_631 = arith.cmpi sle, %add3A_628, %le3A_630 : vector<16xi32>
      %min3A_632 = arith.constant 516 : i32
      %min3A_633 = vector.broadcast %min3A_632 : i32 to vector<16xi32>
      %min3A_634 = arith.minsi %add3A_628, %min3A_633 : vector<16xi32>
      %sub3A_635 = arith.constant 1 : i32
      %sub3A_636 = vector.broadcast %sub3A_635 : i32 to vector<16xi32>
      %sub3A_637 = arith.subi %min3A_634, %sub3A_636 : vector<16xi32>
      %gather3A_638 = tpu.vector_load_idx %arg7[%add3A_84, %sub3A_637] : memref<32x516xf32, #tpu.memory_space<vmem>>[vector<16xi32>, vector<16xi32>], vector<16xf32>,
      %lt3A_639 = arith.cmpf olt, %gather3A_638, %add3A_148 : vector<16xf32>
      %and3A_640 = arith.andi %le3A_631, %lt3A_639 : vector<16xi1>
      %select_n3A_641 = arith.select %and3A_640, %add3A_628, %select_n3A_577 : vector<16xi1>, vector<16xi32>
      %add3A_642 = arith.constant 4 : i32
      %add3A_643 = vector.broadcast %add3A_642 : i32 to vector<16xi32>
      %add3A_644 = arith.addi %select_n3A_593, %add3A_643 : vector<16xi32>
      %le3A_645 = arith.constant 516 : i32
      %le3A_646 = vector.broadcast %le3A_645 : i32 to vector<16xi32>
      %le3A_647 = arith.cmpi sle, %add3A_644, %le3A_646 : vector<16xi32>
      %min3A_648 = arith.constant 516 : i32
      %min3A_649 = vector.broadcast %min3A_648 : i32 to vector<16xi32>
      %min3A_650 = arith.minsi %add3A_644, %min3A_649 : vector<16xi32>
      %sub3A_651 = arith.constant 1 : i32
      %sub3A_652 = vector.broadcast %sub3A_651 : i32 to vector<16xi32>
      %sub3A_653 = arith.subi %min3A_650, %sub3A_652 : vector<16xi32>
      %gather3A_654 = tpu.vector_load_idx %arg7[%add3A_84, %sub3A_653] : memref<32x516xf32, #tpu.memory_space<vmem>>[vector<16xi32>, vector<16xi32>], vector<16xf32>,
      %lt3A_655 = arith.cmpf olt, %gather3A_654, %add3A_151 : vector<16xf32>
      %and3A_656 = arith.andi %le3A_647, %lt3A_655 : vector<16xi1>
      %select_n3A_657 = arith.select %and3A_656, %add3A_644, %select_n3A_593 : vector<16xi1>, vector<16xi32>
      %add3A_658 = arith.constant 4 : i32
      %add3A_659 = vector.broadcast %add3A_658 : i32 to vector<16xi32>
      %add3A_660 = arith.addi %select_n3A_609, %add3A_659 : vector<16xi32>
      %le3A_661 = arith.constant 516 : i32
      %le3A_662 = vector.broadcast %le3A_661 : i32 to vector<16xi32>
      %le3A_663 = arith.cmpi sle, %add3A_660, %le3A_662 : vector<16xi32>
      %min3A_664 = arith.constant 516 : i32
      %min3A_665 = vector.broadcast %min3A_664 : i32 to vector<16xi32>
      %min3A_666 = arith.minsi %add3A_660, %min3A_665 : vector<16xi32>
      %sub3A_667 = arith.constant 1 : i32
      %sub3A_668 = vector.broadcast %sub3A_667 : i32 to vector<16xi32>
      %sub3A_669 = arith.subi %min3A_666, %sub3A_668 : vector<16xi32>
      %gather3A_670 = tpu.vector_load_idx %arg7[%add3A_84, %sub3A_669] : memref<32x516xf32, #tpu.memory_space<vmem>>[vector<16xi32>, vector<16xi32>], vector<16xf32>,
      %le3A_671 = arith.cmpf ole, %gather3A_670, %sub3A_154 : vector<16xf32>
      %and3A_672 = arith.andi %le3A_663, %le3A_671 : vector<16xi1>
      %select_n3A_673 = arith.select %and3A_672, %add3A_660, %select_n3A_609 : vector<16xi1>, vector<16xi32>
      %add3A_674 = arith.constant 2 : i32
      %add3A_675 = vector.broadcast %add3A_674 : i32 to vector<16xi32>
      %add3A_676 = arith.addi %select_n3A_625, %add3A_675 : vector<16xi32>
      %le3A_677 = arith.constant 516 : i32
      %le3A_678 = vector.broadcast %le3A_677 : i32 to vector<16xi32>
      %le3A_679 = arith.cmpi sle, %add3A_676, %le3A_678 : vector<16xi32>
      %min3A_680 = arith.constant 516 : i32
      %min3A_681 = vector.broadcast %min3A_680 : i32 to vector<16xi32>
      %min3A_682 = arith.minsi %add3A_676, %min3A_681 : vector<16xi32>
      %sub3A_683 = arith.constant 1 : i32
      %sub3A_684 = vector.broadcast %sub3A_683 : i32 to vector<16xi32>
      %sub3A_685 = arith.subi %min3A_682, %sub3A_684 : vector<16xi32>
      %gather3A_686 = tpu.vector_load_idx %arg7[%add3A_84, %sub3A_685] : memref<32x516xf32, #tpu.memory_space<vmem>>[vector<16xi32>, vector<16xi32>], vector<16xf32>,
      %le3A_687 = arith.cmpf ole, %gather3A_686, %sub3A_139 : vector<16xf32>
      %and3A_688 = arith.andi %le3A_679, %le3A_687 : vector<16xi1>
      %select_n3A_689 = arith.select %and3A_688, %add3A_676, %select_n3A_625 : vector<16xi1>, vector<16xi32>
      %add3A_690 = arith.constant 2 : i32
      %add3A_691 = vector.broadcast %add3A_690 : i32 to vector<16xi32>
      %add3A_692 = arith.addi %select_n3A_641, %add3A_691 : vector<16xi32>
      %le3A_693 = arith.constant 516 : i32
      %le3A_694 = vector.broadcast %le3A_693 : i32 to vector<16xi32>
      %le3A_695 = arith.cmpi sle, %add3A_692, %le3A_694 : vector<16xi32>
      %min3A_696 = arith.constant 516 : i32
      %min3A_697 = vector.broadcast %min3A_696 : i32 to vector<16xi32>
      %min3A_698 = arith.minsi %add3A_692, %min3A_697 : vector<16xi32>
      %sub3A_699 = arith.constant 1 : i32
      %sub3A_700 = vector.broadcast %sub3A_699 : i32 to vector<16xi32>
      %sub3A_701 = arith.subi %min3A_698, %sub3A_700 : vector<16xi32>
      %gather3A_702 = tpu.vector_load_idx %arg7[%add3A_84, %sub3A_701] : memref<32x516xf32, #tpu.memory_space<vmem>>[vector<16xi32>, vector<16xi32>], vector<16xf32>,
      %lt3A_703 = arith.cmpf olt, %gather3A_702, %add3A_148 : vector<16xf32>
      %and3A_704 = arith.andi %le3A_695, %lt3A_703 : vector<16xi1>
      %select_n3A_705 = arith.select %and3A_704, %add3A_692, %select_n3A_641 : vector<16xi1>, vector<16xi32>
      %add3A_706 = arith.constant 2 : i32
      %add3A_707 = vector.broadcast %add3A_706 : i32 to vector<16xi32>
      %add3A_708 = arith.addi %select_n3A_657, %add3A_707 : vector<16xi32>
      %le3A_709 = arith.constant 516 : i32
      %le3A_710 = vector.broadcast %le3A_709 : i32 to vector<16xi32>
      %le3A_711 = arith.cmpi sle, %add3A_708, %le3A_710 : vector<16xi32>
      %min3A_712 = arith.constant 516 : i32
      %min3A_713 = vector.broadcast %min3A_712 : i32 to vector<16xi32>
      %min3A_714 = arith.minsi %add3A_708, %min3A_713 : vector<16xi32>
      %sub3A_715 = arith.constant 1 : i32
      %sub3A_716 = vector.broadcast %sub3A_715 : i32 to vector<16xi32>
      %sub3A_717 = arith.subi %min3A_714, %sub3A_716 : vector<16xi32>
      %gather3A_718 = tpu.vector_load_idx %arg7[%add3A_84, %sub3A_717] : memref<32x516xf32, #tpu.memory_space<vmem>>[vector<16xi32>, vector<16xi32>], vector<16xf32>,
      %lt3A_719 = arith.cmpf olt, %gather3A_718, %add3A_151 : vector<16xf32>
      %and3A_720 = arith.andi %le3A_711, %lt3A_719 : vector<16xi1>
      %select_n3A_721 = arith.select %and3A_720, %add3A_708, %select_n3A_657 : vector<16xi1>, vector<16xi32>
      %add3A_722 = arith.constant 2 : i32
      %add3A_723 = vector.broadcast %add3A_722 : i32 to vector<16xi32>
      %add3A_724 = arith.addi %select_n3A_673, %add3A_723 : vector<16xi32>
      %le3A_725 = arith.constant 516 : i32
      %le3A_726 = vector.broadcast %le3A_725 : i32 to vector<16xi32>
      %le3A_727 = arith.cmpi sle, %add3A_724, %le3A_726 : vector<16xi32>
      %min3A_728 = arith.constant 516 : i32
      %min3A_729 = vector.broadcast %min3A_728 : i32 to vector<16xi32>
      %min3A_730 = arith.minsi %add3A_724, %min3A_729 : vector<16xi32>
      %sub3A_731 = arith.constant 1 : i32
      %sub3A_732 = vector.broadcast %sub3A_731 : i32 to vector<16xi32>
      %sub3A_733 = arith.subi %min3A_730, %sub3A_732 : vector<16xi32>
      %gather3A_734 = tpu.vector_load_idx %arg7[%add3A_84, %sub3A_733] : memref<32x516xf32, #tpu.memory_space<vmem>>[vector<16xi32>, vector<16xi32>], vector<16xf32>,
      %le3A_735 = arith.cmpf ole, %gather3A_734, %sub3A_154 : vector<16xf32>
      %and3A_736 = arith.andi %le3A_727, %le3A_735 : vector<16xi1>
      %select_n3A_737 = arith.select %and3A_736, %add3A_724, %select_n3A_673 : vector<16xi1>, vector<16xi32>
      %add3A_738 = arith.constant 1 : i32
      %add3A_739 = vector.broadcast %add3A_738 : i32 to vector<16xi32>
      %add3A_740 = arith.addi %select_n3A_689, %add3A_739 : vector<16xi32>
      %le3A_741 = arith.constant 516 : i32
      %le3A_742 = vector.broadcast %le3A_741 : i32 to vector<16xi32>
      %le3A_743 = arith.cmpi sle, %add3A_740, %le3A_742 : vector<16xi32>
      %min3A_744 = arith.constant 516 : i32
      %min3A_745 = vector.broadcast %min3A_744 : i32 to vector<16xi32>
      %min3A_746 = arith.minsi %add3A_740, %min3A_745 : vector<16xi32>
      %sub3A_747 = arith.constant 1 : i32
      %sub3A_748 = vector.broadcast %sub3A_747 : i32 to vector<16xi32>
      %sub3A_749 = arith.subi %min3A_746, %sub3A_748 : vector<16xi32>
      %gather3A_750 = tpu.vector_load_idx %arg7[%add3A_84, %sub3A_749] : memref<32x516xf32, #tpu.memory_space<vmem>>[vector<16xi32>, vector<16xi32>], vector<16xf32>,
      %le3A_751 = arith.cmpf ole, %gather3A_750, %sub3A_139 : vector<16xf32>
      %and3A_752 = arith.andi %le3A_743, %le3A_751 : vector<16xi1>
      %select_n3A_753 = arith.select %and3A_752, %add3A_740, %select_n3A_689 : vector<16xi1>, vector<16xi32>
      %add3A_754 = arith.constant 1 : i32
      %add3A_755 = vector.broadcast %add3A_754 : i32 to vector<16xi32>
      %add3A_756 = arith.addi %select_n3A_705, %add3A_755 : vector<16xi32>
      %le3A_757 = arith.constant 516 : i32
      %le3A_758 = vector.broadcast %le3A_757 : i32 to vector<16xi32>
      %le3A_759 = arith.cmpi sle, %add3A_756, %le3A_758 : vector<16xi32>
      %min3A_760 = arith.constant 516 : i32
      %min3A_761 = vector.broadcast %min3A_760 : i32 to vector<16xi32>
      %min3A_762 = arith.minsi %add3A_756, %min3A_761 : vector<16xi32>
      %sub3A_763 = arith.constant 1 : i32
      %sub3A_764 = vector.broadcast %sub3A_763 : i32 to vector<16xi32>
      %sub3A_765 = arith.subi %min3A_762, %sub3A_764 : vector<16xi32>
      %gather3A_766 = tpu.vector_load_idx %arg7[%add3A_84, %sub3A_765] : memref<32x516xf32, #tpu.memory_space<vmem>>[vector<16xi32>, vector<16xi32>], vector<16xf32>,
      %lt3A_767 = arith.cmpf olt, %gather3A_766, %add3A_148 : vector<16xf32>
      %and3A_768 = arith.andi %le3A_759, %lt3A_767 : vector<16xi1>
      %select_n3A_769 = arith.select %and3A_768, %add3A_756, %select_n3A_705 : vector<16xi1>, vector<16xi32>
      %add3A_770 = arith.constant 1 : i32
      %add3A_771 = vector.broadcast %add3A_770 : i32 to vector<16xi32>
      %add3A_772 = arith.addi %select_n3A_721, %add3A_771 : vector<16xi32>
      %le3A_773 = arith.constant 516 : i32
      %le3A_774 = vector.broadcast %le3A_773 : i32 to vector<16xi32>
      %le3A_775 = arith.cmpi sle, %add3A_772, %le3A_774 : vector<16xi32>
      %min3A_776 = arith.constant 516 : i32
      %min3A_777 = vector.broadcast %min3A_776 : i32 to vector<16xi32>
      %min3A_778 = arith.minsi %add3A_772, %min3A_777 : vector<16xi32>
      %sub3A_779 = arith.constant 1 : i32
      %sub3A_780 = vector.broadcast %sub3A_779 : i32 to vector<16xi32>
      %sub3A_781 = arith.subi %min3A_778, %sub3A_780 : vector<16xi32>
      %gather3A_782 = tpu.vector_load_idx %arg7[%add3A_84, %sub3A_781] : memref<32x516xf32, #tpu.memory_space<vmem>>[vector<16xi32>, vector<16xi32>], vector<16xf32>,
      %lt3A_783 = arith.cmpf olt, %gather3A_782, %add3A_151 : vector<16xf32>
      %and3A_784 = arith.andi %le3A_775, %lt3A_783 : vector<16xi1>
      %select_n3A_785 = arith.select %and3A_784, %add3A_772, %select_n3A_721 : vector<16xi1>, vector<16xi32>
      %add3A_786 = arith.constant 1 : i32
      %add3A_787 = vector.broadcast %add3A_786 : i32 to vector<16xi32>
      %add3A_788 = arith.addi %select_n3A_737, %add3A_787 : vector<16xi32>
      %le3A_789 = arith.constant 516 : i32
      %le3A_790 = vector.broadcast %le3A_789 : i32 to vector<16xi32>
      %le3A_791 = arith.cmpi sle, %add3A_788, %le3A_790 : vector<16xi32>
      %min3A_792 = arith.constant 516 : i32
      %min3A_793 = vector.broadcast %min3A_792 : i32 to vector<16xi32>
      %min3A_794 = arith.minsi %add3A_788, %min3A_793 : vector<16xi32>
      %sub3A_795 = arith.constant 1 : i32
      %sub3A_796 = vector.broadcast %sub3A_795 : i32 to vector<16xi32>
      %sub3A_797 = arith.subi %min3A_794, %sub3A_796 : vector<16xi32>
      %gather3A_798 = tpu.vector_load_idx %arg7[%add3A_84, %sub3A_797] : memref<32x516xf32, #tpu.memory_space<vmem>>[vector<16xi32>, vector<16xi32>], vector<16xf32>,
      %le3A_799 = arith.cmpf ole, %gather3A_798, %sub3A_154 : vector<16xf32>
      %and3A_800 = arith.andi %le3A_791, %le3A_799 : vector<16xi1>
      %select_n3A_801 = arith.select %and3A_800, %add3A_788, %select_n3A_737 : vector<16xi1>, vector<16xi32>
      %sub3A_802 = arith.constant 1 : i32
      %sub3A_803 = vector.broadcast %sub3A_802 : i32 to vector<16xi32>
      %sub3A_804 = arith.subi %select_n3A_753, %sub3A_803 : vector<16xi32>
      %max3A_805 = arith.constant 0 : i32
      %max3A_806 = vector.broadcast %max3A_805 : i32 to vector<16xi32>
      %max3A_807 = arith.maxsi %sub3A_804, %max3A_806 : vector<16xi32>
      %reduce_min3A = arith.constant true
      %reduce_min3A_808 = vector.broadcast %reduce_min3A : i1 to vector<16xi1>
      %reduce_min3A_809 = arith.constant -2147483648 : i32
      %reduce_min3A_810 = vector.broadcast %reduce_min3A_809 : i32 to vector<16xi32>
      %reduce_min3A_811 = arith.xori %max3A_807, %reduce_min3A_810 : vector<16xi32>
      %reduce_min3A_812 = tpu.scan <min>, %reduce_min3A_811 masked %reduce_min3A_808 : vector<16xi32>, vector<16xi1> -> vector<16xi32>
      %reduce_min3A_813 = arith.xori %reduce_min3A_812, %reduce_min3A_810 : vector<16xi32>
      %reduce_min3A_814 = vector.extract %reduce_min3A_813[15] : i32 from vector<16xi32>
      %min3A_815 = arith.constant 515 : i32
      %min3A_816 = vector.broadcast %min3A_815 : i32 to vector<16xi32>
      %min3A_817 = arith.minsi %select_n3A_769, %min3A_816 : vector<16xi32>
      %reduce_max3A = arith.constant true
      %reduce_max3A_818 = vector.broadcast %reduce_max3A : i1 to vector<16xi1>
      %reduce_max3A_819 = arith.constant -2147483648 : i32
      %reduce_max3A_820 = vector.broadcast %reduce_max3A_819 : i32 to vector<16xi32>
      %reduce_max3A_821 = arith.xori %min3A_817, %reduce_max3A_820 : vector<16xi32>
      %reduce_max3A_822 = tpu.scan <max>, %reduce_max3A_821 masked %reduce_max3A_818 : vector<16xi32>, vector<16xi1> -> vector<16xi32>
      %reduce_max3A_823 = arith.xori %reduce_max3A_822, %reduce_max3A_820 : vector<16xi32>
      %reduce_max3A_824 = vector.extract %reduce_max3A_823[15] : i32 from vector<16xi32>
      %reduce_max3A_825 = arith.constant true
      %reduce_max3A_826 = vector.broadcast %reduce_max3A_825 : i1 to vector<16xi1>
      %reduce_max3A_827 = arith.constant -2147483648 : i32
      %reduce_max3A_828 = vector.broadcast %reduce_max3A_827 : i32 to vector<16xi32>
      %reduce_max3A_829 = arith.xori %select_n3A_785, %reduce_max3A_828 : vector<16xi32>
      %reduce_max3A_830 = tpu.scan <max>, %reduce_max3A_829 masked %reduce_max3A_826 : vector<16xi32>, vector<16xi1> -> vector<16xi32>
      %reduce_max3A_831 = arith.xori %reduce_max3A_830, %reduce_max3A_828 : vector<16xi32>
      %reduce_max3A_832 = vector.extract %reduce_max3A_831[15] : i32 from vector<16xi32>
      %reduce_min3A_833 = arith.constant true
      %reduce_min3A_834 = vector.broadcast %reduce_min3A_833 : i1 to vector<16xi1>
      %reduce_min3A_835 = arith.constant -2147483648 : i32
      %reduce_min3A_836 = vector.broadcast %reduce_min3A_835 : i32 to vector<16xi32>
      %reduce_min3A_837 = arith.xori %select_n3A_801, %reduce_min3A_836 : vector<16xi32>
      %reduce_min3A_838 = tpu.scan <min>, %reduce_min3A_837 masked %reduce_min3A_834 : vector<16xi32>, vector<16xi1> -> vector<16xi32>
      %reduce_min3A_839 = arith.xori %reduce_min3A_838, %reduce_min3A_836 : vector<16xi32>
      %reduce_min3A_840 = vector.extract %reduce_min3A_839[15] : i32 from vector<16xi32>
      %sub3A_841 = arith.constant 1 : i32
      %sub3A_842 = arith.subi %reduce_min3A_840, %sub3A_841 : i32
      %gather3A_843 = tpu.vector_load_idx %arg9[%add3A_87, %broadcast_in_dim3A_35] : memref<32x8xf32, #tpu.memory_space<vmem>>[vector<16xi32>, vector<16xi32>], vector<16xf32>,
      %add3A_844 = arith.constant 1 : i32
      %add3A_845 = vector.broadcast %add3A_844 : i32 to vector<16xi32>
      %add3A_846 = arith.addi %broadcast_in_dim3A_35, %add3A_845 : vector<16xi32>
      %gather3A_847 = tpu.vector_load_idx %arg9[%add3A_87, %add3A_846] : memref<32x8xf32, #tpu.memory_space<vmem>>[vector<16xi32>, vector<16xi32>], vector<16xf32>,
      %add3A_848 = arith.constant 2 : i32
      %add3A_849 = vector.broadcast %add3A_848 : i32 to vector<16xi32>
      %add3A_850 = arith.addi %broadcast_in_dim3A_35, %add3A_849 : vector<16xi32>
      %gather3A_851 = tpu.vector_load_idx %arg9[%add3A_87, %add3A_850] : memref<32x8xf32, #tpu.memory_space<vmem>>[vector<16xi32>, vector<16xi32>], vector<16xf32>,
      %add3A_852 = arith.constant 3 : i32
      %add3A_853 = vector.broadcast %add3A_852 : i32 to vector<16xi32>
      %add3A_854 = arith.addi %broadcast_in_dim3A_35, %add3A_853 : vector<16xi32>
      %gather3A_855 = tpu.vector_load_idx %arg9[%add3A_87, %add3A_854] : memref<32x8xf32, #tpu.memory_space<vmem>>[vector<16xi32>, vector<16xi32>], vector<16xf32>,
      %add3A_856 = arith.constant 4 : i32
      %add3A_857 = vector.broadcast %add3A_856 : i32 to vector<16xi32>
      %add3A_858 = arith.addi %broadcast_in_dim3A_35, %add3A_857 : vector<16xi32>
      %gather3A_859 = tpu.vector_load_idx %arg9[%add3A_87, %add3A_858] : memref<32x8xf32, #tpu.memory_space<vmem>>[vector<16xi32>, vector<16xi32>], vector<16xf32>,
      %abs3A_860 = math.absf %gather3A_851 : vector<16xf32>
      %lt3A_861 = arith.constant 9.99999971E-10 : f32
      %lt3A_862 = vector.broadcast %lt3A_861 : f32 to vector<16xf32>
      %lt3A_863 = arith.cmpf olt, %abs3A_860, %lt3A_862 : vector<16xf32>
      %jit3A_864 = arith.constant 9.99999971E-10 : f32
      %broadcast_in_dim3A_865 = vector.broadcast %jit3A_864 : f32 to vector<16xf32>
      %select_n3A_866 = arith.select %lt3A_863, %broadcast_in_dim3A_865, %gather3A_851 : vector<16xi1>, vector<16xf32>
      %abs3A_867 = math.absf %gather3A_855 : vector<16xf32>
      %lt3A_868 = arith.constant 9.99999971E-10 : f32
      %lt3A_869 = vector.broadcast %lt3A_868 : f32 to vector<16xf32>
      %lt3A_870 = arith.cmpf olt, %abs3A_867, %lt3A_869 : vector<16xf32>
      %jit3A_871 = arith.constant 9.99999971E-10 : f32
      %broadcast_in_dim3A_872 = vector.broadcast %jit3A_871 : f32 to vector<16xf32>
      %select_n3A_873 = arith.select %lt3A_870, %broadcast_in_dim3A_872, %gather3A_855 : vector<16xi1>, vector<16xf32>
      %sub3A_874 = arith.constant 0.000000e+00 : f32
      %sub3A_875 = vector.broadcast %sub3A_874 : f32 to vector<16xf32>
      %sub3A_876 = arith.subf %sub3A_875, %gather3A_843 : vector<16xf32>
      %div3A_877 = arith.divf %sub3A_876, %select_n3A_866 : vector<16xf32>
      %sub3A_878 = arith.constant 2.560000e+02 : f32
      %sub3A_879 = vector.broadcast %sub3A_878 : f32 to vector<16xf32>
      %sub3A_880 = arith.subf %sub3A_879, %gather3A_843 : vector<16xf32>
      %div3A_881 = arith.divf %sub3A_880, %select_n3A_866 : vector<16xf32>
      %sub3A_882 = arith.constant 0.000000e+00 : f32
      %sub3A_883 = vector.broadcast %sub3A_882 : f32 to vector<16xf32>
      %sub3A_884 = arith.subf %sub3A_883, %gather3A_847 : vector<16xf32>
      %div3A_885 = arith.divf %sub3A_884, %select_n3A_873 : vector<16xf32>
      %sub3A_886 = arith.constant 2.560000e+02 : f32
      %sub3A_887 = vector.broadcast %sub3A_886 : f32 to vector<16xf32>
      %sub3A_888 = arith.subf %sub3A_887, %gather3A_847 : vector<16xf32>
      %div3A_889 = arith.divf %sub3A_888, %select_n3A_873 : vector<16xf32>
      %min3A_890 = arith.minimumf %div3A_877, %div3A_881 : vector<16xf32>
      %min3A_891 = arith.minimumf %div3A_885, %div3A_889 : vector<16xf32>
      %max3A_892 = arith.maximumf %min3A_890, %min3A_891 : vector<16xf32>
      %max3A_893 = arith.constant 0.000000e+00 : f32
      %max3A_894 = vector.broadcast %max3A_893 : f32 to vector<16xf32>
      %max3A_895 = arith.maximumf %max3A_892, %max3A_894 : vector<16xf32>
      %sub3A_896 = arith.constant 9.99999974E-5 : f32
      %sub3A_897 = vector.broadcast %sub3A_896 : f32 to vector<16xf32>
      %sub3A_898 = arith.subf %max3A_895, %sub3A_897 : vector<16xf32>
      %max3A_899 = arith.maximumf %div3A_877, %div3A_881 : vector<16xf32>
      %max3A_900 = arith.maximumf %div3A_885, %div3A_889 : vector<16xf32>
      %min3A_901 = arith.minimumf %max3A_899, %max3A_900 : vector<16xf32>
      %min3A_902 = arith.constant 1.000000e+00 : f32
      %min3A_903 = vector.broadcast %min3A_902 : f32 to vector<16xf32>
      %min3A_904 = arith.minimumf %min3A_901, %min3A_903 : vector<16xf32>
      %add3A_905 = arith.constant 9.99999974E-5 : f32
      %add3A_906 = vector.broadcast %add3A_905 : f32 to vector<16xf32>
      %add3A_907 = arith.addf %min3A_904, %add3A_906 : vector<16xf32>
      %add3A_908 = arith.constant 2.000000e-04 : f32
      %add3A_909 = vector.broadcast %add3A_908 : f32 to vector<16xf32>
      %add3A_910 = arith.addf %sub3A_898, %add3A_909 : vector<16xf32>
      %sub3A_911 = arith.constant 2.000000e-04 : f32
      %sub3A_912 = vector.broadcast %sub3A_911 : f32 to vector<16xf32>
      %sub3A_913 = arith.subf %add3A_907, %sub3A_912 : vector<16xf32>
      %broadcast_in_dim3A_914 = arith.constant 0 : i32
      %broadcast_in_dim3A_915 = vector.broadcast %broadcast_in_dim3A_914 : i32 to vector<16xi32>
      %broadcast_in_dim3A_916 = arith.constant 0 : i32
      %broadcast_in_dim3A_917 = vector.broadcast %broadcast_in_dim3A_916 : i32 to vector<16xi32>
      %broadcast_in_dim3A_918 = arith.constant 0 : i32
      %broadcast_in_dim3A_919 = vector.broadcast %broadcast_in_dim3A_918 : i32 to vector<16xi32>
      %broadcast_in_dim3A_920 = arith.constant 0 : i32
      %broadcast_in_dim3A_921 = vector.broadcast %broadcast_in_dim3A_920 : i32 to vector<16xi32>
      %add3A_922 = arith.constant 512 : i32
      %add3A_923 = vector.broadcast %add3A_922 : i32 to vector<16xi32>
      %add3A_924 = arith.addi %broadcast_in_dim3A_915, %add3A_923 : vector<16xi32>
      %le3A_925 = arith.constant 516 : i32
      %le3A_926 = vector.broadcast %le3A_925 : i32 to vector<16xi32>
      %le3A_927 = arith.cmpi sle, %add3A_924, %le3A_926 : vector<16xi32>
      %min3A_928 = arith.constant 516 : i32
      %min3A_929 = vector.broadcast %min3A_928 : i32 to vector<16xi32>
      %min3A_930 = arith.minsi %add3A_924, %min3A_929 : vector<16xi32>
      %sub3A_931 = arith.constant 1 : i32
      %sub3A_932 = vector.broadcast %sub3A_931 : i32 to vector<16xi32>
      %sub3A_933 = arith.subi %min3A_930, %sub3A_932 : vector<16xi32>
      %gather3A_934 = tpu.vector_load_idx %arg7[%add3A_87, %sub3A_933] : memref<32x516xf32, #tpu.memory_space<vmem>>[vector<16xi32>, vector<16xi32>], vector<16xf32>,
      %le3A_935 = arith.cmpf ole, %gather3A_934, %sub3A_898 : vector<16xf32>
      %and3A_936 = arith.andi %le3A_927, %le3A_935 : vector<16xi1>
      %select_n3A_937 = arith.select %and3A_936, %add3A_924, %broadcast_in_dim3A_915 : vector<16xi1>, vector<16xi32>
      %add3A_938 = arith.constant 512 : i32
      %add3A_939 = vector.broadcast %add3A_938 : i32 to vector<16xi32>
      %add3A_940 = arith.addi %broadcast_in_dim3A_917, %add3A_939 : vector<16xi32>
      %le3A_941 = arith.constant 516 : i32
      %le3A_942 = vector.broadcast %le3A_941 : i32 to vector<16xi32>
      %le3A_943 = arith.cmpi sle, %add3A_940, %le3A_942 : vector<16xi32>
      %min3A_944 = arith.constant 516 : i32
      %min3A_945 = vector.broadcast %min3A_944 : i32 to vector<16xi32>
      %min3A_946 = arith.minsi %add3A_940, %min3A_945 : vector<16xi32>
      %sub3A_947 = arith.constant 1 : i32
      %sub3A_948 = vector.broadcast %sub3A_947 : i32 to vector<16xi32>
      %sub3A_949 = arith.subi %min3A_946, %sub3A_948 : vector<16xi32>
      %gather3A_950 = tpu.vector_load_idx %arg7[%add3A_87, %sub3A_949] : memref<32x516xf32, #tpu.memory_space<vmem>>[vector<16xi32>, vector<16xi32>], vector<16xf32>,
      %lt3A_951 = arith.cmpf olt, %gather3A_950, %add3A_907 : vector<16xf32>
      %and3A_952 = arith.andi %le3A_943, %lt3A_951 : vector<16xi1>
      %select_n3A_953 = arith.select %and3A_952, %add3A_940, %broadcast_in_dim3A_917 : vector<16xi1>, vector<16xi32>
      %add3A_954 = arith.constant 512 : i32
      %add3A_955 = vector.broadcast %add3A_954 : i32 to vector<16xi32>
      %add3A_956 = arith.addi %broadcast_in_dim3A_919, %add3A_955 : vector<16xi32>
      %le3A_957 = arith.constant 516 : i32
      %le3A_958 = vector.broadcast %le3A_957 : i32 to vector<16xi32>
      %le3A_959 = arith.cmpi sle, %add3A_956, %le3A_958 : vector<16xi32>
      %min3A_960 = arith.constant 516 : i32
      %min3A_961 = vector.broadcast %min3A_960 : i32 to vector<16xi32>
      %min3A_962 = arith.minsi %add3A_956, %min3A_961 : vector<16xi32>
      %sub3A_963 = arith.constant 1 : i32
      %sub3A_964 = vector.broadcast %sub3A_963 : i32 to vector<16xi32>
      %sub3A_965 = arith.subi %min3A_962, %sub3A_964 : vector<16xi32>
      %gather3A_966 = tpu.vector_load_idx %arg7[%add3A_87, %sub3A_965] : memref<32x516xf32, #tpu.memory_space<vmem>>[vector<16xi32>, vector<16xi32>], vector<16xf32>,
      %lt3A_967 = arith.cmpf olt, %gather3A_966, %add3A_910 : vector<16xf32>
      %and3A_968 = arith.andi %le3A_959, %lt3A_967 : vector<16xi1>
      %select_n3A_969 = arith.select %and3A_968, %add3A_956, %broadcast_in_dim3A_919 : vector<16xi1>, vector<16xi32>
      %add3A_970 = arith.constant 512 : i32
      %add3A_971 = vector.broadcast %add3A_970 : i32 to vector<16xi32>
      %add3A_972 = arith.addi %broadcast_in_dim3A_921, %add3A_971 : vector<16xi32>
      %le3A_973 = arith.constant 516 : i32
      %le3A_974 = vector.broadcast %le3A_973 : i32 to vector<16xi32>
      %le3A_975 = arith.cmpi sle, %add3A_972, %le3A_974 : vector<16xi32>
      %min3A_976 = arith.constant 516 : i32
      %min3A_977 = vector.broadcast %min3A_976 : i32 to vector<16xi32>
      %min3A_978 = arith.minsi %add3A_972, %min3A_977 : vector<16xi32>
      %sub3A_979 = arith.constant 1 : i32
      %sub3A_980 = vector.broadcast %sub3A_979 : i32 to vector<16xi32>
      %sub3A_981 = arith.subi %min3A_978, %sub3A_980 : vector<16xi32>
      %gather3A_982 = tpu.vector_load_idx %arg7[%add3A_87, %sub3A_981] : memref<32x516xf32, #tpu.memory_space<vmem>>[vector<16xi32>, vector<16xi32>], vector<16xf32>,
      %le3A_983 = arith.cmpf ole, %gather3A_982, %sub3A_913 : vector<16xf32>
      %and3A_984 = arith.andi %le3A_975, %le3A_983 : vector<16xi1>
      %select_n3A_985 = arith.select %and3A_984, %add3A_972, %broadcast_in_dim3A_921 : vector<16xi1>, vector<16xi32>
      %add3A_986 = arith.constant 256 : i32
      %add3A_987 = vector.broadcast %add3A_986 : i32 to vector<16xi32>
      %add3A_988 = arith.addi %select_n3A_937, %add3A_987 : vector<16xi32>
      %le3A_989 = arith.constant 516 : i32
      %le3A_990 = vector.broadcast %le3A_989 : i32 to vector<16xi32>
      %le3A_991 = arith.cmpi sle, %add3A_988, %le3A_990 : vector<16xi32>
      %min3A_992 = arith.constant 516 : i32
      %min3A_993 = vector.broadcast %min3A_992 : i32 to vector<16xi32>
      %min3A_994 = arith.minsi %add3A_988, %min3A_993 : vector<16xi32>
      %sub3A_995 = arith.constant 1 : i32
      %sub3A_996 = vector.broadcast %sub3A_995 : i32 to vector<16xi32>
      %sub3A_997 = arith.subi %min3A_994, %sub3A_996 : vector<16xi32>
      %gather3A_998 = tpu.vector_load_idx %arg7[%add3A_87, %sub3A_997] : memref<32x516xf32, #tpu.memory_space<vmem>>[vector<16xi32>, vector<16xi32>], vector<16xf32>,
      %le3A_999 = arith.cmpf ole, %gather3A_998, %sub3A_898 : vector<16xf32>
      %and3A_1000 = arith.andi %le3A_991, %le3A_999 : vector<16xi1>
      %select_n3A_1001 = arith.select %and3A_1000, %add3A_988, %select_n3A_937 : vector<16xi1>, vector<16xi32>
      %add3A_1002 = arith.constant 256 : i32
      %add3A_1003 = vector.broadcast %add3A_1002 : i32 to vector<16xi32>
      %add3A_1004 = arith.addi %select_n3A_953, %add3A_1003 : vector<16xi32>
      %le3A_1005 = arith.constant 516 : i32
      %le3A_1006 = vector.broadcast %le3A_1005 : i32 to vector<16xi32>
      %le3A_1007 = arith.cmpi sle, %add3A_1004, %le3A_1006 : vector<16xi32>
      %min3A_1008 = arith.constant 516 : i32
      %min3A_1009 = vector.broadcast %min3A_1008 : i32 to vector<16xi32>
      %min3A_1010 = arith.minsi %add3A_1004, %min3A_1009 : vector<16xi32>
      %sub3A_1011 = arith.constant 1 : i32
      %sub3A_1012 = vector.broadcast %sub3A_1011 : i32 to vector<16xi32>
      %sub3A_1013 = arith.subi %min3A_1010, %sub3A_1012 : vector<16xi32>
      %gather3A_1014 = tpu.vector_load_idx %arg7[%add3A_87, %sub3A_1013] : memref<32x516xf32, #tpu.memory_space<vmem>>[vector<16xi32>, vector<16xi32>], vector<16xf32>,
      %lt3A_1015 = arith.cmpf olt, %gather3A_1014, %add3A_907 : vector<16xf32>
      %and3A_1016 = arith.andi %le3A_1007, %lt3A_1015 : vector<16xi1>
      %select_n3A_1017 = arith.select %and3A_1016, %add3A_1004, %select_n3A_953 : vector<16xi1>, vector<16xi32>
      %add3A_1018 = arith.constant 256 : i32
      %add3A_1019 = vector.broadcast %add3A_1018 : i32 to vector<16xi32>
      %add3A_1020 = arith.addi %select_n3A_969, %add3A_1019 : vector<16xi32>
      %le3A_1021 = arith.constant 516 : i32
      %le3A_1022 = vector.broadcast %le3A_1021 : i32 to vector<16xi32>
      %le3A_1023 = arith.cmpi sle, %add3A_1020, %le3A_1022 : vector<16xi32>
      %min3A_1024 = arith.constant 516 : i32
      %min3A_1025 = vector.broadcast %min3A_1024 : i32 to vector<16xi32>
      %min3A_1026 = arith.minsi %add3A_1020, %min3A_1025 : vector<16xi32>
      %sub3A_1027 = arith.constant 1 : i32
      %sub3A_1028 = vector.broadcast %sub3A_1027 : i32 to vector<16xi32>
      %sub3A_1029 = arith.subi %min3A_1026, %sub3A_1028 : vector<16xi32>
      %gather3A_1030 = tpu.vector_load_idx %arg7[%add3A_87, %sub3A_1029] : memref<32x516xf32, #tpu.memory_space<vmem>>[vector<16xi32>, vector<16xi32>], vector<16xf32>,
      %lt3A_1031 = arith.cmpf olt, %gather3A_1030, %add3A_910 : vector<16xf32>
      %and3A_1032 = arith.andi %le3A_1023, %lt3A_1031 : vector<16xi1>
      %select_n3A_1033 = arith.select %and3A_1032, %add3A_1020, %select_n3A_969 : vector<16xi1>, vector<16xi32>
      %add3A_1034 = arith.constant 256 : i32
      %add3A_1035 = vector.broadcast %add3A_1034 : i32 to vector<16xi32>
      %add3A_1036 = arith.addi %select_n3A_985, %add3A_1035 : vector<16xi32>
      %le3A_1037 = arith.constant 516 : i32
      %le3A_1038 = vector.broadcast %le3A_1037 : i32 to vector<16xi32>
      %le3A_1039 = arith.cmpi sle, %add3A_1036, %le3A_1038 : vector<16xi32>
      %min3A_1040 = arith.constant 516 : i32
      %min3A_1041 = vector.broadcast %min3A_1040 : i32 to vector<16xi32>
      %min3A_1042 = arith.minsi %add3A_1036, %min3A_1041 : vector<16xi32>
      %sub3A_1043 = arith.constant 1 : i32
      %sub3A_1044 = vector.broadcast %sub3A_1043 : i32 to vector<16xi32>
      %sub3A_1045 = arith.subi %min3A_1042, %sub3A_1044 : vector<16xi32>
      %gather3A_1046 = tpu.vector_load_idx %arg7[%add3A_87, %sub3A_1045] : memref<32x516xf32, #tpu.memory_space<vmem>>[vector<16xi32>, vector<16xi32>], vector<16xf32>,
      %le3A_1047 = arith.cmpf ole, %gather3A_1046, %sub3A_913 : vector<16xf32>
      %and3A_1048 = arith.andi %le3A_1039, %le3A_1047 : vector<16xi1>
      %select_n3A_1049 = arith.select %and3A_1048, %add3A_1036, %select_n3A_985 : vector<16xi1>, vector<16xi32>
      %add3A_1050 = arith.constant 128 : i32
      %add3A_1051 = vector.broadcast %add3A_1050 : i32 to vector<16xi32>
      %add3A_1052 = arith.addi %select_n3A_1001, %add3A_1051 : vector<16xi32>
      %le3A_1053 = arith.constant 516 : i32
      %le3A_1054 = vector.broadcast %le3A_1053 : i32 to vector<16xi32>
      %le3A_1055 = arith.cmpi sle, %add3A_1052, %le3A_1054 : vector<16xi32>
      %min3A_1056 = arith.constant 516 : i32
      %min3A_1057 = vector.broadcast %min3A_1056 : i32 to vector<16xi32>
      %min3A_1058 = arith.minsi %add3A_1052, %min3A_1057 : vector<16xi32>
      %sub3A_1059 = arith.constant 1 : i32
      %sub3A_1060 = vector.broadcast %sub3A_1059 : i32 to vector<16xi32>
      %sub3A_1061 = arith.subi %min3A_1058, %sub3A_1060 : vector<16xi32>
      %gather3A_1062 = tpu.vector_load_idx %arg7[%add3A_87, %sub3A_1061] : memref<32x516xf32, #tpu.memory_space<vmem>>[vector<16xi32>, vector<16xi32>], vector<16xf32>,
      %le3A_1063 = arith.cmpf ole, %gather3A_1062, %sub3A_898 : vector<16xf32>
      %and3A_1064 = arith.andi %le3A_1055, %le3A_1063 : vector<16xi1>
      %select_n3A_1065 = arith.select %and3A_1064, %add3A_1052, %select_n3A_1001 : vector<16xi1>, vector<16xi32>
      %add3A_1066 = arith.constant 128 : i32
      %add3A_1067 = vector.broadcast %add3A_1066 : i32 to vector<16xi32>
      %add3A_1068 = arith.addi %select_n3A_1017, %add3A_1067 : vector<16xi32>
      %le3A_1069 = arith.constant 516 : i32
      %le3A_1070 = vector.broadcast %le3A_1069 : i32 to vector<16xi32>
      %le3A_1071 = arith.cmpi sle, %add3A_1068, %le3A_1070 : vector<16xi32>
      %min3A_1072 = arith.constant 516 : i32
      %min3A_1073 = vector.broadcast %min3A_1072 : i32 to vector<16xi32>
      %min3A_1074 = arith.minsi %add3A_1068, %min3A_1073 : vector<16xi32>
      %sub3A_1075 = arith.constant 1 : i32
      %sub3A_1076 = vector.broadcast %sub3A_1075 : i32 to vector<16xi32>
      %sub3A_1077 = arith.subi %min3A_1074, %sub3A_1076 : vector<16xi32>
      %gather3A_1078 = tpu.vector_load_idx %arg7[%add3A_87, %sub3A_1077] : memref<32x516xf32, #tpu.memory_space<vmem>>[vector<16xi32>, vector<16xi32>], vector<16xf32>,
      %lt3A_1079 = arith.cmpf olt, %gather3A_1078, %add3A_907 : vector<16xf32>
      %and3A_1080 = arith.andi %le3A_1071, %lt3A_1079 : vector<16xi1>
      %select_n3A_1081 = arith.select %and3A_1080, %add3A_1068, %select_n3A_1017 : vector<16xi1>, vector<16xi32>
      %add3A_1082 = arith.constant 128 : i32
      %add3A_1083 = vector.broadcast %add3A_1082 : i32 to vector<16xi32>
      %add3A_1084 = arith.addi %select_n3A_1033, %add3A_1083 : vector<16xi32>
      %le3A_1085 = arith.constant 516 : i32
      %le3A_1086 = vector.broadcast %le3A_1085 : i32 to vector<16xi32>
      %le3A_1087 = arith.cmpi sle, %add3A_1084, %le3A_1086 : vector<16xi32>
      %min3A_1088 = arith.constant 516 : i32
      %min3A_1089 = vector.broadcast %min3A_1088 : i32 to vector<16xi32>
      %min3A_1090 = arith.minsi %add3A_1084, %min3A_1089 : vector<16xi32>
      %sub3A_1091 = arith.constant 1 : i32
      %sub3A_1092 = vector.broadcast %sub3A_1091 : i32 to vector<16xi32>
      %sub3A_1093 = arith.subi %min3A_1090, %sub3A_1092 : vector<16xi32>
      %gather3A_1094 = tpu.vector_load_idx %arg7[%add3A_87, %sub3A_1093] : memref<32x516xf32, #tpu.memory_space<vmem>>[vector<16xi32>, vector<16xi32>], vector<16xf32>,
      %lt3A_1095 = arith.cmpf olt, %gather3A_1094, %add3A_910 : vector<16xf32>
      %and3A_1096 = arith.andi %le3A_1087, %lt3A_1095 : vector<16xi1>
      %select_n3A_1097 = arith.select %and3A_1096, %add3A_1084, %select_n3A_1033 : vector<16xi1>, vector<16xi32>
      %add3A_1098 = arith.constant 128 : i32
      %add3A_1099 = vector.broadcast %add3A_1098 : i32 to vector<16xi32>
      %add3A_1100 = arith.addi %select_n3A_1049, %add3A_1099 : vector<16xi32>
      %le3A_1101 = arith.constant 516 : i32
      %le3A_1102 = vector.broadcast %le3A_1101 : i32 to vector<16xi32>
      %le3A_1103 = arith.cmpi sle, %add3A_1100, %le3A_1102 : vector<16xi32>
      %min3A_1104 = arith.constant 516 : i32
      %min3A_1105 = vector.broadcast %min3A_1104 : i32 to vector<16xi32>
      %min3A_1106 = arith.minsi %add3A_1100, %min3A_1105 : vector<16xi32>
      %sub3A_1107 = arith.constant 1 : i32
      %sub3A_1108 = vector.broadcast %sub3A_1107 : i32 to vector<16xi32>
      %sub3A_1109 = arith.subi %min3A_1106, %sub3A_1108 : vector<16xi32>
      %gather3A_1110 = tpu.vector_load_idx %arg7[%add3A_87, %sub3A_1109] : memref<32x516xf32, #tpu.memory_space<vmem>>[vector<16xi32>, vector<16xi32>], vector<16xf32>,
      %le3A_1111 = arith.cmpf ole, %gather3A_1110, %sub3A_913 : vector<16xf32>
      %and3A_1112 = arith.andi %le3A_1103, %le3A_1111 : vector<16xi1>
      %select_n3A_1113 = arith.select %and3A_1112, %add3A_1100, %select_n3A_1049 : vector<16xi1>, vector<16xi32>
      %add3A_1114 = arith.constant 64 : i32
      %add3A_1115 = vector.broadcast %add3A_1114 : i32 to vector<16xi32>
      %add3A_1116 = arith.addi %select_n3A_1065, %add3A_1115 : vector<16xi32>
      %le3A_1117 = arith.constant 516 : i32
      %le3A_1118 = vector.broadcast %le3A_1117 : i32 to vector<16xi32>
      %le3A_1119 = arith.cmpi sle, %add3A_1116, %le3A_1118 : vector<16xi32>
      %min3A_1120 = arith.constant 516 : i32
      %min3A_1121 = vector.broadcast %min3A_1120 : i32 to vector<16xi32>
      %min3A_1122 = arith.minsi %add3A_1116, %min3A_1121 : vector<16xi32>
      %sub3A_1123 = arith.constant 1 : i32
      %sub3A_1124 = vector.broadcast %sub3A_1123 : i32 to vector<16xi32>
      %sub3A_1125 = arith.subi %min3A_1122, %sub3A_1124 : vector<16xi32>
      %gather3A_1126 = tpu.vector_load_idx %arg7[%add3A_87, %sub3A_1125] : memref<32x516xf32, #tpu.memory_space<vmem>>[vector<16xi32>, vector<16xi32>], vector<16xf32>,
      %le3A_1127 = arith.cmpf ole, %gather3A_1126, %sub3A_898 : vector<16xf32>
      %and3A_1128 = arith.andi %le3A_1119, %le3A_1127 : vector<16xi1>
      %select_n3A_1129 = arith.select %and3A_1128, %add3A_1116, %select_n3A_1065 : vector<16xi1>, vector<16xi32>
      %add3A_1130 = arith.constant 64 : i32
      %add3A_1131 = vector.broadcast %add3A_1130 : i32 to vector<16xi32>
      %add3A_1132 = arith.addi %select_n3A_1081, %add3A_1131 : vector<16xi32>
      %le3A_1133 = arith.constant 516 : i32
      %le3A_1134 = vector.broadcast %le3A_1133 : i32 to vector<16xi32>
      %le3A_1135 = arith.cmpi sle, %add3A_1132, %le3A_1134 : vector<16xi32>
      %min3A_1136 = arith.constant 516 : i32
      %min3A_1137 = vector.broadcast %min3A_1136 : i32 to vector<16xi32>
      %min3A_1138 = arith.minsi %add3A_1132, %min3A_1137 : vector<16xi32>
      %sub3A_1139 = arith.constant 1 : i32
      %sub3A_1140 = vector.broadcast %sub3A_1139 : i32 to vector<16xi32>
      %sub3A_1141 = arith.subi %min3A_1138, %sub3A_1140 : vector<16xi32>
      %gather3A_1142 = tpu.vector_load_idx %arg7[%add3A_87, %sub3A_1141] : memref<32x516xf32, #tpu.memory_space<vmem>>[vector<16xi32>, vector<16xi32>], vector<16xf32>,
      %lt3A_1143 = arith.cmpf olt, %gather3A_1142, %add3A_907 : vector<16xf32>
      %and3A_1144 = arith.andi %le3A_1135, %lt3A_1143 : vector<16xi1>
      %select_n3A_1145 = arith.select %and3A_1144, %add3A_1132, %select_n3A_1081 : vector<16xi1>, vector<16xi32>
      %add3A_1146 = arith.constant 64 : i32
      %add3A_1147 = vector.broadcast %add3A_1146 : i32 to vector<16xi32>
      %add3A_1148 = arith.addi %select_n3A_1097, %add3A_1147 : vector<16xi32>
      %le3A_1149 = arith.constant 516 : i32
      %le3A_1150 = vector.broadcast %le3A_1149 : i32 to vector<16xi32>
      %le3A_1151 = arith.cmpi sle, %add3A_1148, %le3A_1150 : vector<16xi32>
      %min3A_1152 = arith.constant 516 : i32
      %min3A_1153 = vector.broadcast %min3A_1152 : i32 to vector<16xi32>
      %min3A_1154 = arith.minsi %add3A_1148, %min3A_1153 : vector<16xi32>
      %sub3A_1155 = arith.constant 1 : i32
      %sub3A_1156 = vector.broadcast %sub3A_1155 : i32 to vector<16xi32>
      %sub3A_1157 = arith.subi %min3A_1154, %sub3A_1156 : vector<16xi32>
      %gather3A_1158 = tpu.vector_load_idx %arg7[%add3A_87, %sub3A_1157] : memref<32x516xf32, #tpu.memory_space<vmem>>[vector<16xi32>, vector<16xi32>], vector<16xf32>,
      %lt3A_1159 = arith.cmpf olt, %gather3A_1158, %add3A_910 : vector<16xf32>
      %and3A_1160 = arith.andi %le3A_1151, %lt3A_1159 : vector<16xi1>
      %select_n3A_1161 = arith.select %and3A_1160, %add3A_1148, %select_n3A_1097 : vector<16xi1>, vector<16xi32>
      %add3A_1162 = arith.constant 64 : i32
      %add3A_1163 = vector.broadcast %add3A_1162 : i32 to vector<16xi32>
      %add3A_1164 = arith.addi %select_n3A_1113, %add3A_1163 : vector<16xi32>
      %le3A_1165 = arith.constant 516 : i32
      %le3A_1166 = vector.broadcast %le3A_1165 : i32 to vector<16xi32>
      %le3A_1167 = arith.cmpi sle, %add3A_1164, %le3A_1166 : vector<16xi32>
      %min3A_1168 = arith.constant 516 : i32
      %min3A_1169 = vector.broadcast %min3A_1168 : i32 to vector<16xi32>
      %min3A_1170 = arith.minsi %add3A_1164, %min3A_1169 : vector<16xi32>
      %sub3A_1171 = arith.constant 1 : i32
      %sub3A_1172 = vector.broadcast %sub3A_1171 : i32 to vector<16xi32>
      %sub3A_1173 = arith.subi %min3A_1170, %sub3A_1172 : vector<16xi32>
      %gather3A_1174 = tpu.vector_load_idx %arg7[%add3A_87, %sub3A_1173] : memref<32x516xf32, #tpu.memory_space<vmem>>[vector<16xi32>, vector<16xi32>], vector<16xf32>,
      %le3A_1175 = arith.cmpf ole, %gather3A_1174, %sub3A_913 : vector<16xf32>
      %and3A_1176 = arith.andi %le3A_1167, %le3A_1175 : vector<16xi1>
      %select_n3A_1177 = arith.select %and3A_1176, %add3A_1164, %select_n3A_1113 : vector<16xi1>, vector<16xi32>
      %add3A_1178 = arith.constant 32 : i32
      %add3A_1179 = vector.broadcast %add3A_1178 : i32 to vector<16xi32>
      %add3A_1180 = arith.addi %select_n3A_1129, %add3A_1179 : vector<16xi32>
      %le3A_1181 = arith.constant 516 : i32
      %le3A_1182 = vector.broadcast %le3A_1181 : i32 to vector<16xi32>
      %le3A_1183 = arith.cmpi sle, %add3A_1180, %le3A_1182 : vector<16xi32>
      %min3A_1184 = arith.constant 516 : i32
      %min3A_1185 = vector.broadcast %min3A_1184 : i32 to vector<16xi32>
      %min3A_1186 = arith.minsi %add3A_1180, %min3A_1185 : vector<16xi32>
      %sub3A_1187 = arith.constant 1 : i32
      %sub3A_1188 = vector.broadcast %sub3A_1187 : i32 to vector<16xi32>
      %sub3A_1189 = arith.subi %min3A_1186, %sub3A_1188 : vector<16xi32>
      %gather3A_1190 = tpu.vector_load_idx %arg7[%add3A_87, %sub3A_1189] : memref<32x516xf32, #tpu.memory_space<vmem>>[vector<16xi32>, vector<16xi32>], vector<16xf32>,
      %le3A_1191 = arith.cmpf ole, %gather3A_1190, %sub3A_898 : vector<16xf32>
      %and3A_1192 = arith.andi %le3A_1183, %le3A_1191 : vector<16xi1>
      %select_n3A_1193 = arith.select %and3A_1192, %add3A_1180, %select_n3A_1129 : vector<16xi1>, vector<16xi32>
      %add3A_1194 = arith.constant 32 : i32
      %add3A_1195 = vector.broadcast %add3A_1194 : i32 to vector<16xi32>
      %add3A_1196 = arith.addi %select_n3A_1145, %add3A_1195 : vector<16xi32>
      %le3A_1197 = arith.constant 516 : i32
      %le3A_1198 = vector.broadcast %le3A_1197 : i32 to vector<16xi32>
      %le3A_1199 = arith.cmpi sle, %add3A_1196, %le3A_1198 : vector<16xi32>
      %min3A_1200 = arith.constant 516 : i32
      %min3A_1201 = vector.broadcast %min3A_1200 : i32 to vector<16xi32>
      %min3A_1202 = arith.minsi %add3A_1196, %min3A_1201 : vector<16xi32>
      %sub3A_1203 = arith.constant 1 : i32
      %sub3A_1204 = vector.broadcast %sub3A_1203 : i32 to vector<16xi32>
      %sub3A_1205 = arith.subi %min3A_1202, %sub3A_1204 : vector<16xi32>
      %gather3A_1206 = tpu.vector_load_idx %arg7[%add3A_87, %sub3A_1205] : memref<32x516xf32, #tpu.memory_space<vmem>>[vector<16xi32>, vector<16xi32>], vector<16xf32>,
      %lt3A_1207 = arith.cmpf olt, %gather3A_1206, %add3A_907 : vector<16xf32>
      %and3A_1208 = arith.andi %le3A_1199, %lt3A_1207 : vector<16xi1>
      %select_n3A_1209 = arith.select %and3A_1208, %add3A_1196, %select_n3A_1145 : vector<16xi1>, vector<16xi32>
      %add3A_1210 = arith.constant 32 : i32
      %add3A_1211 = vector.broadcast %add3A_1210 : i32 to vector<16xi32>
      %add3A_1212 = arith.addi %select_n3A_1161, %add3A_1211 : vector<16xi32>
      %le3A_1213 = arith.constant 516 : i32
      %le3A_1214 = vector.broadcast %le3A_1213 : i32 to vector<16xi32>
      %le3A_1215 = arith.cmpi sle, %add3A_1212, %le3A_1214 : vector<16xi32>
      %min3A_1216 = arith.constant 516 : i32
      %min3A_1217 = vector.broadcast %min3A_1216 : i32 to vector<16xi32>
      %min3A_1218 = arith.minsi %add3A_1212, %min3A_1217 : vector<16xi32>
      %sub3A_1219 = arith.constant 1 : i32
      %sub3A_1220 = vector.broadcast %sub3A_1219 : i32 to vector<16xi32>
      %sub3A_1221 = arith.subi %min3A_1218, %sub3A_1220 : vector<16xi32>
      %gather3A_1222 = tpu.vector_load_idx %arg7[%add3A_87, %sub3A_1221] : memref<32x516xf32, #tpu.memory_space<vmem>>[vector<16xi32>, vector<16xi32>], vector<16xf32>,
      %lt3A_1223 = arith.cmpf olt, %gather3A_1222, %add3A_910 : vector<16xf32>
      %and3A_1224 = arith.andi %le3A_1215, %lt3A_1223 : vector<16xi1>
      %select_n3A_1225 = arith.select %and3A_1224, %add3A_1212, %select_n3A_1161 : vector<16xi1>, vector<16xi32>
      %add3A_1226 = arith.constant 32 : i32
      %add3A_1227 = vector.broadcast %add3A_1226 : i32 to vector<16xi32>
      %add3A_1228 = arith.addi %select_n3A_1177, %add3A_1227 : vector<16xi32>
      %le3A_1229 = arith.constant 516 : i32
      %le3A_1230 = vector.broadcast %le3A_1229 : i32 to vector<16xi32>
      %le3A_1231 = arith.cmpi sle, %add3A_1228, %le3A_1230 : vector<16xi32>
      %min3A_1232 = arith.constant 516 : i32
      %min3A_1233 = vector.broadcast %min3A_1232 : i32 to vector<16xi32>
      %min3A_1234 = arith.minsi %add3A_1228, %min3A_1233 : vector<16xi32>
      %sub3A_1235 = arith.constant 1 : i32
      %sub3A_1236 = vector.broadcast %sub3A_1235 : i32 to vector<16xi32>
      %sub3A_1237 = arith.subi %min3A_1234, %sub3A_1236 : vector<16xi32>
      %gather3A_1238 = tpu.vector_load_idx %arg7[%add3A_87, %sub3A_1237] : memref<32x516xf32, #tpu.memory_space<vmem>>[vector<16xi32>, vector<16xi32>], vector<16xf32>,
      %le3A_1239 = arith.cmpf ole, %gather3A_1238, %sub3A_913 : vector<16xf32>
      %and3A_1240 = arith.andi %le3A_1231, %le3A_1239 : vector<16xi1>
      %select_n3A_1241 = arith.select %and3A_1240, %add3A_1228, %select_n3A_1177 : vector<16xi1>, vector<16xi32>
      %add3A_1242 = arith.constant 16 : i32
      %add3A_1243 = vector.broadcast %add3A_1242 : i32 to vector<16xi32>
      %add3A_1244 = arith.addi %select_n3A_1193, %add3A_1243 : vector<16xi32>
      %le3A_1245 = arith.constant 516 : i32
      %le3A_1246 = vector.broadcast %le3A_1245 : i32 to vector<16xi32>
      %le3A_1247 = arith.cmpi sle, %add3A_1244, %le3A_1246 : vector<16xi32>
      %min3A_1248 = arith.constant 516 : i32
      %min3A_1249 = vector.broadcast %min3A_1248 : i32 to vector<16xi32>
      %min3A_1250 = arith.minsi %add3A_1244, %min3A_1249 : vector<16xi32>
      %sub3A_1251 = arith.constant 1 : i32
      %sub3A_1252 = vector.broadcast %sub3A_1251 : i32 to vector<16xi32>
      %sub3A_1253 = arith.subi %min3A_1250, %sub3A_1252 : vector<16xi32>
      %gather3A_1254 = tpu.vector_load_idx %arg7[%add3A_87, %sub3A_1253] : memref<32x516xf32, #tpu.memory_space<vmem>>[vector<16xi32>, vector<16xi32>], vector<16xf32>,
      %le3A_1255 = arith.cmpf ole, %gather3A_1254, %sub3A_898 : vector<16xf32>
      %and3A_1256 = arith.andi %le3A_1247, %le3A_1255 : vector<16xi1>
      %select_n3A_1257 = arith.select %and3A_1256, %add3A_1244, %select_n3A_1193 : vector<16xi1>, vector<16xi32>
      %add3A_1258 = arith.constant 16 : i32
      %add3A_1259 = vector.broadcast %add3A_1258 : i32 to vector<16xi32>
      %add3A_1260 = arith.addi %select_n3A_1209, %add3A_1259 : vector<16xi32>
      %le3A_1261 = arith.constant 516 : i32
      %le3A_1262 = vector.broadcast %le3A_1261 : i32 to vector<16xi32>
      %le3A_1263 = arith.cmpi sle, %add3A_1260, %le3A_1262 : vector<16xi32>
      %min3A_1264 = arith.constant 516 : i32
      %min3A_1265 = vector.broadcast %min3A_1264 : i32 to vector<16xi32>
      %min3A_1266 = arith.minsi %add3A_1260, %min3A_1265 : vector<16xi32>
      %sub3A_1267 = arith.constant 1 : i32
      %sub3A_1268 = vector.broadcast %sub3A_1267 : i32 to vector<16xi32>
      %sub3A_1269 = arith.subi %min3A_1266, %sub3A_1268 : vector<16xi32>
      %gather3A_1270 = tpu.vector_load_idx %arg7[%add3A_87, %sub3A_1269] : memref<32x516xf32, #tpu.memory_space<vmem>>[vector<16xi32>, vector<16xi32>], vector<16xf32>,
      %lt3A_1271 = arith.cmpf olt, %gather3A_1270, %add3A_907 : vector<16xf32>
      %and3A_1272 = arith.andi %le3A_1263, %lt3A_1271 : vector<16xi1>
      %select_n3A_1273 = arith.select %and3A_1272, %add3A_1260, %select_n3A_1209 : vector<16xi1>, vector<16xi32>
      %add3A_1274 = arith.constant 16 : i32
      %add3A_1275 = vector.broadcast %add3A_1274 : i32 to vector<16xi32>
      %add3A_1276 = arith.addi %select_n3A_1225, %add3A_1275 : vector<16xi32>
      %le3A_1277 = arith.constant 516 : i32
      %le3A_1278 = vector.broadcast %le3A_1277 : i32 to vector<16xi32>
      %le3A_1279 = arith.cmpi sle, %add3A_1276, %le3A_1278 : vector<16xi32>
      %min3A_1280 = arith.constant 516 : i32
      %min3A_1281 = vector.broadcast %min3A_1280 : i32 to vector<16xi32>
      %min3A_1282 = arith.minsi %add3A_1276, %min3A_1281 : vector<16xi32>
      %sub3A_1283 = arith.constant 1 : i32
      %sub3A_1284 = vector.broadcast %sub3A_1283 : i32 to vector<16xi32>
      %sub3A_1285 = arith.subi %min3A_1282, %sub3A_1284 : vector<16xi32>
      %gather3A_1286 = tpu.vector_load_idx %arg7[%add3A_87, %sub3A_1285] : memref<32x516xf32, #tpu.memory_space<vmem>>[vector<16xi32>, vector<16xi32>], vector<16xf32>,
      %lt3A_1287 = arith.cmpf olt, %gather3A_1286, %add3A_910 : vector<16xf32>
      %and3A_1288 = arith.andi %le3A_1279, %lt3A_1287 : vector<16xi1>
      %select_n3A_1289 = arith.select %and3A_1288, %add3A_1276, %select_n3A_1225 : vector<16xi1>, vector<16xi32>
      %add3A_1290 = arith.constant 16 : i32
      %add3A_1291 = vector.broadcast %add3A_1290 : i32 to vector<16xi32>
      %add3A_1292 = arith.addi %select_n3A_1241, %add3A_1291 : vector<16xi32>
      %le3A_1293 = arith.constant 516 : i32
      %le3A_1294 = vector.broadcast %le3A_1293 : i32 to vector<16xi32>
      %le3A_1295 = arith.cmpi sle, %add3A_1292, %le3A_1294 : vector<16xi32>
      %min3A_1296 = arith.constant 516 : i32
      %min3A_1297 = vector.broadcast %min3A_1296 : i32 to vector<16xi32>
      %min3A_1298 = arith.minsi %add3A_1292, %min3A_1297 : vector<16xi32>
      %sub3A_1299 = arith.constant 1 : i32
      %sub3A_1300 = vector.broadcast %sub3A_1299 : i32 to vector<16xi32>
      %sub3A_1301 = arith.subi %min3A_1298, %sub3A_1300 : vector<16xi32>
      %gather3A_1302 = tpu.vector_load_idx %arg7[%add3A_87, %sub3A_1301] : memref<32x516xf32, #tpu.memory_space<vmem>>[vector<16xi32>, vector<16xi32>], vector<16xf32>,
      %le3A_1303 = arith.cmpf ole, %gather3A_1302, %sub3A_913 : vector<16xf32>
      %and3A_1304 = arith.andi %le3A_1295, %le3A_1303 : vector<16xi1>
      %select_n3A_1305 = arith.select %and3A_1304, %add3A_1292, %select_n3A_1241 : vector<16xi1>, vector<16xi32>
      %add3A_1306 = arith.constant 8 : i32
      %add3A_1307 = vector.broadcast %add3A_1306 : i32 to vector<16xi32>
      %add3A_1308 = arith.addi %select_n3A_1257, %add3A_1307 : vector<16xi32>
      %le3A_1309 = arith.constant 516 : i32
      %le3A_1310 = vector.broadcast %le3A_1309 : i32 to vector<16xi32>
      %le3A_1311 = arith.cmpi sle, %add3A_1308, %le3A_1310 : vector<16xi32>
      %min3A_1312 = arith.constant 516 : i32
      %min3A_1313 = vector.broadcast %min3A_1312 : i32 to vector<16xi32>
      %min3A_1314 = arith.minsi %add3A_1308, %min3A_1313 : vector<16xi32>
      %sub3A_1315 = arith.constant 1 : i32
      %sub3A_1316 = vector.broadcast %sub3A_1315 : i32 to vector<16xi32>
      %sub3A_1317 = arith.subi %min3A_1314, %sub3A_1316 : vector<16xi32>
      %gather3A_1318 = tpu.vector_load_idx %arg7[%add3A_87, %sub3A_1317] : memref<32x516xf32, #tpu.memory_space<vmem>>[vector<16xi32>, vector<16xi32>], vector<16xf32>,
      %le3A_1319 = arith.cmpf ole, %gather3A_1318, %sub3A_898 : vector<16xf32>
      %and3A_1320 = arith.andi %le3A_1311, %le3A_1319 : vector<16xi1>
      %select_n3A_1321 = arith.select %and3A_1320, %add3A_1308, %select_n3A_1257 : vector<16xi1>, vector<16xi32>
      %add3A_1322 = arith.constant 8 : i32
      %add3A_1323 = vector.broadcast %add3A_1322 : i32 to vector<16xi32>
      %add3A_1324 = arith.addi %select_n3A_1273, %add3A_1323 : vector<16xi32>
      %le3A_1325 = arith.constant 516 : i32
      %le3A_1326 = vector.broadcast %le3A_1325 : i32 to vector<16xi32>
      %le3A_1327 = arith.cmpi sle, %add3A_1324, %le3A_1326 : vector<16xi32>
      %min3A_1328 = arith.constant 516 : i32
      %min3A_1329 = vector.broadcast %min3A_1328 : i32 to vector<16xi32>
      %min3A_1330 = arith.minsi %add3A_1324, %min3A_1329 : vector<16xi32>
      %sub3A_1331 = arith.constant 1 : i32
      %sub3A_1332 = vector.broadcast %sub3A_1331 : i32 to vector<16xi32>
      %sub3A_1333 = arith.subi %min3A_1330, %sub3A_1332 : vector<16xi32>
      %gather3A_1334 = tpu.vector_load_idx %arg7[%add3A_87, %sub3A_1333] : memref<32x516xf32, #tpu.memory_space<vmem>>[vector<16xi32>, vector<16xi32>], vector<16xf32>,
      %lt3A_1335 = arith.cmpf olt, %gather3A_1334, %add3A_907 : vector<16xf32>
      %and3A_1336 = arith.andi %le3A_1327, %lt3A_1335 : vector<16xi1>
      %select_n3A_1337 = arith.select %and3A_1336, %add3A_1324, %select_n3A_1273 : vector<16xi1>, vector<16xi32>
      %add3A_1338 = arith.constant 8 : i32
      %add3A_1339 = vector.broadcast %add3A_1338 : i32 to vector<16xi32>
      %add3A_1340 = arith.addi %select_n3A_1289, %add3A_1339 : vector<16xi32>
      %le3A_1341 = arith.constant 516 : i32
      %le3A_1342 = vector.broadcast %le3A_1341 : i32 to vector<16xi32>
      %le3A_1343 = arith.cmpi sle, %add3A_1340, %le3A_1342 : vector<16xi32>
      %min3A_1344 = arith.constant 516 : i32
      %min3A_1345 = vector.broadcast %min3A_1344 : i32 to vector<16xi32>
      %min3A_1346 = arith.minsi %add3A_1340, %min3A_1345 : vector<16xi32>
      %sub3A_1347 = arith.constant 1 : i32
      %sub3A_1348 = vector.broadcast %sub3A_1347 : i32 to vector<16xi32>
      %sub3A_1349 = arith.subi %min3A_1346, %sub3A_1348 : vector<16xi32>
      %gather3A_1350 = tpu.vector_load_idx %arg7[%add3A_87, %sub3A_1349] : memref<32x516xf32, #tpu.memory_space<vmem>>[vector<16xi32>, vector<16xi32>], vector<16xf32>,
      %lt3A_1351 = arith.cmpf olt, %gather3A_1350, %add3A_910 : vector<16xf32>
      %and3A_1352 = arith.andi %le3A_1343, %lt3A_1351 : vector<16xi1>
      %select_n3A_1353 = arith.select %and3A_1352, %add3A_1340, %select_n3A_1289 : vector<16xi1>, vector<16xi32>
      %add3A_1354 = arith.constant 8 : i32
      %add3A_1355 = vector.broadcast %add3A_1354 : i32 to vector<16xi32>
      %add3A_1356 = arith.addi %select_n3A_1305, %add3A_1355 : vector<16xi32>
      %le3A_1357 = arith.constant 516 : i32
      %le3A_1358 = vector.broadcast %le3A_1357 : i32 to vector<16xi32>
      %le3A_1359 = arith.cmpi sle, %add3A_1356, %le3A_1358 : vector<16xi32>
      %min3A_1360 = arith.constant 516 : i32
      %min3A_1361 = vector.broadcast %min3A_1360 : i32 to vector<16xi32>
      %min3A_1362 = arith.minsi %add3A_1356, %min3A_1361 : vector<16xi32>
      %sub3A_1363 = arith.constant 1 : i32
      %sub3A_1364 = vector.broadcast %sub3A_1363 : i32 to vector<16xi32>
      %sub3A_1365 = arith.subi %min3A_1362, %sub3A_1364 : vector<16xi32>
      %gather3A_1366 = tpu.vector_load_idx %arg7[%add3A_87, %sub3A_1365] : memref<32x516xf32, #tpu.memory_space<vmem>>[vector<16xi32>, vector<16xi32>], vector<16xf32>,
      %le3A_1367 = arith.cmpf ole, %gather3A_1366, %sub3A_913 : vector<16xf32>
      %and3A_1368 = arith.andi %le3A_1359, %le3A_1367 : vector<16xi1>
      %select_n3A_1369 = arith.select %and3A_1368, %add3A_1356, %select_n3A_1305 : vector<16xi1>, vector<16xi32>
      %add3A_1370 = arith.constant 4 : i32
      %add3A_1371 = vector.broadcast %add3A_1370 : i32 to vector<16xi32>
      %add3A_1372 = arith.addi %select_n3A_1321, %add3A_1371 : vector<16xi32>
      %le3A_1373 = arith.constant 516 : i32
      %le3A_1374 = vector.broadcast %le3A_1373 : i32 to vector<16xi32>
      %le3A_1375 = arith.cmpi sle, %add3A_1372, %le3A_1374 : vector<16xi32>
      %min3A_1376 = arith.constant 516 : i32
      %min3A_1377 = vector.broadcast %min3A_1376 : i32 to vector<16xi32>
      %min3A_1378 = arith.minsi %add3A_1372, %min3A_1377 : vector<16xi32>
      %sub3A_1379 = arith.constant 1 : i32
      %sub3A_1380 = vector.broadcast %sub3A_1379 : i32 to vector<16xi32>
      %sub3A_1381 = arith.subi %min3A_1378, %sub3A_1380 : vector<16xi32>
      %gather3A_1382 = tpu.vector_load_idx %arg7[%add3A_87, %sub3A_1381] : memref<32x516xf32, #tpu.memory_space<vmem>>[vector<16xi32>, vector<16xi32>], vector<16xf32>,
      %le3A_1383 = arith.cmpf ole, %gather3A_1382, %sub3A_898 : vector<16xf32>
      %and3A_1384 = arith.andi %le3A_1375, %le3A_1383 : vector<16xi1>
      %select_n3A_1385 = arith.select %and3A_1384, %add3A_1372, %select_n3A_1321 : vector<16xi1>, vector<16xi32>
      %add3A_1386 = arith.constant 4 : i32
      %add3A_1387 = vector.broadcast %add3A_1386 : i32 to vector<16xi32>
      %add3A_1388 = arith.addi %select_n3A_1337, %add3A_1387 : vector<16xi32>
      %le3A_1389 = arith.constant 516 : i32
      %le3A_1390 = vector.broadcast %le3A_1389 : i32 to vector<16xi32>
      %le3A_1391 = arith.cmpi sle, %add3A_1388, %le3A_1390 : vector<16xi32>
      %min3A_1392 = arith.constant 516 : i32
      %min3A_1393 = vector.broadcast %min3A_1392 : i32 to vector<16xi32>
      %min3A_1394 = arith.minsi %add3A_1388, %min3A_1393 : vector<16xi32>
      %sub3A_1395 = arith.constant 1 : i32
      %sub3A_1396 = vector.broadcast %sub3A_1395 : i32 to vector<16xi32>
      %sub3A_1397 = arith.subi %min3A_1394, %sub3A_1396 : vector<16xi32>
      %gather3A_1398 = tpu.vector_load_idx %arg7[%add3A_87, %sub3A_1397] : memref<32x516xf32, #tpu.memory_space<vmem>>[vector<16xi32>, vector<16xi32>], vector<16xf32>,
      %lt3A_1399 = arith.cmpf olt, %gather3A_1398, %add3A_907 : vector<16xf32>
      %and3A_1400 = arith.andi %le3A_1391, %lt3A_1399 : vector<16xi1>
      %select_n3A_1401 = arith.select %and3A_1400, %add3A_1388, %select_n3A_1337 : vector<16xi1>, vector<16xi32>
      %add3A_1402 = arith.constant 4 : i32
      %add3A_1403 = vector.broadcast %add3A_1402 : i32 to vector<16xi32>
      %add3A_1404 = arith.addi %select_n3A_1353, %add3A_1403 : vector<16xi32>
      %le3A_1405 = arith.constant 516 : i32
      %le3A_1406 = vector.broadcast %le3A_1405 : i32 to vector<16xi32>
      %le3A_1407 = arith.cmpi sle, %add3A_1404, %le3A_1406 : vector<16xi32>
      %min3A_1408 = arith.constant 516 : i32
      %min3A_1409 = vector.broadcast %min3A_1408 : i32 to vector<16xi32>
      %min3A_1410 = arith.minsi %add3A_1404, %min3A_1409 : vector<16xi32>
      %sub3A_1411 = arith.constant 1 : i32
      %sub3A_1412 = vector.broadcast %sub3A_1411 : i32 to vector<16xi32>
      %sub3A_1413 = arith.subi %min3A_1410, %sub3A_1412 : vector<16xi32>
      %gather3A_1414 = tpu.vector_load_idx %arg7[%add3A_87, %sub3A_1413] : memref<32x516xf32, #tpu.memory_space<vmem>>[vector<16xi32>, vector<16xi32>], vector<16xf32>,
      %lt3A_1415 = arith.cmpf olt, %gather3A_1414, %add3A_910 : vector<16xf32>
      %and3A_1416 = arith.andi %le3A_1407, %lt3A_1415 : vector<16xi1>
      %select_n3A_1417 = arith.select %and3A_1416, %add3A_1404, %select_n3A_1353 : vector<16xi1>, vector<16xi32>
      %add3A_1418 = arith.constant 4 : i32
      %add3A_1419 = vector.broadcast %add3A_1418 : i32 to vector<16xi32>
      %add3A_1420 = arith.addi %select_n3A_1369, %add3A_1419 : vector<16xi32>
      %le3A_1421 = arith.constant 516 : i32
      %le3A_1422 = vector.broadcast %le3A_1421 : i32 to vector<16xi32>
      %le3A_1423 = arith.cmpi sle, %add3A_1420, %le3A_1422 : vector<16xi32>
      %min3A_1424 = arith.constant 516 : i32
      %min3A_1425 = vector.broadcast %min3A_1424 : i32 to vector<16xi32>
      %min3A_1426 = arith.minsi %add3A_1420, %min3A_1425 : vector<16xi32>
      %sub3A_1427 = arith.constant 1 : i32
      %sub3A_1428 = vector.broadcast %sub3A_1427 : i32 to vector<16xi32>
      %sub3A_1429 = arith.subi %min3A_1426, %sub3A_1428 : vector<16xi32>
      %gather3A_1430 = tpu.vector_load_idx %arg7[%add3A_87, %sub3A_1429] : memref<32x516xf32, #tpu.memory_space<vmem>>[vector<16xi32>, vector<16xi32>], vector<16xf32>,
      %le3A_1431 = arith.cmpf ole, %gather3A_1430, %sub3A_913 : vector<16xf32>
      %and3A_1432 = arith.andi %le3A_1423, %le3A_1431 : vector<16xi1>
      %select_n3A_1433 = arith.select %and3A_1432, %add3A_1420, %select_n3A_1369 : vector<16xi1>, vector<16xi32>
      %add3A_1434 = arith.constant 2 : i32
      %add3A_1435 = vector.broadcast %add3A_1434 : i32 to vector<16xi32>
      %add3A_1436 = arith.addi %select_n3A_1385, %add3A_1435 : vector<16xi32>
      %le3A_1437 = arith.constant 516 : i32
      %le3A_1438 = vector.broadcast %le3A_1437 : i32 to vector<16xi32>
      %le3A_1439 = arith.cmpi sle, %add3A_1436, %le3A_1438 : vector<16xi32>
      %min3A_1440 = arith.constant 516 : i32
      %min3A_1441 = vector.broadcast %min3A_1440 : i32 to vector<16xi32>
      %min3A_1442 = arith.minsi %add3A_1436, %min3A_1441 : vector<16xi32>
      %sub3A_1443 = arith.constant 1 : i32
      %sub3A_1444 = vector.broadcast %sub3A_1443 : i32 to vector<16xi32>
      %sub3A_1445 = arith.subi %min3A_1442, %sub3A_1444 : vector<16xi32>
      %gather3A_1446 = tpu.vector_load_idx %arg7[%add3A_87, %sub3A_1445] : memref<32x516xf32, #tpu.memory_space<vmem>>[vector<16xi32>, vector<16xi32>], vector<16xf32>,
      %le3A_1447 = arith.cmpf ole, %gather3A_1446, %sub3A_898 : vector<16xf32>
      %and3A_1448 = arith.andi %le3A_1439, %le3A_1447 : vector<16xi1>
      %select_n3A_1449 = arith.select %and3A_1448, %add3A_1436, %select_n3A_1385 : vector<16xi1>, vector<16xi32>
      %add3A_1450 = arith.constant 2 : i32
      %add3A_1451 = vector.broadcast %add3A_1450 : i32 to vector<16xi32>
      %add3A_1452 = arith.addi %select_n3A_1401, %add3A_1451 : vector<16xi32>
      %le3A_1453 = arith.constant 516 : i32
      %le3A_1454 = vector.broadcast %le3A_1453 : i32 to vector<16xi32>
      %le3A_1455 = arith.cmpi sle, %add3A_1452, %le3A_1454 : vector<16xi32>
      %min3A_1456 = arith.constant 516 : i32
      %min3A_1457 = vector.broadcast %min3A_1456 : i32 to vector<16xi32>
      %min3A_1458 = arith.minsi %add3A_1452, %min3A_1457 : vector<16xi32>
      %sub3A_1459 = arith.constant 1 : i32
      %sub3A_1460 = vector.broadcast %sub3A_1459 : i32 to vector<16xi32>
      %sub3A_1461 = arith.subi %min3A_1458, %sub3A_1460 : vector<16xi32>
      %gather3A_1462 = tpu.vector_load_idx %arg7[%add3A_87, %sub3A_1461] : memref<32x516xf32, #tpu.memory_space<vmem>>[vector<16xi32>, vector<16xi32>], vector<16xf32>,
      %lt3A_1463 = arith.cmpf olt, %gather3A_1462, %add3A_907 : vector<16xf32>
      %and3A_1464 = arith.andi %le3A_1455, %lt3A_1463 : vector<16xi1>
      %select_n3A_1465 = arith.select %and3A_1464, %add3A_1452, %select_n3A_1401 : vector<16xi1>, vector<16xi32>
      %add3A_1466 = arith.constant 2 : i32
      %add3A_1467 = vector.broadcast %add3A_1466 : i32 to vector<16xi32>
      %add3A_1468 = arith.addi %select_n3A_1417, %add3A_1467 : vector<16xi32>
      %le3A_1469 = arith.constant 516 : i32
      %le3A_1470 = vector.broadcast %le3A_1469 : i32 to vector<16xi32>
      %le3A_1471 = arith.cmpi sle, %add3A_1468, %le3A_1470 : vector<16xi32>
      %min3A_1472 = arith.constant 516 : i32
      %min3A_1473 = vector.broadcast %min3A_1472 : i32 to vector<16xi32>
      %min3A_1474 = arith.minsi %add3A_1468, %min3A_1473 : vector<16xi32>
      %sub3A_1475 = arith.constant 1 : i32
      %sub3A_1476 = vector.broadcast %sub3A_1475 : i32 to vector<16xi32>
      %sub3A_1477 = arith.subi %min3A_1474, %sub3A_1476 : vector<16xi32>
      %gather3A_1478 = tpu.vector_load_idx %arg7[%add3A_87, %sub3A_1477] : memref<32x516xf32, #tpu.memory_space<vmem>>[vector<16xi32>, vector<16xi32>], vector<16xf32>,
      %lt3A_1479 = arith.cmpf olt, %gather3A_1478, %add3A_910 : vector<16xf32>
      %and3A_1480 = arith.andi %le3A_1471, %lt3A_1479 : vector<16xi1>
      %select_n3A_1481 = arith.select %and3A_1480, %add3A_1468, %select_n3A_1417 : vector<16xi1>, vector<16xi32>
      %add3A_1482 = arith.constant 2 : i32
      %add3A_1483 = vector.broadcast %add3A_1482 : i32 to vector<16xi32>
      %add3A_1484 = arith.addi %select_n3A_1433, %add3A_1483 : vector<16xi32>
      %le3A_1485 = arith.constant 516 : i32
      %le3A_1486 = vector.broadcast %le3A_1485 : i32 to vector<16xi32>
      %le3A_1487 = arith.cmpi sle, %add3A_1484, %le3A_1486 : vector<16xi32>
      %min3A_1488 = arith.constant 516 : i32
      %min3A_1489 = vector.broadcast %min3A_1488 : i32 to vector<16xi32>
      %min3A_1490 = arith.minsi %add3A_1484, %min3A_1489 : vector<16xi32>
      %sub3A_1491 = arith.constant 1 : i32
      %sub3A_1492 = vector.broadcast %sub3A_1491 : i32 to vector<16xi32>
      %sub3A_1493 = arith.subi %min3A_1490, %sub3A_1492 : vector<16xi32>
      %gather3A_1494 = tpu.vector_load_idx %arg7[%add3A_87, %sub3A_1493] : memref<32x516xf32, #tpu.memory_space<vmem>>[vector<16xi32>, vector<16xi32>], vector<16xf32>,
      %le3A_1495 = arith.cmpf ole, %gather3A_1494, %sub3A_913 : vector<16xf32>
      %and3A_1496 = arith.andi %le3A_1487, %le3A_1495 : vector<16xi1>
      %select_n3A_1497 = arith.select %and3A_1496, %add3A_1484, %select_n3A_1433 : vector<16xi1>, vector<16xi32>
      %add3A_1498 = arith.constant 1 : i32
      %add3A_1499 = vector.broadcast %add3A_1498 : i32 to vector<16xi32>
      %add3A_1500 = arith.addi %select_n3A_1449, %add3A_1499 : vector<16xi32>
      %le3A_1501 = arith.constant 516 : i32
      %le3A_1502 = vector.broadcast %le3A_1501 : i32 to vector<16xi32>
      %le3A_1503 = arith.cmpi sle, %add3A_1500, %le3A_1502 : vector<16xi32>
      %min3A_1504 = arith.constant 516 : i32
      %min3A_1505 = vector.broadcast %min3A_1504 : i32 to vector<16xi32>
      %min3A_1506 = arith.minsi %add3A_1500, %min3A_1505 : vector<16xi32>
      %sub3A_1507 = arith.constant 1 : i32
      %sub3A_1508 = vector.broadcast %sub3A_1507 : i32 to vector<16xi32>
      %sub3A_1509 = arith.subi %min3A_1506, %sub3A_1508 : vector<16xi32>
      %gather3A_1510 = tpu.vector_load_idx %arg7[%add3A_87, %sub3A_1509] : memref<32x516xf32, #tpu.memory_space<vmem>>[vector<16xi32>, vector<16xi32>], vector<16xf32>,
      %le3A_1511 = arith.cmpf ole, %gather3A_1510, %sub3A_898 : vector<16xf32>
      %and3A_1512 = arith.andi %le3A_1503, %le3A_1511 : vector<16xi1>
      %select_n3A_1513 = arith.select %and3A_1512, %add3A_1500, %select_n3A_1449 : vector<16xi1>, vector<16xi32>
      %add3A_1514 = arith.constant 1 : i32
      %add3A_1515 = vector.broadcast %add3A_1514 : i32 to vector<16xi32>
      %add3A_1516 = arith.addi %select_n3A_1465, %add3A_1515 : vector<16xi32>
      %le3A_1517 = arith.constant 516 : i32
      %le3A_1518 = vector.broadcast %le3A_1517 : i32 to vector<16xi32>
      %le3A_1519 = arith.cmpi sle, %add3A_1516, %le3A_1518 : vector<16xi32>
      %min3A_1520 = arith.constant 516 : i32
      %min3A_1521 = vector.broadcast %min3A_1520 : i32 to vector<16xi32>
      %min3A_1522 = arith.minsi %add3A_1516, %min3A_1521 : vector<16xi32>
      %sub3A_1523 = arith.constant 1 : i32
      %sub3A_1524 = vector.broadcast %sub3A_1523 : i32 to vector<16xi32>
      %sub3A_1525 = arith.subi %min3A_1522, %sub3A_1524 : vector<16xi32>
      %gather3A_1526 = tpu.vector_load_idx %arg7[%add3A_87, %sub3A_1525] : memref<32x516xf32, #tpu.memory_space<vmem>>[vector<16xi32>, vector<16xi32>], vector<16xf32>,
      %lt3A_1527 = arith.cmpf olt, %gather3A_1526, %add3A_907 : vector<16xf32>
      %and3A_1528 = arith.andi %le3A_1519, %lt3A_1527 : vector<16xi1>
      %select_n3A_1529 = arith.select %and3A_1528, %add3A_1516, %select_n3A_1465 : vector<16xi1>, vector<16xi32>
      %add3A_1530 = arith.constant 1 : i32
      %add3A_1531 = vector.broadcast %add3A_1530 : i32 to vector<16xi32>
      %add3A_1532 = arith.addi %select_n3A_1481, %add3A_1531 : vector<16xi32>
      %le3A_1533 = arith.constant 516 : i32
      %le3A_1534 = vector.broadcast %le3A_1533 : i32 to vector<16xi32>
      %le3A_1535 = arith.cmpi sle, %add3A_1532, %le3A_1534 : vector<16xi32>
      %min3A_1536 = arith.constant 516 : i32
      %min3A_1537 = vector.broadcast %min3A_1536 : i32 to vector<16xi32>
      %min3A_1538 = arith.minsi %add3A_1532, %min3A_1537 : vector<16xi32>
      %sub3A_1539 = arith.constant 1 : i32
      %sub3A_1540 = vector.broadcast %sub3A_1539 : i32 to vector<16xi32>
      %sub3A_1541 = arith.subi %min3A_1538, %sub3A_1540 : vector<16xi32>
      %gather3A_1542 = tpu.vector_load_idx %arg7[%add3A_87, %sub3A_1541] : memref<32x516xf32, #tpu.memory_space<vmem>>[vector<16xi32>, vector<16xi32>], vector<16xf32>,
      %lt3A_1543 = arith.cmpf olt, %gather3A_1542, %add3A_910 : vector<16xf32>
      %and3A_1544 = arith.andi %le3A_1535, %lt3A_1543 : vector<16xi1>
      %select_n3A_1545 = arith.select %and3A_1544, %add3A_1532, %select_n3A_1481 : vector<16xi1>, vector<16xi32>
      %add3A_1546 = arith.constant 1 : i32
      %add3A_1547 = vector.broadcast %add3A_1546 : i32 to vector<16xi32>
      %add3A_1548 = arith.addi %select_n3A_1497, %add3A_1547 : vector<16xi32>
      %le3A_1549 = arith.constant 516 : i32
      %le3A_1550 = vector.broadcast %le3A_1549 : i32 to vector<16xi32>
      %le3A_1551 = arith.cmpi sle, %add3A_1548, %le3A_1550 : vector<16xi32>
      %min3A_1552 = arith.constant 516 : i32
      %min3A_1553 = vector.broadcast %min3A_1552 : i32 to vector<16xi32>
      %min3A_1554 = arith.minsi %add3A_1548, %min3A_1553 : vector<16xi32>
      %sub3A_1555 = arith.constant 1 : i32
      %sub3A_1556 = vector.broadcast %sub3A_1555 : i32 to vector<16xi32>
      %sub3A_1557 = arith.subi %min3A_1554, %sub3A_1556 : vector<16xi32>
      %gather3A_1558 = tpu.vector_load_idx %arg7[%add3A_87, %sub3A_1557] : memref<32x516xf32, #tpu.memory_space<vmem>>[vector<16xi32>, vector<16xi32>], vector<16xf32>,
      %le3A_1559 = arith.cmpf ole, %gather3A_1558, %sub3A_913 : vector<16xf32>
      %and3A_1560 = arith.andi %le3A_1551, %le3A_1559 : vector<16xi1>
      %select_n3A_1561 = arith.select %and3A_1560, %add3A_1548, %select_n3A_1497 : vector<16xi1>, vector<16xi32>
      %sub3A_1562 = arith.constant 1 : i32
      %sub3A_1563 = vector.broadcast %sub3A_1562 : i32 to vector<16xi32>
      %sub3A_1564 = arith.subi %select_n3A_1513, %sub3A_1563 : vector<16xi32>
      %max3A_1565 = arith.constant 0 : i32
      %max3A_1566 = vector.broadcast %max3A_1565 : i32 to vector<16xi32>
      %max3A_1567 = arith.maxsi %sub3A_1564, %max3A_1566 : vector<16xi32>
      %reduce_min3A_1568 = arith.constant true
      %reduce_min3A_1569 = vector.broadcast %reduce_min3A_1568 : i1 to vector<16xi1>
      %reduce_min3A_1570 = arith.constant -2147483648 : i32
      %reduce_min3A_1571 = vector.broadcast %reduce_min3A_1570 : i32 to vector<16xi32>
      %reduce_min3A_1572 = arith.xori %max3A_1567, %reduce_min3A_1571 : vector<16xi32>
      %reduce_min3A_1573 = tpu.scan <min>, %reduce_min3A_1572 masked %reduce_min3A_1569 : vector<16xi32>, vector<16xi1> -> vector<16xi32>
      %reduce_min3A_1574 = arith.xori %reduce_min3A_1573, %reduce_min3A_1571 : vector<16xi32>
      %reduce_min3A_1575 = vector.extract %reduce_min3A_1574[15] : i32 from vector<16xi32>
      %min3A_1576 = arith.constant 515 : i32
      %min3A_1577 = vector.broadcast %min3A_1576 : i32 to vector<16xi32>
      %min3A_1578 = arith.minsi %select_n3A_1529, %min3A_1577 : vector<16xi32>
      %reduce_max3A_1579 = arith.constant true
      %reduce_max3A_1580 = vector.broadcast %reduce_max3A_1579 : i1 to vector<16xi1>
      %reduce_max3A_1581 = arith.constant -2147483648 : i32
      %reduce_max3A_1582 = vector.broadcast %reduce_max3A_1581 : i32 to vector<16xi32>
      %reduce_max3A_1583 = arith.xori %min3A_1578, %reduce_max3A_1582 : vector<16xi32>
      %reduce_max3A_1584 = tpu.scan <max>, %reduce_max3A_1583 masked %reduce_max3A_1580 : vector<16xi32>, vector<16xi1> -> vector<16xi32>
      %reduce_max3A_1585 = arith.xori %reduce_max3A_1584, %reduce_max3A_1582 : vector<16xi32>
      %reduce_max3A_1586 = vector.extract %reduce_max3A_1585[15] : i32 from vector<16xi32>
      %reduce_max3A_1587 = arith.constant true
      %reduce_max3A_1588 = vector.broadcast %reduce_max3A_1587 : i1 to vector<16xi1>
      %reduce_max3A_1589 = arith.constant -2147483648 : i32
      %reduce_max3A_1590 = vector.broadcast %reduce_max3A_1589 : i32 to vector<16xi32>
      %reduce_max3A_1591 = arith.xori %select_n3A_1545, %reduce_max3A_1590 : vector<16xi32>
      %reduce_max3A_1592 = tpu.scan <max>, %reduce_max3A_1591 masked %reduce_max3A_1588 : vector<16xi32>, vector<16xi1> -> vector<16xi32>
      %reduce_max3A_1593 = arith.xori %reduce_max3A_1592, %reduce_max3A_1590 : vector<16xi32>
      %reduce_max3A_1594 = vector.extract %reduce_max3A_1593[15] : i32 from vector<16xi32>
      %reduce_min3A_1595 = arith.constant true
      %reduce_min3A_1596 = vector.broadcast %reduce_min3A_1595 : i1 to vector<16xi1>
      %reduce_min3A_1597 = arith.constant -2147483648 : i32
      %reduce_min3A_1598 = vector.broadcast %reduce_min3A_1597 : i32 to vector<16xi32>
      %reduce_min3A_1599 = arith.xori %select_n3A_1561, %reduce_min3A_1598 : vector<16xi32>
      %reduce_min3A_1600 = tpu.scan <min>, %reduce_min3A_1599 masked %reduce_min3A_1596 : vector<16xi32>, vector<16xi1> -> vector<16xi32>
      %reduce_min3A_1601 = arith.xori %reduce_min3A_1600, %reduce_min3A_1598 : vector<16xi32>
      %reduce_min3A_1602 = vector.extract %reduce_min3A_1601[15] : i32 from vector<16xi32>
      %sub3A_1603 = arith.constant 1 : i32
      %sub3A_1604 = arith.subi %reduce_min3A_1602, %sub3A_1603 : i32
      %min3A_1605 = arith.minsi %reduce_min3A_814, %reduce_min3A_1575 : i32
      %max3A_1606 = arith.maxsi %reduce_max3A_824, %reduce_max3A_1586 : i32
      %max3A_1607 = arith.maxsi %reduce_max3A_832, %reduce_max3A_1594 : i32
      %min3A_1608 = arith.minsi %sub3A_842, %sub3A_1604 : i32
      %max3A_1609 = arith.maxsi %max3A_1606, %min3A_1605 : i32
      %max3A_1610 = arith.maxsi %min3A_1605, %max3A_1607 : i32
      %min3A_1611 = arith.minsi %max3A_1609, %max3A_1610 : i32
      %max3A_1612 = arith.maxsi %min3A_1611, %min3A_1608 : i32
      %min3A_1613 = arith.minsi %max3A_1609, %max3A_1612 : i32
      %broadcast_in_dim3A_1614 = vector.broadcast %min3A_1605 : i32 to vector<16xi32>
      %gather3A_1615 = tpu.vector_load_idx %arg7[%add3A_84, %broadcast_in_dim3A_1614] : memref<32x516xf32, #tpu.memory_space<vmem>>[vector<16xi32>, vector<16xi32>], vector<16xf32>,
      %gather3A_1616 = tpu.vector_load_idx %arg7[%add3A_87, %broadcast_in_dim3A_1614] : memref<32x516xf32, #tpu.memory_space<vmem>>[vector<16xi32>, vector<16xi32>], vector<16xf32>,
      %while3A = arith.subi %min3A_1611, %min3A_1605 : i32
      %while3A_1617 = arith.addi %min3A_1605, %while3A : i32
      %while3A_1618 = arith.constant 1 : i32
      %while3A_1619 = arith.divsi %while3A, %while3A_1618 : i32
      %while3A_1620 = arith.muli %while3A_1619, %while3A_1618 : i32
      %while3A_1621 = arith.addi %min3A_1605, %while3A_1620 : i32
      %while3A_1622 = arith.constant 1 : i32
      %while3A_1623:4 = scf.for %while3A_3260 = %min3A_1605 to %while3A_1621 step %while3A_1622 iter_args(%while3A_3261 = %gather3A_1615, %while3A_3262 = %gather3A_1616, %while3A_3263 = %broadcast_in_dim3A_37, %while3A_3264 = %broadcast_in_dim3A_37) -> (vector<16xf32>, vector<16xf32>, vector<16xf32>, vector<16xf32>)  : i32 {
        %add3A_3265 = arith.constant 1 : i32
        %add3A_3266 = arith.addi %while3A_3260, %add3A_3265 : i32
        %broadcast_in_dim3A_3267 = vector.broadcast %add3A_3266 : i32 to vector<16xi32>
        %gather3A_3268 = tpu.vector_load_idx %arg7[%add3A_84, %broadcast_in_dim3A_3267] : memref<32x516xf32, #tpu.memory_space<vmem>>[vector<16xi32>, vector<16xi32>], vector<16xf32>,
        %add3A_3269 = arith.addf %while3A_3261, %gather3A_3268 : vector<16xf32>
        %mul3A_3270 = arith.constant 5.000000e-01 : f32
        %mul3A_3271 = vector.broadcast %mul3A_3270 : f32 to vector<16xf32>
        %mul3A_3272 = arith.mulf %mul3A_3271, %add3A_3269 : vector<16xf32>
        %mul3A_3273 = arith.mulf %mul3A_3272, %gather3A_95 : vector<16xf32>
        %add3A_3274 = arith.addf %gather3A, %mul3A_3273 : vector<16xf32>
        %mul3A_3275 = arith.mulf %mul3A_3272, %gather3A_99 : vector<16xf32>
        %add3A_3276 = arith.addf %gather3A_91, %mul3A_3275 : vector<16xf32>
        %sub3A_3277 = arith.subf %gather3A_3268, %while3A_3261 : vector<16xf32>
        %mul3A_3278 = arith.mulf %sub3A_3277, %gather3A_103 : vector<16xf32>
        %ge3A = arith.constant 0.000000e+00 : f32
        %ge3A_3279 = vector.broadcast %ge3A : f32 to vector<16xf32>
        %ge3A_3280 = arith.cmpf oge, %add3A_3274, %ge3A_3279 : vector<16xf32>
        %lt3A_3281 = arith.constant 2.560000e+02 : f32
        %lt3A_3282 = vector.broadcast %lt3A_3281 : f32 to vector<16xf32>
        %lt3A_3283 = arith.cmpf olt, %add3A_3274, %lt3A_3282 : vector<16xf32>
        %and3A_3284 = arith.andi %ge3A_3280, %lt3A_3283 : vector<16xi1>
        %ge3A_3285 = arith.constant 0.000000e+00 : f32
        %ge3A_3286 = vector.broadcast %ge3A_3285 : f32 to vector<16xf32>
        %ge3A_3287 = arith.cmpf oge, %add3A_3276, %ge3A_3286 : vector<16xf32>
        %and3A_3288 = arith.andi %and3A_3284, %ge3A_3287 : vector<16xi1>
        %lt3A_3289 = arith.constant 2.560000e+02 : f32
        %lt3A_3290 = vector.broadcast %lt3A_3289 : f32 to vector<16xf32>
        %lt3A_3291 = arith.cmpf olt, %add3A_3276, %lt3A_3290 : vector<16xf32>
        %and3A_3292 = arith.andi %and3A_3288, %lt3A_3291 : vector<16xi1>
        %jit3A_3293 = arith.constant 0.000000e+00 : f32
        %jit3A_3294 = arith.constant 2.550000e+02 : f32
        %max3A_3295 = vector.broadcast %jit3A_3293 : f32 to vector<16xf32>
        %max3A_3296 = arith.maximumf %max3A_3295, %add3A_3274 : vector<16xf32>
        %min3A_3297 = vector.broadcast %jit3A_3294 : f32 to vector<16xf32>
        %min3A_3298 = arith.minimumf %min3A_3297, %max3A_3296 : vector<16xf32>
        %convert_element_type3A_3299 = arith.fptosi %min3A_3298 : vector<16xf32> to vector<16xi32>
        %jit3A_3300 = arith.constant 0.000000e+00 : f32
        %jit3A_3301 = arith.constant 2.550000e+02 : f32
        %max3A_3302 = vector.broadcast %jit3A_3300 : f32 to vector<16xf32>
        %max3A_3303 = arith.maximumf %max3A_3302, %add3A_3276 : vector<16xf32>
        %min3A_3304 = vector.broadcast %jit3A_3301 : f32 to vector<16xf32>
        %min3A_3305 = arith.minimumf %min3A_3304, %max3A_3303 : vector<16xf32>
        %convert_element_type3A_3306 = arith.fptosi %min3A_3305 : vector<16xf32> to vector<16xi32>
        %mul3A_3307 = arith.constant 261 : i32
        %mul3A_3308 = vector.broadcast %mul3A_3307 : i32 to vector<16xi32>
        %mul3A_3309 = arith.muli %convert_element_type3A_3299, %mul3A_3308 : vector<16xi32>
        %add3A_3310 = arith.addi %mul3A_3309, %convert_element_type3A_3306 : vector<16xi32>
        %gather3A_3311 = tpu.vector_load_idx %arg6[%add3A_3310] : memref<66816xf32, #tpu.memory_space<vmem>>[vector<16xi32>], vector<16xf32>,
        %jit3A_3312 = arith.constant 0.000000e+00 : f32
        %broadcast_in_dim3A_3313 = vector.broadcast %jit3A_3312 : f32 to vector<16xf32>
        %select_n3A_3314 = arith.select %and3A_3292, %mul3A_3278, %broadcast_in_dim3A_3313 : vector<16xi1>, vector<16xf32>
        %mul3A_3315 = arith.mulf %gather3A_3311, %select_n3A_3314 : vector<16xf32>
        %add3A_3316 = arith.addf %while3A_3263, %mul3A_3315 : vector<16xf32>
        %gather3A_3317 = tpu.vector_load_idx %arg7[%add3A_87, %broadcast_in_dim3A_3267] : memref<32x516xf32, #tpu.memory_space<vmem>>[vector<16xi32>, vector<16xi32>], vector<16xf32>,
        %add3A_3318 = arith.addf %while3A_3262, %gather3A_3317 : vector<16xf32>
        %mul3A_3319 = arith.constant 5.000000e-01 : f32
        %mul3A_3320 = vector.broadcast %mul3A_3319 : f32 to vector<16xf32>
        %mul3A_3321 = arith.mulf %mul3A_3320, %add3A_3318 : vector<16xf32>
        %mul3A_3322 = arith.mulf %mul3A_3321, %gather3A_851 : vector<16xf32>
        %add3A_3323 = arith.addf %gather3A_843, %mul3A_3322 : vector<16xf32>
        %mul3A_3324 = arith.mulf %mul3A_3321, %gather3A_855 : vector<16xf32>
        %add3A_3325 = arith.addf %gather3A_847, %mul3A_3324 : vector<16xf32>
        %sub3A_3326 = arith.subf %gather3A_3317, %while3A_3262 : vector<16xf32>
        %mul3A_3327 = arith.mulf %sub3A_3326, %gather3A_859 : vector<16xf32>
        %ge3A_3328 = arith.constant 0.000000e+00 : f32
        %ge3A_3329 = vector.broadcast %ge3A_3328 : f32 to vector<16xf32>
        %ge3A_3330 = arith.cmpf oge, %add3A_3323, %ge3A_3329 : vector<16xf32>
        %lt3A_3331 = arith.constant 2.560000e+02 : f32
        %lt3A_3332 = vector.broadcast %lt3A_3331 : f32 to vector<16xf32>
        %lt3A_3333 = arith.cmpf olt, %add3A_3323, %lt3A_3332 : vector<16xf32>
        %and3A_3334 = arith.andi %ge3A_3330, %lt3A_3333 : vector<16xi1>
        %ge3A_3335 = arith.constant 0.000000e+00 : f32
        %ge3A_3336 = vector.broadcast %ge3A_3335 : f32 to vector<16xf32>
        %ge3A_3337 = arith.cmpf oge, %add3A_3325, %ge3A_3336 : vector<16xf32>
        %and3A_3338 = arith.andi %and3A_3334, %ge3A_3337 : vector<16xi1>
        %lt3A_3339 = arith.constant 2.560000e+02 : f32
        %lt3A_3340 = vector.broadcast %lt3A_3339 : f32 to vector<16xf32>
        %lt3A_3341 = arith.cmpf olt, %add3A_3325, %lt3A_3340 : vector<16xf32>
        %and3A_3342 = arith.andi %and3A_3338, %lt3A_3341 : vector<16xi1>
        %jit3A_3343 = arith.constant 0.000000e+00 : f32
        %jit3A_3344 = arith.constant 2.550000e+02 : f32
        %max3A_3345 = vector.broadcast %jit3A_3343 : f32 to vector<16xf32>
        %max3A_3346 = arith.maximumf %max3A_3345, %add3A_3323 : vector<16xf32>
        %min3A_3347 = vector.broadcast %jit3A_3344 : f32 to vector<16xf32>
        %min3A_3348 = arith.minimumf %min3A_3347, %max3A_3346 : vector<16xf32>
        %convert_element_type3A_3349 = arith.fptosi %min3A_3348 : vector<16xf32> to vector<16xi32>
        %jit3A_3350 = arith.constant 0.000000e+00 : f32
        %jit3A_3351 = arith.constant 2.550000e+02 : f32
        %max3A_3352 = vector.broadcast %jit3A_3350 : f32 to vector<16xf32>
        %max3A_3353 = arith.maximumf %max3A_3352, %add3A_3325 : vector<16xf32>
        %min3A_3354 = vector.broadcast %jit3A_3351 : f32 to vector<16xf32>
        %min3A_3355 = arith.minimumf %min3A_3354, %max3A_3353 : vector<16xf32>
        %convert_element_type3A_3356 = arith.fptosi %min3A_3355 : vector<16xf32> to vector<16xi32>
        %mul3A_3357 = arith.constant 261 : i32
        %mul3A_3358 = vector.broadcast %mul3A_3357 : i32 to vector<16xi32>
        %mul3A_3359 = arith.muli %convert_element_type3A_3349, %mul3A_3358 : vector<16xi32>
        %add3A_3360 = arith.addi %mul3A_3359, %convert_element_type3A_3356 : vector<16xi32>
        %gather3A_3361 = tpu.vector_load_idx %arg6[%add3A_3360] : memref<66816xf32, #tpu.memory_space<vmem>>[vector<16xi32>], vector<16xf32>,
        %jit3A_3362 = arith.constant 0.000000e+00 : f32
        %broadcast_in_dim3A_3363 = vector.broadcast %jit3A_3362 : f32 to vector<16xf32>
        %select_n3A_3364 = arith.select %and3A_3342, %mul3A_3327, %broadcast_in_dim3A_3363 : vector<16xi1>, vector<16xf32>
        %mul3A_3365 = arith.mulf %gather3A_3361, %select_n3A_3364 : vector<16xf32>
        %add3A_3366 = arith.addf %while3A_3264, %mul3A_3365 : vector<16xf32>
        scf.yield %gather3A_3268, %gather3A_3317, %add3A_3316, %add3A_3366 : vector<16xf32>, vector<16xf32>, vector<16xf32>, vector<16xf32>
      }
      %while3A_1624 = arith.constant 1 : i32
      %while3A_1625:4 = scf.for %while3A_3260 = %while3A_1621 to %while3A_1617 step %while3A_1624 iter_args(%while3A_3261 = %while3A_1623#0, %while3A_3262 = %while3A_1623#1, %while3A_3263 = %while3A_1623#2, %while3A_3264 = %while3A_1623#3) -> (vector<16xf32>, vector<16xf32>, vector<16xf32>, vector<16xf32>)  : i32 {
        %add3A_3265 = arith.constant 1 : i32
        %add3A_3266 = arith.addi %while3A_3260, %add3A_3265 : i32
        %broadcast_in_dim3A_3267 = vector.broadcast %add3A_3266 : i32 to vector<16xi32>
        %gather3A_3268 = tpu.vector_load_idx %arg7[%add3A_84, %broadcast_in_dim3A_3267] : memref<32x516xf32, #tpu.memory_space<vmem>>[vector<16xi32>, vector<16xi32>], vector<16xf32>,
        %add3A_3269 = arith.addf %while3A_3261, %gather3A_3268 : vector<16xf32>
        %mul3A_3270 = arith.constant 5.000000e-01 : f32
        %mul3A_3271 = vector.broadcast %mul3A_3270 : f32 to vector<16xf32>
        %mul3A_3272 = arith.mulf %mul3A_3271, %add3A_3269 : vector<16xf32>
        %mul3A_3273 = arith.mulf %mul3A_3272, %gather3A_95 : vector<16xf32>
        %add3A_3274 = arith.addf %gather3A, %mul3A_3273 : vector<16xf32>
        %mul3A_3275 = arith.mulf %mul3A_3272, %gather3A_99 : vector<16xf32>
        %add3A_3276 = arith.addf %gather3A_91, %mul3A_3275 : vector<16xf32>
        %sub3A_3277 = arith.subf %gather3A_3268, %while3A_3261 : vector<16xf32>
        %mul3A_3278 = arith.mulf %sub3A_3277, %gather3A_103 : vector<16xf32>
        %ge3A = arith.constant 0.000000e+00 : f32
        %ge3A_3279 = vector.broadcast %ge3A : f32 to vector<16xf32>
        %ge3A_3280 = arith.cmpf oge, %add3A_3274, %ge3A_3279 : vector<16xf32>
        %lt3A_3281 = arith.constant 2.560000e+02 : f32
        %lt3A_3282 = vector.broadcast %lt3A_3281 : f32 to vector<16xf32>
        %lt3A_3283 = arith.cmpf olt, %add3A_3274, %lt3A_3282 : vector<16xf32>
        %and3A_3284 = arith.andi %ge3A_3280, %lt3A_3283 : vector<16xi1>
        %ge3A_3285 = arith.constant 0.000000e+00 : f32
        %ge3A_3286 = vector.broadcast %ge3A_3285 : f32 to vector<16xf32>
        %ge3A_3287 = arith.cmpf oge, %add3A_3276, %ge3A_3286 : vector<16xf32>
        %and3A_3288 = arith.andi %and3A_3284, %ge3A_3287 : vector<16xi1>
        %lt3A_3289 = arith.constant 2.560000e+02 : f32
        %lt3A_3290 = vector.broadcast %lt3A_3289 : f32 to vector<16xf32>
        %lt3A_3291 = arith.cmpf olt, %add3A_3276, %lt3A_3290 : vector<16xf32>
        %and3A_3292 = arith.andi %and3A_3288, %lt3A_3291 : vector<16xi1>
        %jit3A_3293 = arith.constant 0.000000e+00 : f32
        %jit3A_3294 = arith.constant 2.550000e+02 : f32
        %max3A_3295 = vector.broadcast %jit3A_3293 : f32 to vector<16xf32>
        %max3A_3296 = arith.maximumf %max3A_3295, %add3A_3274 : vector<16xf32>
        %min3A_3297 = vector.broadcast %jit3A_3294 : f32 to vector<16xf32>
        %min3A_3298 = arith.minimumf %min3A_3297, %max3A_3296 : vector<16xf32>
        %convert_element_type3A_3299 = arith.fptosi %min3A_3298 : vector<16xf32> to vector<16xi32>
        %jit3A_3300 = arith.constant 0.000000e+00 : f32
        %jit3A_3301 = arith.constant 2.550000e+02 : f32
        %max3A_3302 = vector.broadcast %jit3A_3300 : f32 to vector<16xf32>
        %max3A_3303 = arith.maximumf %max3A_3302, %add3A_3276 : vector<16xf32>
        %min3A_3304 = vector.broadcast %jit3A_3301 : f32 to vector<16xf32>
        %min3A_3305 = arith.minimumf %min3A_3304, %max3A_3303 : vector<16xf32>
        %convert_element_type3A_3306 = arith.fptosi %min3A_3305 : vector<16xf32> to vector<16xi32>
        %mul3A_3307 = arith.constant 261 : i32
        %mul3A_3308 = vector.broadcast %mul3A_3307 : i32 to vector<16xi32>
        %mul3A_3309 = arith.muli %convert_element_type3A_3299, %mul3A_3308 : vector<16xi32>
        %add3A_3310 = arith.addi %mul3A_3309, %convert_element_type3A_3306 : vector<16xi32>
        %gather3A_3311 = tpu.vector_load_idx %arg6[%add3A_3310] : memref<66816xf32, #tpu.memory_space<vmem>>[vector<16xi32>], vector<16xf32>,
        %jit3A_3312 = arith.constant 0.000000e+00 : f32
        %broadcast_in_dim3A_3313 = vector.broadcast %jit3A_3312 : f32 to vector<16xf32>
        %select_n3A_3314 = arith.select %and3A_3292, %mul3A_3278, %broadcast_in_dim3A_3313 : vector<16xi1>, vector<16xf32>
        %mul3A_3315 = arith.mulf %gather3A_3311, %select_n3A_3314 : vector<16xf32>
        %add3A_3316 = arith.addf %while3A_3263, %mul3A_3315 : vector<16xf32>
        %gather3A_3317 = tpu.vector_load_idx %arg7[%add3A_87, %broadcast_in_dim3A_3267] : memref<32x516xf32, #tpu.memory_space<vmem>>[vector<16xi32>, vector<16xi32>], vector<16xf32>,
        %add3A_3318 = arith.addf %while3A_3262, %gather3A_3317 : vector<16xf32>
        %mul3A_3319 = arith.constant 5.000000e-01 : f32
        %mul3A_3320 = vector.broadcast %mul3A_3319 : f32 to vector<16xf32>
        %mul3A_3321 = arith.mulf %mul3A_3320, %add3A_3318 : vector<16xf32>
        %mul3A_3322 = arith.mulf %mul3A_3321, %gather3A_851 : vector<16xf32>
        %add3A_3323 = arith.addf %gather3A_843, %mul3A_3322 : vector<16xf32>
        %mul3A_3324 = arith.mulf %mul3A_3321, %gather3A_855 : vector<16xf32>
        %add3A_3325 = arith.addf %gather3A_847, %mul3A_3324 : vector<16xf32>
        %sub3A_3326 = arith.subf %gather3A_3317, %while3A_3262 : vector<16xf32>
        %mul3A_3327 = arith.mulf %sub3A_3326, %gather3A_859 : vector<16xf32>
        %ge3A_3328 = arith.constant 0.000000e+00 : f32
        %ge3A_3329 = vector.broadcast %ge3A_3328 : f32 to vector<16xf32>
        %ge3A_3330 = arith.cmpf oge, %add3A_3323, %ge3A_3329 : vector<16xf32>
        %lt3A_3331 = arith.constant 2.560000e+02 : f32
        %lt3A_3332 = vector.broadcast %lt3A_3331 : f32 to vector<16xf32>
        %lt3A_3333 = arith.cmpf olt, %add3A_3323, %lt3A_3332 : vector<16xf32>
        %and3A_3334 = arith.andi %ge3A_3330, %lt3A_3333 : vector<16xi1>
        %ge3A_3335 = arith.constant 0.000000e+00 : f32
        %ge3A_3336 = vector.broadcast %ge3A_3335 : f32 to vector<16xf32>
        %ge3A_3337 = arith.cmpf oge, %add3A_3325, %ge3A_3336 : vector<16xf32>
        %and3A_3338 = arith.andi %and3A_3334, %ge3A_3337 : vector<16xi1>
        %lt3A_3339 = arith.constant 2.560000e+02 : f32
        %lt3A_3340 = vector.broadcast %lt3A_3339 : f32 to vector<16xf32>
        %lt3A_3341 = arith.cmpf olt, %add3A_3325, %lt3A_3340 : vector<16xf32>
        %and3A_3342 = arith.andi %and3A_3338, %lt3A_3341 : vector<16xi1>
        %jit3A_3343 = arith.constant 0.000000e+00 : f32
        %jit3A_3344 = arith.constant 2.550000e+02 : f32
        %max3A_3345 = vector.broadcast %jit3A_3343 : f32 to vector<16xf32>
        %max3A_3346 = arith.maximumf %max3A_3345, %add3A_3323 : vector<16xf32>
        %min3A_3347 = vector.broadcast %jit3A_3344 : f32 to vector<16xf32>
        %min3A_3348 = arith.minimumf %min3A_3347, %max3A_3346 : vector<16xf32>
        %convert_element_type3A_3349 = arith.fptosi %min3A_3348 : vector<16xf32> to vector<16xi32>
        %jit3A_3350 = arith.constant 0.000000e+00 : f32
        %jit3A_3351 = arith.constant 2.550000e+02 : f32
        %max3A_3352 = vector.broadcast %jit3A_3350 : f32 to vector<16xf32>
        %max3A_3353 = arith.maximumf %max3A_3352, %add3A_3325 : vector<16xf32>
        %min3A_3354 = vector.broadcast %jit3A_3351 : f32 to vector<16xf32>
        %min3A_3355 = arith.minimumf %min3A_3354, %max3A_3353 : vector<16xf32>
        %convert_element_type3A_3356 = arith.fptosi %min3A_3355 : vector<16xf32> to vector<16xi32>
        %mul3A_3357 = arith.constant 261 : i32
        %mul3A_3358 = vector.broadcast %mul3A_3357 : i32 to vector<16xi32>
        %mul3A_3359 = arith.muli %convert_element_type3A_3349, %mul3A_3358 : vector<16xi32>
        %add3A_3360 = arith.addi %mul3A_3359, %convert_element_type3A_3356 : vector<16xi32>
        %gather3A_3361 = tpu.vector_load_idx %arg6[%add3A_3360] : memref<66816xf32, #tpu.memory_space<vmem>>[vector<16xi32>], vector<16xf32>,
        %jit3A_3362 = arith.constant 0.000000e+00 : f32
        %broadcast_in_dim3A_3363 = vector.broadcast %jit3A_3362 : f32 to vector<16xf32>
        %select_n3A_3364 = arith.select %and3A_3342, %mul3A_3327, %broadcast_in_dim3A_3363 : vector<16xi1>, vector<16xf32>
        %mul3A_3365 = arith.mulf %gather3A_3361, %select_n3A_3364 : vector<16xf32>
        %add3A_3366 = arith.addf %while3A_3264, %mul3A_3365 : vector<16xf32>
        scf.yield %gather3A_3268, %gather3A_3317, %add3A_3316, %add3A_3366 : vector<16xf32>, vector<16xf32>, vector<16xf32>, vector<16xf32>
      }
      %while3A_1626 = arith.subi %min3A_1613, %min3A_1611 : i32
      %while3A_1627 = arith.addi %min3A_1611, %while3A_1626 : i32
      %while3A_1628 = arith.constant 1 : i32
      %while3A_1629 = arith.divsi %while3A_1626, %while3A_1628 : i32
      %while3A_1630 = arith.muli %while3A_1629, %while3A_1628 : i32
      %while3A_1631 = arith.addi %min3A_1611, %while3A_1630 : i32
      %while3A_1632 = arith.constant 1 : i32
      %while3A_1633:4 = scf.for %while3A_3260 = %min3A_1611 to %while3A_1631 step %while3A_1632 iter_args(%while3A_3261 = %while3A_1625#0, %while3A_3262 = %while3A_1625#1, %while3A_3263 = %while3A_1625#2, %while3A_3264 = %while3A_1625#3) -> (vector<16xf32>, vector<16xf32>, vector<16xf32>, vector<16xf32>)  : i32 {
        %add3A_3265 = arith.constant 1 : i32
        %add3A_3266 = arith.addi %while3A_3260, %add3A_3265 : i32
        %broadcast_in_dim3A_3267 = vector.broadcast %add3A_3266 : i32 to vector<16xi32>
        %gather3A_3268 = tpu.vector_load_idx %arg7[%add3A_84, %broadcast_in_dim3A_3267] : memref<32x516xf32, #tpu.memory_space<vmem>>[vector<16xi32>, vector<16xi32>], vector<16xf32>,
        %add3A_3269 = arith.addf %while3A_3261, %gather3A_3268 : vector<16xf32>
        %mul3A_3270 = arith.constant 5.000000e-01 : f32
        %mul3A_3271 = vector.broadcast %mul3A_3270 : f32 to vector<16xf32>
        %mul3A_3272 = arith.mulf %mul3A_3271, %add3A_3269 : vector<16xf32>
        %mul3A_3273 = arith.mulf %mul3A_3272, %gather3A_95 : vector<16xf32>
        %add3A_3274 = arith.addf %gather3A, %mul3A_3273 : vector<16xf32>
        %mul3A_3275 = arith.mulf %mul3A_3272, %gather3A_99 : vector<16xf32>
        %add3A_3276 = arith.addf %gather3A_91, %mul3A_3275 : vector<16xf32>
        %sub3A_3277 = arith.subf %gather3A_3268, %while3A_3261 : vector<16xf32>
        %mul3A_3278 = arith.mulf %sub3A_3277, %gather3A_103 : vector<16xf32>
        %convert_element_type3A_3279 = arith.fptosi %add3A_3274 : vector<16xf32> to vector<16xi32>
        %mul3A_3280 = arith.constant 261 : i32
        %mul3A_3281 = vector.broadcast %mul3A_3280 : i32 to vector<16xi32>
        %mul3A_3282 = arith.muli %convert_element_type3A_3279, %mul3A_3281 : vector<16xi32>
        %convert_element_type3A_3283 = arith.fptosi %add3A_3276 : vector<16xf32> to vector<16xi32>
        %add3A_3284 = arith.addi %mul3A_3282, %convert_element_type3A_3283 : vector<16xi32>
        %gather3A_3285 = tpu.vector_load_idx %arg6[%add3A_3284] : memref<66816xf32, #tpu.memory_space<vmem>>[vector<16xi32>], vector<16xf32>,
        %mul3A_3286 = arith.mulf %gather3A_3285, %mul3A_3278 : vector<16xf32>
        %add3A_3287 = arith.addf %while3A_3263, %mul3A_3286 : vector<16xf32>
        %gather3A_3288 = tpu.vector_load_idx %arg7[%add3A_87, %broadcast_in_dim3A_3267] : memref<32x516xf32, #tpu.memory_space<vmem>>[vector<16xi32>, vector<16xi32>], vector<16xf32>,
        %add3A_3289 = arith.addf %while3A_3262, %gather3A_3288 : vector<16xf32>
        %mul3A_3290 = arith.constant 5.000000e-01 : f32
        %mul3A_3291 = vector.broadcast %mul3A_3290 : f32 to vector<16xf32>
        %mul3A_3292 = arith.mulf %mul3A_3291, %add3A_3289 : vector<16xf32>
        %mul3A_3293 = arith.mulf %mul3A_3292, %gather3A_851 : vector<16xf32>
        %add3A_3294 = arith.addf %gather3A_843, %mul3A_3293 : vector<16xf32>
        %mul3A_3295 = arith.mulf %mul3A_3292, %gather3A_855 : vector<16xf32>
        %add3A_3296 = arith.addf %gather3A_847, %mul3A_3295 : vector<16xf32>
        %sub3A_3297 = arith.subf %gather3A_3288, %while3A_3262 : vector<16xf32>
        %mul3A_3298 = arith.mulf %sub3A_3297, %gather3A_859 : vector<16xf32>
        %convert_element_type3A_3299 = arith.fptosi %add3A_3294 : vector<16xf32> to vector<16xi32>
        %mul3A_3300 = arith.constant 261 : i32
        %mul3A_3301 = vector.broadcast %mul3A_3300 : i32 to vector<16xi32>
        %mul3A_3302 = arith.muli %convert_element_type3A_3299, %mul3A_3301 : vector<16xi32>
        %convert_element_type3A_3303 = arith.fptosi %add3A_3296 : vector<16xf32> to vector<16xi32>
        %add3A_3304 = arith.addi %mul3A_3302, %convert_element_type3A_3303 : vector<16xi32>
        %gather3A_3305 = tpu.vector_load_idx %arg6[%add3A_3304] : memref<66816xf32, #tpu.memory_space<vmem>>[vector<16xi32>], vector<16xf32>,
        %mul3A_3306 = arith.mulf %gather3A_3305, %mul3A_3298 : vector<16xf32>
        %add3A_3307 = arith.addf %while3A_3264, %mul3A_3306 : vector<16xf32>
        scf.yield %gather3A_3268, %gather3A_3288, %add3A_3287, %add3A_3307 : vector<16xf32>, vector<16xf32>, vector<16xf32>, vector<16xf32>
      }
      %while3A_1634 = arith.constant 1 : i32
      %while3A_1635:4 = scf.for %while3A_3260 = %while3A_1631 to %while3A_1627 step %while3A_1634 iter_args(%while3A_3261 = %while3A_1633#0, %while3A_3262 = %while3A_1633#1, %while3A_3263 = %while3A_1633#2, %while3A_3264 = %while3A_1633#3) -> (vector<16xf32>, vector<16xf32>, vector<16xf32>, vector<16xf32>)  : i32 {
        %add3A_3265 = arith.constant 1 : i32
        %add3A_3266 = arith.addi %while3A_3260, %add3A_3265 : i32
        %broadcast_in_dim3A_3267 = vector.broadcast %add3A_3266 : i32 to vector<16xi32>
        %gather3A_3268 = tpu.vector_load_idx %arg7[%add3A_84, %broadcast_in_dim3A_3267] : memref<32x516xf32, #tpu.memory_space<vmem>>[vector<16xi32>, vector<16xi32>], vector<16xf32>,
        %add3A_3269 = arith.addf %while3A_3261, %gather3A_3268 : vector<16xf32>
        %mul3A_3270 = arith.constant 5.000000e-01 : f32
        %mul3A_3271 = vector.broadcast %mul3A_3270 : f32 to vector<16xf32>
        %mul3A_3272 = arith.mulf %mul3A_3271, %add3A_3269 : vector<16xf32>
        %mul3A_3273 = arith.mulf %mul3A_3272, %gather3A_95 : vector<16xf32>
        %add3A_3274 = arith.addf %gather3A, %mul3A_3273 : vector<16xf32>
        %mul3A_3275 = arith.mulf %mul3A_3272, %gather3A_99 : vector<16xf32>
        %add3A_3276 = arith.addf %gather3A_91, %mul3A_3275 : vector<16xf32>
        %sub3A_3277 = arith.subf %gather3A_3268, %while3A_3261 : vector<16xf32>
        %mul3A_3278 = arith.mulf %sub3A_3277, %gather3A_103 : vector<16xf32>
        %convert_element_type3A_3279 = arith.fptosi %add3A_3274 : vector<16xf32> to vector<16xi32>
        %mul3A_3280 = arith.constant 261 : i32
        %mul3A_3281 = vector.broadcast %mul3A_3280 : i32 to vector<16xi32>
        %mul3A_3282 = arith.muli %convert_element_type3A_3279, %mul3A_3281 : vector<16xi32>
        %convert_element_type3A_3283 = arith.fptosi %add3A_3276 : vector<16xf32> to vector<16xi32>
        %add3A_3284 = arith.addi %mul3A_3282, %convert_element_type3A_3283 : vector<16xi32>
        %gather3A_3285 = tpu.vector_load_idx %arg6[%add3A_3284] : memref<66816xf32, #tpu.memory_space<vmem>>[vector<16xi32>], vector<16xf32>,
        %mul3A_3286 = arith.mulf %gather3A_3285, %mul3A_3278 : vector<16xf32>
        %add3A_3287 = arith.addf %while3A_3263, %mul3A_3286 : vector<16xf32>
        %gather3A_3288 = tpu.vector_load_idx %arg7[%add3A_87, %broadcast_in_dim3A_3267] : memref<32x516xf32, #tpu.memory_space<vmem>>[vector<16xi32>, vector<16xi32>], vector<16xf32>,
        %add3A_3289 = arith.addf %while3A_3262, %gather3A_3288 : vector<16xf32>
        %mul3A_3290 = arith.constant 5.000000e-01 : f32
        %mul3A_3291 = vector.broadcast %mul3A_3290 : f32 to vector<16xf32>
        %mul3A_3292 = arith.mulf %mul3A_3291, %add3A_3289 : vector<16xf32>
        %mul3A_3293 = arith.mulf %mul3A_3292, %gather3A_851 : vector<16xf32>
        %add3A_3294 = arith.addf %gather3A_843, %mul3A_3293 : vector<16xf32>
        %mul3A_3295 = arith.mulf %mul3A_3292, %gather3A_855 : vector<16xf32>
        %add3A_3296 = arith.addf %gather3A_847, %mul3A_3295 : vector<16xf32>
        %sub3A_3297 = arith.subf %gather3A_3288, %while3A_3262 : vector<16xf32>
        %mul3A_3298 = arith.mulf %sub3A_3297, %gather3A_859 : vector<16xf32>
        %convert_element_type3A_3299 = arith.fptosi %add3A_3294 : vector<16xf32> to vector<16xi32>
        %mul3A_3300 = arith.constant 261 : i32
        %mul3A_3301 = vector.broadcast %mul3A_3300 : i32 to vector<16xi32>
        %mul3A_3302 = arith.muli %convert_element_type3A_3299, %mul3A_3301 : vector<16xi32>
        %convert_element_type3A_3303 = arith.fptosi %add3A_3296 : vector<16xf32> to vector<16xi32>
        %add3A_3304 = arith.addi %mul3A_3302, %convert_element_type3A_3303 : vector<16xi32>
        %gather3A_3305 = tpu.vector_load_idx %arg6[%add3A_3304] : memref<66816xf32, #tpu.memory_space<vmem>>[vector<16xi32>], vector<16xf32>,
        %mul3A_3306 = arith.mulf %gather3A_3305, %mul3A_3298 : vector<16xf32>
        %add3A_3307 = arith.addf %while3A_3264, %mul3A_3306 : vector<16xf32>
        scf.yield %gather3A_3268, %gather3A_3288, %add3A_3287, %add3A_3307 : vector<16xf32>, vector<16xf32>, vector<16xf32>, vector<16xf32>
      }
      %while3A_1636 = arith.subi %max3A_1609, %min3A_1613 : i32
      %while3A_1637 = arith.addi %min3A_1613, %while3A_1636 : i32
      %while3A_1638 = arith.constant 1 : i32
      %while3A_1639 = arith.divsi %while3A_1636, %while3A_1638 : i32
      %while3A_1640 = arith.muli %while3A_1639, %while3A_1638 : i32
      %while3A_1641 = arith.addi %min3A_1613, %while3A_1640 : i32
      %while3A_1642 = arith.constant 1 : i32
      %while3A_1643:4 = scf.for %while3A_3260 = %min3A_1613 to %while3A_1641 step %while3A_1642 iter_args(%while3A_3261 = %while3A_1635#0, %while3A_3262 = %while3A_1635#1, %while3A_3263 = %while3A_1635#2, %while3A_3264 = %while3A_1635#3) -> (vector<16xf32>, vector<16xf32>, vector<16xf32>, vector<16xf32>)  : i32 {
        %add3A_3265 = arith.constant 1 : i32
        %add3A_3266 = arith.addi %while3A_3260, %add3A_3265 : i32
        %broadcast_in_dim3A_3267 = vector.broadcast %add3A_3266 : i32 to vector<16xi32>
        %gather3A_3268 = tpu.vector_load_idx %arg7[%add3A_84, %broadcast_in_dim3A_3267] : memref<32x516xf32, #tpu.memory_space<vmem>>[vector<16xi32>, vector<16xi32>], vector<16xf32>,
        %add3A_3269 = arith.addf %while3A_3261, %gather3A_3268 : vector<16xf32>
        %mul3A_3270 = arith.constant 5.000000e-01 : f32
        %mul3A_3271 = vector.broadcast %mul3A_3270 : f32 to vector<16xf32>
        %mul3A_3272 = arith.mulf %mul3A_3271, %add3A_3269 : vector<16xf32>
        %mul3A_3273 = arith.mulf %mul3A_3272, %gather3A_95 : vector<16xf32>
        %add3A_3274 = arith.addf %gather3A, %mul3A_3273 : vector<16xf32>
        %mul3A_3275 = arith.mulf %mul3A_3272, %gather3A_99 : vector<16xf32>
        %add3A_3276 = arith.addf %gather3A_91, %mul3A_3275 : vector<16xf32>
        %sub3A_3277 = arith.subf %gather3A_3268, %while3A_3261 : vector<16xf32>
        %mul3A_3278 = arith.mulf %sub3A_3277, %gather3A_103 : vector<16xf32>
        %ge3A = arith.constant 0.000000e+00 : f32
        %ge3A_3279 = vector.broadcast %ge3A : f32 to vector<16xf32>
        %ge3A_3280 = arith.cmpf oge, %add3A_3274, %ge3A_3279 : vector<16xf32>
        %lt3A_3281 = arith.constant 2.560000e+02 : f32
        %lt3A_3282 = vector.broadcast %lt3A_3281 : f32 to vector<16xf32>
        %lt3A_3283 = arith.cmpf olt, %add3A_3274, %lt3A_3282 : vector<16xf32>
        %and3A_3284 = arith.andi %ge3A_3280, %lt3A_3283 : vector<16xi1>
        %ge3A_3285 = arith.constant 0.000000e+00 : f32
        %ge3A_3286 = vector.broadcast %ge3A_3285 : f32 to vector<16xf32>
        %ge3A_3287 = arith.cmpf oge, %add3A_3276, %ge3A_3286 : vector<16xf32>
        %and3A_3288 = arith.andi %and3A_3284, %ge3A_3287 : vector<16xi1>
        %lt3A_3289 = arith.constant 2.560000e+02 : f32
        %lt3A_3290 = vector.broadcast %lt3A_3289 : f32 to vector<16xf32>
        %lt3A_3291 = arith.cmpf olt, %add3A_3276, %lt3A_3290 : vector<16xf32>
        %and3A_3292 = arith.andi %and3A_3288, %lt3A_3291 : vector<16xi1>
        %jit3A_3293 = arith.constant 0.000000e+00 : f32
        %jit3A_3294 = arith.constant 2.550000e+02 : f32
        %max3A_3295 = vector.broadcast %jit3A_3293 : f32 to vector<16xf32>
        %max3A_3296 = arith.maximumf %max3A_3295, %add3A_3274 : vector<16xf32>
        %min3A_3297 = vector.broadcast %jit3A_3294 : f32 to vector<16xf32>
        %min3A_3298 = arith.minimumf %min3A_3297, %max3A_3296 : vector<16xf32>
        %convert_element_type3A_3299 = arith.fptosi %min3A_3298 : vector<16xf32> to vector<16xi32>
        %jit3A_3300 = arith.constant 0.000000e+00 : f32
        %jit3A_3301 = arith.constant 2.550000e+02 : f32
        %max3A_3302 = vector.broadcast %jit3A_3300 : f32 to vector<16xf32>
        %max3A_3303 = arith.maximumf %max3A_3302, %add3A_3276 : vector<16xf32>
        %min3A_3304 = vector.broadcast %jit3A_3301 : f32 to vector<16xf32>
        %min3A_3305 = arith.minimumf %min3A_3304, %max3A_3303 : vector<16xf32>
        %convert_element_type3A_3306 = arith.fptosi %min3A_3305 : vector<16xf32> to vector<16xi32>
        %mul3A_3307 = arith.constant 261 : i32
        %mul3A_3308 = vector.broadcast %mul3A_3307 : i32 to vector<16xi32>
        %mul3A_3309 = arith.muli %convert_element_type3A_3299, %mul3A_3308 : vector<16xi32>
        %add3A_3310 = arith.addi %mul3A_3309, %convert_element_type3A_3306 : vector<16xi32>
        %gather3A_3311 = tpu.vector_load_idx %arg6[%add3A_3310] : memref<66816xf32, #tpu.memory_space<vmem>>[vector<16xi32>], vector<16xf32>,
        %jit3A_3312 = arith.constant 0.000000e+00 : f32
        %broadcast_in_dim3A_3313 = vector.broadcast %jit3A_3312 : f32 to vector<16xf32>
        %select_n3A_3314 = arith.select %and3A_3292, %mul3A_3278, %broadcast_in_dim3A_3313 : vector<16xi1>, vector<16xf32>
        %mul3A_3315 = arith.mulf %gather3A_3311, %select_n3A_3314 : vector<16xf32>
        %add3A_3316 = arith.addf %while3A_3263, %mul3A_3315 : vector<16xf32>
        %gather3A_3317 = tpu.vector_load_idx %arg7[%add3A_87, %broadcast_in_dim3A_3267] : memref<32x516xf32, #tpu.memory_space<vmem>>[vector<16xi32>, vector<16xi32>], vector<16xf32>,
        %add3A_3318 = arith.addf %while3A_3262, %gather3A_3317 : vector<16xf32>
        %mul3A_3319 = arith.constant 5.000000e-01 : f32
        %mul3A_3320 = vector.broadcast %mul3A_3319 : f32 to vector<16xf32>
        %mul3A_3321 = arith.mulf %mul3A_3320, %add3A_3318 : vector<16xf32>
        %mul3A_3322 = arith.mulf %mul3A_3321, %gather3A_851 : vector<16xf32>
        %add3A_3323 = arith.addf %gather3A_843, %mul3A_3322 : vector<16xf32>
        %mul3A_3324 = arith.mulf %mul3A_3321, %gather3A_855 : vector<16xf32>
        %add3A_3325 = arith.addf %gather3A_847, %mul3A_3324 : vector<16xf32>
        %sub3A_3326 = arith.subf %gather3A_3317, %while3A_3262 : vector<16xf32>
        %mul3A_3327 = arith.mulf %sub3A_3326, %gather3A_859 : vector<16xf32>
        %ge3A_3328 = arith.constant 0.000000e+00 : f32
        %ge3A_3329 = vector.broadcast %ge3A_3328 : f32 to vector<16xf32>
        %ge3A_3330 = arith.cmpf oge, %add3A_3323, %ge3A_3329 : vector<16xf32>
        %lt3A_3331 = arith.constant 2.560000e+02 : f32
        %lt3A_3332 = vector.broadcast %lt3A_3331 : f32 to vector<16xf32>
        %lt3A_3333 = arith.cmpf olt, %add3A_3323, %lt3A_3332 : vector<16xf32>
        %and3A_3334 = arith.andi %ge3A_3330, %lt3A_3333 : vector<16xi1>
        %ge3A_3335 = arith.constant 0.000000e+00 : f32
        %ge3A_3336 = vector.broadcast %ge3A_3335 : f32 to vector<16xf32>
        %ge3A_3337 = arith.cmpf oge, %add3A_3325, %ge3A_3336 : vector<16xf32>
        %and3A_3338 = arith.andi %and3A_3334, %ge3A_3337 : vector<16xi1>
        %lt3A_3339 = arith.constant 2.560000e+02 : f32
        %lt3A_3340 = vector.broadcast %lt3A_3339 : f32 to vector<16xf32>
        %lt3A_3341 = arith.cmpf olt, %add3A_3325, %lt3A_3340 : vector<16xf32>
        %and3A_3342 = arith.andi %and3A_3338, %lt3A_3341 : vector<16xi1>
        %jit3A_3343 = arith.constant 0.000000e+00 : f32
        %jit3A_3344 = arith.constant 2.550000e+02 : f32
        %max3A_3345 = vector.broadcast %jit3A_3343 : f32 to vector<16xf32>
        %max3A_3346 = arith.maximumf %max3A_3345, %add3A_3323 : vector<16xf32>
        %min3A_3347 = vector.broadcast %jit3A_3344 : f32 to vector<16xf32>
        %min3A_3348 = arith.minimumf %min3A_3347, %max3A_3346 : vector<16xf32>
        %convert_element_type3A_3349 = arith.fptosi %min3A_3348 : vector<16xf32> to vector<16xi32>
        %jit3A_3350 = arith.constant 0.000000e+00 : f32
        %jit3A_3351 = arith.constant 2.550000e+02 : f32
        %max3A_3352 = vector.broadcast %jit3A_3350 : f32 to vector<16xf32>
        %max3A_3353 = arith.maximumf %max3A_3352, %add3A_3325 : vector<16xf32>
        %min3A_3354 = vector.broadcast %jit3A_3351 : f32 to vector<16xf32>
        %min3A_3355 = arith.minimumf %min3A_3354, %max3A_3353 : vector<16xf32>
        %convert_element_type3A_3356 = arith.fptosi %min3A_3355 : vector<16xf32> to vector<16xi32>
        %mul3A_3357 = arith.constant 261 : i32
        %mul3A_3358 = vector.broadcast %mul3A_3357 : i32 to vector<16xi32>
        %mul3A_3359 = arith.muli %convert_element_type3A_3349, %mul3A_3358 : vector<16xi32>
        %add3A_3360 = arith.addi %mul3A_3359, %convert_element_type3A_3356 : vector<16xi32>
        %gather3A_3361 = tpu.vector_load_idx %arg6[%add3A_3360] : memref<66816xf32, #tpu.memory_space<vmem>>[vector<16xi32>], vector<16xf32>,
        %jit3A_3362 = arith.constant 0.000000e+00 : f32
        %broadcast_in_dim3A_3363 = vector.broadcast %jit3A_3362 : f32 to vector<16xf32>
        %select_n3A_3364 = arith.select %and3A_3342, %mul3A_3327, %broadcast_in_dim3A_3363 : vector<16xi1>, vector<16xf32>
        %mul3A_3365 = arith.mulf %gather3A_3361, %select_n3A_3364 : vector<16xf32>
        %add3A_3366 = arith.addf %while3A_3264, %mul3A_3365 : vector<16xf32>
        scf.yield %gather3A_3268, %gather3A_3317, %add3A_3316, %add3A_3366 : vector<16xf32>, vector<16xf32>, vector<16xf32>, vector<16xf32>
      }
      %while3A_1644 = arith.constant 1 : i32
      %while3A_1645:4 = scf.for %while3A_3260 = %while3A_1641 to %while3A_1637 step %while3A_1644 iter_args(%while3A_3261 = %while3A_1643#0, %while3A_3262 = %while3A_1643#1, %while3A_3263 = %while3A_1643#2, %while3A_3264 = %while3A_1643#3) -> (vector<16xf32>, vector<16xf32>, vector<16xf32>, vector<16xf32>)  : i32 {
        %add3A_3265 = arith.constant 1 : i32
        %add3A_3266 = arith.addi %while3A_3260, %add3A_3265 : i32
        %broadcast_in_dim3A_3267 = vector.broadcast %add3A_3266 : i32 to vector<16xi32>
        %gather3A_3268 = tpu.vector_load_idx %arg7[%add3A_84, %broadcast_in_dim3A_3267] : memref<32x516xf32, #tpu.memory_space<vmem>>[vector<16xi32>, vector<16xi32>], vector<16xf32>,
        %add3A_3269 = arith.addf %while3A_3261, %gather3A_3268 : vector<16xf32>
        %mul3A_3270 = arith.constant 5.000000e-01 : f32
        %mul3A_3271 = vector.broadcast %mul3A_3270 : f32 to vector<16xf32>
        %mul3A_3272 = arith.mulf %mul3A_3271, %add3A_3269 : vector<16xf32>
        %mul3A_3273 = arith.mulf %mul3A_3272, %gather3A_95 : vector<16xf32>
        %add3A_3274 = arith.addf %gather3A, %mul3A_3273 : vector<16xf32>
        %mul3A_3275 = arith.mulf %mul3A_3272, %gather3A_99 : vector<16xf32>
        %add3A_3276 = arith.addf %gather3A_91, %mul3A_3275 : vector<16xf32>
        %sub3A_3277 = arith.subf %gather3A_3268, %while3A_3261 : vector<16xf32>
        %mul3A_3278 = arith.mulf %sub3A_3277, %gather3A_103 : vector<16xf32>
        %ge3A = arith.constant 0.000000e+00 : f32
        %ge3A_3279 = vector.broadcast %ge3A : f32 to vector<16xf32>
        %ge3A_3280 = arith.cmpf oge, %add3A_3274, %ge3A_3279 : vector<16xf32>
        %lt3A_3281 = arith.constant 2.560000e+02 : f32
        %lt3A_3282 = vector.broadcast %lt3A_3281 : f32 to vector<16xf32>
        %lt3A_3283 = arith.cmpf olt, %add3A_3274, %lt3A_3282 : vector<16xf32>
        %and3A_3284 = arith.andi %ge3A_3280, %lt3A_3283 : vector<16xi1>
        %ge3A_3285 = arith.constant 0.000000e+00 : f32
        %ge3A_3286 = vector.broadcast %ge3A_3285 : f32 to vector<16xf32>
        %ge3A_3287 = arith.cmpf oge, %add3A_3276, %ge3A_3286 : vector<16xf32>
        %and3A_3288 = arith.andi %and3A_3284, %ge3A_3287 : vector<16xi1>
        %lt3A_3289 = arith.constant 2.560000e+02 : f32
        %lt3A_3290 = vector.broadcast %lt3A_3289 : f32 to vector<16xf32>
        %lt3A_3291 = arith.cmpf olt, %add3A_3276, %lt3A_3290 : vector<16xf32>
        %and3A_3292 = arith.andi %and3A_3288, %lt3A_3291 : vector<16xi1>
        %jit3A_3293 = arith.constant 0.000000e+00 : f32
        %jit3A_3294 = arith.constant 2.550000e+02 : f32
        %max3A_3295 = vector.broadcast %jit3A_3293 : f32 to vector<16xf32>
        %max3A_3296 = arith.maximumf %max3A_3295, %add3A_3274 : vector<16xf32>
        %min3A_3297 = vector.broadcast %jit3A_3294 : f32 to vector<16xf32>
        %min3A_3298 = arith.minimumf %min3A_3297, %max3A_3296 : vector<16xf32>
        %convert_element_type3A_3299 = arith.fptosi %min3A_3298 : vector<16xf32> to vector<16xi32>
        %jit3A_3300 = arith.constant 0.000000e+00 : f32
        %jit3A_3301 = arith.constant 2.550000e+02 : f32
        %max3A_3302 = vector.broadcast %jit3A_3300 : f32 to vector<16xf32>
        %max3A_3303 = arith.maximumf %max3A_3302, %add3A_3276 : vector<16xf32>
        %min3A_3304 = vector.broadcast %jit3A_3301 : f32 to vector<16xf32>
        %min3A_3305 = arith.minimumf %min3A_3304, %max3A_3303 : vector<16xf32>
        %convert_element_type3A_3306 = arith.fptosi %min3A_3305 : vector<16xf32> to vector<16xi32>
        %mul3A_3307 = arith.constant 261 : i32
        %mul3A_3308 = vector.broadcast %mul3A_3307 : i32 to vector<16xi32>
        %mul3A_3309 = arith.muli %convert_element_type3A_3299, %mul3A_3308 : vector<16xi32>
        %add3A_3310 = arith.addi %mul3A_3309, %convert_element_type3A_3306 : vector<16xi32>
        %gather3A_3311 = tpu.vector_load_idx %arg6[%add3A_3310] : memref<66816xf32, #tpu.memory_space<vmem>>[vector<16xi32>], vector<16xf32>,
        %jit3A_3312 = arith.constant 0.000000e+00 : f32
        %broadcast_in_dim3A_3313 = vector.broadcast %jit3A_3312 : f32 to vector<16xf32>
        %select_n3A_3314 = arith.select %and3A_3292, %mul3A_3278, %broadcast_in_dim3A_3313 : vector<16xi1>, vector<16xf32>
        %mul3A_3315 = arith.mulf %gather3A_3311, %select_n3A_3314 : vector<16xf32>
        %add3A_3316 = arith.addf %while3A_3263, %mul3A_3315 : vector<16xf32>
        %gather3A_3317 = tpu.vector_load_idx %arg7[%add3A_87, %broadcast_in_dim3A_3267] : memref<32x516xf32, #tpu.memory_space<vmem>>[vector<16xi32>, vector<16xi32>], vector<16xf32>,
        %add3A_3318 = arith.addf %while3A_3262, %gather3A_3317 : vector<16xf32>
        %mul3A_3319 = arith.constant 5.000000e-01 : f32
        %mul3A_3320 = vector.broadcast %mul3A_3319 : f32 to vector<16xf32>
        %mul3A_3321 = arith.mulf %mul3A_3320, %add3A_3318 : vector<16xf32>
        %mul3A_3322 = arith.mulf %mul3A_3321, %gather3A_851 : vector<16xf32>
        %add3A_3323 = arith.addf %gather3A_843, %mul3A_3322 : vector<16xf32>
        %mul3A_3324 = arith.mulf %mul3A_3321, %gather3A_855 : vector<16xf32>
        %add3A_3325 = arith.addf %gather3A_847, %mul3A_3324 : vector<16xf32>
        %sub3A_3326 = arith.subf %gather3A_3317, %while3A_3262 : vector<16xf32>
        %mul3A_3327 = arith.mulf %sub3A_3326, %gather3A_859 : vector<16xf32>
        %ge3A_3328 = arith.constant 0.000000e+00 : f32
        %ge3A_3329 = vector.broadcast %ge3A_3328 : f32 to vector<16xf32>
        %ge3A_3330 = arith.cmpf oge, %add3A_3323, %ge3A_3329 : vector<16xf32>
        %lt3A_3331 = arith.constant 2.560000e+02 : f32
        %lt3A_3332 = vector.broadcast %lt3A_3331 : f32 to vector<16xf32>
        %lt3A_3333 = arith.cmpf olt, %add3A_3323, %lt3A_3332 : vector<16xf32>
        %and3A_3334 = arith.andi %ge3A_3330, %lt3A_3333 : vector<16xi1>
        %ge3A_3335 = arith.constant 0.000000e+00 : f32
        %ge3A_3336 = vector.broadcast %ge3A_3335 : f32 to vector<16xf32>
        %ge3A_3337 = arith.cmpf oge, %add3A_3325, %ge3A_3336 : vector<16xf32>
        %and3A_3338 = arith.andi %and3A_3334, %ge3A_3337 : vector<16xi1>
        %lt3A_3339 = arith.constant 2.560000e+02 : f32
        %lt3A_3340 = vector.broadcast %lt3A_3339 : f32 to vector<16xf32>
        %lt3A_3341 = arith.cmpf olt, %add3A_3325, %lt3A_3340 : vector<16xf32>
        %and3A_3342 = arith.andi %and3A_3338, %lt3A_3341 : vector<16xi1>
        %jit3A_3343 = arith.constant 0.000000e+00 : f32
        %jit3A_3344 = arith.constant 2.550000e+02 : f32
        %max3A_3345 = vector.broadcast %jit3A_3343 : f32 to vector<16xf32>
        %max3A_3346 = arith.maximumf %max3A_3345, %add3A_3323 : vector<16xf32>
        %min3A_3347 = vector.broadcast %jit3A_3344 : f32 to vector<16xf32>
        %min3A_3348 = arith.minimumf %min3A_3347, %max3A_3346 : vector<16xf32>
        %convert_element_type3A_3349 = arith.fptosi %min3A_3348 : vector<16xf32> to vector<16xi32>
        %jit3A_3350 = arith.constant 0.000000e+00 : f32
        %jit3A_3351 = arith.constant 2.550000e+02 : f32
        %max3A_3352 = vector.broadcast %jit3A_3350 : f32 to vector<16xf32>
        %max3A_3353 = arith.maximumf %max3A_3352, %add3A_3325 : vector<16xf32>
        %min3A_3354 = vector.broadcast %jit3A_3351 : f32 to vector<16xf32>
        %min3A_3355 = arith.minimumf %min3A_3354, %max3A_3353 : vector<16xf32>
        %convert_element_type3A_3356 = arith.fptosi %min3A_3355 : vector<16xf32> to vector<16xi32>
        %mul3A_3357 = arith.constant 261 : i32
        %mul3A_3358 = vector.broadcast %mul3A_3357 : i32 to vector<16xi32>
        %mul3A_3359 = arith.muli %convert_element_type3A_3349, %mul3A_3358 : vector<16xi32>
        %add3A_3360 = arith.addi %mul3A_3359, %convert_element_type3A_3356 : vector<16xi32>
        %gather3A_3361 = tpu.vector_load_idx %arg6[%add3A_3360] : memref<66816xf32, #tpu.memory_space<vmem>>[vector<16xi32>], vector<16xf32>,
        %jit3A_3362 = arith.constant 0.000000e+00 : f32
        %broadcast_in_dim3A_3363 = vector.broadcast %jit3A_3362 : f32 to vector<16xf32>
        %select_n3A_3364 = arith.select %and3A_3342, %mul3A_3327, %broadcast_in_dim3A_3363 : vector<16xi1>, vector<16xf32>
        %mul3A_3365 = arith.mulf %gather3A_3361, %select_n3A_3364 : vector<16xf32>
        %add3A_3366 = arith.addf %while3A_3264, %mul3A_3365 : vector<16xf32>
        scf.yield %gather3A_3268, %gather3A_3317, %add3A_3316, %add3A_3366 : vector<16xf32>, vector<16xf32>, vector<16xf32>, vector<16xf32>
      }
      %mul3A_1646 = arith.constant 32 : i32
      %mul3A_1647 = arith.muli %mul3A_57, %mul3A_1646 : i32
      %add3A_1648 = arith.constant 0 : i32
      %add3A_1649 = arith.addi %mul3A_1647, %add3A_1648 : i32
      %swap3A = arith.index_cast %add3A_1649 : i32 to index
      %swap3A_1650 = tpu.vector_load %arg11[%swap3A] {strides = array<i32>} : memref<2880xf32, #tpu.memory_space<vmem>>, vector<16xf32>,
      tpu.vector_store %arg11[%swap3A], %while3A_1645#2 {strides = array<i32>} : memref<2880xf32, #tpu.memory_space<vmem>>, vector<16xf32>,
      %mul3A_1651 = arith.constant 32 : i32
      %mul3A_1652 = arith.muli %mul3A_57, %mul3A_1651 : i32
      %add3A_1653 = arith.constant 16 : i32
      %add3A_1654 = arith.addi %mul3A_1652, %add3A_1653 : i32
      %swap3A_1655 = arith.index_cast %add3A_1654 : i32 to index
      %swap3A_1656 = tpu.vector_load %arg11[%swap3A_1655] {strides = array<i32>} : memref<2880xf32, #tpu.memory_space<vmem>>, vector<16xf32>,
      tpu.vector_store %arg11[%swap3A_1655], %while3A_1645#3 {strides = array<i32>} : memref<2880xf32, #tpu.memory_space<vmem>>, vector<16xf32>,
      %dma_wait3A_1657 = arith.constant 0 : i32
      %dma_wait3A_1658 = arith.constant 0 : i32
      %dma_wait3A_1659 = tpu.memref_slice %arg3[%dma_wait3A_1657, %dma_wait3A_1658] : memref<46080x516xf32, #tpu.memory_space<hbm>> -> memref<32x516xf32, #tpu.memory_space<hbm>>
      %dma_wait3A_1660 = arith.constant 0 : i32
      %dma_wait3A_1661 = arith.constant 0 : i32
      %dma_wait3A_1662 = tpu.memref_slice %arg3[%dma_wait3A_1660, %dma_wait3A_1661] : memref<46080x516xf32, #tpu.memory_space<hbm>> -> memref<32x516xf32, #tpu.memory_space<hbm>>
      tpu.wait_dma2 semaphore(%arg14 : memref<!tpu.dma_semaphore, #tpu.memory_space<semaphore_mem>>) src(%dma_wait3A_1662 : memref<32x516xf32, #tpu.memory_space<hbm>>) dst(%arg8 : memref<32x516xf32, #tpu.memory_space<vmem>>)
      %dma_wait3A_1663 = arith.constant 0 : i32
      %dma_wait3A_1664 = arith.constant 0 : i32
      %dma_wait3A_1665 = tpu.memref_slice %arg4[%dma_wait3A_1663, %dma_wait3A_1664] : memref<46080x8xf32, #tpu.memory_space<hbm>> -> memref<32x8xf32, #tpu.memory_space<hbm>>
      %dma_wait3A_1666 = arith.constant 0 : i32
      %dma_wait3A_1667 = arith.constant 0 : i32
      %dma_wait3A_1668 = tpu.memref_slice %arg4[%dma_wait3A_1666, %dma_wait3A_1667] : memref<46080x8xf32, #tpu.memory_space<hbm>> -> memref<32x8xf32, #tpu.memory_space<hbm>>
      tpu.wait_dma2 semaphore(%arg15 : memref<!tpu.dma_semaphore, #tpu.memory_space<semaphore_mem>>) src(%dma_wait3A_1668 : memref<32x8xf32, #tpu.memory_space<hbm>>) dst(%arg10 : memref<32x8xf32, #tpu.memory_space<vmem>>)
      %add3A_1669 = arith.constant 2 : i32
      %add3A_1670 = arith.addi %mul3A_57, %add3A_1669 : i32
      %lt3A_1671 = arith.constant 90 : i32
      %lt3A_1672 = arith.cmpi slt, %add3A_1670, %lt3A_1671 : i32
      %convert_element_type3A = arith.extui %lt3A_1672 : i1 to i32
      %cond3A = arith.constant 0 : i32
      %cond3A_1673 = arith.cmpi ne, %convert_element_type3A, %cond3A : i32
      scf.if %cond3A_1673 {
        %add3A_3260 = arith.constant 2 : i32
        %add3A_3261 = arith.addi %mul3A_57, %add3A_3260 : i32
        %mul3A_3262 = arith.constant 32 : i32
        %mul3A_3263 = arith.muli %add3A_3261, %mul3A_3262 : i32
        %add3A_3264 = arith.addi %mul3A_32, %mul3A_3263 : i32
        %dma_start3A_3265 = arith.constant 0 : i32
        %dma_start3A_3266 = tpu.memref_slice %arg3[%add3A_3264, %dma_start3A_3265] : memref<46080x516xf32, #tpu.memory_space<hbm>> -> memref<32x516xf32, #tpu.memory_space<hbm>>
        %dma_start3A_3267 = arith.constant 0 : i32
        %dma_start3A_3268 = tpu.memref_slice %arg3[%add3A_3264, %dma_start3A_3267] : memref<46080x516xf32, #tpu.memory_space<hbm>> -> memref<32x516xf32, #tpu.memory_space<hbm>>
        tpu.enqueue_dma source(%dma_start3A_3268 : memref<32x516xf32, #tpu.memory_space<hbm>>) target(%arg7 : memref<32x516xf32, #tpu.memory_space<vmem>>) target_semaphore(%arg12 : memref<!tpu.dma_semaphore, #tpu.memory_space<semaphore_mem>>)
        %dma_start3A_3269 = arith.constant 0 : i32
        %dma_start3A_3270 = tpu.memref_slice %arg4[%add3A_3264, %dma_start3A_3269] : memref<46080x8xf32, #tpu.memory_space<hbm>> -> memref<32x8xf32, #tpu.memory_space<hbm>>
        %dma_start3A_3271 = arith.constant 0 : i32
        %dma_start3A_3272 = tpu.memref_slice %arg4[%add3A_3264, %dma_start3A_3271] : memref<46080x8xf32, #tpu.memory_space<hbm>> -> memref<32x8xf32, #tpu.memory_space<hbm>>
        tpu.enqueue_dma source(%dma_start3A_3272 : memref<32x8xf32, #tpu.memory_space<hbm>>) target(%arg9 : memref<32x8xf32, #tpu.memory_space<vmem>>) target_semaphore(%arg13 : memref<!tpu.dma_semaphore, #tpu.memory_space<semaphore_mem>>)
      } else {
      }
      %add3A_1674 = arith.constant 1 : i32
      %add3A_1675 = arith.addi %mul3A_57, %add3A_1674 : i32
      %add3A_1676 = arith.constant 0 : i32
      %add3A_1677 = vector.broadcast %add3A_1676 : i32 to vector<16xi32>
      %add3A_1678 = arith.addi %iota3A, %add3A_1677 : vector<16xi32>
      %add3A_1679 = arith.constant 16 : i32
      %add3A_1680 = vector.broadcast %add3A_1679 : i32 to vector<16xi32>
      %add3A_1681 = arith.addi %iota3A, %add3A_1680 : vector<16xi32>
      %gather3A_1682 = tpu.vector_load_idx %arg10[%add3A_1678, %broadcast_in_dim3A_35] : memref<32x8xf32, #tpu.memory_space<vmem>>[vector<16xi32>, vector<16xi32>], vector<16xf32>,
      %add3A_1683 = arith.constant 1 : i32
      %add3A_1684 = vector.broadcast %add3A_1683 : i32 to vector<16xi32>
      %add3A_1685 = arith.addi %broadcast_in_dim3A_35, %add3A_1684 : vector<16xi32>
      %gather3A_1686 = tpu.vector_load_idx %arg10[%add3A_1678, %add3A_1685] : memref<32x8xf32, #tpu.memory_space<vmem>>[vector<16xi32>, vector<16xi32>], vector<16xf32>,
      %add3A_1687 = arith.constant 2 : i32
      %add3A_1688 = vector.broadcast %add3A_1687 : i32 to vector<16xi32>
      %add3A_1689 = arith.addi %broadcast_in_dim3A_35, %add3A_1688 : vector<16xi32>
      %gather3A_1690 = tpu.vector_load_idx %arg10[%add3A_1678, %add3A_1689] : memref<32x8xf32, #tpu.memory_space<vmem>>[vector<16xi32>, vector<16xi32>], vector<16xf32>,
      %add3A_1691 = arith.constant 3 : i32
      %add3A_1692 = vector.broadcast %add3A_1691 : i32 to vector<16xi32>
      %add3A_1693 = arith.addi %broadcast_in_dim3A_35, %add3A_1692 : vector<16xi32>
      %gather3A_1694 = tpu.vector_load_idx %arg10[%add3A_1678, %add3A_1693] : memref<32x8xf32, #tpu.memory_space<vmem>>[vector<16xi32>, vector<16xi32>], vector<16xf32>,
      %add3A_1695 = arith.constant 4 : i32
      %add3A_1696 = vector.broadcast %add3A_1695 : i32 to vector<16xi32>
      %add3A_1697 = arith.addi %broadcast_in_dim3A_35, %add3A_1696 : vector<16xi32>
      %gather3A_1698 = tpu.vector_load_idx %arg10[%add3A_1678, %add3A_1697] : memref<32x8xf32, #tpu.memory_space<vmem>>[vector<16xi32>, vector<16xi32>], vector<16xf32>,
      %abs3A_1699 = math.absf %gather3A_1690 : vector<16xf32>
      %lt3A_1700 = arith.constant 9.99999971E-10 : f32
      %lt3A_1701 = vector.broadcast %lt3A_1700 : f32 to vector<16xf32>
      %lt3A_1702 = arith.cmpf olt, %abs3A_1699, %lt3A_1701 : vector<16xf32>
      %jit3A_1703 = arith.constant 9.99999971E-10 : f32
      %broadcast_in_dim3A_1704 = vector.broadcast %jit3A_1703 : f32 to vector<16xf32>
      %select_n3A_1705 = arith.select %lt3A_1702, %broadcast_in_dim3A_1704, %gather3A_1690 : vector<16xi1>, vector<16xf32>
      %abs3A_1706 = math.absf %gather3A_1694 : vector<16xf32>
      %lt3A_1707 = arith.constant 9.99999971E-10 : f32
      %lt3A_1708 = vector.broadcast %lt3A_1707 : f32 to vector<16xf32>
      %lt3A_1709 = arith.cmpf olt, %abs3A_1706, %lt3A_1708 : vector<16xf32>
      %jit3A_1710 = arith.constant 9.99999971E-10 : f32
      %broadcast_in_dim3A_1711 = vector.broadcast %jit3A_1710 : f32 to vector<16xf32>
      %select_n3A_1712 = arith.select %lt3A_1709, %broadcast_in_dim3A_1711, %gather3A_1694 : vector<16xi1>, vector<16xf32>
      %sub3A_1713 = arith.constant 0.000000e+00 : f32
      %sub3A_1714 = vector.broadcast %sub3A_1713 : f32 to vector<16xf32>
      %sub3A_1715 = arith.subf %sub3A_1714, %gather3A_1682 : vector<16xf32>
      %div3A_1716 = arith.divf %sub3A_1715, %select_n3A_1705 : vector<16xf32>
      %sub3A_1717 = arith.constant 2.560000e+02 : f32
      %sub3A_1718 = vector.broadcast %sub3A_1717 : f32 to vector<16xf32>
      %sub3A_1719 = arith.subf %sub3A_1718, %gather3A_1682 : vector<16xf32>
      %div3A_1720 = arith.divf %sub3A_1719, %select_n3A_1705 : vector<16xf32>
      %sub3A_1721 = arith.constant 0.000000e+00 : f32
      %sub3A_1722 = vector.broadcast %sub3A_1721 : f32 to vector<16xf32>
      %sub3A_1723 = arith.subf %sub3A_1722, %gather3A_1686 : vector<16xf32>
      %div3A_1724 = arith.divf %sub3A_1723, %select_n3A_1712 : vector<16xf32>
      %sub3A_1725 = arith.constant 2.560000e+02 : f32
      %sub3A_1726 = vector.broadcast %sub3A_1725 : f32 to vector<16xf32>
      %sub3A_1727 = arith.subf %sub3A_1726, %gather3A_1686 : vector<16xf32>
      %div3A_1728 = arith.divf %sub3A_1727, %select_n3A_1712 : vector<16xf32>
      %min3A_1729 = arith.minimumf %div3A_1716, %div3A_1720 : vector<16xf32>
      %min3A_1730 = arith.minimumf %div3A_1724, %div3A_1728 : vector<16xf32>
      %max3A_1731 = arith.maximumf %min3A_1729, %min3A_1730 : vector<16xf32>
      %max3A_1732 = arith.constant 0.000000e+00 : f32
      %max3A_1733 = vector.broadcast %max3A_1732 : f32 to vector<16xf32>
      %max3A_1734 = arith.maximumf %max3A_1731, %max3A_1733 : vector<16xf32>
      %sub3A_1735 = arith.constant 9.99999974E-5 : f32
      %sub3A_1736 = vector.broadcast %sub3A_1735 : f32 to vector<16xf32>
      %sub3A_1737 = arith.subf %max3A_1734, %sub3A_1736 : vector<16xf32>
      %max3A_1738 = arith.maximumf %div3A_1716, %div3A_1720 : vector<16xf32>
      %max3A_1739 = arith.maximumf %div3A_1724, %div3A_1728 : vector<16xf32>
      %min3A_1740 = arith.minimumf %max3A_1738, %max3A_1739 : vector<16xf32>
      %min3A_1741 = arith.constant 1.000000e+00 : f32
      %min3A_1742 = vector.broadcast %min3A_1741 : f32 to vector<16xf32>
      %min3A_1743 = arith.minimumf %min3A_1740, %min3A_1742 : vector<16xf32>
      %add3A_1744 = arith.constant 9.99999974E-5 : f32
      %add3A_1745 = vector.broadcast %add3A_1744 : f32 to vector<16xf32>
      %add3A_1746 = arith.addf %min3A_1743, %add3A_1745 : vector<16xf32>
      %add3A_1747 = arith.constant 2.000000e-04 : f32
      %add3A_1748 = vector.broadcast %add3A_1747 : f32 to vector<16xf32>
      %add3A_1749 = arith.addf %sub3A_1737, %add3A_1748 : vector<16xf32>
      %sub3A_1750 = arith.constant 2.000000e-04 : f32
      %sub3A_1751 = vector.broadcast %sub3A_1750 : f32 to vector<16xf32>
      %sub3A_1752 = arith.subf %add3A_1746, %sub3A_1751 : vector<16xf32>
      %broadcast_in_dim3A_1753 = arith.constant 0 : i32
      %broadcast_in_dim3A_1754 = vector.broadcast %broadcast_in_dim3A_1753 : i32 to vector<16xi32>
      %broadcast_in_dim3A_1755 = arith.constant 0 : i32
      %broadcast_in_dim3A_1756 = vector.broadcast %broadcast_in_dim3A_1755 : i32 to vector<16xi32>
      %broadcast_in_dim3A_1757 = arith.constant 0 : i32
      %broadcast_in_dim3A_1758 = vector.broadcast %broadcast_in_dim3A_1757 : i32 to vector<16xi32>
      %broadcast_in_dim3A_1759 = arith.constant 0 : i32
      %broadcast_in_dim3A_1760 = vector.broadcast %broadcast_in_dim3A_1759 : i32 to vector<16xi32>
      %add3A_1761 = arith.constant 512 : i32
      %add3A_1762 = vector.broadcast %add3A_1761 : i32 to vector<16xi32>
      %add3A_1763 = arith.addi %broadcast_in_dim3A_1754, %add3A_1762 : vector<16xi32>
      %le3A_1764 = arith.constant 516 : i32
      %le3A_1765 = vector.broadcast %le3A_1764 : i32 to vector<16xi32>
      %le3A_1766 = arith.cmpi sle, %add3A_1763, %le3A_1765 : vector<16xi32>
      %min3A_1767 = arith.constant 516 : i32
      %min3A_1768 = vector.broadcast %min3A_1767 : i32 to vector<16xi32>
      %min3A_1769 = arith.minsi %add3A_1763, %min3A_1768 : vector<16xi32>
      %sub3A_1770 = arith.constant 1 : i32
      %sub3A_1771 = vector.broadcast %sub3A_1770 : i32 to vector<16xi32>
      %sub3A_1772 = arith.subi %min3A_1769, %sub3A_1771 : vector<16xi32>
      %gather3A_1773 = tpu.vector_load_idx %arg8[%add3A_1678, %sub3A_1772] : memref<32x516xf32, #tpu.memory_space<vmem>>[vector<16xi32>, vector<16xi32>], vector<16xf32>,
      %le3A_1774 = arith.cmpf ole, %gather3A_1773, %sub3A_1737 : vector<16xf32>
      %and3A_1775 = arith.andi %le3A_1766, %le3A_1774 : vector<16xi1>
      %select_n3A_1776 = arith.select %and3A_1775, %add3A_1763, %broadcast_in_dim3A_1754 : vector<16xi1>, vector<16xi32>
      %add3A_1777 = arith.constant 512 : i32
      %add3A_1778 = vector.broadcast %add3A_1777 : i32 to vector<16xi32>
      %add3A_1779 = arith.addi %broadcast_in_dim3A_1756, %add3A_1778 : vector<16xi32>
      %le3A_1780 = arith.constant 516 : i32
      %le3A_1781 = vector.broadcast %le3A_1780 : i32 to vector<16xi32>
      %le3A_1782 = arith.cmpi sle, %add3A_1779, %le3A_1781 : vector<16xi32>
      %min3A_1783 = arith.constant 516 : i32
      %min3A_1784 = vector.broadcast %min3A_1783 : i32 to vector<16xi32>
      %min3A_1785 = arith.minsi %add3A_1779, %min3A_1784 : vector<16xi32>
      %sub3A_1786 = arith.constant 1 : i32
      %sub3A_1787 = vector.broadcast %sub3A_1786 : i32 to vector<16xi32>
      %sub3A_1788 = arith.subi %min3A_1785, %sub3A_1787 : vector<16xi32>
      %gather3A_1789 = tpu.vector_load_idx %arg8[%add3A_1678, %sub3A_1788] : memref<32x516xf32, #tpu.memory_space<vmem>>[vector<16xi32>, vector<16xi32>], vector<16xf32>,
      %lt3A_1790 = arith.cmpf olt, %gather3A_1789, %add3A_1746 : vector<16xf32>
      %and3A_1791 = arith.andi %le3A_1782, %lt3A_1790 : vector<16xi1>
      %select_n3A_1792 = arith.select %and3A_1791, %add3A_1779, %broadcast_in_dim3A_1756 : vector<16xi1>, vector<16xi32>
      %add3A_1793 = arith.constant 512 : i32
      %add3A_1794 = vector.broadcast %add3A_1793 : i32 to vector<16xi32>
      %add3A_1795 = arith.addi %broadcast_in_dim3A_1758, %add3A_1794 : vector<16xi32>
      %le3A_1796 = arith.constant 516 : i32
      %le3A_1797 = vector.broadcast %le3A_1796 : i32 to vector<16xi32>
      %le3A_1798 = arith.cmpi sle, %add3A_1795, %le3A_1797 : vector<16xi32>
      %min3A_1799 = arith.constant 516 : i32
      %min3A_1800 = vector.broadcast %min3A_1799 : i32 to vector<16xi32>
      %min3A_1801 = arith.minsi %add3A_1795, %min3A_1800 : vector<16xi32>
      %sub3A_1802 = arith.constant 1 : i32
      %sub3A_1803 = vector.broadcast %sub3A_1802 : i32 to vector<16xi32>
      %sub3A_1804 = arith.subi %min3A_1801, %sub3A_1803 : vector<16xi32>
      %gather3A_1805 = tpu.vector_load_idx %arg8[%add3A_1678, %sub3A_1804] : memref<32x516xf32, #tpu.memory_space<vmem>>[vector<16xi32>, vector<16xi32>], vector<16xf32>,
      %lt3A_1806 = arith.cmpf olt, %gather3A_1805, %add3A_1749 : vector<16xf32>
      %and3A_1807 = arith.andi %le3A_1798, %lt3A_1806 : vector<16xi1>
      %select_n3A_1808 = arith.select %and3A_1807, %add3A_1795, %broadcast_in_dim3A_1758 : vector<16xi1>, vector<16xi32>
      %add3A_1809 = arith.constant 512 : i32
      %add3A_1810 = vector.broadcast %add3A_1809 : i32 to vector<16xi32>
      %add3A_1811 = arith.addi %broadcast_in_dim3A_1760, %add3A_1810 : vector<16xi32>
      %le3A_1812 = arith.constant 516 : i32
      %le3A_1813 = vector.broadcast %le3A_1812 : i32 to vector<16xi32>
      %le3A_1814 = arith.cmpi sle, %add3A_1811, %le3A_1813 : vector<16xi32>
      %min3A_1815 = arith.constant 516 : i32
      %min3A_1816 = vector.broadcast %min3A_1815 : i32 to vector<16xi32>
      %min3A_1817 = arith.minsi %add3A_1811, %min3A_1816 : vector<16xi32>
      %sub3A_1818 = arith.constant 1 : i32
      %sub3A_1819 = vector.broadcast %sub3A_1818 : i32 to vector<16xi32>
      %sub3A_1820 = arith.subi %min3A_1817, %sub3A_1819 : vector<16xi32>
      %gather3A_1821 = tpu.vector_load_idx %arg8[%add3A_1678, %sub3A_1820] : memref<32x516xf32, #tpu.memory_space<vmem>>[vector<16xi32>, vector<16xi32>], vector<16xf32>,
      %le3A_1822 = arith.cmpf ole, %gather3A_1821, %sub3A_1752 : vector<16xf32>
      %and3A_1823 = arith.andi %le3A_1814, %le3A_1822 : vector<16xi1>
      %select_n3A_1824 = arith.select %and3A_1823, %add3A_1811, %broadcast_in_dim3A_1760 : vector<16xi1>, vector<16xi32>
      %add3A_1825 = arith.constant 256 : i32
      %add3A_1826 = vector.broadcast %add3A_1825 : i32 to vector<16xi32>
      %add3A_1827 = arith.addi %select_n3A_1776, %add3A_1826 : vector<16xi32>
      %le3A_1828 = arith.constant 516 : i32
      %le3A_1829 = vector.broadcast %le3A_1828 : i32 to vector<16xi32>
      %le3A_1830 = arith.cmpi sle, %add3A_1827, %le3A_1829 : vector<16xi32>
      %min3A_1831 = arith.constant 516 : i32
      %min3A_1832 = vector.broadcast %min3A_1831 : i32 to vector<16xi32>
      %min3A_1833 = arith.minsi %add3A_1827, %min3A_1832 : vector<16xi32>
      %sub3A_1834 = arith.constant 1 : i32
      %sub3A_1835 = vector.broadcast %sub3A_1834 : i32 to vector<16xi32>
      %sub3A_1836 = arith.subi %min3A_1833, %sub3A_1835 : vector<16xi32>
      %gather3A_1837 = tpu.vector_load_idx %arg8[%add3A_1678, %sub3A_1836] : memref<32x516xf32, #tpu.memory_space<vmem>>[vector<16xi32>, vector<16xi32>], vector<16xf32>,
      %le3A_1838 = arith.cmpf ole, %gather3A_1837, %sub3A_1737 : vector<16xf32>
      %and3A_1839 = arith.andi %le3A_1830, %le3A_1838 : vector<16xi1>
      %select_n3A_1840 = arith.select %and3A_1839, %add3A_1827, %select_n3A_1776 : vector<16xi1>, vector<16xi32>
      %add3A_1841 = arith.constant 256 : i32
      %add3A_1842 = vector.broadcast %add3A_1841 : i32 to vector<16xi32>
      %add3A_1843 = arith.addi %select_n3A_1792, %add3A_1842 : vector<16xi32>
      %le3A_1844 = arith.constant 516 : i32
      %le3A_1845 = vector.broadcast %le3A_1844 : i32 to vector<16xi32>
      %le3A_1846 = arith.cmpi sle, %add3A_1843, %le3A_1845 : vector<16xi32>
      %min3A_1847 = arith.constant 516 : i32
      %min3A_1848 = vector.broadcast %min3A_1847 : i32 to vector<16xi32>
      %min3A_1849 = arith.minsi %add3A_1843, %min3A_1848 : vector<16xi32>
      %sub3A_1850 = arith.constant 1 : i32
      %sub3A_1851 = vector.broadcast %sub3A_1850 : i32 to vector<16xi32>
      %sub3A_1852 = arith.subi %min3A_1849, %sub3A_1851 : vector<16xi32>
      %gather3A_1853 = tpu.vector_load_idx %arg8[%add3A_1678, %sub3A_1852] : memref<32x516xf32, #tpu.memory_space<vmem>>[vector<16xi32>, vector<16xi32>], vector<16xf32>,
      %lt3A_1854 = arith.cmpf olt, %gather3A_1853, %add3A_1746 : vector<16xf32>
      %and3A_1855 = arith.andi %le3A_1846, %lt3A_1854 : vector<16xi1>
      %select_n3A_1856 = arith.select %and3A_1855, %add3A_1843, %select_n3A_1792 : vector<16xi1>, vector<16xi32>
      %add3A_1857 = arith.constant 256 : i32
      %add3A_1858 = vector.broadcast %add3A_1857 : i32 to vector<16xi32>
      %add3A_1859 = arith.addi %select_n3A_1808, %add3A_1858 : vector<16xi32>
      %le3A_1860 = arith.constant 516 : i32
      %le3A_1861 = vector.broadcast %le3A_1860 : i32 to vector<16xi32>
      %le3A_1862 = arith.cmpi sle, %add3A_1859, %le3A_1861 : vector<16xi32>
      %min3A_1863 = arith.constant 516 : i32
      %min3A_1864 = vector.broadcast %min3A_1863 : i32 to vector<16xi32>
      %min3A_1865 = arith.minsi %add3A_1859, %min3A_1864 : vector<16xi32>
      %sub3A_1866 = arith.constant 1 : i32
      %sub3A_1867 = vector.broadcast %sub3A_1866 : i32 to vector<16xi32>
      %sub3A_1868 = arith.subi %min3A_1865, %sub3A_1867 : vector<16xi32>
      %gather3A_1869 = tpu.vector_load_idx %arg8[%add3A_1678, %sub3A_1868] : memref<32x516xf32, #tpu.memory_space<vmem>>[vector<16xi32>, vector<16xi32>], vector<16xf32>,
      %lt3A_1870 = arith.cmpf olt, %gather3A_1869, %add3A_1749 : vector<16xf32>
      %and3A_1871 = arith.andi %le3A_1862, %lt3A_1870 : vector<16xi1>
      %select_n3A_1872 = arith.select %and3A_1871, %add3A_1859, %select_n3A_1808 : vector<16xi1>, vector<16xi32>
      %add3A_1873 = arith.constant 256 : i32
      %add3A_1874 = vector.broadcast %add3A_1873 : i32 to vector<16xi32>
      %add3A_1875 = arith.addi %select_n3A_1824, %add3A_1874 : vector<16xi32>
      %le3A_1876 = arith.constant 516 : i32
      %le3A_1877 = vector.broadcast %le3A_1876 : i32 to vector<16xi32>
      %le3A_1878 = arith.cmpi sle, %add3A_1875, %le3A_1877 : vector<16xi32>
      %min3A_1879 = arith.constant 516 : i32
      %min3A_1880 = vector.broadcast %min3A_1879 : i32 to vector<16xi32>
      %min3A_1881 = arith.minsi %add3A_1875, %min3A_1880 : vector<16xi32>
      %sub3A_1882 = arith.constant 1 : i32
      %sub3A_1883 = vector.broadcast %sub3A_1882 : i32 to vector<16xi32>
      %sub3A_1884 = arith.subi %min3A_1881, %sub3A_1883 : vector<16xi32>
      %gather3A_1885 = tpu.vector_load_idx %arg8[%add3A_1678, %sub3A_1884] : memref<32x516xf32, #tpu.memory_space<vmem>>[vector<16xi32>, vector<16xi32>], vector<16xf32>,
      %le3A_1886 = arith.cmpf ole, %gather3A_1885, %sub3A_1752 : vector<16xf32>
      %and3A_1887 = arith.andi %le3A_1878, %le3A_1886 : vector<16xi1>
      %select_n3A_1888 = arith.select %and3A_1887, %add3A_1875, %select_n3A_1824 : vector<16xi1>, vector<16xi32>
      %add3A_1889 = arith.constant 128 : i32
      %add3A_1890 = vector.broadcast %add3A_1889 : i32 to vector<16xi32>
      %add3A_1891 = arith.addi %select_n3A_1840, %add3A_1890 : vector<16xi32>
      %le3A_1892 = arith.constant 516 : i32
      %le3A_1893 = vector.broadcast %le3A_1892 : i32 to vector<16xi32>
      %le3A_1894 = arith.cmpi sle, %add3A_1891, %le3A_1893 : vector<16xi32>
      %min3A_1895 = arith.constant 516 : i32
      %min3A_1896 = vector.broadcast %min3A_1895 : i32 to vector<16xi32>
      %min3A_1897 = arith.minsi %add3A_1891, %min3A_1896 : vector<16xi32>
      %sub3A_1898 = arith.constant 1 : i32
      %sub3A_1899 = vector.broadcast %sub3A_1898 : i32 to vector<16xi32>
      %sub3A_1900 = arith.subi %min3A_1897, %sub3A_1899 : vector<16xi32>
      %gather3A_1901 = tpu.vector_load_idx %arg8[%add3A_1678, %sub3A_1900] : memref<32x516xf32, #tpu.memory_space<vmem>>[vector<16xi32>, vector<16xi32>], vector<16xf32>,
      %le3A_1902 = arith.cmpf ole, %gather3A_1901, %sub3A_1737 : vector<16xf32>
      %and3A_1903 = arith.andi %le3A_1894, %le3A_1902 : vector<16xi1>
      %select_n3A_1904 = arith.select %and3A_1903, %add3A_1891, %select_n3A_1840 : vector<16xi1>, vector<16xi32>
      %add3A_1905 = arith.constant 128 : i32
      %add3A_1906 = vector.broadcast %add3A_1905 : i32 to vector<16xi32>
      %add3A_1907 = arith.addi %select_n3A_1856, %add3A_1906 : vector<16xi32>
      %le3A_1908 = arith.constant 516 : i32
      %le3A_1909 = vector.broadcast %le3A_1908 : i32 to vector<16xi32>
      %le3A_1910 = arith.cmpi sle, %add3A_1907, %le3A_1909 : vector<16xi32>
      %min3A_1911 = arith.constant 516 : i32
      %min3A_1912 = vector.broadcast %min3A_1911 : i32 to vector<16xi32>
      %min3A_1913 = arith.minsi %add3A_1907, %min3A_1912 : vector<16xi32>
      %sub3A_1914 = arith.constant 1 : i32
      %sub3A_1915 = vector.broadcast %sub3A_1914 : i32 to vector<16xi32>
      %sub3A_1916 = arith.subi %min3A_1913, %sub3A_1915 : vector<16xi32>
      %gather3A_1917 = tpu.vector_load_idx %arg8[%add3A_1678, %sub3A_1916] : memref<32x516xf32, #tpu.memory_space<vmem>>[vector<16xi32>, vector<16xi32>], vector<16xf32>,
      %lt3A_1918 = arith.cmpf olt, %gather3A_1917, %add3A_1746 : vector<16xf32>
      %and3A_1919 = arith.andi %le3A_1910, %lt3A_1918 : vector<16xi1>
      %select_n3A_1920 = arith.select %and3A_1919, %add3A_1907, %select_n3A_1856 : vector<16xi1>, vector<16xi32>
      %add3A_1921 = arith.constant 128 : i32
      %add3A_1922 = vector.broadcast %add3A_1921 : i32 to vector<16xi32>
      %add3A_1923 = arith.addi %select_n3A_1872, %add3A_1922 : vector<16xi32>
      %le3A_1924 = arith.constant 516 : i32
      %le3A_1925 = vector.broadcast %le3A_1924 : i32 to vector<16xi32>
      %le3A_1926 = arith.cmpi sle, %add3A_1923, %le3A_1925 : vector<16xi32>
      %min3A_1927 = arith.constant 516 : i32
      %min3A_1928 = vector.broadcast %min3A_1927 : i32 to vector<16xi32>
      %min3A_1929 = arith.minsi %add3A_1923, %min3A_1928 : vector<16xi32>
      %sub3A_1930 = arith.constant 1 : i32
      %sub3A_1931 = vector.broadcast %sub3A_1930 : i32 to vector<16xi32>
      %sub3A_1932 = arith.subi %min3A_1929, %sub3A_1931 : vector<16xi32>
      %gather3A_1933 = tpu.vector_load_idx %arg8[%add3A_1678, %sub3A_1932] : memref<32x516xf32, #tpu.memory_space<vmem>>[vector<16xi32>, vector<16xi32>], vector<16xf32>,
      %lt3A_1934 = arith.cmpf olt, %gather3A_1933, %add3A_1749 : vector<16xf32>
      %and3A_1935 = arith.andi %le3A_1926, %lt3A_1934 : vector<16xi1>
      %select_n3A_1936 = arith.select %and3A_1935, %add3A_1923, %select_n3A_1872 : vector<16xi1>, vector<16xi32>
      %add3A_1937 = arith.constant 128 : i32
      %add3A_1938 = vector.broadcast %add3A_1937 : i32 to vector<16xi32>
      %add3A_1939 = arith.addi %select_n3A_1888, %add3A_1938 : vector<16xi32>
      %le3A_1940 = arith.constant 516 : i32
      %le3A_1941 = vector.broadcast %le3A_1940 : i32 to vector<16xi32>
      %le3A_1942 = arith.cmpi sle, %add3A_1939, %le3A_1941 : vector<16xi32>
      %min3A_1943 = arith.constant 516 : i32
      %min3A_1944 = vector.broadcast %min3A_1943 : i32 to vector<16xi32>
      %min3A_1945 = arith.minsi %add3A_1939, %min3A_1944 : vector<16xi32>
      %sub3A_1946 = arith.constant 1 : i32
      %sub3A_1947 = vector.broadcast %sub3A_1946 : i32 to vector<16xi32>
      %sub3A_1948 = arith.subi %min3A_1945, %sub3A_1947 : vector<16xi32>
      %gather3A_1949 = tpu.vector_load_idx %arg8[%add3A_1678, %sub3A_1948] : memref<32x516xf32, #tpu.memory_space<vmem>>[vector<16xi32>, vector<16xi32>], vector<16xf32>,
      %le3A_1950 = arith.cmpf ole, %gather3A_1949, %sub3A_1752 : vector<16xf32>
      %and3A_1951 = arith.andi %le3A_1942, %le3A_1950 : vector<16xi1>
      %select_n3A_1952 = arith.select %and3A_1951, %add3A_1939, %select_n3A_1888 : vector<16xi1>, vector<16xi32>
      %add3A_1953 = arith.constant 64 : i32
      %add3A_1954 = vector.broadcast %add3A_1953 : i32 to vector<16xi32>
      %add3A_1955 = arith.addi %select_n3A_1904, %add3A_1954 : vector<16xi32>
      %le3A_1956 = arith.constant 516 : i32
      %le3A_1957 = vector.broadcast %le3A_1956 : i32 to vector<16xi32>
      %le3A_1958 = arith.cmpi sle, %add3A_1955, %le3A_1957 : vector<16xi32>
      %min3A_1959 = arith.constant 516 : i32
      %min3A_1960 = vector.broadcast %min3A_1959 : i32 to vector<16xi32>
      %min3A_1961 = arith.minsi %add3A_1955, %min3A_1960 : vector<16xi32>
      %sub3A_1962 = arith.constant 1 : i32
      %sub3A_1963 = vector.broadcast %sub3A_1962 : i32 to vector<16xi32>
      %sub3A_1964 = arith.subi %min3A_1961, %sub3A_1963 : vector<16xi32>
      %gather3A_1965 = tpu.vector_load_idx %arg8[%add3A_1678, %sub3A_1964] : memref<32x516xf32, #tpu.memory_space<vmem>>[vector<16xi32>, vector<16xi32>], vector<16xf32>,
      %le3A_1966 = arith.cmpf ole, %gather3A_1965, %sub3A_1737 : vector<16xf32>
      %and3A_1967 = arith.andi %le3A_1958, %le3A_1966 : vector<16xi1>
      %select_n3A_1968 = arith.select %and3A_1967, %add3A_1955, %select_n3A_1904 : vector<16xi1>, vector<16xi32>
      %add3A_1969 = arith.constant 64 : i32
      %add3A_1970 = vector.broadcast %add3A_1969 : i32 to vector<16xi32>
      %add3A_1971 = arith.addi %select_n3A_1920, %add3A_1970 : vector<16xi32>
      %le3A_1972 = arith.constant 516 : i32
      %le3A_1973 = vector.broadcast %le3A_1972 : i32 to vector<16xi32>
      %le3A_1974 = arith.cmpi sle, %add3A_1971, %le3A_1973 : vector<16xi32>
      %min3A_1975 = arith.constant 516 : i32
      %min3A_1976 = vector.broadcast %min3A_1975 : i32 to vector<16xi32>
      %min3A_1977 = arith.minsi %add3A_1971, %min3A_1976 : vector<16xi32>
      %sub3A_1978 = arith.constant 1 : i32
      %sub3A_1979 = vector.broadcast %sub3A_1978 : i32 to vector<16xi32>
      %sub3A_1980 = arith.subi %min3A_1977, %sub3A_1979 : vector<16xi32>
      %gather3A_1981 = tpu.vector_load_idx %arg8[%add3A_1678, %sub3A_1980] : memref<32x516xf32, #tpu.memory_space<vmem>>[vector<16xi32>, vector<16xi32>], vector<16xf32>,
      %lt3A_1982 = arith.cmpf olt, %gather3A_1981, %add3A_1746 : vector<16xf32>
      %and3A_1983 = arith.andi %le3A_1974, %lt3A_1982 : vector<16xi1>
      %select_n3A_1984 = arith.select %and3A_1983, %add3A_1971, %select_n3A_1920 : vector<16xi1>, vector<16xi32>
      %add3A_1985 = arith.constant 64 : i32
      %add3A_1986 = vector.broadcast %add3A_1985 : i32 to vector<16xi32>
      %add3A_1987 = arith.addi %select_n3A_1936, %add3A_1986 : vector<16xi32>
      %le3A_1988 = arith.constant 516 : i32
      %le3A_1989 = vector.broadcast %le3A_1988 : i32 to vector<16xi32>
      %le3A_1990 = arith.cmpi sle, %add3A_1987, %le3A_1989 : vector<16xi32>
      %min3A_1991 = arith.constant 516 : i32
      %min3A_1992 = vector.broadcast %min3A_1991 : i32 to vector<16xi32>
      %min3A_1993 = arith.minsi %add3A_1987, %min3A_1992 : vector<16xi32>
      %sub3A_1994 = arith.constant 1 : i32
      %sub3A_1995 = vector.broadcast %sub3A_1994 : i32 to vector<16xi32>
      %sub3A_1996 = arith.subi %min3A_1993, %sub3A_1995 : vector<16xi32>
      %gather3A_1997 = tpu.vector_load_idx %arg8[%add3A_1678, %sub3A_1996] : memref<32x516xf32, #tpu.memory_space<vmem>>[vector<16xi32>, vector<16xi32>], vector<16xf32>,
      %lt3A_1998 = arith.cmpf olt, %gather3A_1997, %add3A_1749 : vector<16xf32>
      %and3A_1999 = arith.andi %le3A_1990, %lt3A_1998 : vector<16xi1>
      %select_n3A_2000 = arith.select %and3A_1999, %add3A_1987, %select_n3A_1936 : vector<16xi1>, vector<16xi32>
      %add3A_2001 = arith.constant 64 : i32
      %add3A_2002 = vector.broadcast %add3A_2001 : i32 to vector<16xi32>
      %add3A_2003 = arith.addi %select_n3A_1952, %add3A_2002 : vector<16xi32>
      %le3A_2004 = arith.constant 516 : i32
      %le3A_2005 = vector.broadcast %le3A_2004 : i32 to vector<16xi32>
      %le3A_2006 = arith.cmpi sle, %add3A_2003, %le3A_2005 : vector<16xi32>
      %min3A_2007 = arith.constant 516 : i32
      %min3A_2008 = vector.broadcast %min3A_2007 : i32 to vector<16xi32>
      %min3A_2009 = arith.minsi %add3A_2003, %min3A_2008 : vector<16xi32>
      %sub3A_2010 = arith.constant 1 : i32
      %sub3A_2011 = vector.broadcast %sub3A_2010 : i32 to vector<16xi32>
      %sub3A_2012 = arith.subi %min3A_2009, %sub3A_2011 : vector<16xi32>
      %gather3A_2013 = tpu.vector_load_idx %arg8[%add3A_1678, %sub3A_2012] : memref<32x516xf32, #tpu.memory_space<vmem>>[vector<16xi32>, vector<16xi32>], vector<16xf32>,
      %le3A_2014 = arith.cmpf ole, %gather3A_2013, %sub3A_1752 : vector<16xf32>
      %and3A_2015 = arith.andi %le3A_2006, %le3A_2014 : vector<16xi1>
      %select_n3A_2016 = arith.select %and3A_2015, %add3A_2003, %select_n3A_1952 : vector<16xi1>, vector<16xi32>
      %add3A_2017 = arith.constant 32 : i32
      %add3A_2018 = vector.broadcast %add3A_2017 : i32 to vector<16xi32>
      %add3A_2019 = arith.addi %select_n3A_1968, %add3A_2018 : vector<16xi32>
      %le3A_2020 = arith.constant 516 : i32
      %le3A_2021 = vector.broadcast %le3A_2020 : i32 to vector<16xi32>
      %le3A_2022 = arith.cmpi sle, %add3A_2019, %le3A_2021 : vector<16xi32>
      %min3A_2023 = arith.constant 516 : i32
      %min3A_2024 = vector.broadcast %min3A_2023 : i32 to vector<16xi32>
      %min3A_2025 = arith.minsi %add3A_2019, %min3A_2024 : vector<16xi32>
      %sub3A_2026 = arith.constant 1 : i32
      %sub3A_2027 = vector.broadcast %sub3A_2026 : i32 to vector<16xi32>
      %sub3A_2028 = arith.subi %min3A_2025, %sub3A_2027 : vector<16xi32>
      %gather3A_2029 = tpu.vector_load_idx %arg8[%add3A_1678, %sub3A_2028] : memref<32x516xf32, #tpu.memory_space<vmem>>[vector<16xi32>, vector<16xi32>], vector<16xf32>,
      %le3A_2030 = arith.cmpf ole, %gather3A_2029, %sub3A_1737 : vector<16xf32>
      %and3A_2031 = arith.andi %le3A_2022, %le3A_2030 : vector<16xi1>
      %select_n3A_2032 = arith.select %and3A_2031, %add3A_2019, %select_n3A_1968 : vector<16xi1>, vector<16xi32>
      %add3A_2033 = arith.constant 32 : i32
      %add3A_2034 = vector.broadcast %add3A_2033 : i32 to vector<16xi32>
      %add3A_2035 = arith.addi %select_n3A_1984, %add3A_2034 : vector<16xi32>
      %le3A_2036 = arith.constant 516 : i32
      %le3A_2037 = vector.broadcast %le3A_2036 : i32 to vector<16xi32>
      %le3A_2038 = arith.cmpi sle, %add3A_2035, %le3A_2037 : vector<16xi32>
      %min3A_2039 = arith.constant 516 : i32
      %min3A_2040 = vector.broadcast %min3A_2039 : i32 to vector<16xi32>
      %min3A_2041 = arith.minsi %add3A_2035, %min3A_2040 : vector<16xi32>
      %sub3A_2042 = arith.constant 1 : i32
      %sub3A_2043 = vector.broadcast %sub3A_2042 : i32 to vector<16xi32>
      %sub3A_2044 = arith.subi %min3A_2041, %sub3A_2043 : vector<16xi32>
      %gather3A_2045 = tpu.vector_load_idx %arg8[%add3A_1678, %sub3A_2044] : memref<32x516xf32, #tpu.memory_space<vmem>>[vector<16xi32>, vector<16xi32>], vector<16xf32>,
      %lt3A_2046 = arith.cmpf olt, %gather3A_2045, %add3A_1746 : vector<16xf32>
      %and3A_2047 = arith.andi %le3A_2038, %lt3A_2046 : vector<16xi1>
      %select_n3A_2048 = arith.select %and3A_2047, %add3A_2035, %select_n3A_1984 : vector<16xi1>, vector<16xi32>
      %add3A_2049 = arith.constant 32 : i32
      %add3A_2050 = vector.broadcast %add3A_2049 : i32 to vector<16xi32>
      %add3A_2051 = arith.addi %select_n3A_2000, %add3A_2050 : vector<16xi32>
      %le3A_2052 = arith.constant 516 : i32
      %le3A_2053 = vector.broadcast %le3A_2052 : i32 to vector<16xi32>
      %le3A_2054 = arith.cmpi sle, %add3A_2051, %le3A_2053 : vector<16xi32>
      %min3A_2055 = arith.constant 516 : i32
      %min3A_2056 = vector.broadcast %min3A_2055 : i32 to vector<16xi32>
      %min3A_2057 = arith.minsi %add3A_2051, %min3A_2056 : vector<16xi32>
      %sub3A_2058 = arith.constant 1 : i32
      %sub3A_2059 = vector.broadcast %sub3A_2058 : i32 to vector<16xi32>
      %sub3A_2060 = arith.subi %min3A_2057, %sub3A_2059 : vector<16xi32>
      %gather3A_2061 = tpu.vector_load_idx %arg8[%add3A_1678, %sub3A_2060] : memref<32x516xf32, #tpu.memory_space<vmem>>[vector<16xi32>, vector<16xi32>], vector<16xf32>,
      %lt3A_2062 = arith.cmpf olt, %gather3A_2061, %add3A_1749 : vector<16xf32>
      %and3A_2063 = arith.andi %le3A_2054, %lt3A_2062 : vector<16xi1>
      %select_n3A_2064 = arith.select %and3A_2063, %add3A_2051, %select_n3A_2000 : vector<16xi1>, vector<16xi32>
      %add3A_2065 = arith.constant 32 : i32
      %add3A_2066 = vector.broadcast %add3A_2065 : i32 to vector<16xi32>
      %add3A_2067 = arith.addi %select_n3A_2016, %add3A_2066 : vector<16xi32>
      %le3A_2068 = arith.constant 516 : i32
      %le3A_2069 = vector.broadcast %le3A_2068 : i32 to vector<16xi32>
      %le3A_2070 = arith.cmpi sle, %add3A_2067, %le3A_2069 : vector<16xi32>
      %min3A_2071 = arith.constant 516 : i32
      %min3A_2072 = vector.broadcast %min3A_2071 : i32 to vector<16xi32>
      %min3A_2073 = arith.minsi %add3A_2067, %min3A_2072 : vector<16xi32>
      %sub3A_2074 = arith.constant 1 : i32
      %sub3A_2075 = vector.broadcast %sub3A_2074 : i32 to vector<16xi32>
      %sub3A_2076 = arith.subi %min3A_2073, %sub3A_2075 : vector<16xi32>
      %gather3A_2077 = tpu.vector_load_idx %arg8[%add3A_1678, %sub3A_2076] : memref<32x516xf32, #tpu.memory_space<vmem>>[vector<16xi32>, vector<16xi32>], vector<16xf32>,
      %le3A_2078 = arith.cmpf ole, %gather3A_2077, %sub3A_1752 : vector<16xf32>
      %and3A_2079 = arith.andi %le3A_2070, %le3A_2078 : vector<16xi1>
      %select_n3A_2080 = arith.select %and3A_2079, %add3A_2067, %select_n3A_2016 : vector<16xi1>, vector<16xi32>
      %add3A_2081 = arith.constant 16 : i32
      %add3A_2082 = vector.broadcast %add3A_2081 : i32 to vector<16xi32>
      %add3A_2083 = arith.addi %select_n3A_2032, %add3A_2082 : vector<16xi32>
      %le3A_2084 = arith.constant 516 : i32
      %le3A_2085 = vector.broadcast %le3A_2084 : i32 to vector<16xi32>
      %le3A_2086 = arith.cmpi sle, %add3A_2083, %le3A_2085 : vector<16xi32>
      %min3A_2087 = arith.constant 516 : i32
      %min3A_2088 = vector.broadcast %min3A_2087 : i32 to vector<16xi32>
      %min3A_2089 = arith.minsi %add3A_2083, %min3A_2088 : vector<16xi32>
      %sub3A_2090 = arith.constant 1 : i32
      %sub3A_2091 = vector.broadcast %sub3A_2090 : i32 to vector<16xi32>
      %sub3A_2092 = arith.subi %min3A_2089, %sub3A_2091 : vector<16xi32>
      %gather3A_2093 = tpu.vector_load_idx %arg8[%add3A_1678, %sub3A_2092] : memref<32x516xf32, #tpu.memory_space<vmem>>[vector<16xi32>, vector<16xi32>], vector<16xf32>,
      %le3A_2094 = arith.cmpf ole, %gather3A_2093, %sub3A_1737 : vector<16xf32>
      %and3A_2095 = arith.andi %le3A_2086, %le3A_2094 : vector<16xi1>
      %select_n3A_2096 = arith.select %and3A_2095, %add3A_2083, %select_n3A_2032 : vector<16xi1>, vector<16xi32>
      %add3A_2097 = arith.constant 16 : i32
      %add3A_2098 = vector.broadcast %add3A_2097 : i32 to vector<16xi32>
      %add3A_2099 = arith.addi %select_n3A_2048, %add3A_2098 : vector<16xi32>
      %le3A_2100 = arith.constant 516 : i32
      %le3A_2101 = vector.broadcast %le3A_2100 : i32 to vector<16xi32>
      %le3A_2102 = arith.cmpi sle, %add3A_2099, %le3A_2101 : vector<16xi32>
      %min3A_2103 = arith.constant 516 : i32
      %min3A_2104 = vector.broadcast %min3A_2103 : i32 to vector<16xi32>
      %min3A_2105 = arith.minsi %add3A_2099, %min3A_2104 : vector<16xi32>
      %sub3A_2106 = arith.constant 1 : i32
      %sub3A_2107 = vector.broadcast %sub3A_2106 : i32 to vector<16xi32>
      %sub3A_2108 = arith.subi %min3A_2105, %sub3A_2107 : vector<16xi32>
      %gather3A_2109 = tpu.vector_load_idx %arg8[%add3A_1678, %sub3A_2108] : memref<32x516xf32, #tpu.memory_space<vmem>>[vector<16xi32>, vector<16xi32>], vector<16xf32>,
      %lt3A_2110 = arith.cmpf olt, %gather3A_2109, %add3A_1746 : vector<16xf32>
      %and3A_2111 = arith.andi %le3A_2102, %lt3A_2110 : vector<16xi1>
      %select_n3A_2112 = arith.select %and3A_2111, %add3A_2099, %select_n3A_2048 : vector<16xi1>, vector<16xi32>
      %add3A_2113 = arith.constant 16 : i32
      %add3A_2114 = vector.broadcast %add3A_2113 : i32 to vector<16xi32>
      %add3A_2115 = arith.addi %select_n3A_2064, %add3A_2114 : vector<16xi32>
      %le3A_2116 = arith.constant 516 : i32
      %le3A_2117 = vector.broadcast %le3A_2116 : i32 to vector<16xi32>
      %le3A_2118 = arith.cmpi sle, %add3A_2115, %le3A_2117 : vector<16xi32>
      %min3A_2119 = arith.constant 516 : i32
      %min3A_2120 = vector.broadcast %min3A_2119 : i32 to vector<16xi32>
      %min3A_2121 = arith.minsi %add3A_2115, %min3A_2120 : vector<16xi32>
      %sub3A_2122 = arith.constant 1 : i32
      %sub3A_2123 = vector.broadcast %sub3A_2122 : i32 to vector<16xi32>
      %sub3A_2124 = arith.subi %min3A_2121, %sub3A_2123 : vector<16xi32>
      %gather3A_2125 = tpu.vector_load_idx %arg8[%add3A_1678, %sub3A_2124] : memref<32x516xf32, #tpu.memory_space<vmem>>[vector<16xi32>, vector<16xi32>], vector<16xf32>,
      %lt3A_2126 = arith.cmpf olt, %gather3A_2125, %add3A_1749 : vector<16xf32>
      %and3A_2127 = arith.andi %le3A_2118, %lt3A_2126 : vector<16xi1>
      %select_n3A_2128 = arith.select %and3A_2127, %add3A_2115, %select_n3A_2064 : vector<16xi1>, vector<16xi32>
      %add3A_2129 = arith.constant 16 : i32
      %add3A_2130 = vector.broadcast %add3A_2129 : i32 to vector<16xi32>
      %add3A_2131 = arith.addi %select_n3A_2080, %add3A_2130 : vector<16xi32>
      %le3A_2132 = arith.constant 516 : i32
      %le3A_2133 = vector.broadcast %le3A_2132 : i32 to vector<16xi32>
      %le3A_2134 = arith.cmpi sle, %add3A_2131, %le3A_2133 : vector<16xi32>
      %min3A_2135 = arith.constant 516 : i32
      %min3A_2136 = vector.broadcast %min3A_2135 : i32 to vector<16xi32>
      %min3A_2137 = arith.minsi %add3A_2131, %min3A_2136 : vector<16xi32>
      %sub3A_2138 = arith.constant 1 : i32
      %sub3A_2139 = vector.broadcast %sub3A_2138 : i32 to vector<16xi32>
      %sub3A_2140 = arith.subi %min3A_2137, %sub3A_2139 : vector<16xi32>
      %gather3A_2141 = tpu.vector_load_idx %arg8[%add3A_1678, %sub3A_2140] : memref<32x516xf32, #tpu.memory_space<vmem>>[vector<16xi32>, vector<16xi32>], vector<16xf32>,
      %le3A_2142 = arith.cmpf ole, %gather3A_2141, %sub3A_1752 : vector<16xf32>
      %and3A_2143 = arith.andi %le3A_2134, %le3A_2142 : vector<16xi1>
      %select_n3A_2144 = arith.select %and3A_2143, %add3A_2131, %select_n3A_2080 : vector<16xi1>, vector<16xi32>
      %add3A_2145 = arith.constant 8 : i32
      %add3A_2146 = vector.broadcast %add3A_2145 : i32 to vector<16xi32>
      %add3A_2147 = arith.addi %select_n3A_2096, %add3A_2146 : vector<16xi32>
      %le3A_2148 = arith.constant 516 : i32
      %le3A_2149 = vector.broadcast %le3A_2148 : i32 to vector<16xi32>
      %le3A_2150 = arith.cmpi sle, %add3A_2147, %le3A_2149 : vector<16xi32>
      %min3A_2151 = arith.constant 516 : i32
      %min3A_2152 = vector.broadcast %min3A_2151 : i32 to vector<16xi32>
      %min3A_2153 = arith.minsi %add3A_2147, %min3A_2152 : vector<16xi32>
      %sub3A_2154 = arith.constant 1 : i32
      %sub3A_2155 = vector.broadcast %sub3A_2154 : i32 to vector<16xi32>
      %sub3A_2156 = arith.subi %min3A_2153, %sub3A_2155 : vector<16xi32>
      %gather3A_2157 = tpu.vector_load_idx %arg8[%add3A_1678, %sub3A_2156] : memref<32x516xf32, #tpu.memory_space<vmem>>[vector<16xi32>, vector<16xi32>], vector<16xf32>,
      %le3A_2158 = arith.cmpf ole, %gather3A_2157, %sub3A_1737 : vector<16xf32>
      %and3A_2159 = arith.andi %le3A_2150, %le3A_2158 : vector<16xi1>
      %select_n3A_2160 = arith.select %and3A_2159, %add3A_2147, %select_n3A_2096 : vector<16xi1>, vector<16xi32>
      %add3A_2161 = arith.constant 8 : i32
      %add3A_2162 = vector.broadcast %add3A_2161 : i32 to vector<16xi32>
      %add3A_2163 = arith.addi %select_n3A_2112, %add3A_2162 : vector<16xi32>
      %le3A_2164 = arith.constant 516 : i32
      %le3A_2165 = vector.broadcast %le3A_2164 : i32 to vector<16xi32>
      %le3A_2166 = arith.cmpi sle, %add3A_2163, %le3A_2165 : vector<16xi32>
      %min3A_2167 = arith.constant 516 : i32
      %min3A_2168 = vector.broadcast %min3A_2167 : i32 to vector<16xi32>
      %min3A_2169 = arith.minsi %add3A_2163, %min3A_2168 : vector<16xi32>
      %sub3A_2170 = arith.constant 1 : i32
      %sub3A_2171 = vector.broadcast %sub3A_2170 : i32 to vector<16xi32>
      %sub3A_2172 = arith.subi %min3A_2169, %sub3A_2171 : vector<16xi32>
      %gather3A_2173 = tpu.vector_load_idx %arg8[%add3A_1678, %sub3A_2172] : memref<32x516xf32, #tpu.memory_space<vmem>>[vector<16xi32>, vector<16xi32>], vector<16xf32>,
      %lt3A_2174 = arith.cmpf olt, %gather3A_2173, %add3A_1746 : vector<16xf32>
      %and3A_2175 = arith.andi %le3A_2166, %lt3A_2174 : vector<16xi1>
      %select_n3A_2176 = arith.select %and3A_2175, %add3A_2163, %select_n3A_2112 : vector<16xi1>, vector<16xi32>
      %add3A_2177 = arith.constant 8 : i32
      %add3A_2178 = vector.broadcast %add3A_2177 : i32 to vector<16xi32>
      %add3A_2179 = arith.addi %select_n3A_2128, %add3A_2178 : vector<16xi32>
      %le3A_2180 = arith.constant 516 : i32
      %le3A_2181 = vector.broadcast %le3A_2180 : i32 to vector<16xi32>
      %le3A_2182 = arith.cmpi sle, %add3A_2179, %le3A_2181 : vector<16xi32>
      %min3A_2183 = arith.constant 516 : i32
      %min3A_2184 = vector.broadcast %min3A_2183 : i32 to vector<16xi32>
      %min3A_2185 = arith.minsi %add3A_2179, %min3A_2184 : vector<16xi32>
      %sub3A_2186 = arith.constant 1 : i32
      %sub3A_2187 = vector.broadcast %sub3A_2186 : i32 to vector<16xi32>
      %sub3A_2188 = arith.subi %min3A_2185, %sub3A_2187 : vector<16xi32>
      %gather3A_2189 = tpu.vector_load_idx %arg8[%add3A_1678, %sub3A_2188] : memref<32x516xf32, #tpu.memory_space<vmem>>[vector<16xi32>, vector<16xi32>], vector<16xf32>,
      %lt3A_2190 = arith.cmpf olt, %gather3A_2189, %add3A_1749 : vector<16xf32>
      %and3A_2191 = arith.andi %le3A_2182, %lt3A_2190 : vector<16xi1>
      %select_n3A_2192 = arith.select %and3A_2191, %add3A_2179, %select_n3A_2128 : vector<16xi1>, vector<16xi32>
      %add3A_2193 = arith.constant 8 : i32
      %add3A_2194 = vector.broadcast %add3A_2193 : i32 to vector<16xi32>
      %add3A_2195 = arith.addi %select_n3A_2144, %add3A_2194 : vector<16xi32>
      %le3A_2196 = arith.constant 516 : i32
      %le3A_2197 = vector.broadcast %le3A_2196 : i32 to vector<16xi32>
      %le3A_2198 = arith.cmpi sle, %add3A_2195, %le3A_2197 : vector<16xi32>
      %min3A_2199 = arith.constant 516 : i32
      %min3A_2200 = vector.broadcast %min3A_2199 : i32 to vector<16xi32>
      %min3A_2201 = arith.minsi %add3A_2195, %min3A_2200 : vector<16xi32>
      %sub3A_2202 = arith.constant 1 : i32
      %sub3A_2203 = vector.broadcast %sub3A_2202 : i32 to vector<16xi32>
      %sub3A_2204 = arith.subi %min3A_2201, %sub3A_2203 : vector<16xi32>
      %gather3A_2205 = tpu.vector_load_idx %arg8[%add3A_1678, %sub3A_2204] : memref<32x516xf32, #tpu.memory_space<vmem>>[vector<16xi32>, vector<16xi32>], vector<16xf32>,
      %le3A_2206 = arith.cmpf ole, %gather3A_2205, %sub3A_1752 : vector<16xf32>
      %and3A_2207 = arith.andi %le3A_2198, %le3A_2206 : vector<16xi1>
      %select_n3A_2208 = arith.select %and3A_2207, %add3A_2195, %select_n3A_2144 : vector<16xi1>, vector<16xi32>
      %add3A_2209 = arith.constant 4 : i32
      %add3A_2210 = vector.broadcast %add3A_2209 : i32 to vector<16xi32>
      %add3A_2211 = arith.addi %select_n3A_2160, %add3A_2210 : vector<16xi32>
      %le3A_2212 = arith.constant 516 : i32
      %le3A_2213 = vector.broadcast %le3A_2212 : i32 to vector<16xi32>
      %le3A_2214 = arith.cmpi sle, %add3A_2211, %le3A_2213 : vector<16xi32>
      %min3A_2215 = arith.constant 516 : i32
      %min3A_2216 = vector.broadcast %min3A_2215 : i32 to vector<16xi32>
      %min3A_2217 = arith.minsi %add3A_2211, %min3A_2216 : vector<16xi32>
      %sub3A_2218 = arith.constant 1 : i32
      %sub3A_2219 = vector.broadcast %sub3A_2218 : i32 to vector<16xi32>
      %sub3A_2220 = arith.subi %min3A_2217, %sub3A_2219 : vector<16xi32>
      %gather3A_2221 = tpu.vector_load_idx %arg8[%add3A_1678, %sub3A_2220] : memref<32x516xf32, #tpu.memory_space<vmem>>[vector<16xi32>, vector<16xi32>], vector<16xf32>,
      %le3A_2222 = arith.cmpf ole, %gather3A_2221, %sub3A_1737 : vector<16xf32>
      %and3A_2223 = arith.andi %le3A_2214, %le3A_2222 : vector<16xi1>
      %select_n3A_2224 = arith.select %and3A_2223, %add3A_2211, %select_n3A_2160 : vector<16xi1>, vector<16xi32>
      %add3A_2225 = arith.constant 4 : i32
      %add3A_2226 = vector.broadcast %add3A_2225 : i32 to vector<16xi32>
      %add3A_2227 = arith.addi %select_n3A_2176, %add3A_2226 : vector<16xi32>
      %le3A_2228 = arith.constant 516 : i32
      %le3A_2229 = vector.broadcast %le3A_2228 : i32 to vector<16xi32>
      %le3A_2230 = arith.cmpi sle, %add3A_2227, %le3A_2229 : vector<16xi32>
      %min3A_2231 = arith.constant 516 : i32
      %min3A_2232 = vector.broadcast %min3A_2231 : i32 to vector<16xi32>
      %min3A_2233 = arith.minsi %add3A_2227, %min3A_2232 : vector<16xi32>
      %sub3A_2234 = arith.constant 1 : i32
      %sub3A_2235 = vector.broadcast %sub3A_2234 : i32 to vector<16xi32>
      %sub3A_2236 = arith.subi %min3A_2233, %sub3A_2235 : vector<16xi32>
      %gather3A_2237 = tpu.vector_load_idx %arg8[%add3A_1678, %sub3A_2236] : memref<32x516xf32, #tpu.memory_space<vmem>>[vector<16xi32>, vector<16xi32>], vector<16xf32>,
      %lt3A_2238 = arith.cmpf olt, %gather3A_2237, %add3A_1746 : vector<16xf32>
      %and3A_2239 = arith.andi %le3A_2230, %lt3A_2238 : vector<16xi1>
      %select_n3A_2240 = arith.select %and3A_2239, %add3A_2227, %select_n3A_2176 : vector<16xi1>, vector<16xi32>
      %add3A_2241 = arith.constant 4 : i32
      %add3A_2242 = vector.broadcast %add3A_2241 : i32 to vector<16xi32>
      %add3A_2243 = arith.addi %select_n3A_2192, %add3A_2242 : vector<16xi32>
      %le3A_2244 = arith.constant 516 : i32
      %le3A_2245 = vector.broadcast %le3A_2244 : i32 to vector<16xi32>
      %le3A_2246 = arith.cmpi sle, %add3A_2243, %le3A_2245 : vector<16xi32>
      %min3A_2247 = arith.constant 516 : i32
      %min3A_2248 = vector.broadcast %min3A_2247 : i32 to vector<16xi32>
      %min3A_2249 = arith.minsi %add3A_2243, %min3A_2248 : vector<16xi32>
      %sub3A_2250 = arith.constant 1 : i32
      %sub3A_2251 = vector.broadcast %sub3A_2250 : i32 to vector<16xi32>
      %sub3A_2252 = arith.subi %min3A_2249, %sub3A_2251 : vector<16xi32>
      %gather3A_2253 = tpu.vector_load_idx %arg8[%add3A_1678, %sub3A_2252] : memref<32x516xf32, #tpu.memory_space<vmem>>[vector<16xi32>, vector<16xi32>], vector<16xf32>,
      %lt3A_2254 = arith.cmpf olt, %gather3A_2253, %add3A_1749 : vector<16xf32>
      %and3A_2255 = arith.andi %le3A_2246, %lt3A_2254 : vector<16xi1>
      %select_n3A_2256 = arith.select %and3A_2255, %add3A_2243, %select_n3A_2192 : vector<16xi1>, vector<16xi32>
      %add3A_2257 = arith.constant 4 : i32
      %add3A_2258 = vector.broadcast %add3A_2257 : i32 to vector<16xi32>
      %add3A_2259 = arith.addi %select_n3A_2208, %add3A_2258 : vector<16xi32>
      %le3A_2260 = arith.constant 516 : i32
      %le3A_2261 = vector.broadcast %le3A_2260 : i32 to vector<16xi32>
      %le3A_2262 = arith.cmpi sle, %add3A_2259, %le3A_2261 : vector<16xi32>
      %min3A_2263 = arith.constant 516 : i32
      %min3A_2264 = vector.broadcast %min3A_2263 : i32 to vector<16xi32>
      %min3A_2265 = arith.minsi %add3A_2259, %min3A_2264 : vector<16xi32>
      %sub3A_2266 = arith.constant 1 : i32
      %sub3A_2267 = vector.broadcast %sub3A_2266 : i32 to vector<16xi32>
      %sub3A_2268 = arith.subi %min3A_2265, %sub3A_2267 : vector<16xi32>
      %gather3A_2269 = tpu.vector_load_idx %arg8[%add3A_1678, %sub3A_2268] : memref<32x516xf32, #tpu.memory_space<vmem>>[vector<16xi32>, vector<16xi32>], vector<16xf32>,
      %le3A_2270 = arith.cmpf ole, %gather3A_2269, %sub3A_1752 : vector<16xf32>
      %and3A_2271 = arith.andi %le3A_2262, %le3A_2270 : vector<16xi1>
      %select_n3A_2272 = arith.select %and3A_2271, %add3A_2259, %select_n3A_2208 : vector<16xi1>, vector<16xi32>
      %add3A_2273 = arith.constant 2 : i32
      %add3A_2274 = vector.broadcast %add3A_2273 : i32 to vector<16xi32>
      %add3A_2275 = arith.addi %select_n3A_2224, %add3A_2274 : vector<16xi32>
      %le3A_2276 = arith.constant 516 : i32
      %le3A_2277 = vector.broadcast %le3A_2276 : i32 to vector<16xi32>
      %le3A_2278 = arith.cmpi sle, %add3A_2275, %le3A_2277 : vector<16xi32>
      %min3A_2279 = arith.constant 516 : i32
      %min3A_2280 = vector.broadcast %min3A_2279 : i32 to vector<16xi32>
      %min3A_2281 = arith.minsi %add3A_2275, %min3A_2280 : vector<16xi32>
      %sub3A_2282 = arith.constant 1 : i32
      %sub3A_2283 = vector.broadcast %sub3A_2282 : i32 to vector<16xi32>
      %sub3A_2284 = arith.subi %min3A_2281, %sub3A_2283 : vector<16xi32>
      %gather3A_2285 = tpu.vector_load_idx %arg8[%add3A_1678, %sub3A_2284] : memref<32x516xf32, #tpu.memory_space<vmem>>[vector<16xi32>, vector<16xi32>], vector<16xf32>,
      %le3A_2286 = arith.cmpf ole, %gather3A_2285, %sub3A_1737 : vector<16xf32>
      %and3A_2287 = arith.andi %le3A_2278, %le3A_2286 : vector<16xi1>
      %select_n3A_2288 = arith.select %and3A_2287, %add3A_2275, %select_n3A_2224 : vector<16xi1>, vector<16xi32>
      %add3A_2289 = arith.constant 2 : i32
      %add3A_2290 = vector.broadcast %add3A_2289 : i32 to vector<16xi32>
      %add3A_2291 = arith.addi %select_n3A_2240, %add3A_2290 : vector<16xi32>
      %le3A_2292 = arith.constant 516 : i32
      %le3A_2293 = vector.broadcast %le3A_2292 : i32 to vector<16xi32>
      %le3A_2294 = arith.cmpi sle, %add3A_2291, %le3A_2293 : vector<16xi32>
      %min3A_2295 = arith.constant 516 : i32
      %min3A_2296 = vector.broadcast %min3A_2295 : i32 to vector<16xi32>
      %min3A_2297 = arith.minsi %add3A_2291, %min3A_2296 : vector<16xi32>
      %sub3A_2298 = arith.constant 1 : i32
      %sub3A_2299 = vector.broadcast %sub3A_2298 : i32 to vector<16xi32>
      %sub3A_2300 = arith.subi %min3A_2297, %sub3A_2299 : vector<16xi32>
      %gather3A_2301 = tpu.vector_load_idx %arg8[%add3A_1678, %sub3A_2300] : memref<32x516xf32, #tpu.memory_space<vmem>>[vector<16xi32>, vector<16xi32>], vector<16xf32>,
      %lt3A_2302 = arith.cmpf olt, %gather3A_2301, %add3A_1746 : vector<16xf32>
      %and3A_2303 = arith.andi %le3A_2294, %lt3A_2302 : vector<16xi1>
      %select_n3A_2304 = arith.select %and3A_2303, %add3A_2291, %select_n3A_2240 : vector<16xi1>, vector<16xi32>
      %add3A_2305 = arith.constant 2 : i32
      %add3A_2306 = vector.broadcast %add3A_2305 : i32 to vector<16xi32>
      %add3A_2307 = arith.addi %select_n3A_2256, %add3A_2306 : vector<16xi32>
      %le3A_2308 = arith.constant 516 : i32
      %le3A_2309 = vector.broadcast %le3A_2308 : i32 to vector<16xi32>
      %le3A_2310 = arith.cmpi sle, %add3A_2307, %le3A_2309 : vector<16xi32>
      %min3A_2311 = arith.constant 516 : i32
      %min3A_2312 = vector.broadcast %min3A_2311 : i32 to vector<16xi32>
      %min3A_2313 = arith.minsi %add3A_2307, %min3A_2312 : vector<16xi32>
      %sub3A_2314 = arith.constant 1 : i32
      %sub3A_2315 = vector.broadcast %sub3A_2314 : i32 to vector<16xi32>
      %sub3A_2316 = arith.subi %min3A_2313, %sub3A_2315 : vector<16xi32>
      %gather3A_2317 = tpu.vector_load_idx %arg8[%add3A_1678, %sub3A_2316] : memref<32x516xf32, #tpu.memory_space<vmem>>[vector<16xi32>, vector<16xi32>], vector<16xf32>,
      %lt3A_2318 = arith.cmpf olt, %gather3A_2317, %add3A_1749 : vector<16xf32>
      %and3A_2319 = arith.andi %le3A_2310, %lt3A_2318 : vector<16xi1>
      %select_n3A_2320 = arith.select %and3A_2319, %add3A_2307, %select_n3A_2256 : vector<16xi1>, vector<16xi32>
      %add3A_2321 = arith.constant 2 : i32
      %add3A_2322 = vector.broadcast %add3A_2321 : i32 to vector<16xi32>
      %add3A_2323 = arith.addi %select_n3A_2272, %add3A_2322 : vector<16xi32>
      %le3A_2324 = arith.constant 516 : i32
      %le3A_2325 = vector.broadcast %le3A_2324 : i32 to vector<16xi32>
      %le3A_2326 = arith.cmpi sle, %add3A_2323, %le3A_2325 : vector<16xi32>
      %min3A_2327 = arith.constant 516 : i32
      %min3A_2328 = vector.broadcast %min3A_2327 : i32 to vector<16xi32>
      %min3A_2329 = arith.minsi %add3A_2323, %min3A_2328 : vector<16xi32>
      %sub3A_2330 = arith.constant 1 : i32
      %sub3A_2331 = vector.broadcast %sub3A_2330 : i32 to vector<16xi32>
      %sub3A_2332 = arith.subi %min3A_2329, %sub3A_2331 : vector<16xi32>
      %gather3A_2333 = tpu.vector_load_idx %arg8[%add3A_1678, %sub3A_2332] : memref<32x516xf32, #tpu.memory_space<vmem>>[vector<16xi32>, vector<16xi32>], vector<16xf32>,
      %le3A_2334 = arith.cmpf ole, %gather3A_2333, %sub3A_1752 : vector<16xf32>
      %and3A_2335 = arith.andi %le3A_2326, %le3A_2334 : vector<16xi1>
      %select_n3A_2336 = arith.select %and3A_2335, %add3A_2323, %select_n3A_2272 : vector<16xi1>, vector<16xi32>
      %add3A_2337 = arith.constant 1 : i32
      %add3A_2338 = vector.broadcast %add3A_2337 : i32 to vector<16xi32>
      %add3A_2339 = arith.addi %select_n3A_2288, %add3A_2338 : vector<16xi32>
      %le3A_2340 = arith.constant 516 : i32
      %le3A_2341 = vector.broadcast %le3A_2340 : i32 to vector<16xi32>
      %le3A_2342 = arith.cmpi sle, %add3A_2339, %le3A_2341 : vector<16xi32>
      %min3A_2343 = arith.constant 516 : i32
      %min3A_2344 = vector.broadcast %min3A_2343 : i32 to vector<16xi32>
      %min3A_2345 = arith.minsi %add3A_2339, %min3A_2344 : vector<16xi32>
      %sub3A_2346 = arith.constant 1 : i32
      %sub3A_2347 = vector.broadcast %sub3A_2346 : i32 to vector<16xi32>
      %sub3A_2348 = arith.subi %min3A_2345, %sub3A_2347 : vector<16xi32>
      %gather3A_2349 = tpu.vector_load_idx %arg8[%add3A_1678, %sub3A_2348] : memref<32x516xf32, #tpu.memory_space<vmem>>[vector<16xi32>, vector<16xi32>], vector<16xf32>,
      %le3A_2350 = arith.cmpf ole, %gather3A_2349, %sub3A_1737 : vector<16xf32>
      %and3A_2351 = arith.andi %le3A_2342, %le3A_2350 : vector<16xi1>
      %select_n3A_2352 = arith.select %and3A_2351, %add3A_2339, %select_n3A_2288 : vector<16xi1>, vector<16xi32>
      %add3A_2353 = arith.constant 1 : i32
      %add3A_2354 = vector.broadcast %add3A_2353 : i32 to vector<16xi32>
      %add3A_2355 = arith.addi %select_n3A_2304, %add3A_2354 : vector<16xi32>
      %le3A_2356 = arith.constant 516 : i32
      %le3A_2357 = vector.broadcast %le3A_2356 : i32 to vector<16xi32>
      %le3A_2358 = arith.cmpi sle, %add3A_2355, %le3A_2357 : vector<16xi32>
      %min3A_2359 = arith.constant 516 : i32
      %min3A_2360 = vector.broadcast %min3A_2359 : i32 to vector<16xi32>
      %min3A_2361 = arith.minsi %add3A_2355, %min3A_2360 : vector<16xi32>
      %sub3A_2362 = arith.constant 1 : i32
      %sub3A_2363 = vector.broadcast %sub3A_2362 : i32 to vector<16xi32>
      %sub3A_2364 = arith.subi %min3A_2361, %sub3A_2363 : vector<16xi32>
      %gather3A_2365 = tpu.vector_load_idx %arg8[%add3A_1678, %sub3A_2364] : memref<32x516xf32, #tpu.memory_space<vmem>>[vector<16xi32>, vector<16xi32>], vector<16xf32>,
      %lt3A_2366 = arith.cmpf olt, %gather3A_2365, %add3A_1746 : vector<16xf32>
      %and3A_2367 = arith.andi %le3A_2358, %lt3A_2366 : vector<16xi1>
      %select_n3A_2368 = arith.select %and3A_2367, %add3A_2355, %select_n3A_2304 : vector<16xi1>, vector<16xi32>
      %add3A_2369 = arith.constant 1 : i32
      %add3A_2370 = vector.broadcast %add3A_2369 : i32 to vector<16xi32>
      %add3A_2371 = arith.addi %select_n3A_2320, %add3A_2370 : vector<16xi32>
      %le3A_2372 = arith.constant 516 : i32
      %le3A_2373 = vector.broadcast %le3A_2372 : i32 to vector<16xi32>
      %le3A_2374 = arith.cmpi sle, %add3A_2371, %le3A_2373 : vector<16xi32>
      %min3A_2375 = arith.constant 516 : i32
      %min3A_2376 = vector.broadcast %min3A_2375 : i32 to vector<16xi32>
      %min3A_2377 = arith.minsi %add3A_2371, %min3A_2376 : vector<16xi32>
      %sub3A_2378 = arith.constant 1 : i32
      %sub3A_2379 = vector.broadcast %sub3A_2378 : i32 to vector<16xi32>
      %sub3A_2380 = arith.subi %min3A_2377, %sub3A_2379 : vector<16xi32>
      %gather3A_2381 = tpu.vector_load_idx %arg8[%add3A_1678, %sub3A_2380] : memref<32x516xf32, #tpu.memory_space<vmem>>[vector<16xi32>, vector<16xi32>], vector<16xf32>,
      %lt3A_2382 = arith.cmpf olt, %gather3A_2381, %add3A_1749 : vector<16xf32>
      %and3A_2383 = arith.andi %le3A_2374, %lt3A_2382 : vector<16xi1>
      %select_n3A_2384 = arith.select %and3A_2383, %add3A_2371, %select_n3A_2320 : vector<16xi1>, vector<16xi32>
      %add3A_2385 = arith.constant 1 : i32
      %add3A_2386 = vector.broadcast %add3A_2385 : i32 to vector<16xi32>
      %add3A_2387 = arith.addi %select_n3A_2336, %add3A_2386 : vector<16xi32>
      %le3A_2388 = arith.constant 516 : i32
      %le3A_2389 = vector.broadcast %le3A_2388 : i32 to vector<16xi32>
      %le3A_2390 = arith.cmpi sle, %add3A_2387, %le3A_2389 : vector<16xi32>
      %min3A_2391 = arith.constant 516 : i32
      %min3A_2392 = vector.broadcast %min3A_2391 : i32 to vector<16xi32>
      %min3A_2393 = arith.minsi %add3A_2387, %min3A_2392 : vector<16xi32>
      %sub3A_2394 = arith.constant 1 : i32
      %sub3A_2395 = vector.broadcast %sub3A_2394 : i32 to vector<16xi32>
      %sub3A_2396 = arith.subi %min3A_2393, %sub3A_2395 : vector<16xi32>
      %gather3A_2397 = tpu.vector_load_idx %arg8[%add3A_1678, %sub3A_2396] : memref<32x516xf32, #tpu.memory_space<vmem>>[vector<16xi32>, vector<16xi32>], vector<16xf32>,
      %le3A_2398 = arith.cmpf ole, %gather3A_2397, %sub3A_1752 : vector<16xf32>
      %and3A_2399 = arith.andi %le3A_2390, %le3A_2398 : vector<16xi1>
      %select_n3A_2400 = arith.select %and3A_2399, %add3A_2387, %select_n3A_2336 : vector<16xi1>, vector<16xi32>
      %sub3A_2401 = arith.constant 1 : i32
      %sub3A_2402 = vector.broadcast %sub3A_2401 : i32 to vector<16xi32>
      %sub3A_2403 = arith.subi %select_n3A_2352, %sub3A_2402 : vector<16xi32>
      %max3A_2404 = arith.constant 0 : i32
      %max3A_2405 = vector.broadcast %max3A_2404 : i32 to vector<16xi32>
      %max3A_2406 = arith.maxsi %sub3A_2403, %max3A_2405 : vector<16xi32>
      %reduce_min3A_2407 = arith.constant true
      %reduce_min3A_2408 = vector.broadcast %reduce_min3A_2407 : i1 to vector<16xi1>
      %reduce_min3A_2409 = arith.constant -2147483648 : i32
      %reduce_min3A_2410 = vector.broadcast %reduce_min3A_2409 : i32 to vector<16xi32>
      %reduce_min3A_2411 = arith.xori %max3A_2406, %reduce_min3A_2410 : vector<16xi32>
      %reduce_min3A_2412 = tpu.scan <min>, %reduce_min3A_2411 masked %reduce_min3A_2408 : vector<16xi32>, vector<16xi1> -> vector<16xi32>
      %reduce_min3A_2413 = arith.xori %reduce_min3A_2412, %reduce_min3A_2410 : vector<16xi32>
      %reduce_min3A_2414 = vector.extract %reduce_min3A_2413[15] : i32 from vector<16xi32>
      %min3A_2415 = arith.constant 515 : i32
      %min3A_2416 = vector.broadcast %min3A_2415 : i32 to vector<16xi32>
      %min3A_2417 = arith.minsi %select_n3A_2368, %min3A_2416 : vector<16xi32>
      %reduce_max3A_2418 = arith.constant true
      %reduce_max3A_2419 = vector.broadcast %reduce_max3A_2418 : i1 to vector<16xi1>
      %reduce_max3A_2420 = arith.constant -2147483648 : i32
      %reduce_max3A_2421 = vector.broadcast %reduce_max3A_2420 : i32 to vector<16xi32>
      %reduce_max3A_2422 = arith.xori %min3A_2417, %reduce_max3A_2421 : vector<16xi32>
      %reduce_max3A_2423 = tpu.scan <max>, %reduce_max3A_2422 masked %reduce_max3A_2419 : vector<16xi32>, vector<16xi1> -> vector<16xi32>
      %reduce_max3A_2424 = arith.xori %reduce_max3A_2423, %reduce_max3A_2421 : vector<16xi32>
      %reduce_max3A_2425 = vector.extract %reduce_max3A_2424[15] : i32 from vector<16xi32>
      %reduce_max3A_2426 = arith.constant true
      %reduce_max3A_2427 = vector.broadcast %reduce_max3A_2426 : i1 to vector<16xi1>
      %reduce_max3A_2428 = arith.constant -2147483648 : i32
      %reduce_max3A_2429 = vector.broadcast %reduce_max3A_2428 : i32 to vector<16xi32>
      %reduce_max3A_2430 = arith.xori %select_n3A_2384, %reduce_max3A_2429 : vector<16xi32>
      %reduce_max3A_2431 = tpu.scan <max>, %reduce_max3A_2430 masked %reduce_max3A_2427 : vector<16xi32>, vector<16xi1> -> vector<16xi32>
      %reduce_max3A_2432 = arith.xori %reduce_max3A_2431, %reduce_max3A_2429 : vector<16xi32>
      %reduce_max3A_2433 = vector.extract %reduce_max3A_2432[15] : i32 from vector<16xi32>
      %reduce_min3A_2434 = arith.constant true
      %reduce_min3A_2435 = vector.broadcast %reduce_min3A_2434 : i1 to vector<16xi1>
      %reduce_min3A_2436 = arith.constant -2147483648 : i32
      %reduce_min3A_2437 = vector.broadcast %reduce_min3A_2436 : i32 to vector<16xi32>
      %reduce_min3A_2438 = arith.xori %select_n3A_2400, %reduce_min3A_2437 : vector<16xi32>
      %reduce_min3A_2439 = tpu.scan <min>, %reduce_min3A_2438 masked %reduce_min3A_2435 : vector<16xi32>, vector<16xi1> -> vector<16xi32>
      %reduce_min3A_2440 = arith.xori %reduce_min3A_2439, %reduce_min3A_2437 : vector<16xi32>
      %reduce_min3A_2441 = vector.extract %reduce_min3A_2440[15] : i32 from vector<16xi32>
      %sub3A_2442 = arith.constant 1 : i32
      %sub3A_2443 = arith.subi %reduce_min3A_2441, %sub3A_2442 : i32
      %gather3A_2444 = tpu.vector_load_idx %arg10[%add3A_1681, %broadcast_in_dim3A_35] : memref<32x8xf32, #tpu.memory_space<vmem>>[vector<16xi32>, vector<16xi32>], vector<16xf32>,
      %add3A_2445 = arith.constant 1 : i32
      %add3A_2446 = vector.broadcast %add3A_2445 : i32 to vector<16xi32>
      %add3A_2447 = arith.addi %broadcast_in_dim3A_35, %add3A_2446 : vector<16xi32>
      %gather3A_2448 = tpu.vector_load_idx %arg10[%add3A_1681, %add3A_2447] : memref<32x8xf32, #tpu.memory_space<vmem>>[vector<16xi32>, vector<16xi32>], vector<16xf32>,
      %add3A_2449 = arith.constant 2 : i32
      %add3A_2450 = vector.broadcast %add3A_2449 : i32 to vector<16xi32>
      %add3A_2451 = arith.addi %broadcast_in_dim3A_35, %add3A_2450 : vector<16xi32>
      %gather3A_2452 = tpu.vector_load_idx %arg10[%add3A_1681, %add3A_2451] : memref<32x8xf32, #tpu.memory_space<vmem>>[vector<16xi32>, vector<16xi32>], vector<16xf32>,
      %add3A_2453 = arith.constant 3 : i32
      %add3A_2454 = vector.broadcast %add3A_2453 : i32 to vector<16xi32>
      %add3A_2455 = arith.addi %broadcast_in_dim3A_35, %add3A_2454 : vector<16xi32>
      %gather3A_2456 = tpu.vector_load_idx %arg10[%add3A_1681, %add3A_2455] : memref<32x8xf32, #tpu.memory_space<vmem>>[vector<16xi32>, vector<16xi32>], vector<16xf32>,
      %add3A_2457 = arith.constant 4 : i32
      %add3A_2458 = vector.broadcast %add3A_2457 : i32 to vector<16xi32>
      %add3A_2459 = arith.addi %broadcast_in_dim3A_35, %add3A_2458 : vector<16xi32>
      %gather3A_2460 = tpu.vector_load_idx %arg10[%add3A_1681, %add3A_2459] : memref<32x8xf32, #tpu.memory_space<vmem>>[vector<16xi32>, vector<16xi32>], vector<16xf32>,
      %abs3A_2461 = math.absf %gather3A_2452 : vector<16xf32>
      %lt3A_2462 = arith.constant 9.99999971E-10 : f32
      %lt3A_2463 = vector.broadcast %lt3A_2462 : f32 to vector<16xf32>
      %lt3A_2464 = arith.cmpf olt, %abs3A_2461, %lt3A_2463 : vector<16xf32>
      %jit3A_2465 = arith.constant 9.99999971E-10 : f32
      %broadcast_in_dim3A_2466 = vector.broadcast %jit3A_2465 : f32 to vector<16xf32>
      %select_n3A_2467 = arith.select %lt3A_2464, %broadcast_in_dim3A_2466, %gather3A_2452 : vector<16xi1>, vector<16xf32>
      %abs3A_2468 = math.absf %gather3A_2456 : vector<16xf32>
      %lt3A_2469 = arith.constant 9.99999971E-10 : f32
      %lt3A_2470 = vector.broadcast %lt3A_2469 : f32 to vector<16xf32>
      %lt3A_2471 = arith.cmpf olt, %abs3A_2468, %lt3A_2470 : vector<16xf32>
      %jit3A_2472 = arith.constant 9.99999971E-10 : f32
      %broadcast_in_dim3A_2473 = vector.broadcast %jit3A_2472 : f32 to vector<16xf32>
      %select_n3A_2474 = arith.select %lt3A_2471, %broadcast_in_dim3A_2473, %gather3A_2456 : vector<16xi1>, vector<16xf32>
      %sub3A_2475 = arith.constant 0.000000e+00 : f32
      %sub3A_2476 = vector.broadcast %sub3A_2475 : f32 to vector<16xf32>
      %sub3A_2477 = arith.subf %sub3A_2476, %gather3A_2444 : vector<16xf32>
      %div3A_2478 = arith.divf %sub3A_2477, %select_n3A_2467 : vector<16xf32>
      %sub3A_2479 = arith.constant 2.560000e+02 : f32
      %sub3A_2480 = vector.broadcast %sub3A_2479 : f32 to vector<16xf32>
      %sub3A_2481 = arith.subf %sub3A_2480, %gather3A_2444 : vector<16xf32>
      %div3A_2482 = arith.divf %sub3A_2481, %select_n3A_2467 : vector<16xf32>
      %sub3A_2483 = arith.constant 0.000000e+00 : f32
      %sub3A_2484 = vector.broadcast %sub3A_2483 : f32 to vector<16xf32>
      %sub3A_2485 = arith.subf %sub3A_2484, %gather3A_2448 : vector<16xf32>
      %div3A_2486 = arith.divf %sub3A_2485, %select_n3A_2474 : vector<16xf32>
      %sub3A_2487 = arith.constant 2.560000e+02 : f32
      %sub3A_2488 = vector.broadcast %sub3A_2487 : f32 to vector<16xf32>
      %sub3A_2489 = arith.subf %sub3A_2488, %gather3A_2448 : vector<16xf32>
      %div3A_2490 = arith.divf %sub3A_2489, %select_n3A_2474 : vector<16xf32>
      %min3A_2491 = arith.minimumf %div3A_2478, %div3A_2482 : vector<16xf32>
      %min3A_2492 = arith.minimumf %div3A_2486, %div3A_2490 : vector<16xf32>
      %max3A_2493 = arith.maximumf %min3A_2491, %min3A_2492 : vector<16xf32>
      %max3A_2494 = arith.constant 0.000000e+00 : f32
      %max3A_2495 = vector.broadcast %max3A_2494 : f32 to vector<16xf32>
      %max3A_2496 = arith.maximumf %max3A_2493, %max3A_2495 : vector<16xf32>
      %sub3A_2497 = arith.constant 9.99999974E-5 : f32
      %sub3A_2498 = vector.broadcast %sub3A_2497 : f32 to vector<16xf32>
      %sub3A_2499 = arith.subf %max3A_2496, %sub3A_2498 : vector<16xf32>
      %max3A_2500 = arith.maximumf %div3A_2478, %div3A_2482 : vector<16xf32>
      %max3A_2501 = arith.maximumf %div3A_2486, %div3A_2490 : vector<16xf32>
      %min3A_2502 = arith.minimumf %max3A_2500, %max3A_2501 : vector<16xf32>
      %min3A_2503 = arith.constant 1.000000e+00 : f32
      %min3A_2504 = vector.broadcast %min3A_2503 : f32 to vector<16xf32>
      %min3A_2505 = arith.minimumf %min3A_2502, %min3A_2504 : vector<16xf32>
      %add3A_2506 = arith.constant 9.99999974E-5 : f32
      %add3A_2507 = vector.broadcast %add3A_2506 : f32 to vector<16xf32>
      %add3A_2508 = arith.addf %min3A_2505, %add3A_2507 : vector<16xf32>
      %add3A_2509 = arith.constant 2.000000e-04 : f32
      %add3A_2510 = vector.broadcast %add3A_2509 : f32 to vector<16xf32>
      %add3A_2511 = arith.addf %sub3A_2499, %add3A_2510 : vector<16xf32>
      %sub3A_2512 = arith.constant 2.000000e-04 : f32
      %sub3A_2513 = vector.broadcast %sub3A_2512 : f32 to vector<16xf32>
      %sub3A_2514 = arith.subf %add3A_2508, %sub3A_2513 : vector<16xf32>
      %broadcast_in_dim3A_2515 = arith.constant 0 : i32
      %broadcast_in_dim3A_2516 = vector.broadcast %broadcast_in_dim3A_2515 : i32 to vector<16xi32>
      %broadcast_in_dim3A_2517 = arith.constant 0 : i32
      %broadcast_in_dim3A_2518 = vector.broadcast %broadcast_in_dim3A_2517 : i32 to vector<16xi32>
      %broadcast_in_dim3A_2519 = arith.constant 0 : i32
      %broadcast_in_dim3A_2520 = vector.broadcast %broadcast_in_dim3A_2519 : i32 to vector<16xi32>
      %broadcast_in_dim3A_2521 = arith.constant 0 : i32
      %broadcast_in_dim3A_2522 = vector.broadcast %broadcast_in_dim3A_2521 : i32 to vector<16xi32>
      %add3A_2523 = arith.constant 512 : i32
      %add3A_2524 = vector.broadcast %add3A_2523 : i32 to vector<16xi32>
      %add3A_2525 = arith.addi %broadcast_in_dim3A_2516, %add3A_2524 : vector<16xi32>
      %le3A_2526 = arith.constant 516 : i32
      %le3A_2527 = vector.broadcast %le3A_2526 : i32 to vector<16xi32>
      %le3A_2528 = arith.cmpi sle, %add3A_2525, %le3A_2527 : vector<16xi32>
      %min3A_2529 = arith.constant 516 : i32
      %min3A_2530 = vector.broadcast %min3A_2529 : i32 to vector<16xi32>
      %min3A_2531 = arith.minsi %add3A_2525, %min3A_2530 : vector<16xi32>
      %sub3A_2532 = arith.constant 1 : i32
      %sub3A_2533 = vector.broadcast %sub3A_2532 : i32 to vector<16xi32>
      %sub3A_2534 = arith.subi %min3A_2531, %sub3A_2533 : vector<16xi32>
      %gather3A_2535 = tpu.vector_load_idx %arg8[%add3A_1681, %sub3A_2534] : memref<32x516xf32, #tpu.memory_space<vmem>>[vector<16xi32>, vector<16xi32>], vector<16xf32>,
      %le3A_2536 = arith.cmpf ole, %gather3A_2535, %sub3A_2499 : vector<16xf32>
      %and3A_2537 = arith.andi %le3A_2528, %le3A_2536 : vector<16xi1>
      %select_n3A_2538 = arith.select %and3A_2537, %add3A_2525, %broadcast_in_dim3A_2516 : vector<16xi1>, vector<16xi32>
      %add3A_2539 = arith.constant 512 : i32
      %add3A_2540 = vector.broadcast %add3A_2539 : i32 to vector<16xi32>
      %add3A_2541 = arith.addi %broadcast_in_dim3A_2518, %add3A_2540 : vector<16xi32>
      %le3A_2542 = arith.constant 516 : i32
      %le3A_2543 = vector.broadcast %le3A_2542 : i32 to vector<16xi32>
      %le3A_2544 = arith.cmpi sle, %add3A_2541, %le3A_2543 : vector<16xi32>
      %min3A_2545 = arith.constant 516 : i32
      %min3A_2546 = vector.broadcast %min3A_2545 : i32 to vector<16xi32>
      %min3A_2547 = arith.minsi %add3A_2541, %min3A_2546 : vector<16xi32>
      %sub3A_2548 = arith.constant 1 : i32
      %sub3A_2549 = vector.broadcast %sub3A_2548 : i32 to vector<16xi32>
      %sub3A_2550 = arith.subi %min3A_2547, %sub3A_2549 : vector<16xi32>
      %gather3A_2551 = tpu.vector_load_idx %arg8[%add3A_1681, %sub3A_2550] : memref<32x516xf32, #tpu.memory_space<vmem>>[vector<16xi32>, vector<16xi32>], vector<16xf32>,
      %lt3A_2552 = arith.cmpf olt, %gather3A_2551, %add3A_2508 : vector<16xf32>
      %and3A_2553 = arith.andi %le3A_2544, %lt3A_2552 : vector<16xi1>
      %select_n3A_2554 = arith.select %and3A_2553, %add3A_2541, %broadcast_in_dim3A_2518 : vector<16xi1>, vector<16xi32>
      %add3A_2555 = arith.constant 512 : i32
      %add3A_2556 = vector.broadcast %add3A_2555 : i32 to vector<16xi32>
      %add3A_2557 = arith.addi %broadcast_in_dim3A_2520, %add3A_2556 : vector<16xi32>
      %le3A_2558 = arith.constant 516 : i32
      %le3A_2559 = vector.broadcast %le3A_2558 : i32 to vector<16xi32>
      %le3A_2560 = arith.cmpi sle, %add3A_2557, %le3A_2559 : vector<16xi32>
      %min3A_2561 = arith.constant 516 : i32
      %min3A_2562 = vector.broadcast %min3A_2561 : i32 to vector<16xi32>
      %min3A_2563 = arith.minsi %add3A_2557, %min3A_2562 : vector<16xi32>
      %sub3A_2564 = arith.constant 1 : i32
      %sub3A_2565 = vector.broadcast %sub3A_2564 : i32 to vector<16xi32>
      %sub3A_2566 = arith.subi %min3A_2563, %sub3A_2565 : vector<16xi32>
      %gather3A_2567 = tpu.vector_load_idx %arg8[%add3A_1681, %sub3A_2566] : memref<32x516xf32, #tpu.memory_space<vmem>>[vector<16xi32>, vector<16xi32>], vector<16xf32>,
      %lt3A_2568 = arith.cmpf olt, %gather3A_2567, %add3A_2511 : vector<16xf32>
      %and3A_2569 = arith.andi %le3A_2560, %lt3A_2568 : vector<16xi1>
      %select_n3A_2570 = arith.select %and3A_2569, %add3A_2557, %broadcast_in_dim3A_2520 : vector<16xi1>, vector<16xi32>
      %add3A_2571 = arith.constant 512 : i32
      %add3A_2572 = vector.broadcast %add3A_2571 : i32 to vector<16xi32>
      %add3A_2573 = arith.addi %broadcast_in_dim3A_2522, %add3A_2572 : vector<16xi32>
      %le3A_2574 = arith.constant 516 : i32
      %le3A_2575 = vector.broadcast %le3A_2574 : i32 to vector<16xi32>
      %le3A_2576 = arith.cmpi sle, %add3A_2573, %le3A_2575 : vector<16xi32>
      %min3A_2577 = arith.constant 516 : i32
      %min3A_2578 = vector.broadcast %min3A_2577 : i32 to vector<16xi32>
      %min3A_2579 = arith.minsi %add3A_2573, %min3A_2578 : vector<16xi32>
      %sub3A_2580 = arith.constant 1 : i32
      %sub3A_2581 = vector.broadcast %sub3A_2580 : i32 to vector<16xi32>
      %sub3A_2582 = arith.subi %min3A_2579, %sub3A_2581 : vector<16xi32>
      %gather3A_2583 = tpu.vector_load_idx %arg8[%add3A_1681, %sub3A_2582] : memref<32x516xf32, #tpu.memory_space<vmem>>[vector<16xi32>, vector<16xi32>], vector<16xf32>,
      %le3A_2584 = arith.cmpf ole, %gather3A_2583, %sub3A_2514 : vector<16xf32>
      %and3A_2585 = arith.andi %le3A_2576, %le3A_2584 : vector<16xi1>
      %select_n3A_2586 = arith.select %and3A_2585, %add3A_2573, %broadcast_in_dim3A_2522 : vector<16xi1>, vector<16xi32>
      %add3A_2587 = arith.constant 256 : i32
      %add3A_2588 = vector.broadcast %add3A_2587 : i32 to vector<16xi32>
      %add3A_2589 = arith.addi %select_n3A_2538, %add3A_2588 : vector<16xi32>
      %le3A_2590 = arith.constant 516 : i32
      %le3A_2591 = vector.broadcast %le3A_2590 : i32 to vector<16xi32>
      %le3A_2592 = arith.cmpi sle, %add3A_2589, %le3A_2591 : vector<16xi32>
      %min3A_2593 = arith.constant 516 : i32
      %min3A_2594 = vector.broadcast %min3A_2593 : i32 to vector<16xi32>
      %min3A_2595 = arith.minsi %add3A_2589, %min3A_2594 : vector<16xi32>
      %sub3A_2596 = arith.constant 1 : i32
      %sub3A_2597 = vector.broadcast %sub3A_2596 : i32 to vector<16xi32>
      %sub3A_2598 = arith.subi %min3A_2595, %sub3A_2597 : vector<16xi32>
      %gather3A_2599 = tpu.vector_load_idx %arg8[%add3A_1681, %sub3A_2598] : memref<32x516xf32, #tpu.memory_space<vmem>>[vector<16xi32>, vector<16xi32>], vector<16xf32>,
      %le3A_2600 = arith.cmpf ole, %gather3A_2599, %sub3A_2499 : vector<16xf32>
      %and3A_2601 = arith.andi %le3A_2592, %le3A_2600 : vector<16xi1>
      %select_n3A_2602 = arith.select %and3A_2601, %add3A_2589, %select_n3A_2538 : vector<16xi1>, vector<16xi32>
      %add3A_2603 = arith.constant 256 : i32
      %add3A_2604 = vector.broadcast %add3A_2603 : i32 to vector<16xi32>
      %add3A_2605 = arith.addi %select_n3A_2554, %add3A_2604 : vector<16xi32>
      %le3A_2606 = arith.constant 516 : i32
      %le3A_2607 = vector.broadcast %le3A_2606 : i32 to vector<16xi32>
      %le3A_2608 = arith.cmpi sle, %add3A_2605, %le3A_2607 : vector<16xi32>
      %min3A_2609 = arith.constant 516 : i32
      %min3A_2610 = vector.broadcast %min3A_2609 : i32 to vector<16xi32>
      %min3A_2611 = arith.minsi %add3A_2605, %min3A_2610 : vector<16xi32>
      %sub3A_2612 = arith.constant 1 : i32
      %sub3A_2613 = vector.broadcast %sub3A_2612 : i32 to vector<16xi32>
      %sub3A_2614 = arith.subi %min3A_2611, %sub3A_2613 : vector<16xi32>
      %gather3A_2615 = tpu.vector_load_idx %arg8[%add3A_1681, %sub3A_2614] : memref<32x516xf32, #tpu.memory_space<vmem>>[vector<16xi32>, vector<16xi32>], vector<16xf32>,
      %lt3A_2616 = arith.cmpf olt, %gather3A_2615, %add3A_2508 : vector<16xf32>
      %and3A_2617 = arith.andi %le3A_2608, %lt3A_2616 : vector<16xi1>
      %select_n3A_2618 = arith.select %and3A_2617, %add3A_2605, %select_n3A_2554 : vector<16xi1>, vector<16xi32>
      %add3A_2619 = arith.constant 256 : i32
      %add3A_2620 = vector.broadcast %add3A_2619 : i32 to vector<16xi32>
      %add3A_2621 = arith.addi %select_n3A_2570, %add3A_2620 : vector<16xi32>
      %le3A_2622 = arith.constant 516 : i32
      %le3A_2623 = vector.broadcast %le3A_2622 : i32 to vector<16xi32>
      %le3A_2624 = arith.cmpi sle, %add3A_2621, %le3A_2623 : vector<16xi32>
      %min3A_2625 = arith.constant 516 : i32
      %min3A_2626 = vector.broadcast %min3A_2625 : i32 to vector<16xi32>
      %min3A_2627 = arith.minsi %add3A_2621, %min3A_2626 : vector<16xi32>
      %sub3A_2628 = arith.constant 1 : i32
      %sub3A_2629 = vector.broadcast %sub3A_2628 : i32 to vector<16xi32>
      %sub3A_2630 = arith.subi %min3A_2627, %sub3A_2629 : vector<16xi32>
      %gather3A_2631 = tpu.vector_load_idx %arg8[%add3A_1681, %sub3A_2630] : memref<32x516xf32, #tpu.memory_space<vmem>>[vector<16xi32>, vector<16xi32>], vector<16xf32>,
      %lt3A_2632 = arith.cmpf olt, %gather3A_2631, %add3A_2511 : vector<16xf32>
      %and3A_2633 = arith.andi %le3A_2624, %lt3A_2632 : vector<16xi1>
      %select_n3A_2634 = arith.select %and3A_2633, %add3A_2621, %select_n3A_2570 : vector<16xi1>, vector<16xi32>
      %add3A_2635 = arith.constant 256 : i32
      %add3A_2636 = vector.broadcast %add3A_2635 : i32 to vector<16xi32>
      %add3A_2637 = arith.addi %select_n3A_2586, %add3A_2636 : vector<16xi32>
      %le3A_2638 = arith.constant 516 : i32
      %le3A_2639 = vector.broadcast %le3A_2638 : i32 to vector<16xi32>
      %le3A_2640 = arith.cmpi sle, %add3A_2637, %le3A_2639 : vector<16xi32>
      %min3A_2641 = arith.constant 516 : i32
      %min3A_2642 = vector.broadcast %min3A_2641 : i32 to vector<16xi32>
      %min3A_2643 = arith.minsi %add3A_2637, %min3A_2642 : vector<16xi32>
      %sub3A_2644 = arith.constant 1 : i32
      %sub3A_2645 = vector.broadcast %sub3A_2644 : i32 to vector<16xi32>
      %sub3A_2646 = arith.subi %min3A_2643, %sub3A_2645 : vector<16xi32>
      %gather3A_2647 = tpu.vector_load_idx %arg8[%add3A_1681, %sub3A_2646] : memref<32x516xf32, #tpu.memory_space<vmem>>[vector<16xi32>, vector<16xi32>], vector<16xf32>,
      %le3A_2648 = arith.cmpf ole, %gather3A_2647, %sub3A_2514 : vector<16xf32>
      %and3A_2649 = arith.andi %le3A_2640, %le3A_2648 : vector<16xi1>
      %select_n3A_2650 = arith.select %and3A_2649, %add3A_2637, %select_n3A_2586 : vector<16xi1>, vector<16xi32>
      %add3A_2651 = arith.constant 128 : i32
      %add3A_2652 = vector.broadcast %add3A_2651 : i32 to vector<16xi32>
      %add3A_2653 = arith.addi %select_n3A_2602, %add3A_2652 : vector<16xi32>
      %le3A_2654 = arith.constant 516 : i32
      %le3A_2655 = vector.broadcast %le3A_2654 : i32 to vector<16xi32>
      %le3A_2656 = arith.cmpi sle, %add3A_2653, %le3A_2655 : vector<16xi32>
      %min3A_2657 = arith.constant 516 : i32
      %min3A_2658 = vector.broadcast %min3A_2657 : i32 to vector<16xi32>
      %min3A_2659 = arith.minsi %add3A_2653, %min3A_2658 : vector<16xi32>
      %sub3A_2660 = arith.constant 1 : i32
      %sub3A_2661 = vector.broadcast %sub3A_2660 : i32 to vector<16xi32>
      %sub3A_2662 = arith.subi %min3A_2659, %sub3A_2661 : vector<16xi32>
      %gather3A_2663 = tpu.vector_load_idx %arg8[%add3A_1681, %sub3A_2662] : memref<32x516xf32, #tpu.memory_space<vmem>>[vector<16xi32>, vector<16xi32>], vector<16xf32>,
      %le3A_2664 = arith.cmpf ole, %gather3A_2663, %sub3A_2499 : vector<16xf32>
      %and3A_2665 = arith.andi %le3A_2656, %le3A_2664 : vector<16xi1>
      %select_n3A_2666 = arith.select %and3A_2665, %add3A_2653, %select_n3A_2602 : vector<16xi1>, vector<16xi32>
      %add3A_2667 = arith.constant 128 : i32
      %add3A_2668 = vector.broadcast %add3A_2667 : i32 to vector<16xi32>
      %add3A_2669 = arith.addi %select_n3A_2618, %add3A_2668 : vector<16xi32>
      %le3A_2670 = arith.constant 516 : i32
      %le3A_2671 = vector.broadcast %le3A_2670 : i32 to vector<16xi32>
      %le3A_2672 = arith.cmpi sle, %add3A_2669, %le3A_2671 : vector<16xi32>
      %min3A_2673 = arith.constant 516 : i32
      %min3A_2674 = vector.broadcast %min3A_2673 : i32 to vector<16xi32>
      %min3A_2675 = arith.minsi %add3A_2669, %min3A_2674 : vector<16xi32>
      %sub3A_2676 = arith.constant 1 : i32
      %sub3A_2677 = vector.broadcast %sub3A_2676 : i32 to vector<16xi32>
      %sub3A_2678 = arith.subi %min3A_2675, %sub3A_2677 : vector<16xi32>
      %gather3A_2679 = tpu.vector_load_idx %arg8[%add3A_1681, %sub3A_2678] : memref<32x516xf32, #tpu.memory_space<vmem>>[vector<16xi32>, vector<16xi32>], vector<16xf32>,
      %lt3A_2680 = arith.cmpf olt, %gather3A_2679, %add3A_2508 : vector<16xf32>
      %and3A_2681 = arith.andi %le3A_2672, %lt3A_2680 : vector<16xi1>
      %select_n3A_2682 = arith.select %and3A_2681, %add3A_2669, %select_n3A_2618 : vector<16xi1>, vector<16xi32>
      %add3A_2683 = arith.constant 128 : i32
      %add3A_2684 = vector.broadcast %add3A_2683 : i32 to vector<16xi32>
      %add3A_2685 = arith.addi %select_n3A_2634, %add3A_2684 : vector<16xi32>
      %le3A_2686 = arith.constant 516 : i32
      %le3A_2687 = vector.broadcast %le3A_2686 : i32 to vector<16xi32>
      %le3A_2688 = arith.cmpi sle, %add3A_2685, %le3A_2687 : vector<16xi32>
      %min3A_2689 = arith.constant 516 : i32
      %min3A_2690 = vector.broadcast %min3A_2689 : i32 to vector<16xi32>
      %min3A_2691 = arith.minsi %add3A_2685, %min3A_2690 : vector<16xi32>
      %sub3A_2692 = arith.constant 1 : i32
      %sub3A_2693 = vector.broadcast %sub3A_2692 : i32 to vector<16xi32>
      %sub3A_2694 = arith.subi %min3A_2691, %sub3A_2693 : vector<16xi32>
      %gather3A_2695 = tpu.vector_load_idx %arg8[%add3A_1681, %sub3A_2694] : memref<32x516xf32, #tpu.memory_space<vmem>>[vector<16xi32>, vector<16xi32>], vector<16xf32>,
      %lt3A_2696 = arith.cmpf olt, %gather3A_2695, %add3A_2511 : vector<16xf32>
      %and3A_2697 = arith.andi %le3A_2688, %lt3A_2696 : vector<16xi1>
      %select_n3A_2698 = arith.select %and3A_2697, %add3A_2685, %select_n3A_2634 : vector<16xi1>, vector<16xi32>
      %add3A_2699 = arith.constant 128 : i32
      %add3A_2700 = vector.broadcast %add3A_2699 : i32 to vector<16xi32>
      %add3A_2701 = arith.addi %select_n3A_2650, %add3A_2700 : vector<16xi32>
      %le3A_2702 = arith.constant 516 : i32
      %le3A_2703 = vector.broadcast %le3A_2702 : i32 to vector<16xi32>
      %le3A_2704 = arith.cmpi sle, %add3A_2701, %le3A_2703 : vector<16xi32>
      %min3A_2705 = arith.constant 516 : i32
      %min3A_2706 = vector.broadcast %min3A_2705 : i32 to vector<16xi32>
      %min3A_2707 = arith.minsi %add3A_2701, %min3A_2706 : vector<16xi32>
      %sub3A_2708 = arith.constant 1 : i32
      %sub3A_2709 = vector.broadcast %sub3A_2708 : i32 to vector<16xi32>
      %sub3A_2710 = arith.subi %min3A_2707, %sub3A_2709 : vector<16xi32>
      %gather3A_2711 = tpu.vector_load_idx %arg8[%add3A_1681, %sub3A_2710] : memref<32x516xf32, #tpu.memory_space<vmem>>[vector<16xi32>, vector<16xi32>], vector<16xf32>,
      %le3A_2712 = arith.cmpf ole, %gather3A_2711, %sub3A_2514 : vector<16xf32>
      %and3A_2713 = arith.andi %le3A_2704, %le3A_2712 : vector<16xi1>
      %select_n3A_2714 = arith.select %and3A_2713, %add3A_2701, %select_n3A_2650 : vector<16xi1>, vector<16xi32>
      %add3A_2715 = arith.constant 64 : i32
      %add3A_2716 = vector.broadcast %add3A_2715 : i32 to vector<16xi32>
      %add3A_2717 = arith.addi %select_n3A_2666, %add3A_2716 : vector<16xi32>
      %le3A_2718 = arith.constant 516 : i32
      %le3A_2719 = vector.broadcast %le3A_2718 : i32 to vector<16xi32>
      %le3A_2720 = arith.cmpi sle, %add3A_2717, %le3A_2719 : vector<16xi32>
      %min3A_2721 = arith.constant 516 : i32
      %min3A_2722 = vector.broadcast %min3A_2721 : i32 to vector<16xi32>
      %min3A_2723 = arith.minsi %add3A_2717, %min3A_2722 : vector<16xi32>
      %sub3A_2724 = arith.constant 1 : i32
      %sub3A_2725 = vector.broadcast %sub3A_2724 : i32 to vector<16xi32>
      %sub3A_2726 = arith.subi %min3A_2723, %sub3A_2725 : vector<16xi32>
      %gather3A_2727 = tpu.vector_load_idx %arg8[%add3A_1681, %sub3A_2726] : memref<32x516xf32, #tpu.memory_space<vmem>>[vector<16xi32>, vector<16xi32>], vector<16xf32>,
      %le3A_2728 = arith.cmpf ole, %gather3A_2727, %sub3A_2499 : vector<16xf32>
      %and3A_2729 = arith.andi %le3A_2720, %le3A_2728 : vector<16xi1>
      %select_n3A_2730 = arith.select %and3A_2729, %add3A_2717, %select_n3A_2666 : vector<16xi1>, vector<16xi32>
      %add3A_2731 = arith.constant 64 : i32
      %add3A_2732 = vector.broadcast %add3A_2731 : i32 to vector<16xi32>
      %add3A_2733 = arith.addi %select_n3A_2682, %add3A_2732 : vector<16xi32>
      %le3A_2734 = arith.constant 516 : i32
      %le3A_2735 = vector.broadcast %le3A_2734 : i32 to vector<16xi32>
      %le3A_2736 = arith.cmpi sle, %add3A_2733, %le3A_2735 : vector<16xi32>
      %min3A_2737 = arith.constant 516 : i32
      %min3A_2738 = vector.broadcast %min3A_2737 : i32 to vector<16xi32>
      %min3A_2739 = arith.minsi %add3A_2733, %min3A_2738 : vector<16xi32>
      %sub3A_2740 = arith.constant 1 : i32
      %sub3A_2741 = vector.broadcast %sub3A_2740 : i32 to vector<16xi32>
      %sub3A_2742 = arith.subi %min3A_2739, %sub3A_2741 : vector<16xi32>
      %gather3A_2743 = tpu.vector_load_idx %arg8[%add3A_1681, %sub3A_2742] : memref<32x516xf32, #tpu.memory_space<vmem>>[vector<16xi32>, vector<16xi32>], vector<16xf32>,
      %lt3A_2744 = arith.cmpf olt, %gather3A_2743, %add3A_2508 : vector<16xf32>
      %and3A_2745 = arith.andi %le3A_2736, %lt3A_2744 : vector<16xi1>
      %select_n3A_2746 = arith.select %and3A_2745, %add3A_2733, %select_n3A_2682 : vector<16xi1>, vector<16xi32>
      %add3A_2747 = arith.constant 64 : i32
      %add3A_2748 = vector.broadcast %add3A_2747 : i32 to vector<16xi32>
      %add3A_2749 = arith.addi %select_n3A_2698, %add3A_2748 : vector<16xi32>
      %le3A_2750 = arith.constant 516 : i32
      %le3A_2751 = vector.broadcast %le3A_2750 : i32 to vector<16xi32>
      %le3A_2752 = arith.cmpi sle, %add3A_2749, %le3A_2751 : vector<16xi32>
      %min3A_2753 = arith.constant 516 : i32
      %min3A_2754 = vector.broadcast %min3A_2753 : i32 to vector<16xi32>
      %min3A_2755 = arith.minsi %add3A_2749, %min3A_2754 : vector<16xi32>
      %sub3A_2756 = arith.constant 1 : i32
      %sub3A_2757 = vector.broadcast %sub3A_2756 : i32 to vector<16xi32>
      %sub3A_2758 = arith.subi %min3A_2755, %sub3A_2757 : vector<16xi32>
      %gather3A_2759 = tpu.vector_load_idx %arg8[%add3A_1681, %sub3A_2758] : memref<32x516xf32, #tpu.memory_space<vmem>>[vector<16xi32>, vector<16xi32>], vector<16xf32>,
      %lt3A_2760 = arith.cmpf olt, %gather3A_2759, %add3A_2511 : vector<16xf32>
      %and3A_2761 = arith.andi %le3A_2752, %lt3A_2760 : vector<16xi1>
      %select_n3A_2762 = arith.select %and3A_2761, %add3A_2749, %select_n3A_2698 : vector<16xi1>, vector<16xi32>
      %add3A_2763 = arith.constant 64 : i32
      %add3A_2764 = vector.broadcast %add3A_2763 : i32 to vector<16xi32>
      %add3A_2765 = arith.addi %select_n3A_2714, %add3A_2764 : vector<16xi32>
      %le3A_2766 = arith.constant 516 : i32
      %le3A_2767 = vector.broadcast %le3A_2766 : i32 to vector<16xi32>
      %le3A_2768 = arith.cmpi sle, %add3A_2765, %le3A_2767 : vector<16xi32>
      %min3A_2769 = arith.constant 516 : i32
      %min3A_2770 = vector.broadcast %min3A_2769 : i32 to vector<16xi32>
      %min3A_2771 = arith.minsi %add3A_2765, %min3A_2770 : vector<16xi32>
      %sub3A_2772 = arith.constant 1 : i32
      %sub3A_2773 = vector.broadcast %sub3A_2772 : i32 to vector<16xi32>
      %sub3A_2774 = arith.subi %min3A_2771, %sub3A_2773 : vector<16xi32>
      %gather3A_2775 = tpu.vector_load_idx %arg8[%add3A_1681, %sub3A_2774] : memref<32x516xf32, #tpu.memory_space<vmem>>[vector<16xi32>, vector<16xi32>], vector<16xf32>,
      %le3A_2776 = arith.cmpf ole, %gather3A_2775, %sub3A_2514 : vector<16xf32>
      %and3A_2777 = arith.andi %le3A_2768, %le3A_2776 : vector<16xi1>
      %select_n3A_2778 = arith.select %and3A_2777, %add3A_2765, %select_n3A_2714 : vector<16xi1>, vector<16xi32>
      %add3A_2779 = arith.constant 32 : i32
      %add3A_2780 = vector.broadcast %add3A_2779 : i32 to vector<16xi32>
      %add3A_2781 = arith.addi %select_n3A_2730, %add3A_2780 : vector<16xi32>
      %le3A_2782 = arith.constant 516 : i32
      %le3A_2783 = vector.broadcast %le3A_2782 : i32 to vector<16xi32>
      %le3A_2784 = arith.cmpi sle, %add3A_2781, %le3A_2783 : vector<16xi32>
      %min3A_2785 = arith.constant 516 : i32
      %min3A_2786 = vector.broadcast %min3A_2785 : i32 to vector<16xi32>
      %min3A_2787 = arith.minsi %add3A_2781, %min3A_2786 : vector<16xi32>
      %sub3A_2788 = arith.constant 1 : i32
      %sub3A_2789 = vector.broadcast %sub3A_2788 : i32 to vector<16xi32>
      %sub3A_2790 = arith.subi %min3A_2787, %sub3A_2789 : vector<16xi32>
      %gather3A_2791 = tpu.vector_load_idx %arg8[%add3A_1681, %sub3A_2790] : memref<32x516xf32, #tpu.memory_space<vmem>>[vector<16xi32>, vector<16xi32>], vector<16xf32>,
      %le3A_2792 = arith.cmpf ole, %gather3A_2791, %sub3A_2499 : vector<16xf32>
      %and3A_2793 = arith.andi %le3A_2784, %le3A_2792 : vector<16xi1>
      %select_n3A_2794 = arith.select %and3A_2793, %add3A_2781, %select_n3A_2730 : vector<16xi1>, vector<16xi32>
      %add3A_2795 = arith.constant 32 : i32
      %add3A_2796 = vector.broadcast %add3A_2795 : i32 to vector<16xi32>
      %add3A_2797 = arith.addi %select_n3A_2746, %add3A_2796 : vector<16xi32>
      %le3A_2798 = arith.constant 516 : i32
      %le3A_2799 = vector.broadcast %le3A_2798 : i32 to vector<16xi32>
      %le3A_2800 = arith.cmpi sle, %add3A_2797, %le3A_2799 : vector<16xi32>
      %min3A_2801 = arith.constant 516 : i32
      %min3A_2802 = vector.broadcast %min3A_2801 : i32 to vector<16xi32>
      %min3A_2803 = arith.minsi %add3A_2797, %min3A_2802 : vector<16xi32>
      %sub3A_2804 = arith.constant 1 : i32
      %sub3A_2805 = vector.broadcast %sub3A_2804 : i32 to vector<16xi32>
      %sub3A_2806 = arith.subi %min3A_2803, %sub3A_2805 : vector<16xi32>
      %gather3A_2807 = tpu.vector_load_idx %arg8[%add3A_1681, %sub3A_2806] : memref<32x516xf32, #tpu.memory_space<vmem>>[vector<16xi32>, vector<16xi32>], vector<16xf32>,
      %lt3A_2808 = arith.cmpf olt, %gather3A_2807, %add3A_2508 : vector<16xf32>
      %and3A_2809 = arith.andi %le3A_2800, %lt3A_2808 : vector<16xi1>
      %select_n3A_2810 = arith.select %and3A_2809, %add3A_2797, %select_n3A_2746 : vector<16xi1>, vector<16xi32>
      %add3A_2811 = arith.constant 32 : i32
      %add3A_2812 = vector.broadcast %add3A_2811 : i32 to vector<16xi32>
      %add3A_2813 = arith.addi %select_n3A_2762, %add3A_2812 : vector<16xi32>
      %le3A_2814 = arith.constant 516 : i32
      %le3A_2815 = vector.broadcast %le3A_2814 : i32 to vector<16xi32>
      %le3A_2816 = arith.cmpi sle, %add3A_2813, %le3A_2815 : vector<16xi32>
      %min3A_2817 = arith.constant 516 : i32
      %min3A_2818 = vector.broadcast %min3A_2817 : i32 to vector<16xi32>
      %min3A_2819 = arith.minsi %add3A_2813, %min3A_2818 : vector<16xi32>
      %sub3A_2820 = arith.constant 1 : i32
      %sub3A_2821 = vector.broadcast %sub3A_2820 : i32 to vector<16xi32>
      %sub3A_2822 = arith.subi %min3A_2819, %sub3A_2821 : vector<16xi32>
      %gather3A_2823 = tpu.vector_load_idx %arg8[%add3A_1681, %sub3A_2822] : memref<32x516xf32, #tpu.memory_space<vmem>>[vector<16xi32>, vector<16xi32>], vector<16xf32>,
      %lt3A_2824 = arith.cmpf olt, %gather3A_2823, %add3A_2511 : vector<16xf32>
      %and3A_2825 = arith.andi %le3A_2816, %lt3A_2824 : vector<16xi1>
      %select_n3A_2826 = arith.select %and3A_2825, %add3A_2813, %select_n3A_2762 : vector<16xi1>, vector<16xi32>
      %add3A_2827 = arith.constant 32 : i32
      %add3A_2828 = vector.broadcast %add3A_2827 : i32 to vector<16xi32>
      %add3A_2829 = arith.addi %select_n3A_2778, %add3A_2828 : vector<16xi32>
      %le3A_2830 = arith.constant 516 : i32
      %le3A_2831 = vector.broadcast %le3A_2830 : i32 to vector<16xi32>
      %le3A_2832 = arith.cmpi sle, %add3A_2829, %le3A_2831 : vector<16xi32>
      %min3A_2833 = arith.constant 516 : i32
      %min3A_2834 = vector.broadcast %min3A_2833 : i32 to vector<16xi32>
      %min3A_2835 = arith.minsi %add3A_2829, %min3A_2834 : vector<16xi32>
      %sub3A_2836 = arith.constant 1 : i32
      %sub3A_2837 = vector.broadcast %sub3A_2836 : i32 to vector<16xi32>
      %sub3A_2838 = arith.subi %min3A_2835, %sub3A_2837 : vector<16xi32>
      %gather3A_2839 = tpu.vector_load_idx %arg8[%add3A_1681, %sub3A_2838] : memref<32x516xf32, #tpu.memory_space<vmem>>[vector<16xi32>, vector<16xi32>], vector<16xf32>,
      %le3A_2840 = arith.cmpf ole, %gather3A_2839, %sub3A_2514 : vector<16xf32>
      %and3A_2841 = arith.andi %le3A_2832, %le3A_2840 : vector<16xi1>
      %select_n3A_2842 = arith.select %and3A_2841, %add3A_2829, %select_n3A_2778 : vector<16xi1>, vector<16xi32>
      %add3A_2843 = arith.constant 16 : i32
      %add3A_2844 = vector.broadcast %add3A_2843 : i32 to vector<16xi32>
      %add3A_2845 = arith.addi %select_n3A_2794, %add3A_2844 : vector<16xi32>
      %le3A_2846 = arith.constant 516 : i32
      %le3A_2847 = vector.broadcast %le3A_2846 : i32 to vector<16xi32>
      %le3A_2848 = arith.cmpi sle, %add3A_2845, %le3A_2847 : vector<16xi32>
      %min3A_2849 = arith.constant 516 : i32
      %min3A_2850 = vector.broadcast %min3A_2849 : i32 to vector<16xi32>
      %min3A_2851 = arith.minsi %add3A_2845, %min3A_2850 : vector<16xi32>
      %sub3A_2852 = arith.constant 1 : i32
      %sub3A_2853 = vector.broadcast %sub3A_2852 : i32 to vector<16xi32>
      %sub3A_2854 = arith.subi %min3A_2851, %sub3A_2853 : vector<16xi32>
      %gather3A_2855 = tpu.vector_load_idx %arg8[%add3A_1681, %sub3A_2854] : memref<32x516xf32, #tpu.memory_space<vmem>>[vector<16xi32>, vector<16xi32>], vector<16xf32>,
      %le3A_2856 = arith.cmpf ole, %gather3A_2855, %sub3A_2499 : vector<16xf32>
      %and3A_2857 = arith.andi %le3A_2848, %le3A_2856 : vector<16xi1>
      %select_n3A_2858 = arith.select %and3A_2857, %add3A_2845, %select_n3A_2794 : vector<16xi1>, vector<16xi32>
      %add3A_2859 = arith.constant 16 : i32
      %add3A_2860 = vector.broadcast %add3A_2859 : i32 to vector<16xi32>
      %add3A_2861 = arith.addi %select_n3A_2810, %add3A_2860 : vector<16xi32>
      %le3A_2862 = arith.constant 516 : i32
      %le3A_2863 = vector.broadcast %le3A_2862 : i32 to vector<16xi32>
      %le3A_2864 = arith.cmpi sle, %add3A_2861, %le3A_2863 : vector<16xi32>
      %min3A_2865 = arith.constant 516 : i32
      %min3A_2866 = vector.broadcast %min3A_2865 : i32 to vector<16xi32>
      %min3A_2867 = arith.minsi %add3A_2861, %min3A_2866 : vector<16xi32>
      %sub3A_2868 = arith.constant 1 : i32
      %sub3A_2869 = vector.broadcast %sub3A_2868 : i32 to vector<16xi32>
      %sub3A_2870 = arith.subi %min3A_2867, %sub3A_2869 : vector<16xi32>
      %gather3A_2871 = tpu.vector_load_idx %arg8[%add3A_1681, %sub3A_2870] : memref<32x516xf32, #tpu.memory_space<vmem>>[vector<16xi32>, vector<16xi32>], vector<16xf32>,
      %lt3A_2872 = arith.cmpf olt, %gather3A_2871, %add3A_2508 : vector<16xf32>
      %and3A_2873 = arith.andi %le3A_2864, %lt3A_2872 : vector<16xi1>
      %select_n3A_2874 = arith.select %and3A_2873, %add3A_2861, %select_n3A_2810 : vector<16xi1>, vector<16xi32>
      %add3A_2875 = arith.constant 16 : i32
      %add3A_2876 = vector.broadcast %add3A_2875 : i32 to vector<16xi32>
      %add3A_2877 = arith.addi %select_n3A_2826, %add3A_2876 : vector<16xi32>
      %le3A_2878 = arith.constant 516 : i32
      %le3A_2879 = vector.broadcast %le3A_2878 : i32 to vector<16xi32>
      %le3A_2880 = arith.cmpi sle, %add3A_2877, %le3A_2879 : vector<16xi32>
      %min3A_2881 = arith.constant 516 : i32
      %min3A_2882 = vector.broadcast %min3A_2881 : i32 to vector<16xi32>
      %min3A_2883 = arith.minsi %add3A_2877, %min3A_2882 : vector<16xi32>
      %sub3A_2884 = arith.constant 1 : i32
      %sub3A_2885 = vector.broadcast %sub3A_2884 : i32 to vector<16xi32>
      %sub3A_2886 = arith.subi %min3A_2883, %sub3A_2885 : vector<16xi32>
      %gather3A_2887 = tpu.vector_load_idx %arg8[%add3A_1681, %sub3A_2886] : memref<32x516xf32, #tpu.memory_space<vmem>>[vector<16xi32>, vector<16xi32>], vector<16xf32>,
      %lt3A_2888 = arith.cmpf olt, %gather3A_2887, %add3A_2511 : vector<16xf32>
      %and3A_2889 = arith.andi %le3A_2880, %lt3A_2888 : vector<16xi1>
      %select_n3A_2890 = arith.select %and3A_2889, %add3A_2877, %select_n3A_2826 : vector<16xi1>, vector<16xi32>
      %add3A_2891 = arith.constant 16 : i32
      %add3A_2892 = vector.broadcast %add3A_2891 : i32 to vector<16xi32>
      %add3A_2893 = arith.addi %select_n3A_2842, %add3A_2892 : vector<16xi32>
      %le3A_2894 = arith.constant 516 : i32
      %le3A_2895 = vector.broadcast %le3A_2894 : i32 to vector<16xi32>
      %le3A_2896 = arith.cmpi sle, %add3A_2893, %le3A_2895 : vector<16xi32>
      %min3A_2897 = arith.constant 516 : i32
      %min3A_2898 = vector.broadcast %min3A_2897 : i32 to vector<16xi32>
      %min3A_2899 = arith.minsi %add3A_2893, %min3A_2898 : vector<16xi32>
      %sub3A_2900 = arith.constant 1 : i32
      %sub3A_2901 = vector.broadcast %sub3A_2900 : i32 to vector<16xi32>
      %sub3A_2902 = arith.subi %min3A_2899, %sub3A_2901 : vector<16xi32>
      %gather3A_2903 = tpu.vector_load_idx %arg8[%add3A_1681, %sub3A_2902] : memref<32x516xf32, #tpu.memory_space<vmem>>[vector<16xi32>, vector<16xi32>], vector<16xf32>,
      %le3A_2904 = arith.cmpf ole, %gather3A_2903, %sub3A_2514 : vector<16xf32>
      %and3A_2905 = arith.andi %le3A_2896, %le3A_2904 : vector<16xi1>
      %select_n3A_2906 = arith.select %and3A_2905, %add3A_2893, %select_n3A_2842 : vector<16xi1>, vector<16xi32>
      %add3A_2907 = arith.constant 8 : i32
      %add3A_2908 = vector.broadcast %add3A_2907 : i32 to vector<16xi32>
      %add3A_2909 = arith.addi %select_n3A_2858, %add3A_2908 : vector<16xi32>
      %le3A_2910 = arith.constant 516 : i32
      %le3A_2911 = vector.broadcast %le3A_2910 : i32 to vector<16xi32>
      %le3A_2912 = arith.cmpi sle, %add3A_2909, %le3A_2911 : vector<16xi32>
      %min3A_2913 = arith.constant 516 : i32
      %min3A_2914 = vector.broadcast %min3A_2913 : i32 to vector<16xi32>
      %min3A_2915 = arith.minsi %add3A_2909, %min3A_2914 : vector<16xi32>
      %sub3A_2916 = arith.constant 1 : i32
      %sub3A_2917 = vector.broadcast %sub3A_2916 : i32 to vector<16xi32>
      %sub3A_2918 = arith.subi %min3A_2915, %sub3A_2917 : vector<16xi32>
      %gather3A_2919 = tpu.vector_load_idx %arg8[%add3A_1681, %sub3A_2918] : memref<32x516xf32, #tpu.memory_space<vmem>>[vector<16xi32>, vector<16xi32>], vector<16xf32>,
      %le3A_2920 = arith.cmpf ole, %gather3A_2919, %sub3A_2499 : vector<16xf32>
      %and3A_2921 = arith.andi %le3A_2912, %le3A_2920 : vector<16xi1>
      %select_n3A_2922 = arith.select %and3A_2921, %add3A_2909, %select_n3A_2858 : vector<16xi1>, vector<16xi32>
      %add3A_2923 = arith.constant 8 : i32
      %add3A_2924 = vector.broadcast %add3A_2923 : i32 to vector<16xi32>
      %add3A_2925 = arith.addi %select_n3A_2874, %add3A_2924 : vector<16xi32>
      %le3A_2926 = arith.constant 516 : i32
      %le3A_2927 = vector.broadcast %le3A_2926 : i32 to vector<16xi32>
      %le3A_2928 = arith.cmpi sle, %add3A_2925, %le3A_2927 : vector<16xi32>
      %min3A_2929 = arith.constant 516 : i32
      %min3A_2930 = vector.broadcast %min3A_2929 : i32 to vector<16xi32>
      %min3A_2931 = arith.minsi %add3A_2925, %min3A_2930 : vector<16xi32>
      %sub3A_2932 = arith.constant 1 : i32
      %sub3A_2933 = vector.broadcast %sub3A_2932 : i32 to vector<16xi32>
      %sub3A_2934 = arith.subi %min3A_2931, %sub3A_2933 : vector<16xi32>
      %gather3A_2935 = tpu.vector_load_idx %arg8[%add3A_1681, %sub3A_2934] : memref<32x516xf32, #tpu.memory_space<vmem>>[vector<16xi32>, vector<16xi32>], vector<16xf32>,
      %lt3A_2936 = arith.cmpf olt, %gather3A_2935, %add3A_2508 : vector<16xf32>
      %and3A_2937 = arith.andi %le3A_2928, %lt3A_2936 : vector<16xi1>
      %select_n3A_2938 = arith.select %and3A_2937, %add3A_2925, %select_n3A_2874 : vector<16xi1>, vector<16xi32>
      %add3A_2939 = arith.constant 8 : i32
      %add3A_2940 = vector.broadcast %add3A_2939 : i32 to vector<16xi32>
      %add3A_2941 = arith.addi %select_n3A_2890, %add3A_2940 : vector<16xi32>
      %le3A_2942 = arith.constant 516 : i32
      %le3A_2943 = vector.broadcast %le3A_2942 : i32 to vector<16xi32>
      %le3A_2944 = arith.cmpi sle, %add3A_2941, %le3A_2943 : vector<16xi32>
      %min3A_2945 = arith.constant 516 : i32
      %min3A_2946 = vector.broadcast %min3A_2945 : i32 to vector<16xi32>
      %min3A_2947 = arith.minsi %add3A_2941, %min3A_2946 : vector<16xi32>
      %sub3A_2948 = arith.constant 1 : i32
      %sub3A_2949 = vector.broadcast %sub3A_2948 : i32 to vector<16xi32>
      %sub3A_2950 = arith.subi %min3A_2947, %sub3A_2949 : vector<16xi32>
      %gather3A_2951 = tpu.vector_load_idx %arg8[%add3A_1681, %sub3A_2950] : memref<32x516xf32, #tpu.memory_space<vmem>>[vector<16xi32>, vector<16xi32>], vector<16xf32>,
      %lt3A_2952 = arith.cmpf olt, %gather3A_2951, %add3A_2511 : vector<16xf32>
      %and3A_2953 = arith.andi %le3A_2944, %lt3A_2952 : vector<16xi1>
      %select_n3A_2954 = arith.select %and3A_2953, %add3A_2941, %select_n3A_2890 : vector<16xi1>, vector<16xi32>
      %add3A_2955 = arith.constant 8 : i32
      %add3A_2956 = vector.broadcast %add3A_2955 : i32 to vector<16xi32>
      %add3A_2957 = arith.addi %select_n3A_2906, %add3A_2956 : vector<16xi32>
      %le3A_2958 = arith.constant 516 : i32
      %le3A_2959 = vector.broadcast %le3A_2958 : i32 to vector<16xi32>
      %le3A_2960 = arith.cmpi sle, %add3A_2957, %le3A_2959 : vector<16xi32>
      %min3A_2961 = arith.constant 516 : i32
      %min3A_2962 = vector.broadcast %min3A_2961 : i32 to vector<16xi32>
      %min3A_2963 = arith.minsi %add3A_2957, %min3A_2962 : vector<16xi32>
      %sub3A_2964 = arith.constant 1 : i32
      %sub3A_2965 = vector.broadcast %sub3A_2964 : i32 to vector<16xi32>
      %sub3A_2966 = arith.subi %min3A_2963, %sub3A_2965 : vector<16xi32>
      %gather3A_2967 = tpu.vector_load_idx %arg8[%add3A_1681, %sub3A_2966] : memref<32x516xf32, #tpu.memory_space<vmem>>[vector<16xi32>, vector<16xi32>], vector<16xf32>,
      %le3A_2968 = arith.cmpf ole, %gather3A_2967, %sub3A_2514 : vector<16xf32>
      %and3A_2969 = arith.andi %le3A_2960, %le3A_2968 : vector<16xi1>
      %select_n3A_2970 = arith.select %and3A_2969, %add3A_2957, %select_n3A_2906 : vector<16xi1>, vector<16xi32>
      %add3A_2971 = arith.constant 4 : i32
      %add3A_2972 = vector.broadcast %add3A_2971 : i32 to vector<16xi32>
      %add3A_2973 = arith.addi %select_n3A_2922, %add3A_2972 : vector<16xi32>
      %le3A_2974 = arith.constant 516 : i32
      %le3A_2975 = vector.broadcast %le3A_2974 : i32 to vector<16xi32>
      %le3A_2976 = arith.cmpi sle, %add3A_2973, %le3A_2975 : vector<16xi32>
      %min3A_2977 = arith.constant 516 : i32
      %min3A_2978 = vector.broadcast %min3A_2977 : i32 to vector<16xi32>
      %min3A_2979 = arith.minsi %add3A_2973, %min3A_2978 : vector<16xi32>
      %sub3A_2980 = arith.constant 1 : i32
      %sub3A_2981 = vector.broadcast %sub3A_2980 : i32 to vector<16xi32>
      %sub3A_2982 = arith.subi %min3A_2979, %sub3A_2981 : vector<16xi32>
      %gather3A_2983 = tpu.vector_load_idx %arg8[%add3A_1681, %sub3A_2982] : memref<32x516xf32, #tpu.memory_space<vmem>>[vector<16xi32>, vector<16xi32>], vector<16xf32>,
      %le3A_2984 = arith.cmpf ole, %gather3A_2983, %sub3A_2499 : vector<16xf32>
      %and3A_2985 = arith.andi %le3A_2976, %le3A_2984 : vector<16xi1>
      %select_n3A_2986 = arith.select %and3A_2985, %add3A_2973, %select_n3A_2922 : vector<16xi1>, vector<16xi32>
      %add3A_2987 = arith.constant 4 : i32
      %add3A_2988 = vector.broadcast %add3A_2987 : i32 to vector<16xi32>
      %add3A_2989 = arith.addi %select_n3A_2938, %add3A_2988 : vector<16xi32>
      %le3A_2990 = arith.constant 516 : i32
      %le3A_2991 = vector.broadcast %le3A_2990 : i32 to vector<16xi32>
      %le3A_2992 = arith.cmpi sle, %add3A_2989, %le3A_2991 : vector<16xi32>
      %min3A_2993 = arith.constant 516 : i32
      %min3A_2994 = vector.broadcast %min3A_2993 : i32 to vector<16xi32>
      %min3A_2995 = arith.minsi %add3A_2989, %min3A_2994 : vector<16xi32>
      %sub3A_2996 = arith.constant 1 : i32
      %sub3A_2997 = vector.broadcast %sub3A_2996 : i32 to vector<16xi32>
      %sub3A_2998 = arith.subi %min3A_2995, %sub3A_2997 : vector<16xi32>
      %gather3A_2999 = tpu.vector_load_idx %arg8[%add3A_1681, %sub3A_2998] : memref<32x516xf32, #tpu.memory_space<vmem>>[vector<16xi32>, vector<16xi32>], vector<16xf32>,
      %lt3A_3000 = arith.cmpf olt, %gather3A_2999, %add3A_2508 : vector<16xf32>
      %and3A_3001 = arith.andi %le3A_2992, %lt3A_3000 : vector<16xi1>
      %select_n3A_3002 = arith.select %and3A_3001, %add3A_2989, %select_n3A_2938 : vector<16xi1>, vector<16xi32>
      %add3A_3003 = arith.constant 4 : i32
      %add3A_3004 = vector.broadcast %add3A_3003 : i32 to vector<16xi32>
      %add3A_3005 = arith.addi %select_n3A_2954, %add3A_3004 : vector<16xi32>
      %le3A_3006 = arith.constant 516 : i32
      %le3A_3007 = vector.broadcast %le3A_3006 : i32 to vector<16xi32>
      %le3A_3008 = arith.cmpi sle, %add3A_3005, %le3A_3007 : vector<16xi32>
      %min3A_3009 = arith.constant 516 : i32
      %min3A_3010 = vector.broadcast %min3A_3009 : i32 to vector<16xi32>
      %min3A_3011 = arith.minsi %add3A_3005, %min3A_3010 : vector<16xi32>
      %sub3A_3012 = arith.constant 1 : i32
      %sub3A_3013 = vector.broadcast %sub3A_3012 : i32 to vector<16xi32>
      %sub3A_3014 = arith.subi %min3A_3011, %sub3A_3013 : vector<16xi32>
      %gather3A_3015 = tpu.vector_load_idx %arg8[%add3A_1681, %sub3A_3014] : memref<32x516xf32, #tpu.memory_space<vmem>>[vector<16xi32>, vector<16xi32>], vector<16xf32>,
      %lt3A_3016 = arith.cmpf olt, %gather3A_3015, %add3A_2511 : vector<16xf32>
      %and3A_3017 = arith.andi %le3A_3008, %lt3A_3016 : vector<16xi1>
      %select_n3A_3018 = arith.select %and3A_3017, %add3A_3005, %select_n3A_2954 : vector<16xi1>, vector<16xi32>
      %add3A_3019 = arith.constant 4 : i32
      %add3A_3020 = vector.broadcast %add3A_3019 : i32 to vector<16xi32>
      %add3A_3021 = arith.addi %select_n3A_2970, %add3A_3020 : vector<16xi32>
      %le3A_3022 = arith.constant 516 : i32
      %le3A_3023 = vector.broadcast %le3A_3022 : i32 to vector<16xi32>
      %le3A_3024 = arith.cmpi sle, %add3A_3021, %le3A_3023 : vector<16xi32>
      %min3A_3025 = arith.constant 516 : i32
      %min3A_3026 = vector.broadcast %min3A_3025 : i32 to vector<16xi32>
      %min3A_3027 = arith.minsi %add3A_3021, %min3A_3026 : vector<16xi32>
      %sub3A_3028 = arith.constant 1 : i32
      %sub3A_3029 = vector.broadcast %sub3A_3028 : i32 to vector<16xi32>
      %sub3A_3030 = arith.subi %min3A_3027, %sub3A_3029 : vector<16xi32>
      %gather3A_3031 = tpu.vector_load_idx %arg8[%add3A_1681, %sub3A_3030] : memref<32x516xf32, #tpu.memory_space<vmem>>[vector<16xi32>, vector<16xi32>], vector<16xf32>,
      %le3A_3032 = arith.cmpf ole, %gather3A_3031, %sub3A_2514 : vector<16xf32>
      %and3A_3033 = arith.andi %le3A_3024, %le3A_3032 : vector<16xi1>
      %select_n3A_3034 = arith.select %and3A_3033, %add3A_3021, %select_n3A_2970 : vector<16xi1>, vector<16xi32>
      %add3A_3035 = arith.constant 2 : i32
      %add3A_3036 = vector.broadcast %add3A_3035 : i32 to vector<16xi32>
      %add3A_3037 = arith.addi %select_n3A_2986, %add3A_3036 : vector<16xi32>
      %le3A_3038 = arith.constant 516 : i32
      %le3A_3039 = vector.broadcast %le3A_3038 : i32 to vector<16xi32>
      %le3A_3040 = arith.cmpi sle, %add3A_3037, %le3A_3039 : vector<16xi32>
      %min3A_3041 = arith.constant 516 : i32
      %min3A_3042 = vector.broadcast %min3A_3041 : i32 to vector<16xi32>
      %min3A_3043 = arith.minsi %add3A_3037, %min3A_3042 : vector<16xi32>
      %sub3A_3044 = arith.constant 1 : i32
      %sub3A_3045 = vector.broadcast %sub3A_3044 : i32 to vector<16xi32>
      %sub3A_3046 = arith.subi %min3A_3043, %sub3A_3045 : vector<16xi32>
      %gather3A_3047 = tpu.vector_load_idx %arg8[%add3A_1681, %sub3A_3046] : memref<32x516xf32, #tpu.memory_space<vmem>>[vector<16xi32>, vector<16xi32>], vector<16xf32>,
      %le3A_3048 = arith.cmpf ole, %gather3A_3047, %sub3A_2499 : vector<16xf32>
      %and3A_3049 = arith.andi %le3A_3040, %le3A_3048 : vector<16xi1>
      %select_n3A_3050 = arith.select %and3A_3049, %add3A_3037, %select_n3A_2986 : vector<16xi1>, vector<16xi32>
      %add3A_3051 = arith.constant 2 : i32
      %add3A_3052 = vector.broadcast %add3A_3051 : i32 to vector<16xi32>
      %add3A_3053 = arith.addi %select_n3A_3002, %add3A_3052 : vector<16xi32>
      %le3A_3054 = arith.constant 516 : i32
      %le3A_3055 = vector.broadcast %le3A_3054 : i32 to vector<16xi32>
      %le3A_3056 = arith.cmpi sle, %add3A_3053, %le3A_3055 : vector<16xi32>
      %min3A_3057 = arith.constant 516 : i32
      %min3A_3058 = vector.broadcast %min3A_3057 : i32 to vector<16xi32>
      %min3A_3059 = arith.minsi %add3A_3053, %min3A_3058 : vector<16xi32>
      %sub3A_3060 = arith.constant 1 : i32
      %sub3A_3061 = vector.broadcast %sub3A_3060 : i32 to vector<16xi32>
      %sub3A_3062 = arith.subi %min3A_3059, %sub3A_3061 : vector<16xi32>
      %gather3A_3063 = tpu.vector_load_idx %arg8[%add3A_1681, %sub3A_3062] : memref<32x516xf32, #tpu.memory_space<vmem>>[vector<16xi32>, vector<16xi32>], vector<16xf32>,
      %lt3A_3064 = arith.cmpf olt, %gather3A_3063, %add3A_2508 : vector<16xf32>
      %and3A_3065 = arith.andi %le3A_3056, %lt3A_3064 : vector<16xi1>
      %select_n3A_3066 = arith.select %and3A_3065, %add3A_3053, %select_n3A_3002 : vector<16xi1>, vector<16xi32>
      %add3A_3067 = arith.constant 2 : i32
      %add3A_3068 = vector.broadcast %add3A_3067 : i32 to vector<16xi32>
      %add3A_3069 = arith.addi %select_n3A_3018, %add3A_3068 : vector<16xi32>
      %le3A_3070 = arith.constant 516 : i32
      %le3A_3071 = vector.broadcast %le3A_3070 : i32 to vector<16xi32>
      %le3A_3072 = arith.cmpi sle, %add3A_3069, %le3A_3071 : vector<16xi32>
      %min3A_3073 = arith.constant 516 : i32
      %min3A_3074 = vector.broadcast %min3A_3073 : i32 to vector<16xi32>
      %min3A_3075 = arith.minsi %add3A_3069, %min3A_3074 : vector<16xi32>
      %sub3A_3076 = arith.constant 1 : i32
      %sub3A_3077 = vector.broadcast %sub3A_3076 : i32 to vector<16xi32>
      %sub3A_3078 = arith.subi %min3A_3075, %sub3A_3077 : vector<16xi32>
      %gather3A_3079 = tpu.vector_load_idx %arg8[%add3A_1681, %sub3A_3078] : memref<32x516xf32, #tpu.memory_space<vmem>>[vector<16xi32>, vector<16xi32>], vector<16xf32>,
      %lt3A_3080 = arith.cmpf olt, %gather3A_3079, %add3A_2511 : vector<16xf32>
      %and3A_3081 = arith.andi %le3A_3072, %lt3A_3080 : vector<16xi1>
      %select_n3A_3082 = arith.select %and3A_3081, %add3A_3069, %select_n3A_3018 : vector<16xi1>, vector<16xi32>
      %add3A_3083 = arith.constant 2 : i32
      %add3A_3084 = vector.broadcast %add3A_3083 : i32 to vector<16xi32>
      %add3A_3085 = arith.addi %select_n3A_3034, %add3A_3084 : vector<16xi32>
      %le3A_3086 = arith.constant 516 : i32
      %le3A_3087 = vector.broadcast %le3A_3086 : i32 to vector<16xi32>
      %le3A_3088 = arith.cmpi sle, %add3A_3085, %le3A_3087 : vector<16xi32>
      %min3A_3089 = arith.constant 516 : i32
      %min3A_3090 = vector.broadcast %min3A_3089 : i32 to vector<16xi32>
      %min3A_3091 = arith.minsi %add3A_3085, %min3A_3090 : vector<16xi32>
      %sub3A_3092 = arith.constant 1 : i32
      %sub3A_3093 = vector.broadcast %sub3A_3092 : i32 to vector<16xi32>
      %sub3A_3094 = arith.subi %min3A_3091, %sub3A_3093 : vector<16xi32>
      %gather3A_3095 = tpu.vector_load_idx %arg8[%add3A_1681, %sub3A_3094] : memref<32x516xf32, #tpu.memory_space<vmem>>[vector<16xi32>, vector<16xi32>], vector<16xf32>,
      %le3A_3096 = arith.cmpf ole, %gather3A_3095, %sub3A_2514 : vector<16xf32>
      %and3A_3097 = arith.andi %le3A_3088, %le3A_3096 : vector<16xi1>
      %select_n3A_3098 = arith.select %and3A_3097, %add3A_3085, %select_n3A_3034 : vector<16xi1>, vector<16xi32>
      %add3A_3099 = arith.constant 1 : i32
      %add3A_3100 = vector.broadcast %add3A_3099 : i32 to vector<16xi32>
      %add3A_3101 = arith.addi %select_n3A_3050, %add3A_3100 : vector<16xi32>
      %le3A_3102 = arith.constant 516 : i32
      %le3A_3103 = vector.broadcast %le3A_3102 : i32 to vector<16xi32>
      %le3A_3104 = arith.cmpi sle, %add3A_3101, %le3A_3103 : vector<16xi32>
      %min3A_3105 = arith.constant 516 : i32
      %min3A_3106 = vector.broadcast %min3A_3105 : i32 to vector<16xi32>
      %min3A_3107 = arith.minsi %add3A_3101, %min3A_3106 : vector<16xi32>
      %sub3A_3108 = arith.constant 1 : i32
      %sub3A_3109 = vector.broadcast %sub3A_3108 : i32 to vector<16xi32>
      %sub3A_3110 = arith.subi %min3A_3107, %sub3A_3109 : vector<16xi32>
      %gather3A_3111 = tpu.vector_load_idx %arg8[%add3A_1681, %sub3A_3110] : memref<32x516xf32, #tpu.memory_space<vmem>>[vector<16xi32>, vector<16xi32>], vector<16xf32>,
      %le3A_3112 = arith.cmpf ole, %gather3A_3111, %sub3A_2499 : vector<16xf32>
      %and3A_3113 = arith.andi %le3A_3104, %le3A_3112 : vector<16xi1>
      %select_n3A_3114 = arith.select %and3A_3113, %add3A_3101, %select_n3A_3050 : vector<16xi1>, vector<16xi32>
      %add3A_3115 = arith.constant 1 : i32
      %add3A_3116 = vector.broadcast %add3A_3115 : i32 to vector<16xi32>
      %add3A_3117 = arith.addi %select_n3A_3066, %add3A_3116 : vector<16xi32>
      %le3A_3118 = arith.constant 516 : i32
      %le3A_3119 = vector.broadcast %le3A_3118 : i32 to vector<16xi32>
      %le3A_3120 = arith.cmpi sle, %add3A_3117, %le3A_3119 : vector<16xi32>
      %min3A_3121 = arith.constant 516 : i32
      %min3A_3122 = vector.broadcast %min3A_3121 : i32 to vector<16xi32>
      %min3A_3123 = arith.minsi %add3A_3117, %min3A_3122 : vector<16xi32>
      %sub3A_3124 = arith.constant 1 : i32
      %sub3A_3125 = vector.broadcast %sub3A_3124 : i32 to vector<16xi32>
      %sub3A_3126 = arith.subi %min3A_3123, %sub3A_3125 : vector<16xi32>
      %gather3A_3127 = tpu.vector_load_idx %arg8[%add3A_1681, %sub3A_3126] : memref<32x516xf32, #tpu.memory_space<vmem>>[vector<16xi32>, vector<16xi32>], vector<16xf32>,
      %lt3A_3128 = arith.cmpf olt, %gather3A_3127, %add3A_2508 : vector<16xf32>
      %and3A_3129 = arith.andi %le3A_3120, %lt3A_3128 : vector<16xi1>
      %select_n3A_3130 = arith.select %and3A_3129, %add3A_3117, %select_n3A_3066 : vector<16xi1>, vector<16xi32>
      %add3A_3131 = arith.constant 1 : i32
      %add3A_3132 = vector.broadcast %add3A_3131 : i32 to vector<16xi32>
      %add3A_3133 = arith.addi %select_n3A_3082, %add3A_3132 : vector<16xi32>
      %le3A_3134 = arith.constant 516 : i32
      %le3A_3135 = vector.broadcast %le3A_3134 : i32 to vector<16xi32>
      %le3A_3136 = arith.cmpi sle, %add3A_3133, %le3A_3135 : vector<16xi32>
      %min3A_3137 = arith.constant 516 : i32
      %min3A_3138 = vector.broadcast %min3A_3137 : i32 to vector<16xi32>
      %min3A_3139 = arith.minsi %add3A_3133, %min3A_3138 : vector<16xi32>
      %sub3A_3140 = arith.constant 1 : i32
      %sub3A_3141 = vector.broadcast %sub3A_3140 : i32 to vector<16xi32>
      %sub3A_3142 = arith.subi %min3A_3139, %sub3A_3141 : vector<16xi32>
      %gather3A_3143 = tpu.vector_load_idx %arg8[%add3A_1681, %sub3A_3142] : memref<32x516xf32, #tpu.memory_space<vmem>>[vector<16xi32>, vector<16xi32>], vector<16xf32>,
      %lt3A_3144 = arith.cmpf olt, %gather3A_3143, %add3A_2511 : vector<16xf32>
      %and3A_3145 = arith.andi %le3A_3136, %lt3A_3144 : vector<16xi1>
      %select_n3A_3146 = arith.select %and3A_3145, %add3A_3133, %select_n3A_3082 : vector<16xi1>, vector<16xi32>
      %add3A_3147 = arith.constant 1 : i32
      %add3A_3148 = vector.broadcast %add3A_3147 : i32 to vector<16xi32>
      %add3A_3149 = arith.addi %select_n3A_3098, %add3A_3148 : vector<16xi32>
      %le3A_3150 = arith.constant 516 : i32
      %le3A_3151 = vector.broadcast %le3A_3150 : i32 to vector<16xi32>
      %le3A_3152 = arith.cmpi sle, %add3A_3149, %le3A_3151 : vector<16xi32>
      %min3A_3153 = arith.constant 516 : i32
      %min3A_3154 = vector.broadcast %min3A_3153 : i32 to vector<16xi32>
      %min3A_3155 = arith.minsi %add3A_3149, %min3A_3154 : vector<16xi32>
      %sub3A_3156 = arith.constant 1 : i32
      %sub3A_3157 = vector.broadcast %sub3A_3156 : i32 to vector<16xi32>
      %sub3A_3158 = arith.subi %min3A_3155, %sub3A_3157 : vector<16xi32>
      %gather3A_3159 = tpu.vector_load_idx %arg8[%add3A_1681, %sub3A_3158] : memref<32x516xf32, #tpu.memory_space<vmem>>[vector<16xi32>, vector<16xi32>], vector<16xf32>,
      %le3A_3160 = arith.cmpf ole, %gather3A_3159, %sub3A_2514 : vector<16xf32>
      %and3A_3161 = arith.andi %le3A_3152, %le3A_3160 : vector<16xi1>
      %select_n3A_3162 = arith.select %and3A_3161, %add3A_3149, %select_n3A_3098 : vector<16xi1>, vector<16xi32>
      %sub3A_3163 = arith.constant 1 : i32
      %sub3A_3164 = vector.broadcast %sub3A_3163 : i32 to vector<16xi32>
      %sub3A_3165 = arith.subi %select_n3A_3114, %sub3A_3164 : vector<16xi32>
      %max3A_3166 = arith.constant 0 : i32
      %max3A_3167 = vector.broadcast %max3A_3166 : i32 to vector<16xi32>
      %max3A_3168 = arith.maxsi %sub3A_3165, %max3A_3167 : vector<16xi32>
      %reduce_min3A_3169 = arith.constant true
      %reduce_min3A_3170 = vector.broadcast %reduce_min3A_3169 : i1 to vector<16xi1>
      %reduce_min3A_3171 = arith.constant -2147483648 : i32
      %reduce_min3A_3172 = vector.broadcast %reduce_min3A_3171 : i32 to vector<16xi32>
      %reduce_min3A_3173 = arith.xori %max3A_3168, %reduce_min3A_3172 : vector<16xi32>
      %reduce_min3A_3174 = tpu.scan <min>, %reduce_min3A_3173 masked %reduce_min3A_3170 : vector<16xi32>, vector<16xi1> -> vector<16xi32>
      %reduce_min3A_3175 = arith.xori %reduce_min3A_3174, %reduce_min3A_3172 : vector<16xi32>
      %reduce_min3A_3176 = vector.extract %reduce_min3A_3175[15] : i32 from vector<16xi32>
      %min3A_3177 = arith.constant 515 : i32
      %min3A_3178 = vector.broadcast %min3A_3177 : i32 to vector<16xi32>
      %min3A_3179 = arith.minsi %select_n3A_3130, %min3A_3178 : vector<16xi32>
      %reduce_max3A_3180 = arith.constant true
      %reduce_max3A_3181 = vector.broadcast %reduce_max3A_3180 : i1 to vector<16xi1>
      %reduce_max3A_3182 = arith.constant -2147483648 : i32
      %reduce_max3A_3183 = vector.broadcast %reduce_max3A_3182 : i32 to vector<16xi32>
      %reduce_max3A_3184 = arith.xori %min3A_3179, %reduce_max3A_3183 : vector<16xi32>
      %reduce_max3A_3185 = tpu.scan <max>, %reduce_max3A_3184 masked %reduce_max3A_3181 : vector<16xi32>, vector<16xi1> -> vector<16xi32>
      %reduce_max3A_3186 = arith.xori %reduce_max3A_3185, %reduce_max3A_3183 : vector<16xi32>
      %reduce_max3A_3187 = vector.extract %reduce_max3A_3186[15] : i32 from vector<16xi32>
      %reduce_max3A_3188 = arith.constant true
      %reduce_max3A_3189 = vector.broadcast %reduce_max3A_3188 : i1 to vector<16xi1>
      %reduce_max3A_3190 = arith.constant -2147483648 : i32
      %reduce_max3A_3191 = vector.broadcast %reduce_max3A_3190 : i32 to vector<16xi32>
      %reduce_max3A_3192 = arith.xori %select_n3A_3146, %reduce_max3A_3191 : vector<16xi32>
      %reduce_max3A_3193 = tpu.scan <max>, %reduce_max3A_3192 masked %reduce_max3A_3189 : vector<16xi32>, vector<16xi1> -> vector<16xi32>
      %reduce_max3A_3194 = arith.xori %reduce_max3A_3193, %reduce_max3A_3191 : vector<16xi32>
      %reduce_max3A_3195 = vector.extract %reduce_max3A_3194[15] : i32 from vector<16xi32>
      %reduce_min3A_3196 = arith.constant true
      %reduce_min3A_3197 = vector.broadcast %reduce_min3A_3196 : i1 to vector<16xi1>
      %reduce_min3A_3198 = arith.constant -2147483648 : i32
      %reduce_min3A_3199 = vector.broadcast %reduce_min3A_3198 : i32 to vector<16xi32>
      %reduce_min3A_3200 = arith.xori %select_n3A_3162, %reduce_min3A_3199 : vector<16xi32>
      %reduce_min3A_3201 = tpu.scan <min>, %reduce_min3A_3200 masked %reduce_min3A_3197 : vector<16xi32>, vector<16xi1> -> vector<16xi32>
      %reduce_min3A_3202 = arith.xori %reduce_min3A_3201, %reduce_min3A_3199 : vector<16xi32>
      %reduce_min3A_3203 = vector.extract %reduce_min3A_3202[15] : i32 from vector<16xi32>
      %sub3A_3204 = arith.constant 1 : i32
      %sub3A_3205 = arith.subi %reduce_min3A_3203, %sub3A_3204 : i32
      %min3A_3206 = arith.minsi %reduce_min3A_2414, %reduce_min3A_3176 : i32
      %max3A_3207 = arith.maxsi %reduce_max3A_2425, %reduce_max3A_3187 : i32
      %max3A_3208 = arith.maxsi %reduce_max3A_2433, %reduce_max3A_3195 : i32
      %min3A_3209 = arith.minsi %sub3A_2443, %sub3A_3205 : i32
      %max3A_3210 = arith.maxsi %max3A_3207, %min3A_3206 : i32
      %max3A_3211 = arith.maxsi %min3A_3206, %max3A_3208 : i32
      %min3A_3212 = arith.minsi %max3A_3210, %max3A_3211 : i32
      %max3A_3213 = arith.maxsi %min3A_3212, %min3A_3209 : i32
      %min3A_3214 = arith.minsi %max3A_3210, %max3A_3213 : i32
      %broadcast_in_dim3A_3215 = vector.broadcast %min3A_3206 : i32 to vector<16xi32>
      %gather3A_3216 = tpu.vector_load_idx %arg8[%add3A_1678, %broadcast_in_dim3A_3215] : memref<32x516xf32, #tpu.memory_space<vmem>>[vector<16xi32>, vector<16xi32>], vector<16xf32>,
      %gather3A_3217 = tpu.vector_load_idx %arg8[%add3A_1681, %broadcast_in_dim3A_3215] : memref<32x516xf32, #tpu.memory_space<vmem>>[vector<16xi32>, vector<16xi32>], vector<16xf32>,
      %while3A_3218 = arith.subi %min3A_3212, %min3A_3206 : i32
      %while3A_3219 = arith.addi %min3A_3206, %while3A_3218 : i32
      %while3A_3220 = arith.constant 1 : i32
      %while3A_3221 = arith.divsi %while3A_3218, %while3A_3220 : i32
      %while3A_3222 = arith.muli %while3A_3221, %while3A_3220 : i32
      %while3A_3223 = arith.addi %min3A_3206, %while3A_3222 : i32
      %while3A_3224 = arith.constant 1 : i32
      %while3A_3225:4 = scf.for %while3A_3260 = %min3A_3206 to %while3A_3223 step %while3A_3224 iter_args(%while3A_3261 = %gather3A_3216, %while3A_3262 = %gather3A_3217, %while3A_3263 = %broadcast_in_dim3A_37, %while3A_3264 = %broadcast_in_dim3A_37) -> (vector<16xf32>, vector<16xf32>, vector<16xf32>, vector<16xf32>)  : i32 {
        %add3A_3265 = arith.constant 1 : i32
        %add3A_3266 = arith.addi %while3A_3260, %add3A_3265 : i32
        %broadcast_in_dim3A_3267 = vector.broadcast %add3A_3266 : i32 to vector<16xi32>
        %gather3A_3268 = tpu.vector_load_idx %arg8[%add3A_1678, %broadcast_in_dim3A_3267] : memref<32x516xf32, #tpu.memory_space<vmem>>[vector<16xi32>, vector<16xi32>], vector<16xf32>,
        %add3A_3269 = arith.addf %while3A_3261, %gather3A_3268 : vector<16xf32>
        %mul3A_3270 = arith.constant 5.000000e-01 : f32
        %mul3A_3271 = vector.broadcast %mul3A_3270 : f32 to vector<16xf32>
        %mul3A_3272 = arith.mulf %mul3A_3271, %add3A_3269 : vector<16xf32>
        %mul3A_3273 = arith.mulf %mul3A_3272, %gather3A_1690 : vector<16xf32>
        %add3A_3274 = arith.addf %gather3A_1682, %mul3A_3273 : vector<16xf32>
        %mul3A_3275 = arith.mulf %mul3A_3272, %gather3A_1694 : vector<16xf32>
        %add3A_3276 = arith.addf %gather3A_1686, %mul3A_3275 : vector<16xf32>
        %sub3A_3277 = arith.subf %gather3A_3268, %while3A_3261 : vector<16xf32>
        %mul3A_3278 = arith.mulf %sub3A_3277, %gather3A_1698 : vector<16xf32>
        %ge3A = arith.constant 0.000000e+00 : f32
        %ge3A_3279 = vector.broadcast %ge3A : f32 to vector<16xf32>
        %ge3A_3280 = arith.cmpf oge, %add3A_3274, %ge3A_3279 : vector<16xf32>
        %lt3A_3281 = arith.constant 2.560000e+02 : f32
        %lt3A_3282 = vector.broadcast %lt3A_3281 : f32 to vector<16xf32>
        %lt3A_3283 = arith.cmpf olt, %add3A_3274, %lt3A_3282 : vector<16xf32>
        %and3A_3284 = arith.andi %ge3A_3280, %lt3A_3283 : vector<16xi1>
        %ge3A_3285 = arith.constant 0.000000e+00 : f32
        %ge3A_3286 = vector.broadcast %ge3A_3285 : f32 to vector<16xf32>
        %ge3A_3287 = arith.cmpf oge, %add3A_3276, %ge3A_3286 : vector<16xf32>
        %and3A_3288 = arith.andi %and3A_3284, %ge3A_3287 : vector<16xi1>
        %lt3A_3289 = arith.constant 2.560000e+02 : f32
        %lt3A_3290 = vector.broadcast %lt3A_3289 : f32 to vector<16xf32>
        %lt3A_3291 = arith.cmpf olt, %add3A_3276, %lt3A_3290 : vector<16xf32>
        %and3A_3292 = arith.andi %and3A_3288, %lt3A_3291 : vector<16xi1>
        %jit3A_3293 = arith.constant 0.000000e+00 : f32
        %jit3A_3294 = arith.constant 2.550000e+02 : f32
        %max3A_3295 = vector.broadcast %jit3A_3293 : f32 to vector<16xf32>
        %max3A_3296 = arith.maximumf %max3A_3295, %add3A_3274 : vector<16xf32>
        %min3A_3297 = vector.broadcast %jit3A_3294 : f32 to vector<16xf32>
        %min3A_3298 = arith.minimumf %min3A_3297, %max3A_3296 : vector<16xf32>
        %convert_element_type3A_3299 = arith.fptosi %min3A_3298 : vector<16xf32> to vector<16xi32>
        %jit3A_3300 = arith.constant 0.000000e+00 : f32
        %jit3A_3301 = arith.constant 2.550000e+02 : f32
        %max3A_3302 = vector.broadcast %jit3A_3300 : f32 to vector<16xf32>
        %max3A_3303 = arith.maximumf %max3A_3302, %add3A_3276 : vector<16xf32>
        %min3A_3304 = vector.broadcast %jit3A_3301 : f32 to vector<16xf32>
        %min3A_3305 = arith.minimumf %min3A_3304, %max3A_3303 : vector<16xf32>
        %convert_element_type3A_3306 = arith.fptosi %min3A_3305 : vector<16xf32> to vector<16xi32>
        %mul3A_3307 = arith.constant 261 : i32
        %mul3A_3308 = vector.broadcast %mul3A_3307 : i32 to vector<16xi32>
        %mul3A_3309 = arith.muli %convert_element_type3A_3299, %mul3A_3308 : vector<16xi32>
        %add3A_3310 = arith.addi %mul3A_3309, %convert_element_type3A_3306 : vector<16xi32>
        %gather3A_3311 = tpu.vector_load_idx %arg6[%add3A_3310] : memref<66816xf32, #tpu.memory_space<vmem>>[vector<16xi32>], vector<16xf32>,
        %jit3A_3312 = arith.constant 0.000000e+00 : f32
        %broadcast_in_dim3A_3313 = vector.broadcast %jit3A_3312 : f32 to vector<16xf32>
        %select_n3A_3314 = arith.select %and3A_3292, %mul3A_3278, %broadcast_in_dim3A_3313 : vector<16xi1>, vector<16xf32>
        %mul3A_3315 = arith.mulf %gather3A_3311, %select_n3A_3314 : vector<16xf32>
        %add3A_3316 = arith.addf %while3A_3263, %mul3A_3315 : vector<16xf32>
        %gather3A_3317 = tpu.vector_load_idx %arg8[%add3A_1681, %broadcast_in_dim3A_3267] : memref<32x516xf32, #tpu.memory_space<vmem>>[vector<16xi32>, vector<16xi32>], vector<16xf32>,
        %add3A_3318 = arith.addf %while3A_3262, %gather3A_3317 : vector<16xf32>
        %mul3A_3319 = arith.constant 5.000000e-01 : f32
        %mul3A_3320 = vector.broadcast %mul3A_3319 : f32 to vector<16xf32>
        %mul3A_3321 = arith.mulf %mul3A_3320, %add3A_3318 : vector<16xf32>
        %mul3A_3322 = arith.mulf %mul3A_3321, %gather3A_2452 : vector<16xf32>
        %add3A_3323 = arith.addf %gather3A_2444, %mul3A_3322 : vector<16xf32>
        %mul3A_3324 = arith.mulf %mul3A_3321, %gather3A_2456 : vector<16xf32>
        %add3A_3325 = arith.addf %gather3A_2448, %mul3A_3324 : vector<16xf32>
        %sub3A_3326 = arith.subf %gather3A_3317, %while3A_3262 : vector<16xf32>
        %mul3A_3327 = arith.mulf %sub3A_3326, %gather3A_2460 : vector<16xf32>
        %ge3A_3328 = arith.constant 0.000000e+00 : f32
        %ge3A_3329 = vector.broadcast %ge3A_3328 : f32 to vector<16xf32>
        %ge3A_3330 = arith.cmpf oge, %add3A_3323, %ge3A_3329 : vector<16xf32>
        %lt3A_3331 = arith.constant 2.560000e+02 : f32
        %lt3A_3332 = vector.broadcast %lt3A_3331 : f32 to vector<16xf32>
        %lt3A_3333 = arith.cmpf olt, %add3A_3323, %lt3A_3332 : vector<16xf32>
        %and3A_3334 = arith.andi %ge3A_3330, %lt3A_3333 : vector<16xi1>
        %ge3A_3335 = arith.constant 0.000000e+00 : f32
        %ge3A_3336 = vector.broadcast %ge3A_3335 : f32 to vector<16xf32>
        %ge3A_3337 = arith.cmpf oge, %add3A_3325, %ge3A_3336 : vector<16xf32>
        %and3A_3338 = arith.andi %and3A_3334, %ge3A_3337 : vector<16xi1>
        %lt3A_3339 = arith.constant 2.560000e+02 : f32
        %lt3A_3340 = vector.broadcast %lt3A_3339 : f32 to vector<16xf32>
        %lt3A_3341 = arith.cmpf olt, %add3A_3325, %lt3A_3340 : vector<16xf32>
        %and3A_3342 = arith.andi %and3A_3338, %lt3A_3341 : vector<16xi1>
        %jit3A_3343 = arith.constant 0.000000e+00 : f32
        %jit3A_3344 = arith.constant 2.550000e+02 : f32
        %max3A_3345 = vector.broadcast %jit3A_3343 : f32 to vector<16xf32>
        %max3A_3346 = arith.maximumf %max3A_3345, %add3A_3323 : vector<16xf32>
        %min3A_3347 = vector.broadcast %jit3A_3344 : f32 to vector<16xf32>
        %min3A_3348 = arith.minimumf %min3A_3347, %max3A_3346 : vector<16xf32>
        %convert_element_type3A_3349 = arith.fptosi %min3A_3348 : vector<16xf32> to vector<16xi32>
        %jit3A_3350 = arith.constant 0.000000e+00 : f32
        %jit3A_3351 = arith.constant 2.550000e+02 : f32
        %max3A_3352 = vector.broadcast %jit3A_3350 : f32 to vector<16xf32>
        %max3A_3353 = arith.maximumf %max3A_3352, %add3A_3325 : vector<16xf32>
        %min3A_3354 = vector.broadcast %jit3A_3351 : f32 to vector<16xf32>
        %min3A_3355 = arith.minimumf %min3A_3354, %max3A_3353 : vector<16xf32>
        %convert_element_type3A_3356 = arith.fptosi %min3A_3355 : vector<16xf32> to vector<16xi32>
        %mul3A_3357 = arith.constant 261 : i32
        %mul3A_3358 = vector.broadcast %mul3A_3357 : i32 to vector<16xi32>
        %mul3A_3359 = arith.muli %convert_element_type3A_3349, %mul3A_3358 : vector<16xi32>
        %add3A_3360 = arith.addi %mul3A_3359, %convert_element_type3A_3356 : vector<16xi32>
        %gather3A_3361 = tpu.vector_load_idx %arg6[%add3A_3360] : memref<66816xf32, #tpu.memory_space<vmem>>[vector<16xi32>], vector<16xf32>,
        %jit3A_3362 = arith.constant 0.000000e+00 : f32
        %broadcast_in_dim3A_3363 = vector.broadcast %jit3A_3362 : f32 to vector<16xf32>
        %select_n3A_3364 = arith.select %and3A_3342, %mul3A_3327, %broadcast_in_dim3A_3363 : vector<16xi1>, vector<16xf32>
        %mul3A_3365 = arith.mulf %gather3A_3361, %select_n3A_3364 : vector<16xf32>
        %add3A_3366 = arith.addf %while3A_3264, %mul3A_3365 : vector<16xf32>
        scf.yield %gather3A_3268, %gather3A_3317, %add3A_3316, %add3A_3366 : vector<16xf32>, vector<16xf32>, vector<16xf32>, vector<16xf32>
      }
      %while3A_3226 = arith.constant 1 : i32
      %while3A_3227:4 = scf.for %while3A_3260 = %while3A_3223 to %while3A_3219 step %while3A_3226 iter_args(%while3A_3261 = %while3A_3225#0, %while3A_3262 = %while3A_3225#1, %while3A_3263 = %while3A_3225#2, %while3A_3264 = %while3A_3225#3) -> (vector<16xf32>, vector<16xf32>, vector<16xf32>, vector<16xf32>)  : i32 {
        %add3A_3265 = arith.constant 1 : i32
        %add3A_3266 = arith.addi %while3A_3260, %add3A_3265 : i32
        %broadcast_in_dim3A_3267 = vector.broadcast %add3A_3266 : i32 to vector<16xi32>
        %gather3A_3268 = tpu.vector_load_idx %arg8[%add3A_1678, %broadcast_in_dim3A_3267] : memref<32x516xf32, #tpu.memory_space<vmem>>[vector<16xi32>, vector<16xi32>], vector<16xf32>,
        %add3A_3269 = arith.addf %while3A_3261, %gather3A_3268 : vector<16xf32>
        %mul3A_3270 = arith.constant 5.000000e-01 : f32
        %mul3A_3271 = vector.broadcast %mul3A_3270 : f32 to vector<16xf32>
        %mul3A_3272 = arith.mulf %mul3A_3271, %add3A_3269 : vector<16xf32>
        %mul3A_3273 = arith.mulf %mul3A_3272, %gather3A_1690 : vector<16xf32>
        %add3A_3274 = arith.addf %gather3A_1682, %mul3A_3273 : vector<16xf32>
        %mul3A_3275 = arith.mulf %mul3A_3272, %gather3A_1694 : vector<16xf32>
        %add3A_3276 = arith.addf %gather3A_1686, %mul3A_3275 : vector<16xf32>
        %sub3A_3277 = arith.subf %gather3A_3268, %while3A_3261 : vector<16xf32>
        %mul3A_3278 = arith.mulf %sub3A_3277, %gather3A_1698 : vector<16xf32>
        %ge3A = arith.constant 0.000000e+00 : f32
        %ge3A_3279 = vector.broadcast %ge3A : f32 to vector<16xf32>
        %ge3A_3280 = arith.cmpf oge, %add3A_3274, %ge3A_3279 : vector<16xf32>
        %lt3A_3281 = arith.constant 2.560000e+02 : f32
        %lt3A_3282 = vector.broadcast %lt3A_3281 : f32 to vector<16xf32>
        %lt3A_3283 = arith.cmpf olt, %add3A_3274, %lt3A_3282 : vector<16xf32>
        %and3A_3284 = arith.andi %ge3A_3280, %lt3A_3283 : vector<16xi1>
        %ge3A_3285 = arith.constant 0.000000e+00 : f32
        %ge3A_3286 = vector.broadcast %ge3A_3285 : f32 to vector<16xf32>
        %ge3A_3287 = arith.cmpf oge, %add3A_3276, %ge3A_3286 : vector<16xf32>
        %and3A_3288 = arith.andi %and3A_3284, %ge3A_3287 : vector<16xi1>
        %lt3A_3289 = arith.constant 2.560000e+02 : f32
        %lt3A_3290 = vector.broadcast %lt3A_3289 : f32 to vector<16xf32>
        %lt3A_3291 = arith.cmpf olt, %add3A_3276, %lt3A_3290 : vector<16xf32>
        %and3A_3292 = arith.andi %and3A_3288, %lt3A_3291 : vector<16xi1>
        %jit3A_3293 = arith.constant 0.000000e+00 : f32
        %jit3A_3294 = arith.constant 2.550000e+02 : f32
        %max3A_3295 = vector.broadcast %jit3A_3293 : f32 to vector<16xf32>
        %max3A_3296 = arith.maximumf %max3A_3295, %add3A_3274 : vector<16xf32>
        %min3A_3297 = vector.broadcast %jit3A_3294 : f32 to vector<16xf32>
        %min3A_3298 = arith.minimumf %min3A_3297, %max3A_3296 : vector<16xf32>
        %convert_element_type3A_3299 = arith.fptosi %min3A_3298 : vector<16xf32> to vector<16xi32>
        %jit3A_3300 = arith.constant 0.000000e+00 : f32
        %jit3A_3301 = arith.constant 2.550000e+02 : f32
        %max3A_3302 = vector.broadcast %jit3A_3300 : f32 to vector<16xf32>
        %max3A_3303 = arith.maximumf %max3A_3302, %add3A_3276 : vector<16xf32>
        %min3A_3304 = vector.broadcast %jit3A_3301 : f32 to vector<16xf32>
        %min3A_3305 = arith.minimumf %min3A_3304, %max3A_3303 : vector<16xf32>
        %convert_element_type3A_3306 = arith.fptosi %min3A_3305 : vector<16xf32> to vector<16xi32>
        %mul3A_3307 = arith.constant 261 : i32
        %mul3A_3308 = vector.broadcast %mul3A_3307 : i32 to vector<16xi32>
        %mul3A_3309 = arith.muli %convert_element_type3A_3299, %mul3A_3308 : vector<16xi32>
        %add3A_3310 = arith.addi %mul3A_3309, %convert_element_type3A_3306 : vector<16xi32>
        %gather3A_3311 = tpu.vector_load_idx %arg6[%add3A_3310] : memref<66816xf32, #tpu.memory_space<vmem>>[vector<16xi32>], vector<16xf32>,
        %jit3A_3312 = arith.constant 0.000000e+00 : f32
        %broadcast_in_dim3A_3313 = vector.broadcast %jit3A_3312 : f32 to vector<16xf32>
        %select_n3A_3314 = arith.select %and3A_3292, %mul3A_3278, %broadcast_in_dim3A_3313 : vector<16xi1>, vector<16xf32>
        %mul3A_3315 = arith.mulf %gather3A_3311, %select_n3A_3314 : vector<16xf32>
        %add3A_3316 = arith.addf %while3A_3263, %mul3A_3315 : vector<16xf32>
        %gather3A_3317 = tpu.vector_load_idx %arg8[%add3A_1681, %broadcast_in_dim3A_3267] : memref<32x516xf32, #tpu.memory_space<vmem>>[vector<16xi32>, vector<16xi32>], vector<16xf32>,
        %add3A_3318 = arith.addf %while3A_3262, %gather3A_3317 : vector<16xf32>
        %mul3A_3319 = arith.constant 5.000000e-01 : f32
        %mul3A_3320 = vector.broadcast %mul3A_3319 : f32 to vector<16xf32>
        %mul3A_3321 = arith.mulf %mul3A_3320, %add3A_3318 : vector<16xf32>
        %mul3A_3322 = arith.mulf %mul3A_3321, %gather3A_2452 : vector<16xf32>
        %add3A_3323 = arith.addf %gather3A_2444, %mul3A_3322 : vector<16xf32>
        %mul3A_3324 = arith.mulf %mul3A_3321, %gather3A_2456 : vector<16xf32>
        %add3A_3325 = arith.addf %gather3A_2448, %mul3A_3324 : vector<16xf32>
        %sub3A_3326 = arith.subf %gather3A_3317, %while3A_3262 : vector<16xf32>
        %mul3A_3327 = arith.mulf %sub3A_3326, %gather3A_2460 : vector<16xf32>
        %ge3A_3328 = arith.constant 0.000000e+00 : f32
        %ge3A_3329 = vector.broadcast %ge3A_3328 : f32 to vector<16xf32>
        %ge3A_3330 = arith.cmpf oge, %add3A_3323, %ge3A_3329 : vector<16xf32>
        %lt3A_3331 = arith.constant 2.560000e+02 : f32
        %lt3A_3332 = vector.broadcast %lt3A_3331 : f32 to vector<16xf32>
        %lt3A_3333 = arith.cmpf olt, %add3A_3323, %lt3A_3332 : vector<16xf32>
        %and3A_3334 = arith.andi %ge3A_3330, %lt3A_3333 : vector<16xi1>
        %ge3A_3335 = arith.constant 0.000000e+00 : f32
        %ge3A_3336 = vector.broadcast %ge3A_3335 : f32 to vector<16xf32>
        %ge3A_3337 = arith.cmpf oge, %add3A_3325, %ge3A_3336 : vector<16xf32>
        %and3A_3338 = arith.andi %and3A_3334, %ge3A_3337 : vector<16xi1>
        %lt3A_3339 = arith.constant 2.560000e+02 : f32
        %lt3A_3340 = vector.broadcast %lt3A_3339 : f32 to vector<16xf32>
        %lt3A_3341 = arith.cmpf olt, %add3A_3325, %lt3A_3340 : vector<16xf32>
        %and3A_3342 = arith.andi %and3A_3338, %lt3A_3341 : vector<16xi1>
        %jit3A_3343 = arith.constant 0.000000e+00 : f32
        %jit3A_3344 = arith.constant 2.550000e+02 : f32
        %max3A_3345 = vector.broadcast %jit3A_3343 : f32 to vector<16xf32>
        %max3A_3346 = arith.maximumf %max3A_3345, %add3A_3323 : vector<16xf32>
        %min3A_3347 = vector.broadcast %jit3A_3344 : f32 to vector<16xf32>
        %min3A_3348 = arith.minimumf %min3A_3347, %max3A_3346 : vector<16xf32>
        %convert_element_type3A_3349 = arith.fptosi %min3A_3348 : vector<16xf32> to vector<16xi32>
        %jit3A_3350 = arith.constant 0.000000e+00 : f32
        %jit3A_3351 = arith.constant 2.550000e+02 : f32
        %max3A_3352 = vector.broadcast %jit3A_3350 : f32 to vector<16xf32>
        %max3A_3353 = arith.maximumf %max3A_3352, %add3A_3325 : vector<16xf32>
        %min3A_3354 = vector.broadcast %jit3A_3351 : f32 to vector<16xf32>
        %min3A_3355 = arith.minimumf %min3A_3354, %max3A_3353 : vector<16xf32>
        %convert_element_type3A_3356 = arith.fptosi %min3A_3355 : vector<16xf32> to vector<16xi32>
        %mul3A_3357 = arith.constant 261 : i32
        %mul3A_3358 = vector.broadcast %mul3A_3357 : i32 to vector<16xi32>
        %mul3A_3359 = arith.muli %convert_element_type3A_3349, %mul3A_3358 : vector<16xi32>
        %add3A_3360 = arith.addi %mul3A_3359, %convert_element_type3A_3356 : vector<16xi32>
        %gather3A_3361 = tpu.vector_load_idx %arg6[%add3A_3360] : memref<66816xf32, #tpu.memory_space<vmem>>[vector<16xi32>], vector<16xf32>,
        %jit3A_3362 = arith.constant 0.000000e+00 : f32
        %broadcast_in_dim3A_3363 = vector.broadcast %jit3A_3362 : f32 to vector<16xf32>
        %select_n3A_3364 = arith.select %and3A_3342, %mul3A_3327, %broadcast_in_dim3A_3363 : vector<16xi1>, vector<16xf32>
        %mul3A_3365 = arith.mulf %gather3A_3361, %select_n3A_3364 : vector<16xf32>
        %add3A_3366 = arith.addf %while3A_3264, %mul3A_3365 : vector<16xf32>
        scf.yield %gather3A_3268, %gather3A_3317, %add3A_3316, %add3A_3366 : vector<16xf32>, vector<16xf32>, vector<16xf32>, vector<16xf32>
      }
      %while3A_3228 = arith.subi %min3A_3214, %min3A_3212 : i32
      %while3A_3229 = arith.addi %min3A_3212, %while3A_3228 : i32
      %while3A_3230 = arith.constant 1 : i32
      %while3A_3231 = arith.divsi %while3A_3228, %while3A_3230 : i32
      %while3A_3232 = arith.muli %while3A_3231, %while3A_3230 : i32
      %while3A_3233 = arith.addi %min3A_3212, %while3A_3232 : i32
      %while3A_3234 = arith.constant 1 : i32
      %while3A_3235:4 = scf.for %while3A_3260 = %min3A_3212 to %while3A_3233 step %while3A_3234 iter_args(%while3A_3261 = %while3A_3227#0, %while3A_3262 = %while3A_3227#1, %while3A_3263 = %while3A_3227#2, %while3A_3264 = %while3A_3227#3) -> (vector<16xf32>, vector<16xf32>, vector<16xf32>, vector<16xf32>)  : i32 {
        %add3A_3265 = arith.constant 1 : i32
        %add3A_3266 = arith.addi %while3A_3260, %add3A_3265 : i32
        %broadcast_in_dim3A_3267 = vector.broadcast %add3A_3266 : i32 to vector<16xi32>
        %gather3A_3268 = tpu.vector_load_idx %arg8[%add3A_1678, %broadcast_in_dim3A_3267] : memref<32x516xf32, #tpu.memory_space<vmem>>[vector<16xi32>, vector<16xi32>], vector<16xf32>,
        %add3A_3269 = arith.addf %while3A_3261, %gather3A_3268 : vector<16xf32>
        %mul3A_3270 = arith.constant 5.000000e-01 : f32
        %mul3A_3271 = vector.broadcast %mul3A_3270 : f32 to vector<16xf32>
        %mul3A_3272 = arith.mulf %mul3A_3271, %add3A_3269 : vector<16xf32>
        %mul3A_3273 = arith.mulf %mul3A_3272, %gather3A_1690 : vector<16xf32>
        %add3A_3274 = arith.addf %gather3A_1682, %mul3A_3273 : vector<16xf32>
        %mul3A_3275 = arith.mulf %mul3A_3272, %gather3A_1694 : vector<16xf32>
        %add3A_3276 = arith.addf %gather3A_1686, %mul3A_3275 : vector<16xf32>
        %sub3A_3277 = arith.subf %gather3A_3268, %while3A_3261 : vector<16xf32>
        %mul3A_3278 = arith.mulf %sub3A_3277, %gather3A_1698 : vector<16xf32>
        %convert_element_type3A_3279 = arith.fptosi %add3A_3274 : vector<16xf32> to vector<16xi32>
        %mul3A_3280 = arith.constant 261 : i32
        %mul3A_3281 = vector.broadcast %mul3A_3280 : i32 to vector<16xi32>
        %mul3A_3282 = arith.muli %convert_element_type3A_3279, %mul3A_3281 : vector<16xi32>
        %convert_element_type3A_3283 = arith.fptosi %add3A_3276 : vector<16xf32> to vector<16xi32>
        %add3A_3284 = arith.addi %mul3A_3282, %convert_element_type3A_3283 : vector<16xi32>
        %gather3A_3285 = tpu.vector_load_idx %arg6[%add3A_3284] : memref<66816xf32, #tpu.memory_space<vmem>>[vector<16xi32>], vector<16xf32>,
        %mul3A_3286 = arith.mulf %gather3A_3285, %mul3A_3278 : vector<16xf32>
        %add3A_3287 = arith.addf %while3A_3263, %mul3A_3286 : vector<16xf32>
        %gather3A_3288 = tpu.vector_load_idx %arg8[%add3A_1681, %broadcast_in_dim3A_3267] : memref<32x516xf32, #tpu.memory_space<vmem>>[vector<16xi32>, vector<16xi32>], vector<16xf32>,
        %add3A_3289 = arith.addf %while3A_3262, %gather3A_3288 : vector<16xf32>
        %mul3A_3290 = arith.constant 5.000000e-01 : f32
        %mul3A_3291 = vector.broadcast %mul3A_3290 : f32 to vector<16xf32>
        %mul3A_3292 = arith.mulf %mul3A_3291, %add3A_3289 : vector<16xf32>
        %mul3A_3293 = arith.mulf %mul3A_3292, %gather3A_2452 : vector<16xf32>
        %add3A_3294 = arith.addf %gather3A_2444, %mul3A_3293 : vector<16xf32>
        %mul3A_3295 = arith.mulf %mul3A_3292, %gather3A_2456 : vector<16xf32>
        %add3A_3296 = arith.addf %gather3A_2448, %mul3A_3295 : vector<16xf32>
        %sub3A_3297 = arith.subf %gather3A_3288, %while3A_3262 : vector<16xf32>
        %mul3A_3298 = arith.mulf %sub3A_3297, %gather3A_2460 : vector<16xf32>
        %convert_element_type3A_3299 = arith.fptosi %add3A_3294 : vector<16xf32> to vector<16xi32>
        %mul3A_3300 = arith.constant 261 : i32
        %mul3A_3301 = vector.broadcast %mul3A_3300 : i32 to vector<16xi32>
        %mul3A_3302 = arith.muli %convert_element_type3A_3299, %mul3A_3301 : vector<16xi32>
        %convert_element_type3A_3303 = arith.fptosi %add3A_3296 : vector<16xf32> to vector<16xi32>
        %add3A_3304 = arith.addi %mul3A_3302, %convert_element_type3A_3303 : vector<16xi32>
        %gather3A_3305 = tpu.vector_load_idx %arg6[%add3A_3304] : memref<66816xf32, #tpu.memory_space<vmem>>[vector<16xi32>], vector<16xf32>,
        %mul3A_3306 = arith.mulf %gather3A_3305, %mul3A_3298 : vector<16xf32>
        %add3A_3307 = arith.addf %while3A_3264, %mul3A_3306 : vector<16xf32>
        scf.yield %gather3A_3268, %gather3A_3288, %add3A_3287, %add3A_3307 : vector<16xf32>, vector<16xf32>, vector<16xf32>, vector<16xf32>
      }
      %while3A_3236 = arith.constant 1 : i32
      %while3A_3237:4 = scf.for %while3A_3260 = %while3A_3233 to %while3A_3229 step %while3A_3236 iter_args(%while3A_3261 = %while3A_3235#0, %while3A_3262 = %while3A_3235#1, %while3A_3263 = %while3A_3235#2, %while3A_3264 = %while3A_3235#3) -> (vector<16xf32>, vector<16xf32>, vector<16xf32>, vector<16xf32>)  : i32 {
        %add3A_3265 = arith.constant 1 : i32
        %add3A_3266 = arith.addi %while3A_3260, %add3A_3265 : i32
        %broadcast_in_dim3A_3267 = vector.broadcast %add3A_3266 : i32 to vector<16xi32>
        %gather3A_3268 = tpu.vector_load_idx %arg8[%add3A_1678, %broadcast_in_dim3A_3267] : memref<32x516xf32, #tpu.memory_space<vmem>>[vector<16xi32>, vector<16xi32>], vector<16xf32>,
        %add3A_3269 = arith.addf %while3A_3261, %gather3A_3268 : vector<16xf32>
        %mul3A_3270 = arith.constant 5.000000e-01 : f32
        %mul3A_3271 = vector.broadcast %mul3A_3270 : f32 to vector<16xf32>
        %mul3A_3272 = arith.mulf %mul3A_3271, %add3A_3269 : vector<16xf32>
        %mul3A_3273 = arith.mulf %mul3A_3272, %gather3A_1690 : vector<16xf32>
        %add3A_3274 = arith.addf %gather3A_1682, %mul3A_3273 : vector<16xf32>
        %mul3A_3275 = arith.mulf %mul3A_3272, %gather3A_1694 : vector<16xf32>
        %add3A_3276 = arith.addf %gather3A_1686, %mul3A_3275 : vector<16xf32>
        %sub3A_3277 = arith.subf %gather3A_3268, %while3A_3261 : vector<16xf32>
        %mul3A_3278 = arith.mulf %sub3A_3277, %gather3A_1698 : vector<16xf32>
        %convert_element_type3A_3279 = arith.fptosi %add3A_3274 : vector<16xf32> to vector<16xi32>
        %mul3A_3280 = arith.constant 261 : i32
        %mul3A_3281 = vector.broadcast %mul3A_3280 : i32 to vector<16xi32>
        %mul3A_3282 = arith.muli %convert_element_type3A_3279, %mul3A_3281 : vector<16xi32>
        %convert_element_type3A_3283 = arith.fptosi %add3A_3276 : vector<16xf32> to vector<16xi32>
        %add3A_3284 = arith.addi %mul3A_3282, %convert_element_type3A_3283 : vector<16xi32>
        %gather3A_3285 = tpu.vector_load_idx %arg6[%add3A_3284] : memref<66816xf32, #tpu.memory_space<vmem>>[vector<16xi32>], vector<16xf32>,
        %mul3A_3286 = arith.mulf %gather3A_3285, %mul3A_3278 : vector<16xf32>
        %add3A_3287 = arith.addf %while3A_3263, %mul3A_3286 : vector<16xf32>
        %gather3A_3288 = tpu.vector_load_idx %arg8[%add3A_1681, %broadcast_in_dim3A_3267] : memref<32x516xf32, #tpu.memory_space<vmem>>[vector<16xi32>, vector<16xi32>], vector<16xf32>,
        %add3A_3289 = arith.addf %while3A_3262, %gather3A_3288 : vector<16xf32>
        %mul3A_3290 = arith.constant 5.000000e-01 : f32
        %mul3A_3291 = vector.broadcast %mul3A_3290 : f32 to vector<16xf32>
        %mul3A_3292 = arith.mulf %mul3A_3291, %add3A_3289 : vector<16xf32>
        %mul3A_3293 = arith.mulf %mul3A_3292, %gather3A_2452 : vector<16xf32>
        %add3A_3294 = arith.addf %gather3A_2444, %mul3A_3293 : vector<16xf32>
        %mul3A_3295 = arith.mulf %mul3A_3292, %gather3A_2456 : vector<16xf32>
        %add3A_3296 = arith.addf %gather3A_2448, %mul3A_3295 : vector<16xf32>
        %sub3A_3297 = arith.subf %gather3A_3288, %while3A_3262 : vector<16xf32>
        %mul3A_3298 = arith.mulf %sub3A_3297, %gather3A_2460 : vector<16xf32>
        %convert_element_type3A_3299 = arith.fptosi %add3A_3294 : vector<16xf32> to vector<16xi32>
        %mul3A_3300 = arith.constant 261 : i32
        %mul3A_3301 = vector.broadcast %mul3A_3300 : i32 to vector<16xi32>
        %mul3A_3302 = arith.muli %convert_element_type3A_3299, %mul3A_3301 : vector<16xi32>
        %convert_element_type3A_3303 = arith.fptosi %add3A_3296 : vector<16xf32> to vector<16xi32>
        %add3A_3304 = arith.addi %mul3A_3302, %convert_element_type3A_3303 : vector<16xi32>
        %gather3A_3305 = tpu.vector_load_idx %arg6[%add3A_3304] : memref<66816xf32, #tpu.memory_space<vmem>>[vector<16xi32>], vector<16xf32>,
        %mul3A_3306 = arith.mulf %gather3A_3305, %mul3A_3298 : vector<16xf32>
        %add3A_3307 = arith.addf %while3A_3264, %mul3A_3306 : vector<16xf32>
        scf.yield %gather3A_3268, %gather3A_3288, %add3A_3287, %add3A_3307 : vector<16xf32>, vector<16xf32>, vector<16xf32>, vector<16xf32>
      }
      %while3A_3238 = arith.subi %max3A_3210, %min3A_3214 : i32
      %while3A_3239 = arith.addi %min3A_3214, %while3A_3238 : i32
      %while3A_3240 = arith.constant 1 : i32
      %while3A_3241 = arith.divsi %while3A_3238, %while3A_3240 : i32
      %while3A_3242 = arith.muli %while3A_3241, %while3A_3240 : i32
      %while3A_3243 = arith.addi %min3A_3214, %while3A_3242 : i32
      %while3A_3244 = arith.constant 1 : i32
      %while3A_3245:4 = scf.for %while3A_3260 = %min3A_3214 to %while3A_3243 step %while3A_3244 iter_args(%while3A_3261 = %while3A_3237#0, %while3A_3262 = %while3A_3237#1, %while3A_3263 = %while3A_3237#2, %while3A_3264 = %while3A_3237#3) -> (vector<16xf32>, vector<16xf32>, vector<16xf32>, vector<16xf32>)  : i32 {
        %add3A_3265 = arith.constant 1 : i32
        %add3A_3266 = arith.addi %while3A_3260, %add3A_3265 : i32
        %broadcast_in_dim3A_3267 = vector.broadcast %add3A_3266 : i32 to vector<16xi32>
        %gather3A_3268 = tpu.vector_load_idx %arg8[%add3A_1678, %broadcast_in_dim3A_3267] : memref<32x516xf32, #tpu.memory_space<vmem>>[vector<16xi32>, vector<16xi32>], vector<16xf32>,
        %add3A_3269 = arith.addf %while3A_3261, %gather3A_3268 : vector<16xf32>
        %mul3A_3270 = arith.constant 5.000000e-01 : f32
        %mul3A_3271 = vector.broadcast %mul3A_3270 : f32 to vector<16xf32>
        %mul3A_3272 = arith.mulf %mul3A_3271, %add3A_3269 : vector<16xf32>
        %mul3A_3273 = arith.mulf %mul3A_3272, %gather3A_1690 : vector<16xf32>
        %add3A_3274 = arith.addf %gather3A_1682, %mul3A_3273 : vector<16xf32>
        %mul3A_3275 = arith.mulf %mul3A_3272, %gather3A_1694 : vector<16xf32>
        %add3A_3276 = arith.addf %gather3A_1686, %mul3A_3275 : vector<16xf32>
        %sub3A_3277 = arith.subf %gather3A_3268, %while3A_3261 : vector<16xf32>
        %mul3A_3278 = arith.mulf %sub3A_3277, %gather3A_1698 : vector<16xf32>
        %ge3A = arith.constant 0.000000e+00 : f32
        %ge3A_3279 = vector.broadcast %ge3A : f32 to vector<16xf32>
        %ge3A_3280 = arith.cmpf oge, %add3A_3274, %ge3A_3279 : vector<16xf32>
        %lt3A_3281 = arith.constant 2.560000e+02 : f32
        %lt3A_3282 = vector.broadcast %lt3A_3281 : f32 to vector<16xf32>
        %lt3A_3283 = arith.cmpf olt, %add3A_3274, %lt3A_3282 : vector<16xf32>
        %and3A_3284 = arith.andi %ge3A_3280, %lt3A_3283 : vector<16xi1>
        %ge3A_3285 = arith.constant 0.000000e+00 : f32
        %ge3A_3286 = vector.broadcast %ge3A_3285 : f32 to vector<16xf32>
        %ge3A_3287 = arith.cmpf oge, %add3A_3276, %ge3A_3286 : vector<16xf32>
        %and3A_3288 = arith.andi %and3A_3284, %ge3A_3287 : vector<16xi1>
        %lt3A_3289 = arith.constant 2.560000e+02 : f32
        %lt3A_3290 = vector.broadcast %lt3A_3289 : f32 to vector<16xf32>
        %lt3A_3291 = arith.cmpf olt, %add3A_3276, %lt3A_3290 : vector<16xf32>
        %and3A_3292 = arith.andi %and3A_3288, %lt3A_3291 : vector<16xi1>
        %jit3A_3293 = arith.constant 0.000000e+00 : f32
        %jit3A_3294 = arith.constant 2.550000e+02 : f32
        %max3A_3295 = vector.broadcast %jit3A_3293 : f32 to vector<16xf32>
        %max3A_3296 = arith.maximumf %max3A_3295, %add3A_3274 : vector<16xf32>
        %min3A_3297 = vector.broadcast %jit3A_3294 : f32 to vector<16xf32>
        %min3A_3298 = arith.minimumf %min3A_3297, %max3A_3296 : vector<16xf32>
        %convert_element_type3A_3299 = arith.fptosi %min3A_3298 : vector<16xf32> to vector<16xi32>
        %jit3A_3300 = arith.constant 0.000000e+00 : f32
        %jit3A_3301 = arith.constant 2.550000e+02 : f32
        %max3A_3302 = vector.broadcast %jit3A_3300 : f32 to vector<16xf32>
        %max3A_3303 = arith.maximumf %max3A_3302, %add3A_3276 : vector<16xf32>
        %min3A_3304 = vector.broadcast %jit3A_3301 : f32 to vector<16xf32>
        %min3A_3305 = arith.minimumf %min3A_3304, %max3A_3303 : vector<16xf32>
        %convert_element_type3A_3306 = arith.fptosi %min3A_3305 : vector<16xf32> to vector<16xi32>
        %mul3A_3307 = arith.constant 261 : i32
        %mul3A_3308 = vector.broadcast %mul3A_3307 : i32 to vector<16xi32>
        %mul3A_3309 = arith.muli %convert_element_type3A_3299, %mul3A_3308 : vector<16xi32>
        %add3A_3310 = arith.addi %mul3A_3309, %convert_element_type3A_3306 : vector<16xi32>
        %gather3A_3311 = tpu.vector_load_idx %arg6[%add3A_3310] : memref<66816xf32, #tpu.memory_space<vmem>>[vector<16xi32>], vector<16xf32>,
        %jit3A_3312 = arith.constant 0.000000e+00 : f32
        %broadcast_in_dim3A_3313 = vector.broadcast %jit3A_3312 : f32 to vector<16xf32>
        %select_n3A_3314 = arith.select %and3A_3292, %mul3A_3278, %broadcast_in_dim3A_3313 : vector<16xi1>, vector<16xf32>
        %mul3A_3315 = arith.mulf %gather3A_3311, %select_n3A_3314 : vector<16xf32>
        %add3A_3316 = arith.addf %while3A_3263, %mul3A_3315 : vector<16xf32>
        %gather3A_3317 = tpu.vector_load_idx %arg8[%add3A_1681, %broadcast_in_dim3A_3267] : memref<32x516xf32, #tpu.memory_space<vmem>>[vector<16xi32>, vector<16xi32>], vector<16xf32>,
        %add3A_3318 = arith.addf %while3A_3262, %gather3A_3317 : vector<16xf32>
        %mul3A_3319 = arith.constant 5.000000e-01 : f32
        %mul3A_3320 = vector.broadcast %mul3A_3319 : f32 to vector<16xf32>
        %mul3A_3321 = arith.mulf %mul3A_3320, %add3A_3318 : vector<16xf32>
        %mul3A_3322 = arith.mulf %mul3A_3321, %gather3A_2452 : vector<16xf32>
        %add3A_3323 = arith.addf %gather3A_2444, %mul3A_3322 : vector<16xf32>
        %mul3A_3324 = arith.mulf %mul3A_3321, %gather3A_2456 : vector<16xf32>
        %add3A_3325 = arith.addf %gather3A_2448, %mul3A_3324 : vector<16xf32>
        %sub3A_3326 = arith.subf %gather3A_3317, %while3A_3262 : vector<16xf32>
        %mul3A_3327 = arith.mulf %sub3A_3326, %gather3A_2460 : vector<16xf32>
        %ge3A_3328 = arith.constant 0.000000e+00 : f32
        %ge3A_3329 = vector.broadcast %ge3A_3328 : f32 to vector<16xf32>
        %ge3A_3330 = arith.cmpf oge, %add3A_3323, %ge3A_3329 : vector<16xf32>
        %lt3A_3331 = arith.constant 2.560000e+02 : f32
        %lt3A_3332 = vector.broadcast %lt3A_3331 : f32 to vector<16xf32>
        %lt3A_3333 = arith.cmpf olt, %add3A_3323, %lt3A_3332 : vector<16xf32>
        %and3A_3334 = arith.andi %ge3A_3330, %lt3A_3333 : vector<16xi1>
        %ge3A_3335 = arith.constant 0.000000e+00 : f32
        %ge3A_3336 = vector.broadcast %ge3A_3335 : f32 to vector<16xf32>
        %ge3A_3337 = arith.cmpf oge, %add3A_3325, %ge3A_3336 : vector<16xf32>
        %and3A_3338 = arith.andi %and3A_3334, %ge3A_3337 : vector<16xi1>
        %lt3A_3339 = arith.constant 2.560000e+02 : f32
        %lt3A_3340 = vector.broadcast %lt3A_3339 : f32 to vector<16xf32>
        %lt3A_3341 = arith.cmpf olt, %add3A_3325, %lt3A_3340 : vector<16xf32>
        %and3A_3342 = arith.andi %and3A_3338, %lt3A_3341 : vector<16xi1>
        %jit3A_3343 = arith.constant 0.000000e+00 : f32
        %jit3A_3344 = arith.constant 2.550000e+02 : f32
        %max3A_3345 = vector.broadcast %jit3A_3343 : f32 to vector<16xf32>
        %max3A_3346 = arith.maximumf %max3A_3345, %add3A_3323 : vector<16xf32>
        %min3A_3347 = vector.broadcast %jit3A_3344 : f32 to vector<16xf32>
        %min3A_3348 = arith.minimumf %min3A_3347, %max3A_3346 : vector<16xf32>
        %convert_element_type3A_3349 = arith.fptosi %min3A_3348 : vector<16xf32> to vector<16xi32>
        %jit3A_3350 = arith.constant 0.000000e+00 : f32
        %jit3A_3351 = arith.constant 2.550000e+02 : f32
        %max3A_3352 = vector.broadcast %jit3A_3350 : f32 to vector<16xf32>
        %max3A_3353 = arith.maximumf %max3A_3352, %add3A_3325 : vector<16xf32>
        %min3A_3354 = vector.broadcast %jit3A_3351 : f32 to vector<16xf32>
        %min3A_3355 = arith.minimumf %min3A_3354, %max3A_3353 : vector<16xf32>
        %convert_element_type3A_3356 = arith.fptosi %min3A_3355 : vector<16xf32> to vector<16xi32>
        %mul3A_3357 = arith.constant 261 : i32
        %mul3A_3358 = vector.broadcast %mul3A_3357 : i32 to vector<16xi32>
        %mul3A_3359 = arith.muli %convert_element_type3A_3349, %mul3A_3358 : vector<16xi32>
        %add3A_3360 = arith.addi %mul3A_3359, %convert_element_type3A_3356 : vector<16xi32>
        %gather3A_3361 = tpu.vector_load_idx %arg6[%add3A_3360] : memref<66816xf32, #tpu.memory_space<vmem>>[vector<16xi32>], vector<16xf32>,
        %jit3A_3362 = arith.constant 0.000000e+00 : f32
        %broadcast_in_dim3A_3363 = vector.broadcast %jit3A_3362 : f32 to vector<16xf32>
        %select_n3A_3364 = arith.select %and3A_3342, %mul3A_3327, %broadcast_in_dim3A_3363 : vector<16xi1>, vector<16xf32>
        %mul3A_3365 = arith.mulf %gather3A_3361, %select_n3A_3364 : vector<16xf32>
        %add3A_3366 = arith.addf %while3A_3264, %mul3A_3365 : vector<16xf32>
        scf.yield %gather3A_3268, %gather3A_3317, %add3A_3316, %add3A_3366 : vector<16xf32>, vector<16xf32>, vector<16xf32>, vector<16xf32>
      }
      %while3A_3246 = arith.constant 1 : i32
      %while3A_3247:4 = scf.for %while3A_3260 = %while3A_3243 to %while3A_3239 step %while3A_3246 iter_args(%while3A_3261 = %while3A_3245#0, %while3A_3262 = %while3A_3245#1, %while3A_3263 = %while3A_3245#2, %while3A_3264 = %while3A_3245#3) -> (vector<16xf32>, vector<16xf32>, vector<16xf32>, vector<16xf32>)  : i32 {
        %add3A_3265 = arith.constant 1 : i32
        %add3A_3266 = arith.addi %while3A_3260, %add3A_3265 : i32
        %broadcast_in_dim3A_3267 = vector.broadcast %add3A_3266 : i32 to vector<16xi32>
        %gather3A_3268 = tpu.vector_load_idx %arg8[%add3A_1678, %broadcast_in_dim3A_3267] : memref<32x516xf32, #tpu.memory_space<vmem>>[vector<16xi32>, vector<16xi32>], vector<16xf32>,
        %add3A_3269 = arith.addf %while3A_3261, %gather3A_3268 : vector<16xf32>
        %mul3A_3270 = arith.constant 5.000000e-01 : f32
        %mul3A_3271 = vector.broadcast %mul3A_3270 : f32 to vector<16xf32>
        %mul3A_3272 = arith.mulf %mul3A_3271, %add3A_3269 : vector<16xf32>
        %mul3A_3273 = arith.mulf %mul3A_3272, %gather3A_1690 : vector<16xf32>
        %add3A_3274 = arith.addf %gather3A_1682, %mul3A_3273 : vector<16xf32>
        %mul3A_3275 = arith.mulf %mul3A_3272, %gather3A_1694 : vector<16xf32>
        %add3A_3276 = arith.addf %gather3A_1686, %mul3A_3275 : vector<16xf32>
        %sub3A_3277 = arith.subf %gather3A_3268, %while3A_3261 : vector<16xf32>
        %mul3A_3278 = arith.mulf %sub3A_3277, %gather3A_1698 : vector<16xf32>
        %ge3A = arith.constant 0.000000e+00 : f32
        %ge3A_3279 = vector.broadcast %ge3A : f32 to vector<16xf32>
        %ge3A_3280 = arith.cmpf oge, %add3A_3274, %ge3A_3279 : vector<16xf32>
        %lt3A_3281 = arith.constant 2.560000e+02 : f32
        %lt3A_3282 = vector.broadcast %lt3A_3281 : f32 to vector<16xf32>
        %lt3A_3283 = arith.cmpf olt, %add3A_3274, %lt3A_3282 : vector<16xf32>
        %and3A_3284 = arith.andi %ge3A_3280, %lt3A_3283 : vector<16xi1>
        %ge3A_3285 = arith.constant 0.000000e+00 : f32
        %ge3A_3286 = vector.broadcast %ge3A_3285 : f32 to vector<16xf32>
        %ge3A_3287 = arith.cmpf oge, %add3A_3276, %ge3A_3286 : vector<16xf32>
        %and3A_3288 = arith.andi %and3A_3284, %ge3A_3287 : vector<16xi1>
        %lt3A_3289 = arith.constant 2.560000e+02 : f32
        %lt3A_3290 = vector.broadcast %lt3A_3289 : f32 to vector<16xf32>
        %lt3A_3291 = arith.cmpf olt, %add3A_3276, %lt3A_3290 : vector<16xf32>
        %and3A_3292 = arith.andi %and3A_3288, %lt3A_3291 : vector<16xi1>
        %jit3A_3293 = arith.constant 0.000000e+00 : f32
        %jit3A_3294 = arith.constant 2.550000e+02 : f32
        %max3A_3295 = vector.broadcast %jit3A_3293 : f32 to vector<16xf32>
        %max3A_3296 = arith.maximumf %max3A_3295, %add3A_3274 : vector<16xf32>
        %min3A_3297 = vector.broadcast %jit3A_3294 : f32 to vector<16xf32>
        %min3A_3298 = arith.minimumf %min3A_3297, %max3A_3296 : vector<16xf32>
        %convert_element_type3A_3299 = arith.fptosi %min3A_3298 : vector<16xf32> to vector<16xi32>
        %jit3A_3300 = arith.constant 0.000000e+00 : f32
        %jit3A_3301 = arith.constant 2.550000e+02 : f32
        %max3A_3302 = vector.broadcast %jit3A_3300 : f32 to vector<16xf32>
        %max3A_3303 = arith.maximumf %max3A_3302, %add3A_3276 : vector<16xf32>
        %min3A_3304 = vector.broadcast %jit3A_3301 : f32 to vector<16xf32>
        %min3A_3305 = arith.minimumf %min3A_3304, %max3A_3303 : vector<16xf32>
        %convert_element_type3A_3306 = arith.fptosi %min3A_3305 : vector<16xf32> to vector<16xi32>
        %mul3A_3307 = arith.constant 261 : i32
        %mul3A_3308 = vector.broadcast %mul3A_3307 : i32 to vector<16xi32>
        %mul3A_3309 = arith.muli %convert_element_type3A_3299, %mul3A_3308 : vector<16xi32>
        %add3A_3310 = arith.addi %mul3A_3309, %convert_element_type3A_3306 : vector<16xi32>
        %gather3A_3311 = tpu.vector_load_idx %arg6[%add3A_3310] : memref<66816xf32, #tpu.memory_space<vmem>>[vector<16xi32>], vector<16xf32>,
        %jit3A_3312 = arith.constant 0.000000e+00 : f32
        %broadcast_in_dim3A_3313 = vector.broadcast %jit3A_3312 : f32 to vector<16xf32>
        %select_n3A_3314 = arith.select %and3A_3292, %mul3A_3278, %broadcast_in_dim3A_3313 : vector<16xi1>, vector<16xf32>
        %mul3A_3315 = arith.mulf %gather3A_3311, %select_n3A_3314 : vector<16xf32>
        %add3A_3316 = arith.addf %while3A_3263, %mul3A_3315 : vector<16xf32>
        %gather3A_3317 = tpu.vector_load_idx %arg8[%add3A_1681, %broadcast_in_dim3A_3267] : memref<32x516xf32, #tpu.memory_space<vmem>>[vector<16xi32>, vector<16xi32>], vector<16xf32>,
        %add3A_3318 = arith.addf %while3A_3262, %gather3A_3317 : vector<16xf32>
        %mul3A_3319 = arith.constant 5.000000e-01 : f32
        %mul3A_3320 = vector.broadcast %mul3A_3319 : f32 to vector<16xf32>
        %mul3A_3321 = arith.mulf %mul3A_3320, %add3A_3318 : vector<16xf32>
        %mul3A_3322 = arith.mulf %mul3A_3321, %gather3A_2452 : vector<16xf32>
        %add3A_3323 = arith.addf %gather3A_2444, %mul3A_3322 : vector<16xf32>
        %mul3A_3324 = arith.mulf %mul3A_3321, %gather3A_2456 : vector<16xf32>
        %add3A_3325 = arith.addf %gather3A_2448, %mul3A_3324 : vector<16xf32>
        %sub3A_3326 = arith.subf %gather3A_3317, %while3A_3262 : vector<16xf32>
        %mul3A_3327 = arith.mulf %sub3A_3326, %gather3A_2460 : vector<16xf32>
        %ge3A_3328 = arith.constant 0.000000e+00 : f32
        %ge3A_3329 = vector.broadcast %ge3A_3328 : f32 to vector<16xf32>
        %ge3A_3330 = arith.cmpf oge, %add3A_3323, %ge3A_3329 : vector<16xf32>
        %lt3A_3331 = arith.constant 2.560000e+02 : f32
        %lt3A_3332 = vector.broadcast %lt3A_3331 : f32 to vector<16xf32>
        %lt3A_3333 = arith.cmpf olt, %add3A_3323, %lt3A_3332 : vector<16xf32>
        %and3A_3334 = arith.andi %ge3A_3330, %lt3A_3333 : vector<16xi1>
        %ge3A_3335 = arith.constant 0.000000e+00 : f32
        %ge3A_3336 = vector.broadcast %ge3A_3335 : f32 to vector<16xf32>
        %ge3A_3337 = arith.cmpf oge, %add3A_3325, %ge3A_3336 : vector<16xf32>
        %and3A_3338 = arith.andi %and3A_3334, %ge3A_3337 : vector<16xi1>
        %lt3A_3339 = arith.constant 2.560000e+02 : f32
        %lt3A_3340 = vector.broadcast %lt3A_3339 : f32 to vector<16xf32>
        %lt3A_3341 = arith.cmpf olt, %add3A_3325, %lt3A_3340 : vector<16xf32>
        %and3A_3342 = arith.andi %and3A_3338, %lt3A_3341 : vector<16xi1>
        %jit3A_3343 = arith.constant 0.000000e+00 : f32
        %jit3A_3344 = arith.constant 2.550000e+02 : f32
        %max3A_3345 = vector.broadcast %jit3A_3343 : f32 to vector<16xf32>
        %max3A_3346 = arith.maximumf %max3A_3345, %add3A_3323 : vector<16xf32>
        %min3A_3347 = vector.broadcast %jit3A_3344 : f32 to vector<16xf32>
        %min3A_3348 = arith.minimumf %min3A_3347, %max3A_3346 : vector<16xf32>
        %convert_element_type3A_3349 = arith.fptosi %min3A_3348 : vector<16xf32> to vector<16xi32>
        %jit3A_3350 = arith.constant 0.000000e+00 : f32
        %jit3A_3351 = arith.constant 2.550000e+02 : f32
        %max3A_3352 = vector.broadcast %jit3A_3350 : f32 to vector<16xf32>
        %max3A_3353 = arith.maximumf %max3A_3352, %add3A_3325 : vector<16xf32>
        %min3A_3354 = vector.broadcast %jit3A_3351 : f32 to vector<16xf32>
        %min3A_3355 = arith.minimumf %min3A_3354, %max3A_3353 : vector<16xf32>
        %convert_element_type3A_3356 = arith.fptosi %min3A_3355 : vector<16xf32> to vector<16xi32>
        %mul3A_3357 = arith.constant 261 : i32
        %mul3A_3358 = vector.broadcast %mul3A_3357 : i32 to vector<16xi32>
        %mul3A_3359 = arith.muli %convert_element_type3A_3349, %mul3A_3358 : vector<16xi32>
        %add3A_3360 = arith.addi %mul3A_3359, %convert_element_type3A_3356 : vector<16xi32>
        %gather3A_3361 = tpu.vector_load_idx %arg6[%add3A_3360] : memref<66816xf32, #tpu.memory_space<vmem>>[vector<16xi32>], vector<16xf32>,
        %jit3A_3362 = arith.constant 0.000000e+00 : f32
        %broadcast_in_dim3A_3363 = vector.broadcast %jit3A_3362 : f32 to vector<16xf32>
        %select_n3A_3364 = arith.select %and3A_3342, %mul3A_3327, %broadcast_in_dim3A_3363 : vector<16xi1>, vector<16xf32>
        %mul3A_3365 = arith.mulf %gather3A_3361, %select_n3A_3364 : vector<16xf32>
        %add3A_3366 = arith.addf %while3A_3264, %mul3A_3365 : vector<16xf32>
        scf.yield %gather3A_3268, %gather3A_3317, %add3A_3316, %add3A_3366 : vector<16xf32>, vector<16xf32>, vector<16xf32>, vector<16xf32>
      }
      %mul3A_3248 = arith.constant 32 : i32
      %mul3A_3249 = arith.muli %add3A_1675, %mul3A_3248 : i32
      %add3A_3250 = arith.constant 0 : i32
      %add3A_3251 = arith.addi %mul3A_3249, %add3A_3250 : i32
      %swap3A_3252 = arith.index_cast %add3A_3251 : i32 to index
      %swap3A_3253 = tpu.vector_load %arg11[%swap3A_3252] {strides = array<i32>} : memref<2880xf32, #tpu.memory_space<vmem>>, vector<16xf32>,
      tpu.vector_store %arg11[%swap3A_3252], %while3A_3247#2 {strides = array<i32>} : memref<2880xf32, #tpu.memory_space<vmem>>, vector<16xf32>,
      %mul3A_3254 = arith.constant 32 : i32
      %mul3A_3255 = arith.muli %add3A_1675, %mul3A_3254 : i32
      %add3A_3256 = arith.constant 16 : i32
      %add3A_3257 = arith.addi %mul3A_3255, %add3A_3256 : i32
      %swap3A_3258 = arith.index_cast %add3A_3257 : i32 to index
      %swap3A_3259 = tpu.vector_load %arg11[%swap3A_3258] {strides = array<i32>} : memref<2880xf32, #tpu.memory_space<vmem>>, vector<16xf32>,
      tpu.vector_store %arg11[%swap3A_3258], %while3A_3247#3 {strides = array<i32>} : memref<2880xf32, #tpu.memory_space<vmem>>, vector<16xf32>,
    }
    %scan3A_51 = arith.constant 45 : i32
    %mul3A_52 = arith.constant 46080 : i32
    %mul3A_53 = arith.muli %select_n3A, %mul3A_52 : i32
    %add3A_54 = arith.addi %mul3A_53, %mul3A_32 : i32
    "tpu.region"() ({
      %run_scoped3A = tpu.sem_alloc : memref<!tpu.dma_semaphore, #tpu.memory_space<semaphore_mem>>
      %dma_start3A_55 = tpu.memref_slice %arg5[%add3A_54] : memref<92160xf32, #tpu.memory_space<hbm>> -> memref<2880xf32, #tpu.memory_space<hbm>>
      %dma_start3A_56 = tpu.memref_slice %arg5[%add3A_54] : memref<92160xf32, #tpu.memory_space<hbm>> -> memref<2880xf32, #tpu.memory_space<hbm>>
      tpu.enqueue_dma source(%arg11 : memref<2880xf32, #tpu.memory_space<vmem>>) target(%dma_start3A_56 : memref<2880xf32, #tpu.memory_space<hbm>>) target_semaphore(%run_scoped3A : memref<!tpu.dma_semaphore, #tpu.memory_space<semaphore_mem>>)
      %dma_wait3A = tpu.memref_slice %arg5[%add3A_54] : memref<92160xf32, #tpu.memory_space<hbm>> -> memref<2880xf32, #tpu.memory_space<hbm>>
      %dma_wait3A_57 = tpu.memref_slice %arg5[%add3A_54] : memref<92160xf32, #tpu.memory_space<hbm>> -> memref<2880xf32, #tpu.memory_space<hbm>>
      tpu.wait_dma2 semaphore(%run_scoped3A : memref<!tpu.dma_semaphore, #tpu.memory_space<semaphore_mem>>) src(%arg11 : memref<2880xf32, #tpu.memory_space<vmem>>) dst(%dma_wait3A_57 : memref<2880xf32, #tpu.memory_space<hbm>>)
      tpu.yield
    }) : () -> ()
    return
  }
}

</mosaic_0001>

<sc_bundles>
// kernel: _project.3.cloned.1.call-start
scs
__scs_entry_jumppad:
0x0: {  	(pc) =	sbr.rel $0x88, $3  }
0x1: {  	(tag) =	ssettag $0x0;
	lr =	simm.s32 $0x1  }
0x2: {  	[smem:$0x3F9E] =	sst lr;
	_ =	strace $0xD0000000  }
0x3: {  	_ = 	snop  }
0x4: {  	_ = 	snop  }
0x5: {  	_ = 	snop  }
0x6: {  	_ = 	snop  }
0x7: {  	_ = 	snop  }
__scs_overlays_trampoline_lowered:
0x8: {  	[smem:$0x3FAD] =	sst s0  }
0x9: {  	[smem:$0x3FAE] =	sst s1  }
0xa: {  	[smem:$0x3FAF] =	sst s2  }
0xb: {  	[smem:$0x3FB0] =	sst s3  }
0xc: {  	[smem:$0x3FB1] =	sst s4  }
0xd: {  	[smem:$0x3FB2] =	sst s5  }
0xe: {  	[smem:$0x3FB3] =	sst s6  }
0xf: {  	[smem:$0x3FB4] =	sst s7  }
0x10: {  	[smem:$0x3FB5] =	sst s8  }
0x11: {  	[smem:$0x3FB6] =	sst s9;
	s0 =	simm.s32 @!p0 $0x0  }
0x12: {  	s1 =	sld [smem:$0x3F9C];
	s0 =	simm.s32 @p0 $0x1  }
0x13: {  	[smem:$0x3FB7] =	sst s0;
	s0 =	simm.s32 @!p1 $0x0  }
0x14: {  	s2 =	sld [smem:$0x3F9B];
	s0 =	simm.s32 @p1 $0x1  }
0x15: {  	[smem:$0x3FB8] =	sst s0;
	s0 =	simm.s32 @!p2 $0x0  }
0x16: {  	s3 =	sld [smem:$0x3FDB];
	s0 =	simm.s32 @p2 $0x1  }
0x17: {  	s4 =	simm.s32 $0x1BF5;
	[smem:$0x3FBA] =	sst s0  }
0x18: {  	s0 =	sld [smem:$0x3F9D];
	_ =	swait.ge [sflag:s4], $0x0  }
0x19: {  	s7 =	sld [smem:$0x3F9E]  }
0x1a: {  	s8 =	sadd.s32 $0xFFFFE003, lr  }
0x1b: {  	s9 =	sadd.s32 $0xFFFFFEF7, lr;
	s5 =	simm.s32 $0xFFFFFFFF;
	p2 =	slt.u32 s8, $0xFFFFF086  }
0x1c: {  	p1 =	slt.u32 s9, $0xF7A;
	s5 =	simm.s32 @!p2 $0x0  }
0x1d: {  	s5 =	simm.s32 @p1 $0x1;
	p0 =	seq.s32 s7, s2  }
0x1e: {  	s7 =	smul.u32 @!p0 $0xF7A, s2;
	p2 =	seq.s32 @!p0 s5, $0x0  }
0x1f: {  	s9 =	smul.u32 $0xF7A, s1;
	s8 =	simm.s32 @!p0 $0x1BF5;
	p2 =	por !p2, p0  }
0x20: {  	[sflag:s8] =	ssyncset.s32 @!p0 $0xFFFFF086;
	s6 =	sadd.s32 @!p0 s3, s7;
	s7 =	simm.s32 @!p0 $0x108  }
0x21: {  	s3 =	sadd.s32 s3, s9;
	s6 =	sadd.s32 @!p0 $0x88, s6;
	s7 =	simm.s32 @p2 $0x1082  }
0x22: {  	[simem:s7], [sflag:s8] =	dma.local @!p0 [hbm:s6], $0xF7A  }
0x23: {  	s9 =	sor.u32 $0xD0000000, s2;
	s6 =	simm.s32 $0x108;
	_ =	swait.ge @!p0 [sflag:s8], $0x0  }
0x24: {  	s3 =	sadd.s32 $0x88, s3;
	s6 =	simm.s32 @!p1 $0x1082;
	[sflag:s4] =	ssyncset.s32 $0xFFFFF086  }
0x25: {  	[simem:s6], [sflag:s4] =	dma.local [hbm:s3], $0xF7A  }
0x26: {  	[smem:$0x3F9E] =	sst s1;
	(tag) =	ssettag s2;
	_ =	strace s9  }
0x27: {  	s1 =	sld [smem:$0x3FAE]  }
0x28: {  	s2 =	sld [smem:$0x3FAF]  }
0x29: {  	s4 =	sld [smem:$0x3FB1]  }
0x2a: {  	p0 =	seq.s32 s5, $0x0;
	s5 =	sld [smem:$0x3FB2]  }
0x2b: {  	s6 =	sld [smem:$0x3FB3]  }
0x2c: {  	s7 =	sld [smem:$0x3FB4]  }
0x2d: {  	s3 =	simm.s32 $0x108;
	s8 =	sld [smem:$0x3FB5]  }
0x2e: {  	s3 =	simm.s32 @!p0 $0x1082;
	s9 =	sld [smem:$0x3FB6]  }
0x2f: {  	lr =	sadd.s32 s0, s3;
	s0 =	sld [smem:$0x3FAD]  }
0x30: {  	s3 =	sld [smem:$0x3FB0]  }
0x31: {  	[smem:$0x3FB9] =	sst s10  }
0x32: {  	s10 =	sld [smem:$0x3FB7];
	_ =	sdelay $0x3  }
0x33: {  	p0 =	seq.s32 s10, $0x1;
	s10 =	sld [smem:$0x3FB9];
	_ =	sdelay $0x3  }
0x34: {  	[smem:$0x3FB9] =	sst s10  }
0x35: {  	s10 =	sld [smem:$0x3FB8];
	_ =	sdelay $0x3  }
0x36: {  	p1 =	seq.s32 s10, $0x1;
	s10 =	sld [smem:$0x3FB9];
	_ =	sdelay $0x3  }
0x37: {  	[smem:$0x3FB9] =	sst s10  }
0x38: {  	s10 =	sld [smem:$0x3FBA]  }
0x39: {  	_ = 	snop;
	(pc) =	sbr.ind lr, $3  }
0x3a: {  	_ = 	snop  }
0x3b: {  	_ = 	snop  }
0x3c: {  	p2 =	seq.s32 s10, $0x1;
	s10 =	sld [smem:$0x3FB9]  }
0x3d: {  	_ =	shalt  }
0x3e: {  	_ =	shalt  }
0x3f: {  	_ =	shalt  }
0x40: {  	_ =	shalt  }
0x41: {  	_ =	shalt  }
0x42: {  	_ =	shalt  }
0x43: {  	_ =	shalt  }
0x44: {  	_ =	shalt  }
0x45: {  	_ =	shalt  }
0x46: {  	_ =	shalt  }
0x47: {  	_ =	shalt  }
0x48: {  	_ =	shalt  }
0x49: {  	_ =	shalt  }
0x4a: {  	_ =	shalt  }
0x4b: {  	_ =	shalt  }
0x4c: {  	_ =	shalt  }
0x4d: {  	_ =	shalt  }
0x4e: {  	_ =	shalt  }
0x4f: {  	_ =	shalt  }
0x50: {  	_ =	shalt  }
0x51: {  	_ =	shalt  }
0x52: {  	_ =	shalt  }
0x53: {  	_ =	shalt  }
0x54: {  	_ =	shalt  }
0x55: {  	_ =	shalt  }
0x56: {  	_ =	shalt  }
0x57: {  	_ =	shalt  }
0x58: {  	_ =	shalt  }
0x59: {  	_ =	shalt  }
0x5a: {  	_ =	shalt  }
0x5b: {  	_ =	shalt  }
0x5c: {  	_ =	shalt  }
0x5d: {  	_ =	shalt  }
0x5e: {  	_ =	shalt  }
0x5f: {  	_ =	shalt  }
0x60: {  	_ =	shalt  }
0x61: {  	_ =	shalt  }
0x62: {  	_ =	shalt  }
0x63: {  	_ =	shalt  }
0x64: {  	_ =	shalt  }
0x65: {  	_ =	shalt  }
0x66: {  	_ =	shalt  }
0x67: {  	_ =	shalt  }
0x68: {  	_ =	shalt  }
0x69: {  	_ =	shalt  }
0x6a: {  	_ =	shalt  }
0x6b: {  	_ =	shalt  }
0x6c: {  	_ =	shalt  }
0x6d: {  	_ =	shalt  }
0x6e: {  	_ =	shalt  }
0x6f: {  	_ =	shalt  }
0x70: {  	_ =	shalt  }
0x71: {  	_ =	shalt  }
0x72: {  	_ =	shalt  }
0x73: {  	_ =	shalt  }
0x74: {  	_ =	shalt  }
0x75: {  	_ =	shalt  }
0x76: {  	_ =	shalt  }
0x77: {  	_ =	shalt  }
0x78: {  	_ =	shalt  }
0x79: {  	_ =	shalt  }
0x7a: {  	_ =	shalt  }
0x7b: {  	_ =	shalt  }
0x7c: {  	_ =	shalt  }
0x7d: {  	_ =	shalt  }
0x7e: {  	_ =	shalt  }
0x7f: {  	_ =	shalt  }
0x80: {  	_ =	shalt  }
0x81: {  	_ =	shalt  }
0x82: {  	_ =	shalt  }
0x83: {  	_ =	shalt  }
0x84: {  	_ =	shalt  }
0x85: {  	_ =	shalt  }
0x86: {  	_ =	shalt  }
0x87: {  	_ =	shalt  }
.Lfunc_end0:
.L_simem_size_0:
called_computation_lowered:
.L_overlay_start_0:
0x88: {  	s2 =	sld [smem:$0x3FD9]  }
0x89: {  	s3 =	sld [smem:$0x3FFE];
	_ =	sdelay $0x1  }
0x8a: {  	s1 =	srdreg.scid  }
0x8b: {  	s0 =	sand.u32 $0x1, s1  }
0x8c: {  	s17 =	sshll.u32 s0, $0xA;
	s2 =	sadd.s32 s3, s2  }
0x8d: {  	s2 =	sadd.s32 s2, s17  }
0x8e: {  	[smem:$0x3FC5] =	sst s2  }
0x8f: {  	_ = 	snop  }
0x90: {  	s2 =	sld [smem:$0x3FC9];
	(tm) =	ssettm $0x1  }
0x91: {  	s18 =	sld [smem:$0x3FFB];
	_ =	sdelay $0x3  }
0x92: {  	_ =	strace s18  }
0x93: {  	s3 =	sld [smem:$0x3FFC];
	_ =	sdelay $0x3  }
0x94: {  	_ =	strace s3  }
0x95: {  	s3 =	sld [smem:$0x3FFD];
	_ =	sdelay $0x3  }
0x96: {  	_ =	strace s3  }
0x97: {  	_ =	strace $0x8FFFFFFF  }
0x98: {  	s19 =	sld [smem:$0x3FDB];
	_ =	sdelay $0x1  }
0x99: {  	s4 =	simm.s32 $_scs_section_size  }
0x9a: {  	s5 =	simm.s32 $_size__tile_overlayer_lowered;
	s6 =	simm.s32 $_tile_overlayer_lowered  }
0x9b: {  	s22 =	simm.s32 $0x1BFF;
	s21 =	sshll.u32 s6, $0x1;
	s3 =	sadd.s32 s4, s19  }
0x9c: {  	s7 =	simm.s32 $0x0;
	s20 =	sshll.u32 s5, $0x1;
	s5 =	sadd.s32 s21, s3  }
0x9d: {  	[timem:s7], [sflag:s22] =	dma.local [hbm:s5], s20  }
0x9e: {  	_ =	swait.ge [sflag:s22], s20  }
0x9f: {  	s4 =	ssub.s32 $0x0, s20;
	[sflag:s22] =	ssyncset.done $0x0  }
0xa0: {  	[sflag:s22] =	ssyncadd.s32 s4;
	_ =	sdelay $0x1  }
0xa1: {  	s23 =	simm.s32 $0x1B8B  }
0xa2: {  	_ =	swait.ge [sflag:s23], $0x1  }
0xa3: {  	[sflag:s23] =	ssyncset.done $0x0  }
0xa4: {  	s25 =	simm.s32 $0x1B8E;
	s24 =	sld [smem:$0x3FFE];
	[sflag:s23] =	ssyncadd.s32 $0xFFFFFFFF  }
0xa5: {  	s26 =	simm.s32 $execute0_lowered;
	[smem:$0x3FD2] =	sst s25  }
0xa6: {  	s5 =	sshll.u32 s26, $0x1;
	_ =	strace $0x80000046;
	[dreg:$0x1] =	wrdreg $0xFFFFFFFF  }
0xa7: {  	s28 =	simm.s32 $_size_execute0_lowered;
	s3 =	sadd.s32 s3, s5;
	[dreg:$0x0] =	wrdreg $0x0  }
0xa8: {  	s5 =	sshll.u32 s28, $0x1;
	[dreg:$0x2] =	wrdreg s3  }
0xa9: {  	[dreg:$0x3] =	wrdreg s5  }
0xaa: {  	[dreg:$0x4] =	wrdreg $0xC0  }
0xab: {  	_ =	task [dreg:s7], $0x5FFFF  }
0xac: {  	[dreg:$0x1] =	wrdreg $0xFFFFFFFF  }
0xad: {  	[dreg:$0x0] =	wrdreg $0x60  }
0xae: {  	[dreg:$0x2] =	wrdreg s2  }
0xaf: {  	[dreg:$0x3] =	wrdreg s24  }
0xb0: {  	[dreg:$0x4] =	wrdreg $0x9  }
0xb1: {  	_ =	task.clear_ibuf [dreg:s7], $0x5FFFF;
	_ =	strace $0x90000046  }
0xb2: {  	s29 =	simm.s32 $0x9;
	_ =	strace $0x80000048  }
0xb3: {  	_ =	swait.ge [sflag:s29], $0x1  }
0xb4: {  	[sflag:s29] =	ssyncadd.s32 $0xFFFFFFFF  }
0xb5: {  	_ =	strace $0x90000048  }
0xb6: {  	_ =	sfence  }
0xb7: {  	s30 =	sld [smem:$0x0];
	_ =	sdelay $0x2  }
0xb8: {  	s31 =	sshll.u32 s1, $0xD;
	s1 =	sshrl.u32 s1, $0x2  }
0xb9: {  	s3 =	sand.u32 $0x4000, s31;
	s1 =	sadd.s32 s1, s30  }
0xba: {  	s0 =	sor.u32 s3, s0;
	s1 =	sshll.u32 s1, $0x11  }
0xbb: {  	s0 =	sor.u32 s1, s0  }
0xbc: {  	s0 =	sadd.s32 $0x8F2B, s0  }
0xbd: {  	[sflag:s0] =	ssyncadd.remote.s32 $0x1  }
0xbe: {  	_ =	sfence.sel $0xFFFF  }
0xbf: {  	[dreg:$0x0] =	wrdreg $0xFFFFFFFF;
	(pc) =	sbr.abs _section_cstart, $3  }
0xc0: {  	[dreg:$0x1] =	wrdreg $0xFFFFFFFF  }
0xc1: {  	_ =	task.clear_ibuf [dreg:s7], $0x2FFFF;
	_ =	strace $0x9FFFFFFF  }
0xc2: {  	(tm) =	ssettm $0x7FFFFFFF  }
0xc3: {  	_ =	shalt  }
tec
execute0_lowered:
.L_overlay_start_1:
0x0: {  	(tag) =	ssettag $0x1  }
0x1: {  	s3 =	stileid.u32;
	s0 =	rddreg [dreg:$0x0]  }
0x2: {  	s1 =	srdreg.scid;
	s6 =	rddreg [dreg:$0x1];
	s12 =	simm.s32 $0x5  }
0x3: {  	s13 =	simm.s32 $0x10500;
	s14 =	simm.s32 $0x18700;
	s15 =	simm.s32 $0x1  }
0x4: {  	s16 =	simm.s32 $0x2;
	s17 =	simm.s32 $0x14600;
	s18 =	simm.s32 $0x18800  }
0x5: {  	s19 =	simm.s32 $0x3;
	s2 =	sshll.u32 s3, $0x1;
	s7 =	sshrl.u32 s3, $0x3  }
0x6: {  	s1 =	sand.u32 $0x1, s1;
	s2 =	sand.u32 $0xE, s2;
	s8 =	smul.u32 $0xB400, s7  }
0x7: {  	v1 =	vlaneseq.u32;
	s20 =	simm.s32 $0x4;
	s7 =	smul.u32 $0x20A0, s7;
	s5 =	sor.u32 s1, s2  }
0x8: {  	s22 =	simm.s32 $0x0;
	s4 =	sadd.s32 $0x600, s6;
	v0 =	vmul.u32 $0x8, v1;
	s3 =	smul.u32 $0xB40, s5  }
0x9: {  	v1 =	vmul.u32 $0x208, v1;
	s2 =	simm.s32 $0x0;
	s1 =	ssub.s32 $0x2, s1;
	s9 =	smul.u32 $0x2DB40, s5  }
.Ltmp0:
0xa: {  	v7 =	vimm.s32 $0x0;
	v2 =	vor.u32 $0x1, v0;
	v3 =	vor.u32 $0x2, v0;
	[smem:$0x7FF] =	sst s2;
	s31 =	sshrl.u32 s1, $0x1;
	(pc) =	sbr.rel .LBB2_1-.Ltmp0, $4  }
0xb: {  	v4 =	vor.u32 $0x3, v0;
	v5 =	vor.u32 $0x4, v0;
	v6 =	vadd.s32 $0x1FF, v1;
	s5 =	sadd.s32 $0x2DBA00, s6;
	s1 =	ssub.s32 s1, s31;
	s8 =	sadd.s32 s8, s3  }
0xc: {  	v8 =	vadd.s32 $0xFFFFFFFF, v1;
	v9 =	vor.u32 $0x80, v0;
	v10 =	vor.u32 $0x81, v0;
	_ =	strace $0x80000047;
	s11 =	smax.u32 s1, $0x1;
	s8 =	sshrl.u32 s8, $0x3  }
0xd: {  	v11 =	vor.u32 $0x82, v0;
	v12 =	vor.u32 $0x83, v0;
	v13 =	vor.u32 $0x84, v0;
	s10 =	sadd.s32 s8, s6;
	s6 =	sadd.s32 s0, s7;
	s7 =	sadd.s32 s4, s9  }
0xe: {  	v14 =	vadd.s32 $0x227F, v1;
	v15 =	vadd.s32 $0x2080, v1;
	v16 =	vadd.s32 $0x207F, v1;
	s8 =	sadd.s32 s5, s3;
	s9 =	sadd.s32 $0x40, s3;
	s10 =	sadd.s32 $0x2E6E00, s10  }
.LBB2_57:
0xf: {  	s22 =	sadd.s32 $0x1, s22  }
0x10: {  	p0 =	sne.s32 s22, s11  }
.Ltmp1:
0x11: {  	s0 =	simm.s32 $0x18900;
	(pc) =	sbr.rel @!p0 .LBB2_58-.Ltmp1, $4  }
0x12: {  	[hbm4b:s10+s2] =	stream.linear.scatter [tilespmem:s0], [sflag:$0x5], $0xB40, $0x38;
	[tilespmem:$0x19440] =	vst v63  }
0x13: {  	_ =	swait.ge [sflag:s12], $0xB40  }
0x14: {  	[sflag:s12] =	ssyncset.done $0x0  }
0x15: {  	[sflag:s12] =	ssyncadd.s32 $0xFFFFF4C0  }
.LBB2_1:
0x16: {  	[tilespmem:s2], [sflag:$0x5] =	stream.linear.gather [hbm4b:s6+s2], $0x10500, $0x38;
	[tilespmem:$0x19440] =	vst v63  }
0x17: {  	_ =	swait.ge [sflag:s12], $0x10500  }
.Ltmp2:
0x18: {  	[sflag:s12] =	ssyncset.done $0x0;
	(pc) =	sbr.rel .LBB2_2-.Ltmp2, $4  }
0x19: {  	[sflag:s12] =	ssyncadd.s32 $0xFFFEFB00  }
0x1a: {  	[tilespmem:s13], [sflag:$0x1] =	stream.linear.gather [hbm4b:s7+s2], $0x4100, $0x38;
	[tilespmem:$0x19440] =	vst v63  }
0x1b: {  	s23 =	simm.s32 $0x0  }
0x1c: {  	[tilespmem:s14], [sflag:$0x2] =	stream.linear.gather [hbm4b:s8+s2], $0x100, $0x38;
	[tilespmem:$0x19440] =	vst v63  }
.LBB2_34:
0x1d: {  	v35 =	vmov v28;
	v36 =	vmov v27;
	v34 =	vmov v33  }
.LBB2_55:
0x1e: {  	v17 =	vmax.f32 v29, $0.0e+00  }
0x1f: {  	v18 =	vmax.f32 v32, $0.0e+00;
	v19 =	vmax.f32 v40, $0.0e+00;
	v17 =	vmin.f32 v17, $2.550000000e+02  }
0x20: {  	v20 =	vmax.f32 v42, $0.0e+00;
	v19 =	vmin.f32 v19, $2.550000000e+02;
	v17 =	vtrunc.f32 v17  }
0x21: {  	v18 =	vmin.f32 v18, $2.550000000e+02;
	v19 =	vtrunc.f32 v19;
	v17 =	vcvt.f32.s32 v17  }
0x22: {  	v20 =	vmin.f32 v20, $2.550000000e+02;
	v18 =	vtrunc.f32 v18;
	v19 =	vcvt.f32.s32 v19  }
0x23: {  	v20 =	vtrunc.f32 v20;
	v18 =	vcvt.f32.s32 v18;
	v17 =	vmul.u32 $0x105, v17  }
0x24: {  	v20 =	vcvt.f32.s32 v20;
	v19 =	vmul.u32 $0x105, v19  }
0x25: {  	v17 =	vadd.s32 v18, v17  }
0x26: {  	v18 =	vadd.s32 v20, v19  }
0x27: {  	v21 =	vld.idx.msk @p0 [tilespmem:v41+s2+$0x0], $0xffff  }
0x28: {  	vm11 =	vge.f32 v40, $0.0e+00;
	vm1 =	vge.f32 v42, $0.0e+00;
	vm2 =	vlt.f32 v42, $2.560000000e+02  }
0x29: {  	vm3 =	vlt.f32 v40, $2.560000000e+02;
	v63 =	vsub.f32 v34, v30;
	vm12 =	vge.f32 v32, $0.0e+00  }
0x2a: {  	vm13 =	vge.f32 v29, $0.0e+00;
	v22 =	vmul.f32 v31, v26;
	vm14 =	vlt.f32 v29, $2.560000000e+02;
	v17 =	vld.idx.msk [tilespmem:v17+s2+$0x0], $0xffff  }
0x2b: {  	vm15 =	vlt.f32 v32, $2.560000000e+02;
	v19 =	vnsel @p0 vm0, $0x0, v39;
	vm0 =	vmand vm11, vm1;
	v18 =	vld.idx.msk [tilespmem:v18+s2+$0x0], $0xffff  }
0x2c: {  	v20 =	vmul.f32 @p0 v37, v21;
	vm1 =	vmand vm13, vm12;
	v21 =	vmul.f32 v63, v25  }
0x2d: {  	v19 =	vmul.f32 @p0 v19, v43;
	vm0 =	vmand vm0, vm3;
	vm1 =	vmand vm1, vm14  }
0x2e: {  	vm0 =	vmand vm2, vm0;
	vm1 =	vmand vm15, vm1;
	v20 =	vadd.f32 @p0 v20, v36  }
0x2f: {  	v19 =	vadd.f32 @p0 v19, v35;
	v21 =	vnsel vm0, $0x0, v21;
	v22 =	vnsel vm1, $0x0, v22  }
0x30: {  	v17 =	vmul.f32 v22, v17;
	v18 =	vmul.f32 v21, v18  }
0x31: {  	v20 =	vpsel p0, v20, v27;
	v19 =	vpsel p0, v19, v28  }
0x32: {  	v28 =	vadd.f32 v17, v19;
	v27 =	vadd.f32 v18, v20  }
.LBB2_56:
0x33: {  	s23 =	sadd.s32 $0x1, s23  }
0x34: {  	p0 =	sne.s32 s23, $0x2D  }
.Ltmp3:
0x35: {  	_ = 	snop;
	(pc) =	sbr.rel @!p0 .LBB2_57-.Ltmp3, $3  }
0x36: {  	_ =	sdelay $0x1  }
0x37: {  	[tilespmem:s25+$0x18900] =	vst v27  }
0x38: {  	[tilespmem:s24+$0x18930] =	vst v28  }
.LBB2_2:
0x39: {  	s24 =	sshll.u32 s23, $0x6;
	_ =	swait.ge [sflag:s15], $0x4100  }
0x3a: {  	[sflag:s15] =	ssyncset.done $0x0;
	s25 =	sor.u32 $0x20, s24  }
0x3b: {  	[sflag:s15] =	ssyncadd.s32 $0xFFFFBF00;
	s0 =	sadd.s32 s3, s25  }
0x3c: {  	_ =	swait.ge [sflag:s16], $0x100;
	s1 =	smul.u32 $0x41, s0  }
0x3d: {  	[sflag:s16] =	ssyncset.done $0x0  }
0x3e: {  	[sflag:s16] =	ssyncadd.s32 $0xFFFFFF00;
	s1 =	sadd.s32 s4, s1  }
0x3f: {  	[tilespmem:s17], [sflag:$0x3] =	stream.linear.gather [hbm4b:s1+s2], $0x4100, $0x38;
	[tilespmem:$0x19440] =	vst v63  }
0x40: {  	s0 =	sadd.s32 s5, s0  }
0x41: {  	[tilespmem:s18], [sflag:$0x4] =	stream.linear.gather [hbm4b:s0+s2], $0x100, $0x38;
	[tilespmem:$0x19440] =	vst v63  }
0x42: {  	v17 =	vld.idx.msk [tilespmem:v3+s14+$0x0], $0xffff  }
0x43: {  	v18 =	vld.idx.msk [tilespmem:v4+s14+$0x0], $0xffff;
	_ =	sdelay $0x3  }
0x44: {  	v19 =	vand.u32 $0x7FFFFFFF, v17  }
0x45: {  	vm0 =	vlt.f32 v19, $9.999999710e-10;
	v19 =	vand.u32 $0x7FFFFFFF, v18  }
0x46: {  	v20 =	vsel vm0, $0x3089705F, v17;
	vm12 =	vlt.f32 v19, $9.999999710e-10  }
0x47: {  	v19 =	vsel vm12, $0x3089705F, v18;
	(erf) = vrcp.f32 v20  }
0x48: {  	(erf) = vrcp.f32 v19;
	_ =	sdelay $0x1  }
0x49: {  	v19 =	vld.idx.msk [tilespmem:v0+s14+$0x0], $0xffff  }
0x4a: {  	v20 =	vld.idx.msk [tilespmem:v2+s14+$0x0], $0xffff;
	_ =	sdelay $0x3  }
0x4b: {  	v21 =	vsub.f32 $0.0e+00, v19;
	v22 =	vsub.f32 $2.560000000e+02, v19  }
0x4c: {  	v24 =	vsub.f32 $0.0e+00, v20;
	v25 =	vsub.f32 $2.560000000e+02, v20;
	v23 =	vpop (erf)  }
0x4d: {  	v21 =	vmul.f32 v23, v21;
	v22 =	vmul.f32 v23, v22;
	v23 =	vpop (erf)  }
0x4e: {  	v24 =	vmul.f32 v23, v24;
	v23 =	vmul.f32 v23, v25;
	_ =	sdelay $0x1  }
0x4f: {  	v29 =	vld.idx.msk [tilespmem:v6+s13+$0x0], $0xffff;
	v25 =	vmin.f32 v21, v22;
	v26 =	vmin.f32 v24, v23  }
0x50: {  	v25 =	vmax.f32 v25, v26  }
0x51: {  	v21 =	vmax.f32 v21, v22;
	v22 =	vmax.f32 v24, v23;
	v25 =	vmax.f32 v25, $0.0e+00  }
0x52: {  	v21 =	vmin.f32 v21, v22;
	v25 =	vadd.f32 $-9.999999740e-05, v25  }
0x53: {  	v21 =	vmin.f32 v21, $1.000000000e+00  }
0x54: {  	v28 =	vadd.f32 $9.999999740e-05, v21;
	vm13 =	vle.f32 v29, v25  }
0x55: {  	v21 =	vsel vm13, $0x200, v7  }
0x56: {  	vm14 =	vlt.f32 v29, v28;
	v22 =	vor.u32 $0x100, v21  }
0x57: {  	v26 =	vadd.f32 $1.999999950e-04, v25;
	v24 =	vsel vm14, $0x200, v7;
	v23 =	vmin.u32 v22, $0x204  }
0x58: {  	v30 =	vor.u32 $0x100, v24;
	v23 =	vadd.s32 v8, v23  }
0x59: {  	vm15 =	vlt.f32 v29, v26;
	v27 =	vmin.u32 v30, $0x204  }
0x5a: {  	v31 =	vsel vm15, $0x200, v7;
	v27 =	vadd.s32 v8, v27  }
0x5b: {  	v32 =	vor.u32 $0x100, v31  }
0x5c: {  	v33 =	vmin.u32 v32, $0x204  }
0x5d: {  	v33 =	vadd.s32 v8, v33;
	v23 =	vld.idx.msk [tilespmem:v23+s13+$0x0], $0xffff;
	_ =	sdelay $0x1  }
0x5e: {  	v34 =	vld.idx.msk [tilespmem:v27+s13+$0x0], $0xffff  }
0x5f: {  	v27 =	vadd.f32 $-1.999999950e-04, v28  }
0x60: {  	vm4 =	vlt.u32 v22, $0x205  }
0x61: {  	vm5 =	vlt.u32 v30, $0x205;
	vm2 =	vle.f32 v29, v27;
	vm1 =	vle.f32 v23, v25;
	v23 =	vld.idx.msk [tilespmem:v33+s13+$0x0], $0xffff  }
0x62: {  	vm7 =	vlt.u32 v32, $0x205;
	v29 =	vsel vm2, $0x200, v7;
	vm0 =	vmand vm1, vm4  }
0x63: {  	vm6 =	vlt.f32 v34, v28;
	v21 =	vsel vm0, v22, v21;
	v22 =	vor.u32 $0x100, v29  }
0x64: {  	vm0 =	vmand vm6, vm5;
	v54 =	vmin.u32 v22, $0x204;
	v55 =	vor.u32 $0x80, v21  }
0x65: {  	v24 =	vsel vm0, v30, v24;
	v30 =	vadd.s32 v8, v54;
	v56 =	vmin.u32 v55, $0x204  }
0x66: {  	v57 =	vor.u32 $0x80, v24;
	vm8 =	vlt.f32 v23, v26;
	v23 =	vadd.s32 v8, v56  }
0x67: {  	v58 =	vmin.u32 v57, $0x204;
	vm0 =	vmand vm8, vm7  }
0x68: {  	v31 =	vsel vm0, v32, v31;
	v32 =	vadd.s32 v8, v58  }
0x69: {  	v35 =	vor.u32 $0x80, v31  }
0x6a: {  	v30 =	vld.idx.msk [tilespmem:v30+s13+$0x0], $0xffff;
	v36 =	vmin.u32 v35, $0x204  }
0x6b: {  	v23 =	vld.idx.msk [tilespmem:v23+s13+$0x0], $0xffff;
	v36 =	vadd.s32 v8, v36;
	_ =	sdelay $0x1  }
0x6c: {  	v32 =	vld.idx.msk [tilespmem:v32+s13+$0x0], $0xffff;
	_ =	sdelay $0x1  }
0x6d: {  	vm9 =	vlt.u32 v22, $0x205  }
0x6e: {  	vm11 =	vlt.u32 v55, $0x205;
	vm10 =	vle.f32 v30, v27;
	vm3 =	vle.f32 v23, v25;
	v23 =	vld.idx.msk [tilespmem:v36+s13+$0x0], $0xffff  }
0x6f: {  	vm13 =	vlt.u32 v57, $0x205;
	vm0 =	vmand vm10, vm9;
	vm12 =	vmand vm3, vm11  }
0x70: {  	v29 =	vsel vm0, v22, v29;
	v30 =	vsel vm12, v55, v21;
	vm14 =	vlt.f32 v32, v28  }
0x71: {  	v59 =	vor.u32 $0x80, v29;
	vm0 =	vmand vm14, vm13;
	v34 =	vor.u32 $0x40, v30  }
0x72: {  	v21 =	vmin.u32 v59, $0x204;
	v33 =	vsel vm0, v57, v24;
	v24 =	vmin.u32 v34, $0x204  }
0x73: {  	vm4 =	vlt.f32 v23, v26;
	v23 =	vadd.s32 v8, v21;
	v21 =	vld.idx.msk [tilespmem:v11+s14+$0x0], $0xffff;
	v60 =	vor.u32 $0x40, v33  }
0x74: {  	vm15 =	vlt.u32 v35, $0x205;
	v22 =	vld.idx.msk [tilespmem:v12+s14+$0x0], $0xffff;
	v24 =	vadd.s32 v8, v24;
	v61 =	vmin.u32 v60, $0x204  }
0x75: {  	vm5 =	vmand vm4, vm15;
	v36 =	vadd.s32 v8, v61  }
0x76: {  	v31 =	vsel vm5, v35, v31  }
0x77: {  	v37 =	vor.u32 $0x40, v31  }
0x78: {  	v38 =	vmin.u32 v37, $0x204;
	v23 =	vld.idx.msk [tilespmem:v23+s13+$0x0], $0xffff;
	v39 =	vand.u32 $0x7FFFFFFF, v21  }
0x79: {  	v62 =	vand.u32 $0x7FFFFFFF, v22;
	v38 =	vadd.s32 v8, v38;
	v24 =	vld.idx.msk [tilespmem:v24+s13+$0x0], $0xffff;
	vm6 =	vlt.f32 v39, $9.999999710e-10  }
0x7a: {  	vm7 =	vlt.f32 v62, $9.999999710e-10;
	v40 =	vsel vm6, $0x3089705F, v21;
	v36 =	vld.idx.msk [tilespmem:v36+s13+$0x0], $0xffff  }
0x7b: {  	v39 =	vsel vm7, $0x3089705F, v22;
	(erf) = vrcp.f32 v40  }
0x7c: {  	vm8 =	vlt.u32 v59, $0x205;
	(erf) = vrcp.f32 v39  }
0x7d: {  	vm10 =	vlt.u32 v34, $0x205;
	vm12 =	vlt.u32 v60, $0x205;
	vm9 =	vle.f32 v23, v27;
	v23 =	vld.idx.msk [tilespmem:v9+s14+$0x0], $0xffff  }
0x7e: {  	vm15 =	vlt.u32 v37, $0x205;
	v38 =	vld.idx.msk [tilespmem:v38+s13+$0x0], $0xffff;
	vm11 =	vle.f32 v24, v25;
	vm0 =	vmand vm9, vm8  }
0x7f: {  	v24 =	vld.idx.msk [tilespmem:v10+s14+$0x0], $0xffff;
	v29 =	vsel vm0, v59, v29;
	vm0 =	vmand vm11, vm10;
	vm13 =	vlt.f32 v36, v28  }
0x80: {  	v63 =	vor.u32 $0x40, v29;
	v34 =	vsel vm0, v34, v30;
	vm14 =	vmand vm13, vm12  }
0x81: {  	v46 =	vmin.u32 v63, $0x204;
	v42 =	vadd.s32 $0x20, v34;
	v33 =	vsel vm14, v60, v33  }
0x82: {  	vm6 =	vlt.u32 v63, $0x205;
	v30 =	vadd.s32 v8, v46;
	v47 =	vsub.f32 $0.0e+00, v23  }
0x83: {  	v48 =	vsub.f32 $2.560000000e+02, v23;
	vm4 =	vlt.f32 v38, v26;
	v43 =	vmin.u32 v42, $0x204  }
0x84: {  	v49 =	vsub.f32 $0.0e+00, v24;
	v41 =	vsub.f32 $2.560000000e+02, v24;
	v52 =	vadd.s32 v8, v43;
	v40 =	vpop (erf)  }
0x85: {  	v53 =	vadd.s32 $0x20, v33;
	v32 =	vmul.f32 v40, v47;
	v36 =	vmul.f32 v40, v48;
	v50 =	vpop (erf)  }
0x86: {  	vm5 =	vmand vm4, vm15;
	v38 =	vmul.f32 v50, v49;
	v40 =	vmul.f32 v50, v41  }
0x87: {  	v37 =	vsel vm5, v37, v31;
	v31 =	vmin.u32 v53, $0x204;
	v51 =	vld.idx.msk [tilespmem:v30+s13+$0x0], $0xffff;
	v30 =	vmin.f32 v32, v36  }
0x88: {  	v45 =	vld.idx.msk [tilespmem:v14+s13+$0x0], $0xffff;
	v32 =	vmax.f32 v32, v36;
	v44 =	vmin.f32 v38, v40;
	v54 =	vmax.f32 v38, v40  }
0x89: {  	v31 =	vadd.s32 v8, v31;
	v55 =	vld.idx.msk [tilespmem:v52+s13+$0x0], $0xffff;
	v30 =	vmax.f32 v30, v44;
	v32 =	vmin.f32 v32, v54  }
0x8a: {  	v38 =	vadd.s32 $0x20, v37;
	v30 =	vmax.f32 v30, $0.0e+00;
	v32 =	vmin.f32 v32, $1.000000000e+00  }
0x8b: {  	v56 =	vmin.u32 v38, $0x204;
	v30 =	vadd.f32 $-9.999999740e-05, v30;
	v32 =	vadd.f32 $9.999999740e-05, v32  }
0x8c: {  	vm9 =	vlt.u32 v34, $0x1E5;
	v36 =	vadd.s32 v8, v56;
	vm7 =	vle.f32 v51, v27  }
0x8d: {  	vm8 =	vle.f32 v45, v30;
	vm0 =	vmand vm7, vm6;
	vm10 =	vlt.f32 v45, v32  }
0x8e: {  	vm11 =	vle.f32 v55, v25;
	v40 =	vsel vm8, $0x200, v7;
	v59 =	vsel vm10, $0x200, v7  }
0x8f: {  	v31 =	vld.idx.msk [tilespmem:v31+s13+$0x0], $0xffff;
	v39 =	vsel vm0, v63, v29;
	vm12 =	vmand vm11, vm9;
	v57 =	vor.u32 $0x100, v40  }
0x90: {  	v46 =	vor.u32 $0x100, v59;
	v34 =	vsel vm12, v42, v34;
	v58 =	vmin.u32 v57, $0x204  }
0x91: {  	v42 =	vadd.s32 $0x20, v39;
	v29 =	vmin.u32 v46, $0x204;
	v44 =	vadd.s32 v16, v58  }
0x92: {  	v47 =	vadd.s32 v16, v29;
	v29 =	vmin.u32 v42, $0x204  }
0x93: {  	vm13 =	vlt.u32 v33, $0x1E5;
	vm15 =	vlt.u32 v37, $0x1E5;
	v36 =	vld.idx.msk [tilespmem:v36+s13+$0x0], $0xffff;
	v60 =	vadd.s32 v8, v29  }
0x94: {  	vm14 =	vlt.f32 v31, v28;
	v31 =	vadd.f32 $1.999999950e-04, v30;
	vm10 =	vlt.u32 v39, $0x1E5  }
0x95: {  	vm0 =	vmand vm14, vm13;
	v48 =	vadd.s32 $0x10, v34;
	vm8 =	vlt.u32 v57, $0x205  }
0x96: {  	vm11 =	vlt.u32 v46, $0x205;
	vm5 =	vlt.f32 v45, v31;
	v29 =	vadd.f32 $-1.999999950e-04, v32;
	v44 =	vld.idx.msk [tilespmem:v44+s13+$0x0], $0xffff  }
0x97: {  	v33 =	vsel vm0, v53, v33;
	v61 =	vmin.u32 v48, $0x204;
	v49 =	vsel vm5, $0x200, v7;
	v62 =	vld.idx.msk [tilespmem:v47+s13+$0x0], $0xffff  }
0x98: {  	vm6 =	vlt.f32 v36, v26;
	vm7 =	vle.f32 v45, v29;
	v47 =	vor.u32 $0x100, v49;
	v43 =	vld.idx.msk [tilespmem:v60+s13+$0x0], $0xffff  }
0x99: {  	v36 =	vadd.s32 v8, v61;
	v50 =	vsel vm7, $0x200, v7;
	v51 =	vmin.u32 v47, $0x204  }
0x9a: {  	vm0 =	vmand vm6, vm15;
	v56 =	vor.u32 $0x100, v50;
	v63 =	vadd.s32 v16, v51  }
0x9b: {  	v37 =	vsel vm0, v38, v37;
	v52 =	vmin.u32 v56, $0x204;
	vm9 =	vle.f32 v44, v30  }
0x9c: {  	v41 =	vadd.s32 $0x10, v37;
	vm12 =	vlt.f32 v62, v32;
	vm1 =	vmand vm9, vm8  }
0x9d: {  	vm13 =	vle.f32 v43, v27;
	v40 =	vsel vm1, v57, v40;
	v57 =	vadd.s32 v16, v52  }
0x9e: {  	v52 =	vadd.s32 $0x10, v33;
	vm1 =	vmand vm12, vm11;
	v45 =	vor.u32 $0x80, v40  }
0x9f: {  	v44 =	vld.idx.msk [tilespmem:v63+s13+$0x0], $0xffff;
	vm14 =	vmand vm13, vm10;
	v63 =	vmin.u32 v41, $0x204;
	v53 =	vmin.u32 v45, $0x204  }
0xa0: {  	v36 =	vld.idx.msk [tilespmem:v36+s13+$0x0], $0xffff;
	v35 =	vsel vm1, v46, v59;
	v58 =	vmin.u32 v52, $0x204;
	v53 =	vadd.s32 v16, v53  }
0xa1: {  	v39 =	vsel vm14, v42, v39;
	v42 =	vadd.s32 v8, v63;
	v46 =	vor.u32 $0x80, v35  }
0xa2: {  	v59 =	vadd.s32 v8, v58;
	v61 =	vmin.u32 v46, $0x204;
	v60 =	vld.idx.msk [tilespmem:v57+s13+$0x0], $0xffff  }
0xa3: {  	vm15 =	vlt.u32 v34, $0x1F5;
	v62 =	vadd.s32 v16, v61  }
0xa4: {  	vm6 =	vlt.u32 v47, $0x205;
	vm9 =	vlt.u32 v56, $0x205;
	vm7 =	vlt.f32 v44, v31  }
0xa5: {  	vm11 =	vlt.u32 v33, $0x1F5;
	vm4 =	vle.f32 v36, v25;
	vm8 =	vmand vm7, vm6;
	v54 =	vld.idx.msk [tilespmem:v53+s13+$0x0], $0xffff  }
0xa6: {  	vm5 =	vmand vm4, vm15;
	vm12 =	vlt.u32 v45, $0x205;
	v42 =	vld.idx.msk [tilespmem:v42+s13+$0x0], $0xffff;
	v47 =	vsel vm8, v47, v49  }
0xa7: {  	v34 =	vsel vm5, v48, v34;
	v43 =	vld.idx.msk [tilespmem:v59+s13+$0x0], $0xffff;
	v38 =	vor.u32 $0x80, v47;
	vm10 =	vle.f32 v60, v29  }
0xa8: {  	vm4 =	vlt.u32 v46, $0x205;
	v36 =	vld.idx.msk [tilespmem:v62+s13+$0x0], $0xffff;
	v55 =	vmin.u32 v38, $0x204;
	vm0 =	vmand vm10, vm9  }
0xa9: {  	vm6 =	vlt.u32 v37, $0x1F5;
	v48 =	vsel vm0, v56, v50;
	v56 =	vadd.s32 v16, v55  }
0xaa: {  	vm8 =	vlt.u32 v39, $0x1F5;
	vm13 =	vle.f32 v54, v30;
	v49 =	vor.u32 $0x80, v48  }
0xab: {  	vm7 =	vlt.f32 v42, v26;
	vm0 =	vmand vm13, vm12;
	v57 =	vmin.u32 v49, $0x204  }
0xac: {  	vm14 =	vlt.f32 v43, v28;
	v40 =	vsel vm0, v45, v40;
	v43 =	vadd.s32 v16, v57  }
0xad: {  	vm9 =	vlt.u32 v38, $0x205;
	vm5 =	vlt.f32 v36, v32;
	v36 =	vor.u32 $0x40, v40  }
0xae: {  	v45 =	vadd.s32 $0x10, v39;
	vm0 =	vmand vm5, vm4;
	v58 =	vmin.u32 v36, $0x204;
	v44 =	vld.idx.msk [tilespmem:v56+s13+$0x0], $0xffff  }
0xaf: {  	v59 =	vmin.u32 v45, $0x204;
	v35 =	vsel vm0, v46, v35;
	v60 =	vadd.s32 v16, v58  }
0xb0: {  	vm15 =	vmand vm14, vm11;
	v61 =	vadd.s32 v8, v59;
	v51 =	vor.u32 $0x40, v35  }
0xb1: {  	v33 =	vsel vm15, v52, v33;
	v52 =	vadd.s32 $0x8, v34;
	v63 =	vmin.u32 v51, $0x204;
	v62 =	vld.idx.msk [tilespmem:v43+s13+$0x0], $0xffff  }
0xb2: {  	vm0 =	vmand vm7, vm6;
	v56 =	vmin.u32 v52, $0x204;
	v43 =	vadd.s32 v16, v63  }
0xb3: {  	v37 =	vsel vm0, v41, v37;
	v41 =	vadd.s32 v8, v56;
	vm10 =	vlt.f32 v44, v31  }
0xb4: {  	vm11 =	vlt.u32 v49, $0x205;
	v53 =	vadd.s32 $0x8, v33;
	v57 =	vld.idx.msk [tilespmem:v60+s13+$0x0], $0xffff;
	vm1 =	vmand vm10, vm9  }
0xb5: {  	v59 =	vmin.u32 v53, $0x204;
	vm13 =	vlt.u32 v36, $0x205;
	v58 =	vld.idx.msk [tilespmem:v61+s13+$0x0], $0xffff;
	v38 =	vsel vm1, v38, v47  }
0xb6: {  	vm6 =	vlt.u32 v51, $0x205;
	vm12 =	vle.f32 v62, v29;
	v47 =	vor.u32 $0x40, v38  }
0xb7: {  	v60 =	vadd.s32 v8, v59;
	v43 =	vld.idx.msk [tilespmem:v43+s13+$0x0], $0xffff;
	vm1 =	vmand vm12, vm11;
	v61 =	vmin.u32 v47, $0x204  }
0xb8: {  	v41 =	vld.idx.msk [tilespmem:v41+s13+$0x0], $0xffff;
	vm10 =	vlt.u32 v33, $0x1FD;
	v48 =	vsel vm1, v49, v48;
	v62 =	vadd.s32 v16, v61  }
0xb9: {  	vm12 =	vlt.u32 v47, $0x205;
	vm14 =	vle.f32 v57, v30;
	v63 =	vor.u32 $0x40, v48  }
0xba: {  	vm15 =	vle.f32 v58, v27;
	vm1 =	vmand vm14, vm13;
	v50 =	vmin.u32 v63, $0x204  }
0xbb: {  	vm0 =	vmand vm15, vm8;
	v36 =	vsel vm1, v36, v40;
	v54 =	vadd.s32 v16, v50  }
0xbc: {  	vm8 =	vlt.u32 v34, $0x1FD;
	v42 =	vld.idx.msk [tilespmem:v60+s13+$0x0], $0xffff;
	vm7 =	vlt.f32 v43, v32;
	v43 =	vadd.s32 $0x20, v36  }
0xbd: {  	vm9 =	vle.f32 v41, v25;
	vm1 =	vmand vm7, vm6;
	v55 =	vmin.u32 v43, $0x204;
	v44 =	vld.idx.msk [tilespmem:v62+s13+$0x0], $0xffff  }
0xbe: {  	v50 =	vadd.s32 $0x8, v37;
	v35 =	vsel vm1, v51, v35;
	v46 =	vadd.s32 v16, v55  }
0xbf: {  	v39 =	vsel vm0, v45, v39;
	v56 =	vmin.u32 v50, $0x204;
	v51 =	vadd.s32 $0x20, v35  }
0xc0: {  	vm15 =	vlt.u32 v63, $0x205;
	v41 =	vadd.s32 v8, v56;
	v40 =	vld.idx.msk [tilespmem:v54+s13+$0x0], $0xffff;
	v54 =	vmin.u32 v51, $0x204  }
0xc1: {  	vm6 =	vlt.u32 v36, $0x1E5;
	vm1 =	vmand vm9, vm8;
	v57 =	vadd.s32 v16, v54  }
0xc2: {  	vm11 =	vlt.f32 v42, v28;
	v42 =	vadd.s32 $0x8, v39;
	vm13 =	vlt.f32 v44, v31  }
0xc3: {  	vm8 =	vlt.u32 v37, $0x1FD;
	v58 =	vmin.u32 v42, $0x204;
	v59 =	vld.idx.msk [tilespmem:v46+s13+$0x0], $0xffff;
	vm14 =	vmand vm13, vm12  }
0xc4: {  	v34 =	vsel vm1, v52, v34;
	v60 =	vadd.s32 v8, v58;
	v38 =	vsel vm14, v47, v38  }
0xc5: {  	vm0 =	vmand vm11, vm10;
	v41 =	vld.idx.msk [tilespmem:v41+s13+$0x0], $0xffff;
	vm4 =	vle.f32 v40, v29;
	v45 =	vadd.s32 $0x20, v38  }
0xc6: {  	vm10 =	vlt.u32 v35, $0x1E5;
	vm5 =	vmand vm4, vm15;
	v61 =	vld.idx.msk [tilespmem:v57+s13+$0x0], $0xffff;
	v62 =	vmin.u32 v45, $0x204  }
0xc7: {  	v33 =	vsel vm0, v53, v33;
	v47 =	vsel vm5, v63, v48;
	v63 =	vadd.s32 v16, v62  }
0xc8: {  	v53 =	vadd.s32 $0x4, v33;
	v46 =	vadd.s32 $0x4, v34;
	vm7 =	vle.f32 v59, v30  }
0xc9: {  	v57 =	vld.idx.msk [tilespmem:v60+s13+$0x0], $0xffff;
	v60 =	vmin.u32 v46, $0x204;
	v48 =	vadd.s32 $0x20, v47;
	vm0 =	vmand vm7, vm6  }
0xca: {  	vm9 =	vlt.f32 v41, v26;
	v56 =	vmin.u32 v48, $0x204;
	v36 =	vsel vm0, v43, v36  }
0xcb: {  	v58 =	vadd.s32 v16, v56;
	vm11 =	vlt.f32 v61, v32;
	v40 =	vadd.s32 $0x10, v36  }
0xcc: {  	v61 =	vadd.s32 v8, v60;
	vm0 =	vmand vm11, vm10;
	v59 =	vmin.u32 v40, $0x204;
	v44 =	vld.idx.msk [tilespmem:v63+s13+$0x0], $0xffff  }
0xcd: {  	vm12 =	vmand vm9, vm8;
	v35 =	vsel vm0, v51, v35;
	v49 =	vadd.s32 v16, v59  }
0xce: {  	v54 =	vmin.u32 v53, $0x204;
	v37 =	vsel vm12, v50, v37;
	v52 =	vadd.s32 $0x10, v35  }
0xcf: {  	vm13 =	vlt.u32 v39, $0x1FD;
	v50 =	vadd.s32 $0x4, v37;
	v63 =	vmin.u32 v52, $0x204  }
0xd0: {  	vm14 =	vle.f32 v57, v27;
	v57 =	vmin.u32 v50, $0x204;
	v62 =	vld.idx.msk [tilespmem:v58+s13+$0x0], $0xffff;
	v43 =	vadd.s32 v16, v63  }
0xd1: {  	vm15 =	vlt.u32 v38, $0x1E5;
	v58 =	vadd.s32 v8, v57;
	v56 =	vld.idx.msk [tilespmem:v61+s13+$0x0], $0xffff;
	vm4 =	vlt.f32 v44, v31  }
0xd2: {  	vm5 =	vlt.u32 v47, $0x1E5;
	vm1 =	vmand vm14, vm13;
	v55 =	vld.idx.msk [tilespmem:v49+s13+$0x0], $0xffff;
	vm0 =	vmand vm4, vm15  }
0xd3: {  	v39 =	vsel vm1, v42, v39;
	v42 =	vadd.s32 v8, v54;
	v38 =	vsel vm0, v45, v38  }
0xd4: {  	vm7 =	vlt.u32 v34, $0x201;
	vm8 =	vlt.u32 v36, $0x1F5;
	v45 =	vadd.s32 $0x10, v38  }
0xd5: {  	vm13 =	vlt.u32 v33, $0x201;
	vm6 =	vle.f32 v62, v29;
	v43 =	vld.idx.msk [tilespmem:v43+s13+$0x0], $0xffff;
	v59 =	vmin.u32 v45, $0x204  }
0xd6: {  	vm11 =	vlt.u32 v35, $0x1F5;
	v41 =	vld.idx.msk [tilespmem:v58+s13+$0x0], $0xffff;
	vm0 =	vmand vm6, vm5;
	v60 =	vadd.s32 v16, v59  }
0xd7: {  	vm10 =	vle.f32 v56, v25;
	vm6 =	vlt.u32 v38, $0x1F5;
	vm9 =	vle.f32 v55, v30  }
0xd8: {  	v42 =	vld.idx.msk [tilespmem:v42+s13+$0x0], $0xffff;
	v47 =	vsel vm0, v48, v47;
	vm1 =	vmand vm10, vm7;
	vm0 =	vmand vm9, vm8  }
0xd9: {  	v48 =	vadd.s32 $0x10, v47;
	v34 =	vsel vm1, v46, v34;
	v36 =	vsel vm0, v40, v36  }
0xda: {  	v61 =	vmin.u32 v48, $0x204;
	vm12 =	vlt.f32 v43, v32;
	v43 =	vadd.s32 $0x8, v36  }
0xdb: {  	v40 =	vadd.s32 v16, v61;
	vm4 =	vlt.f32 v41, v26;
	v62 =	vmin.u32 v43, $0x204;
	v44 =	vld.idx.msk [tilespmem:v60+s13+$0x0], $0xffff  }
0xdc: {  	v41 =	vadd.s32 $0x4, v39;
	vm0 =	vmand vm12, vm11;
	v63 =	vadd.s32 v16, v62  }
0xdd: {  	vm14 =	vlt.f32 v42, v28;
	v56 =	vmin.u32 v41, $0x204;
	v35 =	vsel vm0, v52, v35  }
0xde: {  	vm0 =	vmand vm14, vm13;
	v52 =	vadd.s32 $0x2, v34;
	v42 =	vadd.s32 $0x8, v35  }
0xdf: {  	v51 =	vsel vm0, v53, v33;
	v33 =	vadd.s32 v8, v56;
	v55 =	vmin.u32 v42, $0x204  }
0xe0: {  	v58 =	vmin.u32 v52, $0x204;
	v40 =	vld.idx.msk [tilespmem:v40+s13+$0x0], $0xffff;
	v49 =	vadd.s32 v16, v55;
	vm7 =	vlt.f32 v44, v31  }
0xe1: {  	v46 =	vadd.s32 v8, v58;
	v57 =	vld.idx.msk [tilespmem:v63+s13+$0x0], $0xffff;
	vm1 =	vmand vm7, vm6  }
0xe2: {  	vm15 =	vlt.u32 v37, $0x201;
	vm8 =	vlt.u32 v47, $0x1F5;
	v38 =	vsel vm1, v45, v38  }
0xe3: {  	vm5 =	vmand vm4, vm15;
	vm10 =	vlt.u32 v36, $0x1FD;
	v45 =	vadd.s32 $0x8, v38  }
0xe4: {  	vm15 =	vlt.u32 v39, $0x201;
	v37 =	vsel vm5, v50, v37;
	v33 =	vld.idx.msk [tilespmem:v33+s13+$0x0], $0xffff;
	v60 =	vmin.u32 v45, $0x204  }
0xe5: {  	vm13 =	vlt.u32 v35, $0x1FD;
	vm9 =	vle.f32 v40, v29;
	v59 =	vld.idx.msk [tilespmem:v49+s13+$0x0], $0xffff;
	v61 =	vadd.s32 v16, v60  }
0xe6: {  	vm7 =	vlt.u32 v34, $0x203;
	v46 =	vld.idx.msk [tilespmem:v46+s13+$0x0], $0xffff;
	vm0 =	vmand vm9, vm8;
	vm11 =	vle.f32 v57, v30  }
0xe7: {  	v49 =	vadd.s32 $0x2, v51;
	v47 =	vsel vm0, v48, v47;
	vm12 =	vmand vm11, vm10  }
0xe8: {  	v62 =	vmin.u32 v49, $0x204;
	v36 =	vsel vm12, v43, v36;
	v43 =	vadd.s32 $0x8, v47  }
0xe9: {  	v63 =	vadd.s32 v8, v62;
	vm6 =	vle.f32 v33, v27;
	v56 =	vmin.u32 v43, $0x204  }
0xea: {  	vm10 =	vlt.u32 v38, $0x1FD;
	vm14 =	vlt.f32 v59, v32;
	v40 =	vadd.s32 v16, v56;
	v57 =	vld.idx.msk [tilespmem:v61+s13+$0x0], $0xffff  }
0xeb: {  	vm8 =	vle.f32 v46, v25;
	v50 =	vadd.s32 $0x4, v36;
	vm0 =	vmand vm14, vm13  }
0xec: {  	vm9 =	vmand vm8, vm7;
	v58 =	vmin.u32 v50, $0x204;
	v35 =	vsel vm0, v42, v35  }
0xed: {  	v33 =	vsel vm9, v52, v34;
	v44 =	vadd.s32 v16, v58;
	v53 =	vadd.s32 $0x4, v35  }
0xee: {  	v34 =	vadd.s32 $0x2, v37;
	vm0 =	vmand vm6, vm15;
	v59 =	vmin.u32 v53, $0x204  }
0xef: {  	v62 =	vmin.u32 v34, $0x204;
	v61 =	vadd.s32 v16, v59;
	v40 =	vld.idx.msk [tilespmem:v40+s13+$0x0], $0xffff;
	vm11 =	vlt.f32 v57, v31  }
0xf0: {  	v60 =	vld.idx.msk [tilespmem:v63+s13+$0x0], $0xffff;
	v39 =	vsel vm0, v41, v39;
	v41 =	vadd.s32 v8, v62;
	vm0 =	vmand vm11, vm10  }
0xf1: {  	vm12 =	vlt.u32 v51, $0x203;
	v38 =	vsel vm0, v45, v38  }
0xf2: {  	vm14 =	vlt.u32 v47, $0x1FD;
	vm6 =	vlt.u32 v36, $0x201;
	v44 =	vld.idx.msk [tilespmem:v44+s13+$0x0], $0xffff;
	v57 =	vadd.s32 $0x4, v38  }
0xf3: {  	vm9 =	vlt.u32 v35, $0x201;
	v42 =	vadd.s32 $0x2, v39;
	v58 =	vmin.u32 v57, $0x204  }
0xf4: {  	v63 =	vmin.u32 v42, $0x204;
	v56 =	vld.idx.msk [tilespmem:v61+s13+$0x0], $0xffff;
	vm15 =	vle.f32 v40, v29;
	v40 =	vadd.s32 v16, v58  }
0xf5: {  	v55 =	vadd.s32 v8, v63;
	vm13 =	vlt.f32 v60, v28;
	v41 =	vld.idx.msk [tilespmem:v41+s13+$0x0], $0xffff;
	vm5 =	vmand vm15, vm14  }
0xf6: {  	vm0 =	vmand vm13, vm12;
	vm12 =	vlt.u32 v37, $0x203;
	v43 =	vsel vm5, v43, v47  }
0xf7: {  	vm7 =	vle.f32 v44, v30;
	v44 =	vsel vm0, v49, v51;
	v47 =	vadd.s32 $0x4, v43  }
0xf8: {  	vm14 =	vlt.u32 v39, $0x203;
	vm8 =	vmand vm7, vm6;
	v59 =	vmin.u32 v47, $0x204  }
0xf9: {  	v36 =	vsel vm8, v50, v36;
	vm10 =	vlt.f32 v56, v32;
	v46 =	vadd.s32 v16, v59;
	v40 =	vld.idx.msk [tilespmem:v40+s13+$0x0], $0xffff  }
0xfa: {  	v45 =	vld.idx.msk [tilespmem:v55+s13+$0x0], $0xffff;
	vm13 =	vlt.f32 v41, v26;
	v49 =	vadd.s32 $0x2, v36;
	vm11 =	vmand vm10, vm9  }
0xfb: {  	v51 =	vadd.s32 $0x1, v44;
	v60 =	vmin.u32 v49, $0x204;
	v35 =	vsel vm11, v53, v35  }
0xfc: {  	v62 =	vmin.u32 v51, $0x204;
	v41 =	vadd.s32 v16, v60;
	v50 =	vadd.s32 $0x2, v35  }
0xfd: {  	vm6 =	vlt.u32 v38, $0x201;
	v63 =	vadd.s32 v8, v62;
	v61 =	vmin.u32 v50, $0x204  }
0xfe: {  	vm0 =	vmand vm13, vm12;
	v52 =	vadd.s32 v16, v61;
	v46 =	vld.idx.msk [tilespmem:v46+s13+$0x0], $0xffff;
	vm7 =	vlt.f32 v40, v31  }
0xff: {  	v34 =	vsel vm0, v34, v37;
	vm15 =	vle.f32 v45, v27;
	vm8 =	vmand vm7, vm6  }
0x100: {  	vm12 =	vlt.u32 v36, $0x203;
	vm0 =	vmand vm15, vm14;
	v38 =	vsel vm8, v57, v38  }
0x101: {  	vm9 =	vlt.u32 v43, $0x201;
	v39 =	vsel vm0, v42, v39;
	v41 =	vld.idx.msk [tilespmem:v41+s13+$0x0], $0xffff;
	v57 =	vadd.s32 $0x2, v38  }
0x102: {  	v45 =	vadd.s32 $0x1, v39;
	v37 =	vld.idx.msk [tilespmem:v63+s13+$0x0], $0xffff;
	v40 =	vadd.s32 $0x1, v34;
	v58 =	vmin.u32 v57, $0x204  }
0x103: {  	v55 =	vmin.u32 v40, $0x204;
	v56 =	vld.idx.msk [tilespmem:v52+s13+$0x0], $0xffff;
	vm10 =	vle.f32 v46, v29;
	v46 =	vadd.s32 v16, v58  }
0x104: {  	v60 =	vmin.u32 v33, $0x203;
	v59 =	vmin.u32 v45, $0x204;
	v42 =	vadd.s32 v8, v55  }
0x105: {  	vm13 =	vlt.u32 v35, $0x203;
	v61 =	vadd.s32 v1, v60;
	v53 =	vadd.s32 v8, v59  }
0x106: {  	vm6 =	vlt.u32 v44, $0x204;
	vm0 =	vmand vm10, vm9;
	vm11 =	vle.f32 v41, v30  }
0x107: {  	vm15 =	vlt.f32 v37, v28;
	v43 =	vsel vm0, v47, v43;
	vm0 =	vmand vm11, vm12  }
0x108: {  	vm9 =	vlt.u32 v34, $0x204;
	v36 =	vsel vm0, v49, v36;
	vm14 =	vlt.f32 v56, v32;
	v63 =	vld.idx.msk [tilespmem:v46+s13+$0x0], $0xffff  }
0x109: {  	v28 =	vld.idx.msk [tilespmem:v42+s13+$0x0], $0xffff;
	v62 =	vadd.s32 $0x2, v43;
	v54 =	vmin.u32 v36, $0x203;
	vm1 =	vmand vm14, vm13  }
0x10a: {  	v53 =	vld.idx.msk [tilespmem:v53+s13+$0x0], $0xffff;
	v48 =	vadd.s32 v15, v54;
	v35 =	vsel vm1, v50, v35;
	v50 =	vmin.u32 v62, $0x204  }
0x10b: {  	v41 =	vld.idx.msk [tilespmem:v61+s13+$0x0], $0xffff;
	vm10 =	vlt.u32 v38, $0x203;
	v46 =	vadd.s32 v16, v50;
	v55 =	vadd.s32 $0x1, v35  }
0x10c: {  	vm12 =	vlt.u32 v39, $0x204;
	vm0 =	vmand vm15, vm6;
	v56 =	vmin.u32 v55, $0x204  }
0x10d: {  	vm5 =	vlt.u32 v43, $0x203;
	v50 =	vadd.s32 v16, v56;
	vm8 =	vlt.f32 v63, v31  }
0x10e: {  	vm7 =	vlt.f32 v28, v26;
	v26 =	vsel vm0, v51, v44;
	vm0 =	vmand vm8, vm10  }
0x10f: {  	vm11 =	vle.f32 v53, v27;
	vm14 =	vgt.u32 v33, $0x203;
	v58 =	vld.idx.msk [tilespmem:v48+s13+$0x0], $0xffff;
	v57 =	vsel vm0, v57, v38  }
0x110: {  	vm13 =	vle.f32 v41, v25;
	vm1 =	vmand vm7, vm9;
	v27 =	vld.idx.msk [tilespmem:v46+s13+$0x0], $0xffff;
	v59 =	vadd.s32 $0x1, v57  }
0x111: {  	vm9 =	vgt.u32 v36, $0x203;
	v26 =	vmin.u32 v26, $0x203;
	v60 =	vmin.u32 v59, $0x204  }
0x112: {  	v28 =	vsel vm1, v40, v34;
	vm1 =	vmneg vm13;
	v25 =	vld.idx.msk [tilespmem:v50+s13+$0x0], $0xffff;
	v41 =	vadd.s32 v16, v60  }
0x113: {  	v26 =	vor.u32 $0x80000000, v26;
	vm15 =	vmor vm1, vm14;
	vm0 =	vmand vm11, vm12  }
0x114: {  	v28 =	vxor.u32 $0x80000000, v28;
	vm10 =	vlt.u32 v35, $0x204;
	v39 =	vsel vm0, v45, v39  }
0x115: {  	vm6 =	vle.f32 v58, v30;
	vm4 =	vle.f32 v27, v29;
	v27 =	vsel vm15, $0xFFFFFFFF, v7  }
0x116: {  	vm11 =	vlt.u32 v57, $0x204;
	vm2 =	vmneg vm6;
	v27 =	vadd.s32 v27, v33  }
0x117: {  	vm0 =	vmand vm4, vm5;
	vm7 =	vlt.f32 v25, v32;
	vm8 =	vgt.s32 v27, $0x0;
	v30 =	vld.idx.msk [tilespmem:v41+s13+$0x0], $0xffff  }
0x118: {  	v25 =	vsel vm0, v62, v43;
	vm0 =	vmor vm2, vm9;
	v27 =	vnsel vm8, $0x0, v27  }
0x119: {  	v61 =	vxor.u32 $0x80000000, v39;
	v62 =	vsel vm0, $0xFFFFFFFF, v7;
	v27 =	vor.u32 $0x80000000, v27  }
0x11a: {  	vm1 =	vmand vm7, vm10;
	v63 =	vadd.s32 $0x1, v25;
	v33 =	vadd.s32 v62, v36;
	(xrf0) =	vmin.scan.msk.u32 $0xffff, v27  }
0x11b: {  	v27 =	vsel vm1, v55, v35;
	vm12 =	vgt.s32 v33, $0x0;
	(xrf0) =	vmax.scan.msk.u32 $0xffff, v26;
	v26 =	vmin.u32 v63, $0x204  }
0x11c: {  	v27 =	vmin.u32 v27, $0x203;
	(xrf0) =	vmax.scan.msk.u32 $0xffff, v28;
	v28 =	vnsel vm12, $0x0, v33;
	vm13 =	vlt.f32 v30, v31  }
0x11d: {  	v26 =	vadd.s32 v16, v26;
	(xrf0) =	vmin.scan.msk.u32 $0xffff, v61;
	v28 =	vor.u32 $0x80000000, v28;
	vm0 =	vmand vm13, vm11  }
0x11e: {  	v27 =	vor.u32 $0x80000000, v27;
	(xrf0) =	vmin.scan.msk.u32 $0xffff, v28;
	v30 =	vsel vm0, v59, v57  }
0x11f: {  	(xrf0) =	vmax.scan.msk.u32 $0xffff, v27;
	v27 =	vxor.u32 $0x80000000, v30;
	_ =	sdelay $0x1  }
0x120: {  	v28, _, _ =	vpop (xrf0);
	(xrf0) =	vmax.scan.msk.u32 $0xffff, v27  }
0x121: {  	(v2sf) =	vpush v28, $0xF;
	v26 =	vld.idx.msk [tilespmem:v26+s13+$0x0], $0xffff;
	v27, _, _ =	vpop (xrf0)  }
0x122: {  	v28, _, _ =	vpop (xrf0);
	(v2sf) =	vpush v27, $0xF  }
0x123: {  	v27, _, _ =	vpop (xrf0);
	(v2sf) =	vpush v28, $0xF  }
0x124: {  	v28, _, _ =	vpop (xrf0);
	(v2sf) =	vpush v27, $0xF  }
0x125: {  	v27, _, _ =	vpop (xrf0);
	(v2sf) =	vpush v28, $0xF  }
0x126: {  	vm15 =	vle.f32 v26, v29;
	(v2sf) =	vpush v27, $0xF;
	v26, _, _ =	vpop (xrf0)  }
0x127: {  	(v2sf) =	vpush v26, $0xF;
	_ =	sdelay $0x1  }
0x128: {  	vm14 =	vlt.u32 v25, $0x204  }
0x129: {  	vm0 =	vmand vm15, vm14  }
0x12a: {  	v25 =	vsel vm0, v63, v25  }
0x12b: {  	v25 =	vxor.u32 $0x80000000, v25  }
0x12c: {  	(xrf0) =	vmin.scan.msk.u32 $0xffff, v25;
	_ =	sdelay $0x2  }
0x12d: {  	s21 =	spop (v2sf)  }
0x12e: {  	s1 =	spop (v2sf)  }
0x12f: {  	s26 =	spop (v2sf)  }
0x130: {  	v25, _, _ =	vpop (xrf0);
	s30 =	spop (v2sf)  }
0x131: {  	(v2sf) =	vpush v25, $0xF;
	s28 =	spop (v2sf)  }
0x132: {  	s21 =	sxor.u32 $0x80000000, s21;
	s1 =	sxor.u32 $0x80000000, s1;
	s29 =	spop (v2sf)  }
0x133: {  	s26 =	sxor.u32 $0x80000000, s26;
	s0 =	sxor.u32 $0x80000000, s28;
	s31 =	spop (v2sf)  }
0x134: {  	s28 =	sxor.u32 $0x80000000, s29;
	p0 =	slt.s32 s21, s0;
	s29 =	sxor.u32 $0x80000000, s31  }
0x135: {  	s0 =	smov.u32 @p0 s21;
	p0 =	sgt.s32 s1, s28;
	p1 =	sgt.s32 s26, s29  }
0x136: {  	s28 =	smov.u32 @p0 s1;
	s29 =	smov.u32 @p1 s26  }
0x137: {  	p0 =	sgt.s32 s28, s0;
	s26 =	smov.u32 s0;
	p1 =	sgt.s32 s0, s29  }
0x138: {  	s26 =	smov.u32 @p0 s28;
	s29 =	smov.u32 @p1 s0  }
0x139: {  	p0 =	slt.s32 s26, s29;
	s31 =	smov.u32 s29  }
0x13a: {  	v27 =	vadd.s32 s0, v1;
	s31 =	smov.u32 @p0 s26  }
0x13b: {  	v28 =	vadd.s32 s0, v15;
	p0 =	sge.s32 s0, s31  }
.Ltmp4:
0x13c: {  	_ = 	snop;
	(pc) =	sbr.rel @p0 .LBB2_3-.Ltmp4, $4  }
0x13d: {  	v26 =	vld.idx.msk [tilespmem:v13+s14+$0x0], $0xffff  }
0x13e: {  	v25 =	vld.idx.msk [tilespmem:v5+s14+$0x0], $0xffff  }
0x13f: {  	s28 =	smov.u32 s26;
	p1 =	slt.s32 s29, s26;
	v30 =	vld.idx.msk [tilespmem:v27+s13+$0x0], $0xffff  }
0x140: {  	v27 =	vimm.f32 $0.0e+00;
	v29 =	vld.idx.msk [tilespmem:v28+s13+$0x0], $0xffff;
	s28 =	smov.u32 @p1 s29;
	s1 =	spop (v2sf)  }
0x141: {  	s0 =	sadd.s32 $0x1, s0  }
0x142: {  	v28 =	vadd.s32 s0, v15;
	_ =	sdelay $0x2  }
0x143: {  	v31 =	vadd.s32 s0, v1;
	_ =	sdelay $0x1  }
0x144: {  	v32 =	vld.idx.msk [tilespmem:v28+s13+$0x0], $0xffff;
	_ =	sdelay $0x2  }
0x145: {  	v36 =	vld.idx.msk [tilespmem:v31+s13+$0x0], $0xffff;
	_ =	sdelay $0x1  }
0x146: {  	v28 =	vadd.f32 v32, v29  }
0x147: {  	p1 =	seq.s32 s28, s0  }
.Ltmp5:
0x148: {  	v28 =	vmul.f32 $5.000000000e-01, v28;
	(pc) =	sbr.rel @p1 .LBB2_9-.Ltmp5, $4  }
0x149: {  	v31 =	vadd.f32 v36, v30  }
0x14a: {  	v30 =	vsub.f32 v36, v30;
	v33 =	vmul.f32 v28, v21  }
0x14b: {  	v27 =	vimm.f32 $0.0e+00;
	v41 =	vmul.f32 $5.000000000e-01, v31  }
0x14c: {  	p0 =	por $0x0, $0x0;
	v30 =	vmul.f32 v30, v25;
	v42 =	vmul.f32 v28, v22;
	v28 =	vadd.f32 v33, v23  }
0x14d: {  	_ = 	snop  }
0x14e: {  	s0 =	sadd.s32 $0x1, s0;
	v35 =	vmul.f32 v41, v17;
	v34 =	vadd.f32 v42, v24;
	v31 =	vmax.f32 v28, $0.0e+00  }
0x14f: {  	v38 =	vmul.f32 v41, v18;
	v33 =	vadd.s32 s0, v15;
	v31 =	vmin.f32 v31, $2.550000000e+02  }
0x150: {  	v29 =	vsub.f32 v32, v29;
	v37 =	vmax.f32 v34, $0.0e+00;
	v31 =	vtrunc.f32 v31  }
0x151: {  	v39 =	vadd.s32 s0, v1;
	v37 =	vmin.f32 v37, $2.550000000e+02;
	v31 =	vcvt.f32.s32 v31  }
0x152: {  	vm12 =	vge.f32 v28, $0.0e+00;
	vm14 =	vlt.f32 v28, $2.560000000e+02;
	v37 =	vtrunc.f32 v37  }
0x153: {  	v35 =	vadd.f32 v35, v19;
	v37 =	vcvt.f32.s32 v37;
	v55 =	vmul.u32 $0x105, v31  }
0x154: {  	v40 =	vadd.f32 v38, v20;
	v28 =	vmul.f32 v29, v26;
	vm13 =	vge.f32 v34, $0.0e+00;
	v31 =	vld.idx.msk [tilespmem:v33+s13+$0x0], $0xffff  }
0x155: {  	vm15 =	vlt.f32 v34, $2.560000000e+02;
	v56 =	vmax.f32 v35, $0.0e+00;
	v37 =	vadd.s32 v37, v55  }
0x156: {  	vm0 =	vge.f32 v35, $0.0e+00;
	vm2 =	vge.f32 v40, $0.0e+00;
	v33 =	vmin.f32 v56, $2.550000000e+02  }
0x157: {  	vm1 =	vlt.f32 v35, $2.560000000e+02;
	vm0 =	vmand vm0, vm2;
	v33 =	vtrunc.f32 v33  }
0x158: {  	vm11 =	vlt.f32 v40, $2.560000000e+02;
	v38 =	vld.idx.msk [tilespmem:v39+s13+$0x0], $0xffff;
	vm0 =	vmand vm0, vm1;
	v33 =	vcvt.f32.s32 v33  }
0x159: {  	v57 =	vmax.f32 v40, $0.0e+00;
	vm0 =	vmand vm11, vm0;
	v58 =	vadd.f32 v31, v32  }
0x15a: {  	v35 =	vmin.f32 v57, $2.550000000e+02;
	v59 =	vmul.u32 $0x105, v33;
	v33 =	vnsel vm0, $0x0, v30;
	v30 =	vld.idx.msk [tilespmem:v37+s2+$0x0], $0xffff  }
0x15b: {  	p1 =	seq.s32 s28, s0;
	v35 =	vtrunc.f32 v35;
	vm0 =	vmand vm12, vm13;
	v60 =	vmul.f32 $5.000000000e-01, v58  }
.Ltmp6:
0x15c: {  	v34 =	vimm.f32 $0.0e+00;
	v35 =	vcvt.f32.s32 v35;
	vm0 =	vmand vm0, vm14;
	(pc) =	sbr.rel @p1 .LBB2_11-.Ltmp6, $4  }
0x15d: {  	v29 =	vadd.f32 v38, v36;
	vm0 =	vmand vm15, vm0;
	v61 =	vmul.f32 v60, v21  }
0x15e: {  	v62 =	vsub.f32 v38, v36;
	v39 =	vadd.s32 v35, v59;
	v63 =	vnsel vm0, $0x0, v28  }
0x15f: {  	v42 =	vmul.f32 v60, v22;
	v28 =	vadd.f32 v61, v23;
	v40 =	vmul.f32 v63, v30  }
0x160: {  	p0 =	por $0x1, $0x1;
	v35 =	vimm.f32 $0.0e+00;
	v41 =	vmul.f32 $5.000000000e-01, v29;
	v37 =	vmovc v31;
	v30 =	vmul.f32 v62, v25  }
.LBB2_12:
0x161: {  	s0 =	sadd.s32 $0x1, s0;
	v29 =	vadd.f32 v42, v24;
	v36 =	vmax.f32 v28, $0.0e+00;
	v34 =	vadd.f32 v40, v34;
	v40 =	vmovc v31;
	v42 =	vmovc v38  }
0x162: {  	v38 =	vadd.s32 s0, v1;
	v31 =	vadd.s32 s0, v15;
	p1 =	seq.s32 s28, s0;
	v36 =	vmin.f32 v36, $2.550000000e+02  }
0x163: {  	v43 =	vmul.f32 v41, v17;
	v36 =	vtrunc.f32 v36;
	v44 =	vmax.f32 v29, $0.0e+00;
	v39 =	vld.idx.msk [tilespmem:v39+s2+$0x0], $0xffff  }
0x164: {  	v41 =	vmul.f32 v41, v18;
	v36 =	vcvt.f32.s32 v36;
	v44 =	vmin.f32 v44, $2.550000000e+02  }
0x165: {  	v43 =	vadd.f32 v43, v19;
	v44 =	vtrunc.f32 v44  }
0x166: {  	v41 =	vadd.f32 v41, v20;
	v44 =	vcvt.f32.s32 v44;
	v36 =	vmul.u32 $0x105, v36  }
0x167: {  	vm0 =	vge.f32 v43, $0.0e+00;
	vm1 =	vlt.f32 v43, $2.560000000e+02;
	v43 =	vmax.f32 v43, $0.0e+00;
	v31 =	vld.idx.msk [tilespmem:v31+s13+$0x0], $0xffff  }
0x168: {  	v45 =	vmax.f32 v41, $0.0e+00;
	v43 =	vmin.f32 v43, $2.550000000e+02;
	v38 =	vld.idx.msk [tilespmem:v38+s13+$0x0], $0xffff;
	v36 =	vadd.s32 v44, v36  }
0x169: {  	vm2 =	vge.f32 v41, $0.0e+00;
	v43 =	vtrunc.f32 v43;
	v44 =	vmin.f32 v45, $2.550000000e+02  }
0x16a: {  	vm0 =	vmand vm0, vm2;
	v43 =	vcvt.f32.s32 v43;
	v44 =	vtrunc.f32 v44  }
0x16b: {  	vm0 =	vmand vm0, vm1;
	vm1 =	vlt.f32 v41, $2.560000000e+02;
	v41 =	vcvt.f32.s32 v44  }
0x16c: {  	vm0 =	vmand vm1, vm0;
	v44 =	vmul.f32 v33, v39;
	v43 =	vmul.u32 $0x105, v43  }
0x16d: {  	v33 =	vnsel vm0, $0x0, v30;
	v39 =	vadd.f32 v31, v40;
	v30 =	vld.idx.msk [tilespmem:v36+s2+$0x0], $0xffff  }
0x16e: {  	vm1 =	vge.f32 v29, $0.0e+00;
	vm0 =	vge.f32 v28, $0.0e+00;
	v36 =	vsub.f32 v37, v32;
	v37 =	vmovc v31;
	v32 =	vmovc v40  }
0x16f: {  	vm2 =	vlt.f32 v28, $2.560000000e+02;
	vm0 =	vmand vm0, vm1;
	v40 =	vmul.f32 $5.000000000e-01, v39  }
.Ltmp7:
0x170: {  	vm1 =	vlt.f32 v29, $2.560000000e+02;
	vm0 =	vmand vm0, vm2;
	v28 =	vmul.f32 v36, v26;
	(pc) =	sbr.rel @!p1 .LBB2_12-.Ltmp7, $4  }
0x171: {  	v29 =	vadd.f32 v38, v42;
	vm0 =	vmand vm1, vm0;
	v36 =	vmul.f32 v40, v21  }
0x172: {  	v45 =	vsub.f32 v38, v42;
	v39 =	vadd.s32 v41, v43;
	v41 =	vnsel vm0, $0x0, v28  }
0x173: {  	v42 =	vmul.f32 v40, v22;
	v28 =	vadd.f32 v36, v23;
	v40 =	vmul.f32 v41, v30  }
0x174: {  	v35 =	vadd.f32 v44, v35;
	v41 =	vmul.f32 $5.000000000e-01, v29;
	v30 =	vmul.f32 v45, v25  }
0x175: {  	v36 =	vmov v38;
	v29 =	vmov v32  }
.LBB2_14:
0x176: {  	v32 =	vmul.f32 v41, v17;
	_ =	sdelay $0x1  }
0x177: {  	v61 =	vmul.f32 v41, v18;
	v32 =	vadd.f32 v32, v19;
	_ =	sdelay $0x1  }
0x178: {  	v41 =	vadd.f32 v61, v20;
	v43 =	vmax.f32 v32, $0.0e+00  }
0x179: {  	v38 =	vmax.f32 v28, $0.0e+00;
	v42 =	vadd.f32 v42, v24;
	v43 =	vmin.f32 v43, $2.550000000e+02  }
0x17a: {  	v38 =	vmin.f32 v38, $2.550000000e+02;
	v45 =	vmax.f32 v41, $0.0e+00;
	v43 =	vtrunc.f32 v43  }
0x17b: {  	v38 =	vtrunc.f32 v38;
	v45 =	vmin.f32 v45, $2.550000000e+02;
	v43 =	vcvt.f32.s32 v43  }
0x17c: {  	v44 =	vmax.f32 v42, $0.0e+00;
	v38 =	vcvt.f32.s32 v38;
	v45 =	vtrunc.f32 v45  }
0x17d: {  	v44 =	vmin.f32 v44, $2.550000000e+02;
	v45 =	vcvt.f32.s32 v45;
	v43 =	vmul.u32 $0x105, v43  }
0x17e: {  	v44 =	vtrunc.f32 v44  }
0x17f: {  	v44 =	vcvt.f32.s32 v44;
	v38 =	vmul.u32 $0x105, v38;
	v43 =	vadd.s32 v45, v43;
	_ =	sdelay $0x1  }
0x180: {  	v38 =	vadd.s32 v44, v38;
	_ =	sdelay $0x1  }
0x181: {  	v39 =	vld.idx.msk @p0 [tilespmem:v39+s2+$0x0], $0xffff;
	v29 =	vsub.f32 v37, v29;
	vm12 =	vge.f32 v28, $0.0e+00;
	vm13 =	vlt.f32 v28, $2.560000000e+02  }
0x182: {  	vm3 =	vge.f32 v42, $0.0e+00;
	vm0 =	vge.f32 v32, $0.0e+00;
	vm1 =	vge.f32 v41, $0.0e+00;
	v63 =	vld.idx.msk [tilespmem:v43+s2+$0x0], $0xffff  }
0x183: {  	v28 =	vmul.f32 v29, v26;
	vm2 =	vlt.f32 v32, $2.560000000e+02;
	vm0 =	vmand vm0, vm1  }
0x184: {  	vm14 =	vlt.f32 v42, $2.560000000e+02;
	vm11 =	vlt.f32 v41, $2.560000000e+02;
	vm0 =	vmand vm0, vm2;
	v62 =	vld.idx.msk [tilespmem:v38+s2+$0x0], $0xffff  }
0x185: {  	v29 =	vadd.f32 @p0 v40, v34;
	vm2 =	vmand vm12, vm3;
	vm0 =	vmand vm11, vm0  }
0x186: {  	v33 =	vmul.f32 @p0 v33, v39;
	vm2 =	vmand vm2, vm13;
	v30 =	vnsel vm0, $0x0, v30  }
.Ltmp8:
0x187: {  	vm15 =	vmand vm14, vm2;
	v30 =	vmul.f32 v30, v63;
	(pc) =	sbr.rel .LBB2_4-.Ltmp8, $4  }
0x188: {  	v29 =	vpsel p0, v29, v27;
	v33 =	vadd.f32 @p0 v33, v35;
	v28 =	vnsel vm15, $0x0, v28  }
0x189: {  	v28 =	vmul.f32 v28, v62  }
0x18a: {  	v27 =	vpsel p0, v33, v27  }
0x18b: {  	v28 =	vadd.f32 v28, v29;
	v29 =	vmovc v31;
	v27 =	vadd.f32 v30, v27;
	v30 =	vmov v36  }
.LBB2_3:
0x18c: {  	v28 =	vimm.f32 $0.0e+00  }
.LBB2_4:
0x18d: {  	s0 =	sadd.s32 $0x7FFFFFFF, s30;
	s30 =	sadd.s32 $0x7FFFFFFF, s1  }
0x18e: {  	p0 =	slt.s32 s0, s30  }
0x18f: {  	s30 =	smov.u32 @p0 s0  }
0x190: {  	p0 =	sgt.s32 s31, s30;
	s1 =	smov.u32 s30  }
0x191: {  	s1 =	smov.u32 @p0 s31  }
0x192: {  	p0 =	slt.s32 s26, s1;
	s0 =	smov.u32 s1  }
0x193: {  	s0 =	smov.u32 @p0 s26  }
0x194: {  	p0 =	slt.s32 s29, s0  }
.Ltmp9:
0x195: {  	_ = 	snop;
	(pc) =	sbr.rel @!p0 .LBB2_5-.Ltmp9, $1  }
0x196: {  	_ =	sdelay $0x3  }
0x197: {  	s29 =	sadd.s32 $0x1, s31  }
0x198: {  	v31 =	vadd.s32 s29, v15  }
0x199: {  	v32 =	vadd.s32 s29, v1;
	p2 =	slt.s32 s29, s0  }
.Ltmp10:
0x19a: {  	_ = 	snop;
	(pc) =	sbr.rel @!p2 .LBB2_16-.Ltmp10, $3  }
0x19b: {  	_ =	sdelay $0x1  }
0x19c: {  	v35 =	vld.idx.msk [tilespmem:v31+s13+$0x0], $0xffff  }
0x19d: {  	p0 =	por $0x0, $0x0;
	p1 =	por $0x0, $0x0;
	v36 =	vld.idx.msk [tilespmem:v32+s13+$0x0], $0xffff  }
0x19e: {  	_ =	sdelay $0x2  }
0x19f: {  	s29 =	sadd.s32 $0x1, s29;
	v31 =	vadd.f32 v35, v29  }
0x1a0: {  	v34 =	vadd.s32 s29, v15;
	v32 =	vadd.f32 v36, v30  }
0x1a1: {  	v37 =	vadd.s32 s29, v1;
	v31 =	vmul.f32 $5.000000000e-01, v31  }
0x1a2: {  	v32 =	vmul.f32 $5.000000000e-01, v32  }
0x1a3: {  	p2 =	slt.s32 s29, s0;
	v30 =	vsub.f32 v36, v30;
	v33 =	vmul.f32 v31, v21;
	v31 =	vmul.f32 v31, v22  }
.Ltmp11:
0x1a4: {  	v38 =	vmul.f32 v32, v17;
	(pc) =	sbr.rel @!p2 .LBB2_18-.Ltmp11, $4  }
0x1a5: {  	v39 =	vadd.f32 v33, v23;
	v33 =	vmul.f32 v30, v25;
	v30 =	vadd.f32 v31, v24;
	v31 =	vld.idx.msk [tilespmem:v34+s13+$0x0], $0xffff  }
0x1a6: {  	v40 =	vmul.f32 v32, v18;
	v32 =	vld.idx.msk [tilespmem:v37+s13+$0x0], $0xffff;
	v38 =	vadd.f32 v38, v19  }
0x1a7: {  	v63 =	vtrunc.f32 v39;
	v46 =	vtrunc.f32 v30  }
0x1a8: {  	p0 =	por $0x1, $0x1;
	v40 =	vadd.f32 v40, v20;
	v43 =	vtrunc.f32 v38;
	v45 =	vcvt.f32.s32 v63  }
0x1a9: {  	_ = 	snop  }
0x1aa: {  	s29 =	sadd.s32 $0x1, s29;
	v34 =	vcvt.f32.s32 v46;
	v30 =	vmul.u32 $0x105, v45;
	v37 =	vadd.f32 v31, v35  }
0x1ab: {  	v38 =	vcvt.f32.s32 v43;
	v39 =	vadd.s32 s29, v15;
	v54 =	vtrunc.f32 v40  }
0x1ac: {  	v41 =	vadd.f32 v32, v36;
	v30 =	vadd.s32 v34, v30;
	v53 =	vmul.f32 $5.000000000e-01, v37  }
0x1ad: {  	v56 =	vadd.s32 s29, v1;
	v38 =	vmul.u32 $0x105, v38;
	v37 =	vcvt.f32.s32 v54  }
0x1ae: {  	v55 =	vmul.f32 $5.000000000e-01, v41;
	v42 =	vmul.f32 v53, v21  }
0x1af: {  	p2 =	slt.s32 s29, s0;
	v57 =	vsub.f32 v32, v36;
	v38 =	vadd.s32 v37, v38  }
.Ltmp12:
0x1b0: {  	v59 =	vmul.f32 v53, v22;
	v58 =	vmul.f32 v55, v17;
	v34 =	vld.idx.msk [tilespmem:v39+s13+$0x0], $0xffff;
	v42 =	vadd.f32 v42, v23;
	(pc) =	sbr.rel @!p2 .LBB2_20-.Ltmp12, $4  }
0x1b1: {  	v63 =	vsub.f32 v35, v29;
	v44 =	vmul.f32 v57, v25;
	v60 =	vmul.f32 v55, v18;
	v37 =	vld.idx.msk [tilespmem:v30+s2+$0x0], $0xffff  }
0x1b2: {  	v29 =	vld.idx.msk [tilespmem:v56+s13+$0x0], $0xffff;
	v61 =	vadd.f32 v58, v19;
	v30 =	vadd.f32 v59, v24;
	v62 =	vtrunc.f32 v42  }
0x1b3: {  	v36 =	vmov v28;
	v42 =	vmul.f32 v63, v26;
	v45 =	vcvt.f32.s32 v62  }
0x1b4: {  	p1 =	por $0x1, $0x1;
	v39 =	vmovc v31;
	v40 =	vadd.f32 v60, v20;
	v43 =	vtrunc.f32 v61;
	v46 =	vtrunc.f32 v30;
	v41 =	vld.idx.msk [tilespmem:v38+s2+$0x0], $0xffff;
	v38 =	vmovc v27  }
.LBB2_21:
0x1b5: {  	s29 =	sadd.s32 $0x1, s29;
	v30 =	vcvt.f32.s32 v43;
	v43 =	vmul.u32 $0x105, v45;
	v45 =	vcvt.f32.s32 v46;
	v46 =	vmovc v34;
	v47 =	vmovc v34  }
0x1b6: {  	v34 =	vadd.s32 s29, v15;
	p2 =	slt.s32 s29, s0;
	v48 =	vadd.f32 v46, v31;
	v37 =	vmul.f32 v42, v37  }
0x1b7: {  	v42 =	vadd.s32 s29, v1;
	v49 =	vadd.f32 v29, v32;
	v43 =	vadd.s32 v45, v43  }
0x1b8: {  	v40 =	vtrunc.f32 v40;
	v45 =	vmul.f32 $5.000000000e-01, v48;
	v36 =	vadd.f32 v37, v36  }
0x1b9: {  	v40 =	vcvt.f32.s32 v40;
	v30 =	vmul.u32 $0x105, v30;
	v37 =	vmul.f32 $5.000000000e-01, v49  }
0x1ba: {  	v51 =	vsub.f32 v29, v32;
	v41 =	vmul.f32 v33, v41;
	v33 =	vmovc v44;
	v48 =	vmul.f32 v45, v21  }
0x1bb: {  	v30 =	vadd.s32 v40, v30;
	v49 =	vmul.f32 v37, v17;
	v50 =	vmul.f32 v37, v18;
	v34 =	vld.idx.msk [tilespmem:v34+s13+$0x0], $0xffff  }
.Ltmp13:
0x1bc: {  	v44 =	vmul.f32 v51, v25;
	v45 =	vmul.f32 v45, v22;
	v48 =	vadd.f32 v48, v23;
	v37 =	vld.idx.msk [tilespmem:v43+s2+$0x0], $0xffff;
	(pc) =	sbr.rel @p2 .LBB2_21-.Ltmp13, $4  }
0x1bd: {  	v32 =	vmov v29;
	v43 =	vadd.f32 v49, v19;
	v40 =	vadd.f32 v50, v20;
	v29 =	vld.idx.msk [tilespmem:v42+s13+$0x0], $0xffff  }
0x1be: {  	v42 =	vadd.f32 v45, v24;
	v45 =	vtrunc.f32 v48;
	v48 =	vsub.f32 v39, v35;
	v39 =	vmovc v46;
	v35 =	vmovc v31  }
0x1bf: {  	v38 =	vadd.f32 v41, v38;
	v43 =	vtrunc.f32 v43;
	v45 =	vcvt.f32.s32 v45  }
0x1c0: {  	v31 =	vmov v47;
	v46 =	vtrunc.f32 v42;
	v41 =	vld.idx.msk [tilespmem:v30+s2+$0x0], $0xffff;
	v42 =	vmul.f32 v48, v26  }
0x1c1: {  	_ = 	snop  }
0x1c2: {  	v30 =	vmovc v32;
	v47 =	vmovc v33;
	v33 =	vmov v44;
	v32 =	vmov v29;
	v29 =	vmov v35  }
.LBB2_23:
0x1c3: {  	v44 =	vadd.f32 v32, v30;
	_ =	sdelay $0x1  }
0x1c4: {  	v35 =	vadd.f32 v34, v31;
	v44 =	vmul.f32 $5.000000000e-01, v44  }
0x1c5: {  	v45 =	vmul.u32 @p0 $0x105, v45;
	v46 =	vcvt.f32.s32 @p0 v46  }
0x1c6: {  	v35 =	vmul.f32 $5.000000000e-01, v35;
	v60 =	vmul.f32 v44, v17  }
0x1c7: {  	v43 =	vcvt.f32.s32 @p0 v43;
	v40 =	vtrunc.f32 @p0 v40;
	v45 =	vadd.s32 @p0 v46, v45  }
0x1c8: {  	v48 =	vmul.f32 v35, v21;
	v44 =	vmul.f32 v44, v18;
	v46 =	vadd.f32 v60, v19  }
0x1c9: {  	v40 =	vcvt.f32.s32 @p0 v40;
	v43 =	vmul.u32 @p0 $0x105, v43;
	v35 =	vmul.f32 v35, v22  }
0x1ca: {  	v48 =	vadd.f32 v48, v23;
	v44 =	vadd.f32 v44, v20;
	v46 =	vtrunc.f32 v46  }
0x1cb: {  	v40 =	vadd.s32 @p0 v40, v43;
	v61 =	vcvt.f32.s32 v46  }
0x1cc: {  	v35 =	vadd.f32 v35, v24;
	v48 =	vtrunc.f32 v48;
	v44 =	vtrunc.f32 v44  }
0x1cd: {  	v48 =	vcvt.f32.s32 v48;
	v44 =	vcvt.f32.s32 v44;
	v43 =	vmul.u32 $0x105, v61  }
0x1ce: {  	v35 =	vtrunc.f32 v35  }
0x1cf: {  	v35 =	vcvt.f32.s32 v35;
	v62 =	vmul.u32 $0x105, v48;
	v43 =	vadd.s32 v44, v43;
	_ =	sdelay $0x1  }
0x1d0: {  	v45 =	vld.idx.msk @p0 [tilespmem:v45+s2+$0x0], $0xffff;
	v35 =	vadd.s32 v35, v62  }
0x1d1: {  	v29 =	vsub.f32 @p0 v39, v29;
	v39 =	vld.idx.msk @p0 [tilespmem:v40+s2+$0x0], $0xffff  }
0x1d2: {  	v37 =	vmul.f32 @p1 v42, v37  }
0x1d3: {  	v30 =	vsub.f32 v32, v30;
	v29 =	vmul.f32 @p0 v29, v26;
	v40 =	vmul.f32 @p1 v47, v41;
	v63 =	vld.idx.msk [tilespmem:v43+s2+$0x0], $0xffff  }
0x1d4: {  	v33 =	vpsel p0, v33, v0;
	v31 =	vsub.f32 v34, v31;
	v36 =	vadd.f32 @p1 v37, v36  }
0x1d5: {  	v29 =	vpsel p0, v29, v0;
	v37 =	vadd.f32 @p1 v40, v38;
	v38 =	vpsel p0, v45, v0;
	v35 =	vld.idx.msk [tilespmem:v35+s2+$0x0], $0xffff  }
0x1d6: {  	v30 =	vmul.f32 v30, v25;
	v29 =	vmul.f32 @p0 v29, v38;
	v39 =	vpsel p0, v39, v0  }
0x1d7: {  	v31 =	vmul.f32 v31, v26;
	v36 =	vpsel p1, v36, v28;
	v33 =	vmul.f32 @p0 v33, v39  }
0x1d8: {  	v37 =	vpsel p1, v37, v27;
	v29 =	vadd.f32 @p0 v29, v36;
	v30 =	vmul.f32 v30, v63  }
0x1d9: {  	v33 =	vadd.f32 @p0 v33, v37  }
0x1da: {  	v31 =	vmul.f32 v31, v35  }
0x1db: {  	v28 =	vpsel p0, v29, v28;
	v27 =	vpsel p0, v33, v27  }
0x1dc: {  	v29 =	vmovc v34;
	v28 =	vadd.f32 v31, v28;
	v27 =	vadd.f32 v30, v27;
	v30 =	vmov v32  }
.LBB2_5:
0x1dd: {  	p0 =	sge.s32 s1, s26  }
.Ltmp14:
0x1de: {  	_ = 	snop;
	(pc) =	sbr.rel @p0 .LBB2_29-.Ltmp14, $1  }
0x1df: {  	_ =	sdelay $0x3  }
0x1e0: {  	p0 =	sgt.s32 s28, s30  }
0x1e1: {  	s30 =	smov.u32 @p0 s28  }
0x1e2: {  	p0 =	slt.s32 s26, s30  }
0x1e3: {  	s30 =	smov.u32 @p0 s26  }
0x1e4: {  	s0 =	sadd.s32 $0x1, s30  }
0x1e5: {  	v31 =	vadd.s32 s0, v15  }
0x1e6: {  	v32 =	vadd.s32 s0, v1;
	_ =	sdelay $0x3  }
0x1e7: {  	v35 =	vld.idx.msk [tilespmem:v31+s13+$0x0], $0xffff  }
0x1e8: {  	v33 =	vld.idx.msk [tilespmem:v32+s13+$0x0], $0xffff;
	_ =	sdelay $0x3  }
0x1e9: {  	v31 =	vadd.f32 v35, v29  }
0x1ea: {  	v32 =	vadd.f32 v33, v30  }
0x1eb: {  	p1 =	slt.s32 s0, s26;
	v31 =	vmul.f32 $5.000000000e-01, v31  }
.Ltmp15:
0x1ec: {  	v32 =	vmul.f32 $5.000000000e-01, v32;
	(pc) =	sbr.rel @!p1 .LBB2_7-.Ltmp15, $4  }
0x1ed: {  	v34 =	vmul.f32 v31, v21;
	v36 =	vmul.f32 v31, v22  }
0x1ee: {  	v31 =	vsub.f32 v35, v29;
	v37 =	vmul.f32 v32, v17;
	v38 =	vmul.f32 v32, v18  }
0x1ef: {  	v29 =	vadd.f32 v34, v23;
	v32 =	vadd.f32 v36, v24  }
0x1f0: {  	p0 =	por $0x0, $0x0;
	s0 =	sadd.s32 $0x1, s0;
	v40 =	vadd.f32 v37, v19;
	v42 =	vadd.f32 v38, v20  }
0x1f1: {  	v36 =	vadd.s32 s0, v15  }
0x1f2: {  	v39 =	vadd.s32 s0, v1  }
0x1f3: {  	v34 =	vmax.f32 v29, $0.0e+00;
	v37 =	vmax.f32 v32, $0.0e+00  }
0x1f4: {  	v30 =	vsub.f32 v33, v30;
	vm0 =	vlt.f32 v42, $2.560000000e+02;
	vm1 =	vge.f32 v40, $0.0e+00  }
0x1f5: {  	v38 =	vmax.f32 v40, $0.0e+00;
	v41 =	vmax.f32 v42, $0.0e+00;
	v34 =	vmin.f32 v34, $2.550000000e+02  }
0x1f6: {  	vm2 =	vge.f32 v42, $0.0e+00;
	v55 =	vmin.f32 v38, $2.550000000e+02;
	v34 =	vtrunc.f32 v34;
	v38 =	vld.idx.msk [tilespmem:v36+s13+$0x0], $0xffff  }
0x1f7: {  	vm3 =	vlt.f32 v40, $2.560000000e+02;
	v37 =	vmin.f32 v37, $2.550000000e+02;
	v57 =	vcvt.f32.s32 v34;
	v34 =	vld.idx.msk [tilespmem:v39+s13+$0x0], $0xffff  }
0x1f8: {  	v41 =	vmin.f32 v41, $2.550000000e+02;
	vm1 =	vmand vm1, vm2;
	v37 =	vtrunc.f32 v37  }
0x1f9: {  	v30 =	vmul.f32 v30, v25;
	vm2 =	vge.f32 v32, $0.0e+00;
	v41 =	vtrunc.f32 v41  }
0x1fa: {  	v58 =	vtrunc.f32 v55;
	vm1 =	vmand vm1, vm3;
	v37 =	vcvt.f32.s32 v37  }
0x1fb: {  	vm3 =	vge.f32 v29, $0.0e+00;
	v39 =	vcvt.f32.s32 v58;
	v60 =	vadd.f32 v38, v35  }
0x1fc: {  	v56 =	vcvt.f32.s32 v41;
	v40 =	vmul.u32 $0x105, v57;
	v43 =	vadd.f32 v34, v33  }
0x1fd: {  	vm0 =	vmand vm0, vm1;
	v59 =	vmul.u32 $0x105, v39;
	v61 =	vmul.f32 $5.000000000e-01, v60  }
0x1fe: {  	v40 =	vadd.s32 v37, v40;
	v37 =	vnsel vm0, $0x0, v30;
	v30 =	vmul.f32 $5.000000000e-01, v43  }
0x1ff: {  	p1 =	slt.s32 s0, s26;
	v39 =	vmul.f32 v31, v26;
	v31 =	vsub.f32 v38, v35;
	v35 =	vmul.f32 v61, v22  }
.Ltmp16:
0x200: {  	vm1 =	vlt.f32 v29, $2.560000000e+02;
	v63 =	vmul.f32 v30, v17;
	v30 =	vmul.f32 v30, v18;
	(pc) =	sbr.rel @!p1 .LBB2_25-.Ltmp16, $4  }
0x201: {  	vm2 =	vmand vm3, vm2;
	v41 =	vadd.s32 v56, v59;
	v62 =	vmul.f32 v61, v21  }
0x202: {  	vm1 =	vmand vm2, vm1;
	vm0 =	vlt.f32 v32, $2.560000000e+02  }
0x203: {  	v36 =	vmovc v27;
	vm0 =	vmand vm0, vm1;
	v29 =	vadd.f32 v62, v23;
	v32 =	vadd.f32 v35, v24  }
0x204: {  	s0 =	sadd.s32 $0x1, s0;
	p0 =	por $0x1, $0x1;
	v43 =	vld.idx.msk [tilespmem:v40+s2+$0x0], $0xffff;
	v40 =	vadd.f32 v63, v19;
	v42 =	vadd.f32 v30, v20;
	v30 =	vmovc v34;
	v35 =	vmov v28  }
.LBB2_26:
0x205: {  	p1 =	slt.s32 s0, s26;
	v44 =	vmax.f32 v29, $0.0e+00;
	v45 =	vmax.f32 v32, $0.0e+00;
	v39 =	vnsel vm0, $0x0, v39;
	v46 =	vmovc v38;
	v47 =	vmovc v30;
	s1 =	smov.u32 s0;
	s0 =	sadd.s32 $0x1, s0  }
0x206: {  	v30 =	vadd.s32 s1, v1;
	v38 =	vadd.s32 s1, v15;
	vm0 =	vlt.f32 v42, $2.560000000e+02;
	v41 =	vld.idx.msk [tilespmem:v41+s2+$0x0], $0xffff  }
0x207: {  	vm1 =	vge.f32 v40, $0.0e+00;
	v48 =	vmax.f32 v40, $0.0e+00;
	v49 =	vmax.f32 v42, $0.0e+00  }
0x208: {  	vm2 =	vge.f32 v42, $0.0e+00;
	v44 =	vmin.f32 v44, $2.550000000e+02;
	v42 =	vmin.f32 v49, $2.550000000e+02  }
0x209: {  	v48 =	vmin.f32 v48, $2.550000000e+02;
	v44 =	vtrunc.f32 v44;
	v39 =	vmul.f32 v39, v43  }
0x20a: {  	vm3 =	vlt.f32 v40, $2.560000000e+02;
	v40 =	vtrunc.f32 v42;
	v42 =	vmin.f32 v45, $2.550000000e+02  }
0x20b: {  	v43 =	vcvt.f32.s32 v44;
	v40 =	vcvt.f32.s32 v40;
	v35 =	vadd.f32 v39, v35;
	v38 =	vld.idx.msk [tilespmem:v38+s13+$0x0], $0xffff  }
0x20c: {  	vm1 =	vmand vm1, vm2;
	v39 =	vtrunc.f32 v48;
	v37 =	vmul.f32 v37, v41;
	v30 =	vld.idx.msk [tilespmem:v30+s13+$0x0], $0xffff  }
0x20d: {  	vm1 =	vmand vm1, vm3;
	v41 =	vtrunc.f32 v42;
	v42 =	vmul.u32 $0x105, v43  }
0x20e: {  	vm0 =	vmand vm0, vm1;
	v39 =	vcvt.f32.s32 v39;
	v36 =	vadd.f32 v37, v36  }
0x20f: {  	v45 =	vsub.f32 v34, v33;
	v48 =	vcvt.f32.s32 v41  }
0x210: {  	v37 =	vmul.u32 $0x105, v39;
	v39 =	vmul.f32 v31, v26  }
0x211: {  	v33 =	vmovc v47;
	v44 =	vmul.f32 v45, v25;
	v42 =	vadd.s32 v48, v42;
	v43 =	vadd.f32 v38, v46  }
0x212: {  	v41 =	vadd.s32 v40, v37;
	v31 =	vsub.f32 v38, v46;
	v45 =	vadd.f32 v30, v33;
	v34 =	vmovc v30  }
0x213: {  	v37 =	vnsel vm0, $0x0, v44;
	vm0 =	vlt.f32 v32, $2.560000000e+02;
	v40 =	vmul.f32 $5.000000000e-01, v43  }
.Ltmp17:
0x214: {  	vm2 =	vge.f32 v32, $0.0e+00;
	vm1 =	vlt.f32 v29, $2.560000000e+02;
	v43 =	vmul.f32 $5.000000000e-01, v45;
	(pc) =	sbr.rel @p1 .LBB2_26-.Ltmp17, $4  }
0x215: {  	vm3 =	vge.f32 v29, $0.0e+00;
	v32 =	vmul.f32 v40, v21;
	v40 =	vmul.f32 v40, v22  }
0x216: {  	vm2 =	vmand vm3, vm2;
	v44 =	vmul.f32 v43, v17;
	v45 =	vmul.f32 v43, v18  }
0x217: {  	vm1 =	vmand vm2, vm1;
	v29 =	vadd.f32 v32, v23;
	v32 =	vadd.f32 v40, v24;
	v43 =	vld.idx.msk [tilespmem:v42+s2+$0x0], $0xffff  }
0x218: {  	vm0 =	vmand vm0, vm1;
	v40 =	vadd.f32 v44, v19;
	v42 =	vadd.f32 v45, v20  }
0x219: {  	v30 =	vmov v33  }
.LBB2_28:
0x21a: {  	v17 =	vmax.f32 v29, $0.0e+00  }
0x21b: {  	v18 =	vmax.f32 v32, $0.0e+00;
	v19 =	vmax.f32 v40, $0.0e+00;
	v17 =	vmin.f32 v17, $2.550000000e+02  }
0x21c: {  	v20 =	vmax.f32 v42, $0.0e+00;
	v19 =	vmin.f32 v19, $2.550000000e+02;
	v17 =	vtrunc.f32 v17  }
0x21d: {  	v18 =	vmin.f32 v18, $2.550000000e+02;
	v19 =	vtrunc.f32 v19;
	v17 =	vcvt.f32.s32 v17  }
0x21e: {  	v20 =	vmin.f32 v20, $2.550000000e+02;
	v18 =	vtrunc.f32 v18;
	v19 =	vcvt.f32.s32 v19  }
0x21f: {  	v20 =	vtrunc.f32 v20;
	v18 =	vcvt.f32.s32 v18;
	v17 =	vmul.u32 $0x105, v17  }
0x220: {  	v20 =	vcvt.f32.s32 v20;
	v19 =	vmul.u32 $0x105, v19  }
0x221: {  	v17 =	vadd.s32 v18, v17  }
0x222: {  	v18 =	vadd.s32 v20, v19  }
0x223: {  	v21 =	vld.idx.msk @p0 [tilespmem:v41+s2+$0x0], $0xffff  }
0x224: {  	vm11 =	vge.f32 v40, $0.0e+00;
	vm1 =	vge.f32 v42, $0.0e+00;
	vm2 =	vlt.f32 v42, $2.560000000e+02  }
0x225: {  	vm3 =	vlt.f32 v40, $2.560000000e+02;
	v63 =	vsub.f32 v34, v30;
	vm12 =	vge.f32 v32, $0.0e+00  }
0x226: {  	vm13 =	vge.f32 v29, $0.0e+00;
	v22 =	vmul.f32 v31, v26;
	vm14 =	vlt.f32 v29, $2.560000000e+02;
	v17 =	vld.idx.msk [tilespmem:v17+s2+$0x0], $0xffff  }
0x227: {  	vm15 =	vlt.f32 v32, $2.560000000e+02;
	v19 =	vnsel @p0 vm0, $0x0, v39;
	vm0 =	vmand vm11, vm1;
	v18 =	vld.idx.msk [tilespmem:v18+s2+$0x0], $0xffff  }
0x228: {  	v20 =	vmul.f32 @p0 v37, v21;
	vm1 =	vmand vm13, vm12;
	v21 =	vmul.f32 v63, v25  }
0x229: {  	v19 =	vmul.f32 @p0 v19, v43;
	vm0 =	vmand vm0, vm3;
	vm1 =	vmand vm1, vm14  }
0x22a: {  	vm0 =	vmand vm2, vm0;
	vm1 =	vmand vm15, vm1;
	v20 =	vadd.f32 @p0 v20, v36  }
0x22b: {  	v19 =	vadd.f32 @p0 v19, v35;
	v21 =	vnsel vm0, $0x0, v21;
	v22 =	vnsel vm1, $0x0, v22  }
0x22c: {  	v17 =	vmul.f32 v22, v17;
	v18 =	vmul.f32 v21, v18  }
0x22d: {  	v20 =	vpsel p0, v20, v27;
	v19 =	vpsel p0, v19, v28  }
0x22e: {  	v28 =	vadd.f32 v17, v19;
	v27 =	vadd.f32 v18, v20  }
.LBB2_29:
0x22f: {  	_ = 	snop  }
0x230: {  	[tilespmem:s24+$0x18900] =	vst v27  }
0x231: {  	[tilespmem:s24+$0x18910] =	vst v28  }
0x232: {  	_ =	swait.ge [sflag:s19], $0x4100  }
0x233: {  	p0 =	seq.s32 s23, $0x2C;
	[sflag:s19] =	ssyncset.done $0x0  }
0x234: {  	s0 =	sadd.s32 @!p0 s24, s9;
	[sflag:s19] =	ssyncadd.s32 $0xFFFFBF00  }
0x235: {  	s1 =	smul.u32 @!p0 $0x41, s0;
	_ =	swait.ge [sflag:s20], $0x100  }
0x236: {  	s21 =	simm.s32 @!p0 $0x0;
	[sflag:s20] =	ssyncset.done $0x0  }
0x237: {  	s26 =	simm.s32 @!p0 $0x10500;
	s1 =	sadd.s32 @!p0 s4, s1;
	[sflag:s20] =	ssyncadd.s32 $0xFFFFFF00  }
0x238: {  	[tilespmem:s26], [sflag:$0x1] =	stream.linear.gather @!p0 [hbm4b:s1+s21], $0x4100, $0x38;
	[tilespmem:$0x19440] =	vst v63  }
0x239: {  	s0 =	sadd.s32 @!p0 s5, s0;
	s1 =	simm.s32 @!p0 $0x18700  }
0x23a: {  	[tilespmem:s1], [sflag:$0x2] =	stream.linear.gather @!p0 [hbm4b:s0+s21], $0x100, $0x38;
	[tilespmem:$0x19440] =	vst v63  }
0x23b: {  	v17 =	vld.idx.msk [tilespmem:v3+s18+$0x0], $0xffff  }
0x23c: {  	v18 =	vld.idx.msk [tilespmem:v4+s18+$0x0], $0xffff;
	_ =	sdelay $0x3  }
0x23d: {  	v19 =	vand.u32 $0x7FFFFFFF, v17  }
0x23e: {  	vm0 =	vlt.f32 v19, $9.999999710e-10;
	v19 =	vand.u32 $0x7FFFFFFF, v18  }
0x23f: {  	v20 =	vsel vm0, $0x3089705F, v17;
	vm12 =	vlt.f32 v19, $9.999999710e-10  }
0x240: {  	v19 =	vsel vm12, $0x3089705F, v18;
	(erf) = vrcp.f32 v20  }
0x241: {  	(erf) = vrcp.f32 v19;
	_ =	sdelay $0x1  }
0x242: {  	v19 =	vld.idx.msk [tilespmem:v0+s18+$0x0], $0xffff  }
0x243: {  	v20 =	vld.idx.msk [tilespmem:v2+s18+$0x0], $0xffff;
	_ =	sdelay $0x3  }
0x244: {  	v21 =	vsub.f32 $0.0e+00, v19;
	v22 =	vsub.f32 $2.560000000e+02, v19  }
0x245: {  	v24 =	vsub.f32 $0.0e+00, v20;
	v25 =	vsub.f32 $2.560000000e+02, v20;
	v23 =	vpop (erf)  }
0x246: {  	v21 =	vmul.f32 v23, v21;
	v22 =	vmul.f32 v23, v22;
	v23 =	vpop (erf)  }
0x247: {  	v24 =	vmul.f32 v23, v24;
	v23 =	vmul.f32 v23, v25;
	_ =	sdelay $0x1  }
0x248: {  	v29 =	vld.idx.msk [tilespmem:v6+s17+$0x0], $0xffff;
	v25 =	vmin.f32 v21, v22;
	v26 =	vmin.f32 v24, v23  }
0x249: {  	v25 =	vmax.f32 v25, v26  }
0x24a: {  	v21 =	vmax.f32 v21, v22;
	v22 =	vmax.f32 v24, v23;
	v25 =	vmax.f32 v25, $0.0e+00  }
0x24b: {  	v21 =	vmin.f32 v21, v22;
	v25 =	vadd.f32 $-9.999999740e-05, v25  }
0x24c: {  	v21 =	vmin.f32 v21, $1.000000000e+00  }
0x24d: {  	v28 =	vadd.f32 $9.999999740e-05, v21;
	vm13 =	vle.f32 v29, v25  }
0x24e: {  	v21 =	vsel vm13, $0x200, v7  }
0x24f: {  	vm14 =	vlt.f32 v29, v28;
	v22 =	vor.u32 $0x100, v21  }
0x250: {  	v26 =	vadd.f32 $1.999999950e-04, v25;
	v24 =	vsel vm14, $0x200, v7;
	v23 =	vmin.u32 v22, $0x204  }
0x251: {  	v30 =	vor.u32 $0x100, v24;
	v23 =	vadd.s32 v8, v23  }
0x252: {  	vm15 =	vlt.f32 v29, v26;
	v27 =	vmin.u32 v30, $0x204  }
0x253: {  	v31 =	vsel vm15, $0x200, v7;
	v27 =	vadd.s32 v8, v27  }
0x254: {  	v32 =	vor.u32 $0x100, v31  }
0x255: {  	v33 =	vmin.u32 v32, $0x204  }
0x256: {  	v33 =	vadd.s32 v8, v33;
	v23 =	vld.idx.msk [tilespmem:v23+s17+$0x0], $0xffff;
	_ =	sdelay $0x1  }
0x257: {  	v34 =	vld.idx.msk [tilespmem:v27+s17+$0x0], $0xffff  }
0x258: {  	v27 =	vadd.f32 $-1.999999950e-04, v28  }
0x259: {  	vm4 =	vlt.u32 v22, $0x205  }
0x25a: {  	vm5 =	vlt.u32 v30, $0x205;
	vm2 =	vle.f32 v29, v27;
	vm1 =	vle.f32 v23, v25;
	v23 =	vld.idx.msk [tilespmem:v33+s17+$0x0], $0xffff  }
0x25b: {  	vm7 =	vlt.u32 v32, $0x205;
	v29 =	vsel vm2, $0x200, v7;
	vm0 =	vmand vm1, vm4  }
0x25c: {  	vm6 =	vlt.f32 v34, v28;
	v21 =	vsel vm0, v22, v21;
	v22 =	vor.u32 $0x100, v29  }
0x25d: {  	vm0 =	vmand vm6, vm5;
	v54 =	vmin.u32 v22, $0x204;
	v55 =	vor.u32 $0x80, v21  }
0x25e: {  	v24 =	vsel vm0, v30, v24;
	v30 =	vadd.s32 v8, v54;
	v56 =	vmin.u32 v55, $0x204  }
0x25f: {  	v57 =	vor.u32 $0x80, v24;
	vm8 =	vlt.f32 v23, v26;
	v23 =	vadd.s32 v8, v56  }
0x260: {  	v58 =	vmin.u32 v57, $0x204;
	vm0 =	vmand vm8, vm7  }
0x261: {  	v31 =	vsel vm0, v32, v31;
	v32 =	vadd.s32 v8, v58  }
0x262: {  	v35 =	vor.u32 $0x80, v31  }
0x263: {  	v30 =	vld.idx.msk [tilespmem:v30+s17+$0x0], $0xffff;
	v36 =	vmin.u32 v35, $0x204  }
0x264: {  	v23 =	vld.idx.msk [tilespmem:v23+s17+$0x0], $0xffff;
	v36 =	vadd.s32 v8, v36;
	_ =	sdelay $0x1  }
0x265: {  	v32 =	vld.idx.msk [tilespmem:v32+s17+$0x0], $0xffff;
	_ =	sdelay $0x1  }
0x266: {  	vm9 =	vlt.u32 v22, $0x205  }
0x267: {  	vm11 =	vlt.u32 v55, $0x205;
	vm10 =	vle.f32 v30, v27;
	vm3 =	vle.f32 v23, v25;
	v23 =	vld.idx.msk [tilespmem:v36+s17+$0x0], $0xffff  }
0x268: {  	vm13 =	vlt.u32 v57, $0x205;
	vm0 =	vmand vm10, vm9;
	vm12 =	vmand vm3, vm11  }
0x269: {  	v29 =	vsel vm0, v22, v29;
	v30 =	vsel vm12, v55, v21;
	vm14 =	vlt.f32 v32, v28  }
0x26a: {  	v59 =	vor.u32 $0x80, v29;
	vm0 =	vmand vm14, vm13;
	v34 =	vor.u32 $0x40, v30  }
0x26b: {  	v21 =	vmin.u32 v59, $0x204;
	v33 =	vsel vm0, v57, v24;
	v24 =	vmin.u32 v34, $0x204  }
0x26c: {  	vm4 =	vlt.f32 v23, v26;
	v23 =	vadd.s32 v8, v21;
	v21 =	vld.idx.msk [tilespmem:v11+s18+$0x0], $0xffff;
	v60 =	vor.u32 $0x40, v33  }
0x26d: {  	vm15 =	vlt.u32 v35, $0x205;
	v22 =	vld.idx.msk [tilespmem:v12+s18+$0x0], $0xffff;
	v24 =	vadd.s32 v8, v24;
	v61 =	vmin.u32 v60, $0x204  }
0x26e: {  	vm5 =	vmand vm4, vm15;
	v36 =	vadd.s32 v8, v61  }
0x26f: {  	v31 =	vsel vm5, v35, v31  }
0x270: {  	v37 =	vor.u32 $0x40, v31  }
0x271: {  	v38 =	vmin.u32 v37, $0x204;
	v23 =	vld.idx.msk [tilespmem:v23+s17+$0x0], $0xffff;
	v39 =	vand.u32 $0x7FFFFFFF, v21  }
0x272: {  	v62 =	vand.u32 $0x7FFFFFFF, v22;
	v38 =	vadd.s32 v8, v38;
	v24 =	vld.idx.msk [tilespmem:v24+s17+$0x0], $0xffff;
	vm6 =	vlt.f32 v39, $9.999999710e-10  }
0x273: {  	vm7 =	vlt.f32 v62, $9.999999710e-10;
	v40 =	vsel vm6, $0x3089705F, v21;
	v36 =	vld.idx.msk [tilespmem:v36+s17+$0x0], $0xffff  }
0x274: {  	v39 =	vsel vm7, $0x3089705F, v22;
	(erf) = vrcp.f32 v40  }
0x275: {  	vm8 =	vlt.u32 v59, $0x205;
	(erf) = vrcp.f32 v39  }
0x276: {  	vm10 =	vlt.u32 v34, $0x205;
	vm12 =	vlt.u32 v60, $0x205;
	vm9 =	vle.f32 v23, v27;
	v23 =	vld.idx.msk [tilespmem:v9+s18+$0x0], $0xffff  }
0x277: {  	vm15 =	vlt.u32 v37, $0x205;
	v38 =	vld.idx.msk [tilespmem:v38+s17+$0x0], $0xffff;
	vm11 =	vle.f32 v24, v25;
	vm0 =	vmand vm9, vm8  }
0x278: {  	v24 =	vld.idx.msk [tilespmem:v10+s18+$0x0], $0xffff;
	v29 =	vsel vm0, v59, v29;
	vm0 =	vmand vm11, vm10;
	vm13 =	vlt.f32 v36, v28  }
0x279: {  	v63 =	vor.u32 $0x40, v29;
	v34 =	vsel vm0, v34, v30;
	vm14 =	vmand vm13, vm12  }
0x27a: {  	v46 =	vmin.u32 v63, $0x204;
	v42 =	vadd.s32 $0x20, v34;
	v33 =	vsel vm14, v60, v33  }
0x27b: {  	vm6 =	vlt.u32 v63, $0x205;
	v30 =	vadd.s32 v8, v46;
	v47 =	vsub.f32 $0.0e+00, v23  }
0x27c: {  	v48 =	vsub.f32 $2.560000000e+02, v23;
	vm4 =	vlt.f32 v38, v26;
	v43 =	vmin.u32 v42, $0x204  }
0x27d: {  	v49 =	vsub.f32 $0.0e+00, v24;
	v41 =	vsub.f32 $2.560000000e+02, v24;
	v52 =	vadd.s32 v8, v43;
	v40 =	vpop (erf)  }
0x27e: {  	v53 =	vadd.s32 $0x20, v33;
	v32 =	vmul.f32 v40, v47;
	v36 =	vmul.f32 v40, v48;
	v50 =	vpop (erf)  }
0x27f: {  	vm5 =	vmand vm4, vm15;
	v38 =	vmul.f32 v50, v49;
	v40 =	vmul.f32 v50, v41  }
0x280: {  	v37 =	vsel vm5, v37, v31;
	v31 =	vmin.u32 v53, $0x204;
	v51 =	vld.idx.msk [tilespmem:v30+s17+$0x0], $0xffff;
	v30 =	vmin.f32 v32, v36  }
0x281: {  	v45 =	vld.idx.msk [tilespmem:v14+s17+$0x0], $0xffff;
	v32 =	vmax.f32 v32, v36;
	v44 =	vmin.f32 v38, v40;
	v54 =	vmax.f32 v38, v40  }
0x282: {  	v31 =	vadd.s32 v8, v31;
	v55 =	vld.idx.msk [tilespmem:v52+s17+$0x0], $0xffff;
	v30 =	vmax.f32 v30, v44;
	v32 =	vmin.f32 v32, v54  }
0x283: {  	v38 =	vadd.s32 $0x20, v37;
	v30 =	vmax.f32 v30, $0.0e+00;
	v32 =	vmin.f32 v32, $1.000000000e+00  }
0x284: {  	v56 =	vmin.u32 v38, $0x204;
	v30 =	vadd.f32 $-9.999999740e-05, v30;
	v32 =	vadd.f32 $9.999999740e-05, v32  }
0x285: {  	vm9 =	vlt.u32 v34, $0x1E5;
	v36 =	vadd.s32 v8, v56;
	vm7 =	vle.f32 v51, v27  }
0x286: {  	vm8 =	vle.f32 v45, v30;
	vm0 =	vmand vm7, vm6;
	vm10 =	vlt.f32 v45, v32  }
0x287: {  	vm11 =	vle.f32 v55, v25;
	v40 =	vsel vm8, $0x200, v7;
	v59 =	vsel vm10, $0x200, v7  }
0x288: {  	v31 =	vld.idx.msk [tilespmem:v31+s17+$0x0], $0xffff;
	v39 =	vsel vm0, v63, v29;
	vm12 =	vmand vm11, vm9;
	v57 =	vor.u32 $0x100, v40  }
0x289: {  	v46 =	vor.u32 $0x100, v59;
	v34 =	vsel vm12, v42, v34;
	v58 =	vmin.u32 v57, $0x204  }
0x28a: {  	v42 =	vadd.s32 $0x20, v39;
	v29 =	vmin.u32 v46, $0x204;
	v44 =	vadd.s32 v16, v58  }
0x28b: {  	v47 =	vadd.s32 v16, v29;
	v29 =	vmin.u32 v42, $0x204  }
0x28c: {  	vm13 =	vlt.u32 v33, $0x1E5;
	vm15 =	vlt.u32 v37, $0x1E5;
	v36 =	vld.idx.msk [tilespmem:v36+s17+$0x0], $0xffff;
	v60 =	vadd.s32 v8, v29  }
0x28d: {  	vm14 =	vlt.f32 v31, v28;
	v31 =	vadd.f32 $1.999999950e-04, v30;
	vm10 =	vlt.u32 v39, $0x1E5  }
0x28e: {  	vm0 =	vmand vm14, vm13;
	v48 =	vadd.s32 $0x10, v34;
	vm8 =	vlt.u32 v57, $0x205  }
0x28f: {  	vm11 =	vlt.u32 v46, $0x205;
	vm5 =	vlt.f32 v45, v31;
	v29 =	vadd.f32 $-1.999999950e-04, v32;
	v44 =	vld.idx.msk [tilespmem:v44+s17+$0x0], $0xffff  }
0x290: {  	v33 =	vsel vm0, v53, v33;
	v61 =	vmin.u32 v48, $0x204;
	v49 =	vsel vm5, $0x200, v7;
	v62 =	vld.idx.msk [tilespmem:v47+s17+$0x0], $0xffff  }
0x291: {  	vm6 =	vlt.f32 v36, v26;
	vm7 =	vle.f32 v45, v29;
	v47 =	vor.u32 $0x100, v49;
	v43 =	vld.idx.msk [tilespmem:v60+s17+$0x0], $0xffff  }
0x292: {  	v36 =	vadd.s32 v8, v61;
	v50 =	vsel vm7, $0x200, v7;
	v51 =	vmin.u32 v47, $0x204  }
0x293: {  	vm0 =	vmand vm6, vm15;
	v56 =	vor.u32 $0x100, v50;
	v63 =	vadd.s32 v16, v51  }
0x294: {  	v37 =	vsel vm0, v38, v37;
	v52 =	vmin.u32 v56, $0x204;
	vm9 =	vle.f32 v44, v30  }
0x295: {  	v41 =	vadd.s32 $0x10, v37;
	vm12 =	vlt.f32 v62, v32;
	vm1 =	vmand vm9, vm8  }
0x296: {  	vm13 =	vle.f32 v43, v27;
	v40 =	vsel vm1, v57, v40;
	v57 =	vadd.s32 v16, v52  }
0x297: {  	v52 =	vadd.s32 $0x10, v33;
	vm1 =	vmand vm12, vm11;
	v45 =	vor.u32 $0x80, v40  }
0x298: {  	v44 =	vld.idx.msk [tilespmem:v63+s17+$0x0], $0xffff;
	vm14 =	vmand vm13, vm10;
	v63 =	vmin.u32 v41, $0x204;
	v53 =	vmin.u32 v45, $0x204  }
0x299: {  	v36 =	vld.idx.msk [tilespmem:v36+s17+$0x0], $0xffff;
	v35 =	vsel vm1, v46, v59;
	v58 =	vmin.u32 v52, $0x204;
	v53 =	vadd.s32 v16, v53  }
0x29a: {  	v39 =	vsel vm14, v42, v39;
	v42 =	vadd.s32 v8, v63;
	v46 =	vor.u32 $0x80, v35  }
0x29b: {  	v59 =	vadd.s32 v8, v58;
	v61 =	vmin.u32 v46, $0x204;
	v60 =	vld.idx.msk [tilespmem:v57+s17+$0x0], $0xffff  }
0x29c: {  	vm15 =	vlt.u32 v34, $0x1F5;
	v62 =	vadd.s32 v16, v61  }
0x29d: {  	vm6 =	vlt.u32 v47, $0x205;
	vm9 =	vlt.u32 v56, $0x205;
	vm7 =	vlt.f32 v44, v31  }
0x29e: {  	vm11 =	vlt.u32 v33, $0x1F5;
	vm4 =	vle.f32 v36, v25;
	vm8 =	vmand vm7, vm6;
	v54 =	vld.idx.msk [tilespmem:v53+s17+$0x0], $0xffff  }
0x29f: {  	vm5 =	vmand vm4, vm15;
	vm12 =	vlt.u32 v45, $0x205;
	v42 =	vld.idx.msk [tilespmem:v42+s17+$0x0], $0xffff;
	v47 =	vsel vm8, v47, v49  }
0x2a0: {  	v34 =	vsel vm5, v48, v34;
	v43 =	vld.idx.msk [tilespmem:v59+s17+$0x0], $0xffff;
	v38 =	vor.u32 $0x80, v47;
	vm10 =	vle.f32 v60, v29  }
0x2a1: {  	vm4 =	vlt.u32 v46, $0x205;
	v36 =	vld.idx.msk [tilespmem:v62+s17+$0x0], $0xffff;
	v55 =	vmin.u32 v38, $0x204;
	vm0 =	vmand vm10, vm9  }
0x2a2: {  	vm6 =	vlt.u32 v37, $0x1F5;
	v48 =	vsel vm0, v56, v50;
	v56 =	vadd.s32 v16, v55  }
0x2a3: {  	vm8 =	vlt.u32 v39, $0x1F5;
	vm13 =	vle.f32 v54, v30;
	v49 =	vor.u32 $0x80, v48  }
0x2a4: {  	vm7 =	vlt.f32 v42, v26;
	vm0 =	vmand vm13, vm12;
	v57 =	vmin.u32 v49, $0x204  }
0x2a5: {  	vm14 =	vlt.f32 v43, v28;
	v40 =	vsel vm0, v45, v40;
	v43 =	vadd.s32 v16, v57  }
0x2a6: {  	vm9 =	vlt.u32 v38, $0x205;
	vm5 =	vlt.f32 v36, v32;
	v36 =	vor.u32 $0x40, v40  }
0x2a7: {  	v45 =	vadd.s32 $0x10, v39;
	vm0 =	vmand vm5, vm4;
	v58 =	vmin.u32 v36, $0x204;
	v44 =	vld.idx.msk [tilespmem:v56+s17+$0x0], $0xffff  }
0x2a8: {  	v59 =	vmin.u32 v45, $0x204;
	v35 =	vsel vm0, v46, v35;
	v60 =	vadd.s32 v16, v58  }
0x2a9: {  	vm15 =	vmand vm14, vm11;
	v61 =	vadd.s32 v8, v59;
	v51 =	vor.u32 $0x40, v35  }
0x2aa: {  	v33 =	vsel vm15, v52, v33;
	v52 =	vadd.s32 $0x8, v34;
	v63 =	vmin.u32 v51, $0x204;
	v62 =	vld.idx.msk [tilespmem:v43+s17+$0x0], $0xffff  }
0x2ab: {  	vm0 =	vmand vm7, vm6;
	v56 =	vmin.u32 v52, $0x204;
	v43 =	vadd.s32 v16, v63  }
0x2ac: {  	v37 =	vsel vm0, v41, v37;
	v41 =	vadd.s32 v8, v56;
	vm10 =	vlt.f32 v44, v31  }
0x2ad: {  	vm11 =	vlt.u32 v49, $0x205;
	v53 =	vadd.s32 $0x8, v33;
	v57 =	vld.idx.msk [tilespmem:v60+s17+$0x0], $0xffff;
	vm1 =	vmand vm10, vm9  }
0x2ae: {  	v59 =	vmin.u32 v53, $0x204;
	vm13 =	vlt.u32 v36, $0x205;
	v58 =	vld.idx.msk [tilespmem:v61+s17+$0x0], $0xffff;
	v38 =	vsel vm1, v38, v47  }
0x2af: {  	vm6 =	vlt.u32 v51, $0x205;
	vm12 =	vle.f32 v62, v29;
	v47 =	vor.u32 $0x40, v38  }
0x2b0: {  	v60 =	vadd.s32 v8, v59;
	v43 =	vld.idx.msk [tilespmem:v43+s17+$0x0], $0xffff;
	vm1 =	vmand vm12, vm11;
	v61 =	vmin.u32 v47, $0x204  }
0x2b1: {  	v41 =	vld.idx.msk [tilespmem:v41+s17+$0x0], $0xffff;
	vm10 =	vlt.u32 v33, $0x1FD;
	v48 =	vsel vm1, v49, v48;
	v62 =	vadd.s32 v16, v61  }
0x2b2: {  	vm12 =	vlt.u32 v47, $0x205;
	vm14 =	vle.f32 v57, v30;
	v63 =	vor.u32 $0x40, v48  }
0x2b3: {  	vm15 =	vle.f32 v58, v27;
	vm1 =	vmand vm14, vm13;
	v50 =	vmin.u32 v63, $0x204  }
0x2b4: {  	vm0 =	vmand vm15, vm8;
	v36 =	vsel vm1, v36, v40;
	v54 =	vadd.s32 v16, v50  }
0x2b5: {  	vm8 =	vlt.u32 v34, $0x1FD;
	v42 =	vld.idx.msk [tilespmem:v60+s17+$0x0], $0xffff;
	vm7 =	vlt.f32 v43, v32;
	v43 =	vadd.s32 $0x20, v36  }
0x2b6: {  	vm9 =	vle.f32 v41, v25;
	vm1 =	vmand vm7, vm6;
	v55 =	vmin.u32 v43, $0x204;
	v44 =	vld.idx.msk [tilespmem:v62+s17+$0x0], $0xffff  }
0x2b7: {  	v50 =	vadd.s32 $0x8, v37;
	v35 =	vsel vm1, v51, v35;
	v46 =	vadd.s32 v16, v55  }
0x2b8: {  	v39 =	vsel vm0, v45, v39;
	v56 =	vmin.u32 v50, $0x204;
	v51 =	vadd.s32 $0x20, v35  }
0x2b9: {  	vm15 =	vlt.u32 v63, $0x205;
	v41 =	vadd.s32 v8, v56;
	v40 =	vld.idx.msk [tilespmem:v54+s17+$0x0], $0xffff;
	v54 =	vmin.u32 v51, $0x204  }
0x2ba: {  	vm6 =	vlt.u32 v36, $0x1E5;
	vm1 =	vmand vm9, vm8;
	v57 =	vadd.s32 v16, v54  }
0x2bb: {  	vm11 =	vlt.f32 v42, v28;
	v42 =	vadd.s32 $0x8, v39;
	vm13 =	vlt.f32 v44, v31  }
0x2bc: {  	vm8 =	vlt.u32 v37, $0x1FD;
	v58 =	vmin.u32 v42, $0x204;
	v59 =	vld.idx.msk [tilespmem:v46+s17+$0x0], $0xffff;
	vm14 =	vmand vm13, vm12  }
0x2bd: {  	v34 =	vsel vm1, v52, v34;
	v60 =	vadd.s32 v8, v58;
	v38 =	vsel vm14, v47, v38  }
0x2be: {  	vm0 =	vmand vm11, vm10;
	v41 =	vld.idx.msk [tilespmem:v41+s17+$0x0], $0xffff;
	vm4 =	vle.f32 v40, v29;
	v45 =	vadd.s32 $0x20, v38  }
0x2bf: {  	vm10 =	vlt.u32 v35, $0x1E5;
	vm5 =	vmand vm4, vm15;
	v61 =	vld.idx.msk [tilespmem:v57+s17+$0x0], $0xffff;
	v62 =	vmin.u32 v45, $0x204  }
0x2c0: {  	v33 =	vsel vm0, v53, v33;
	v47 =	vsel vm5, v63, v48;
	v63 =	vadd.s32 v16, v62  }
0x2c1: {  	v53 =	vadd.s32 $0x4, v33;
	v46 =	vadd.s32 $0x4, v34;
	vm7 =	vle.f32 v59, v30  }
0x2c2: {  	v57 =	vld.idx.msk [tilespmem:v60+s17+$0x0], $0xffff;
	v60 =	vmin.u32 v46, $0x204;
	v48 =	vadd.s32 $0x20, v47;
	vm0 =	vmand vm7, vm6  }
0x2c3: {  	vm9 =	vlt.f32 v41, v26;
	v56 =	vmin.u32 v48, $0x204;
	v36 =	vsel vm0, v43, v36  }
0x2c4: {  	v58 =	vadd.s32 v16, v56;
	vm11 =	vlt.f32 v61, v32;
	v40 =	vadd.s32 $0x10, v36  }
0x2c5: {  	v61 =	vadd.s32 v8, v60;
	vm0 =	vmand vm11, vm10;
	v59 =	vmin.u32 v40, $0x204;
	v44 =	vld.idx.msk [tilespmem:v63+s17+$0x0], $0xffff  }
0x2c6: {  	vm12 =	vmand vm9, vm8;
	v35 =	vsel vm0, v51, v35;
	v49 =	vadd.s32 v16, v59  }
0x2c7: {  	v54 =	vmin.u32 v53, $0x204;
	v37 =	vsel vm12, v50, v37;
	v52 =	vadd.s32 $0x10, v35  }
0x2c8: {  	vm13 =	vlt.u32 v39, $0x1FD;
	v50 =	vadd.s32 $0x4, v37;
	v63 =	vmin.u32 v52, $0x204  }
0x2c9: {  	vm14 =	vle.f32 v57, v27;
	v57 =	vmin.u32 v50, $0x204;
	v62 =	vld.idx.msk [tilespmem:v58+s17+$0x0], $0xffff;
	v43 =	vadd.s32 v16, v63  }
0x2ca: {  	vm15 =	vlt.u32 v38, $0x1E5;
	v58 =	vadd.s32 v8, v57;
	v56 =	vld.idx.msk [tilespmem:v61+s17+$0x0], $0xffff;
	vm4 =	vlt.f32 v44, v31  }
0x2cb: {  	vm5 =	vlt.u32 v47, $0x1E5;
	vm1 =	vmand vm14, vm13;
	v55 =	vld.idx.msk [tilespmem:v49+s17+$0x0], $0xffff;
	vm0 =	vmand vm4, vm15  }
0x2cc: {  	v39 =	vsel vm1, v42, v39;
	v42 =	vadd.s32 v8, v54;
	v38 =	vsel vm0, v45, v38  }
0x2cd: {  	vm7 =	vlt.u32 v34, $0x201;
	vm8 =	vlt.u32 v36, $0x1F5;
	v45 =	vadd.s32 $0x10, v38  }
0x2ce: {  	vm13 =	vlt.u32 v33, $0x201;
	vm6 =	vle.f32 v62, v29;
	v43 =	vld.idx.msk [tilespmem:v43+s17+$0x0], $0xffff;
	v59 =	vmin.u32 v45, $0x204  }
0x2cf: {  	vm11 =	vlt.u32 v35, $0x1F5;
	v41 =	vld.idx.msk [tilespmem:v58+s17+$0x0], $0xffff;
	vm0 =	vmand vm6, vm5;
	v60 =	vadd.s32 v16, v59  }
0x2d0: {  	vm10 =	vle.f32 v56, v25;
	vm6 =	vlt.u32 v38, $0x1F5;
	vm9 =	vle.f32 v55, v30  }
0x2d1: {  	v42 =	vld.idx.msk [tilespmem:v42+s17+$0x0], $0xffff;
	v47 =	vsel vm0, v48, v47;
	vm1 =	vmand vm10, vm7;
	vm0 =	vmand vm9, vm8  }
0x2d2: {  	v48 =	vadd.s32 $0x10, v47;
	v34 =	vsel vm1, v46, v34;
	v36 =	vsel vm0, v40, v36  }
0x2d3: {  	v61 =	vmin.u32 v48, $0x204;
	vm12 =	vlt.f32 v43, v32;
	v43 =	vadd.s32 $0x8, v36  }
0x2d4: {  	v40 =	vadd.s32 v16, v61;
	vm4 =	vlt.f32 v41, v26;
	v62 =	vmin.u32 v43, $0x204;
	v44 =	vld.idx.msk [tilespmem:v60+s17+$0x0], $0xffff  }
0x2d5: {  	v41 =	vadd.s32 $0x4, v39;
	vm0 =	vmand vm12, vm11;
	v63 =	vadd.s32 v16, v62  }
0x2d6: {  	vm14 =	vlt.f32 v42, v28;
	v56 =	vmin.u32 v41, $0x204;
	v35 =	vsel vm0, v52, v35  }
0x2d7: {  	vm0 =	vmand vm14, vm13;
	v52 =	vadd.s32 $0x2, v34;
	v42 =	vadd.s32 $0x8, v35  }
0x2d8: {  	v51 =	vsel vm0, v53, v33;
	v33 =	vadd.s32 v8, v56;
	v55 =	vmin.u32 v42, $0x204  }
0x2d9: {  	v58 =	vmin.u32 v52, $0x204;
	v40 =	vld.idx.msk [tilespmem:v40+s17+$0x0], $0xffff;
	v49 =	vadd.s32 v16, v55;
	vm7 =	vlt.f32 v44, v31  }
0x2da: {  	v46 =	vadd.s32 v8, v58;
	v57 =	vld.idx.msk [tilespmem:v63+s17+$0x0], $0xffff;
	vm1 =	vmand vm7, vm6  }
0x2db: {  	vm15 =	vlt.u32 v37, $0x201;
	vm8 =	vlt.u32 v47, $0x1F5;
	v38 =	vsel vm1, v45, v38  }
0x2dc: {  	vm5 =	vmand vm4, vm15;
	vm10 =	vlt.u32 v36, $0x1FD;
	v45 =	vadd.s32 $0x8, v38  }
0x2dd: {  	vm15 =	vlt.u32 v39, $0x201;
	v37 =	vsel vm5, v50, v37;
	v33 =	vld.idx.msk [tilespmem:v33+s17+$0x0], $0xffff;
	v60 =	vmin.u32 v45, $0x204  }
0x2de: {  	vm13 =	vlt.u32 v35, $0x1FD;
	vm9 =	vle.f32 v40, v29;
	v59 =	vld.idx.msk [tilespmem:v49+s17+$0x0], $0xffff;
	v61 =	vadd.s32 v16, v60  }
0x2df: {  	vm7 =	vlt.u32 v34, $0x203;
	v46 =	vld.idx.msk [tilespmem:v46+s17+$0x0], $0xffff;
	vm0 =	vmand vm9, vm8;
	vm11 =	vle.f32 v57, v30  }
0x2e0: {  	v49 =	vadd.s32 $0x2, v51;
	v47 =	vsel vm0, v48, v47;
	vm12 =	vmand vm11, vm10  }
0x2e1: {  	v62 =	vmin.u32 v49, $0x204;
	v36 =	vsel vm12, v43, v36;
	v43 =	vadd.s32 $0x8, v47  }
0x2e2: {  	v63 =	vadd.s32 v8, v62;
	vm6 =	vle.f32 v33, v27;
	v56 =	vmin.u32 v43, $0x204  }
0x2e3: {  	vm10 =	vlt.u32 v38, $0x1FD;
	vm14 =	vlt.f32 v59, v32;
	v40 =	vadd.s32 v16, v56;
	v57 =	vld.idx.msk [tilespmem:v61+s17+$0x0], $0xffff  }
0x2e4: {  	vm8 =	vle.f32 v46, v25;
	v50 =	vadd.s32 $0x4, v36;
	vm0 =	vmand vm14, vm13  }
0x2e5: {  	vm9 =	vmand vm8, vm7;
	v58 =	vmin.u32 v50, $0x204;
	v35 =	vsel vm0, v42, v35  }
0x2e6: {  	v33 =	vsel vm9, v52, v34;
	v44 =	vadd.s32 v16, v58;
	v53 =	vadd.s32 $0x4, v35  }
0x2e7: {  	v34 =	vadd.s32 $0x2, v37;
	vm0 =	vmand vm6, vm15;
	v59 =	vmin.u32 v53, $0x204  }
0x2e8: {  	v62 =	vmin.u32 v34, $0x204;
	v61 =	vadd.s32 v16, v59;
	v40 =	vld.idx.msk [tilespmem:v40+s17+$0x0], $0xffff;
	vm11 =	vlt.f32 v57, v31  }
0x2e9: {  	v60 =	vld.idx.msk [tilespmem:v63+s17+$0x0], $0xffff;
	v39 =	vsel vm0, v41, v39;
	v41 =	vadd.s32 v8, v62;
	vm0 =	vmand vm11, vm10  }
0x2ea: {  	vm12 =	vlt.u32 v51, $0x203;
	v38 =	vsel vm0, v45, v38  }
0x2eb: {  	vm14 =	vlt.u32 v47, $0x1FD;
	vm6 =	vlt.u32 v36, $0x201;
	v44 =	vld.idx.msk [tilespmem:v44+s17+$0x0], $0xffff;
	v57 =	vadd.s32 $0x4, v38  }
0x2ec: {  	vm9 =	vlt.u32 v35, $0x201;
	v42 =	vadd.s32 $0x2, v39;
	v58 =	vmin.u32 v57, $0x204  }
0x2ed: {  	v63 =	vmin.u32 v42, $0x204;
	v56 =	vld.idx.msk [tilespmem:v61+s17+$0x0], $0xffff;
	vm15 =	vle.f32 v40, v29;
	v40 =	vadd.s32 v16, v58  }
0x2ee: {  	v55 =	vadd.s32 v8, v63;
	vm13 =	vlt.f32 v60, v28;
	v41 =	vld.idx.msk [tilespmem:v41+s17+$0x0], $0xffff;
	vm5 =	vmand vm15, vm14  }
0x2ef: {  	vm0 =	vmand vm13, vm12;
	vm12 =	vlt.u32 v37, $0x203;
	v43 =	vsel vm5, v43, v47  }
0x2f0: {  	vm7 =	vle.f32 v44, v30;
	v44 =	vsel vm0, v49, v51;
	v47 =	vadd.s32 $0x4, v43  }
0x2f1: {  	vm14 =	vlt.u32 v39, $0x203;
	vm8 =	vmand vm7, vm6;
	v59 =	vmin.u32 v47, $0x204  }
0x2f2: {  	v36 =	vsel vm8, v50, v36;
	vm10 =	vlt.f32 v56, v32;
	v46 =	vadd.s32 v16, v59;
	v40 =	vld.idx.msk [tilespmem:v40+s17+$0x0], $0xffff  }
0x2f3: {  	v45 =	vld.idx.msk [tilespmem:v55+s17+$0x0], $0xffff;
	vm13 =	vlt.f32 v41, v26;
	v49 =	vadd.s32 $0x2, v36;
	vm11 =	vmand vm10, vm9  }
0x2f4: {  	v51 =	vadd.s32 $0x1, v44;
	v60 =	vmin.u32 v49, $0x204;
	v35 =	vsel vm11, v53, v35  }
0x2f5: {  	v62 =	vmin.u32 v51, $0x204;
	v41 =	vadd.s32 v16, v60;
	v50 =	vadd.s32 $0x2, v35  }
0x2f6: {  	vm6 =	vlt.u32 v38, $0x201;
	v63 =	vadd.s32 v8, v62;
	v61 =	vmin.u32 v50, $0x204  }
0x2f7: {  	vm0 =	vmand vm13, vm12;
	v52 =	vadd.s32 v16, v61;
	v46 =	vld.idx.msk [tilespmem:v46+s17+$0x0], $0xffff;
	vm7 =	vlt.f32 v40, v31  }
0x2f8: {  	v34 =	vsel vm0, v34, v37;
	vm15 =	vle.f32 v45, v27;
	vm8 =	vmand vm7, vm6  }
0x2f9: {  	vm12 =	vlt.u32 v36, $0x203;
	vm0 =	vmand vm15, vm14;
	v38 =	vsel vm8, v57, v38  }
0x2fa: {  	vm9 =	vlt.u32 v43, $0x201;
	v39 =	vsel vm0, v42, v39;
	v41 =	vld.idx.msk [tilespmem:v41+s17+$0x0], $0xffff;
	v57 =	vadd.s32 $0x2, v38  }
0x2fb: {  	v45 =	vadd.s32 $0x1, v39;
	v37 =	vld.idx.msk [tilespmem:v63+s17+$0x0], $0xffff;
	v40 =	vadd.s32 $0x1, v34;
	v58 =	vmin.u32 v57, $0x204  }
0x2fc: {  	v55 =	vmin.u32 v40, $0x204;
	v56 =	vld.idx.msk [tilespmem:v52+s17+$0x0], $0xffff;
	vm10 =	vle.f32 v46, v29;
	v46 =	vadd.s32 v16, v58  }
0x2fd: {  	v60 =	vmin.u32 v33, $0x203;
	v59 =	vmin.u32 v45, $0x204;
	v42 =	vadd.s32 v8, v55  }
0x2fe: {  	vm13 =	vlt.u32 v35, $0x203;
	v61 =	vadd.s32 v1, v60;
	v53 =	vadd.s32 v8, v59  }
0x2ff: {  	vm6 =	vlt.u32 v44, $0x204;
	vm0 =	vmand vm10, vm9;
	vm11 =	vle.f32 v41, v30  }
0x300: {  	vm15 =	vlt.f32 v37, v28;
	v43 =	vsel vm0, v47, v43;
	vm0 =	vmand vm11, vm12  }
0x301: {  	vm9 =	vlt.u32 v34, $0x204;
	v36 =	vsel vm0, v49, v36;
	vm14 =	vlt.f32 v56, v32;
	v63 =	vld.idx.msk [tilespmem:v46+s17+$0x0], $0xffff  }
0x302: {  	v28 =	vld.idx.msk [tilespmem:v42+s17+$0x0], $0xffff;
	v62 =	vadd.s32 $0x2, v43;
	v54 =	vmin.u32 v36, $0x203;
	vm1 =	vmand vm14, vm13  }
0x303: {  	v53 =	vld.idx.msk [tilespmem:v53+s17+$0x0], $0xffff;
	v48 =	vadd.s32 v15, v54;
	v35 =	vsel vm1, v50, v35;
	v50 =	vmin.u32 v62, $0x204  }
0x304: {  	v41 =	vld.idx.msk [tilespmem:v61+s17+$0x0], $0xffff;
	vm10 =	vlt.u32 v38, $0x203;
	v46 =	vadd.s32 v16, v50;
	v55 =	vadd.s32 $0x1, v35  }
0x305: {  	vm12 =	vlt.u32 v39, $0x204;
	vm0 =	vmand vm15, vm6;
	v56 =	vmin.u32 v55, $0x204  }
0x306: {  	vm5 =	vlt.u32 v43, $0x203;
	v50 =	vadd.s32 v16, v56;
	vm8 =	vlt.f32 v63, v31  }
0x307: {  	vm7 =	vlt.f32 v28, v26;
	v26 =	vsel vm0, v51, v44;
	vm0 =	vmand vm8, vm10  }
0x308: {  	vm11 =	vle.f32 v53, v27;
	vm14 =	vgt.u32 v33, $0x203;
	v58 =	vld.idx.msk [tilespmem:v48+s17+$0x0], $0xffff;
	v57 =	vsel vm0, v57, v38  }
0x309: {  	vm13 =	vle.f32 v41, v25;
	vm1 =	vmand vm7, vm9;
	v27 =	vld.idx.msk [tilespmem:v46+s17+$0x0], $0xffff;
	v59 =	vadd.s32 $0x1, v57  }
0x30a: {  	vm9 =	vgt.u32 v36, $0x203;
	v26 =	vmin.u32 v26, $0x203;
	v60 =	vmin.u32 v59, $0x204  }
0x30b: {  	v28 =	vsel vm1, v40, v34;
	vm1 =	vmneg vm13;
	v25 =	vld.idx.msk [tilespmem:v50+s17+$0x0], $0xffff;
	v41 =	vadd.s32 v16, v60  }
0x30c: {  	v26 =	vor.u32 $0x80000000, v26;
	vm15 =	vmor vm1, vm14;
	vm0 =	vmand vm11, vm12  }
0x30d: {  	v28 =	vxor.u32 $0x80000000, v28;
	vm10 =	vlt.u32 v35, $0x204;
	v39 =	vsel vm0, v45, v39  }
0x30e: {  	vm6 =	vle.f32 v58, v30;
	vm4 =	vle.f32 v27, v29;
	v27 =	vsel vm15, $0xFFFFFFFF, v7  }
0x30f: {  	vm11 =	vlt.u32 v57, $0x204;
	vm2 =	vmneg vm6;
	v27 =	vadd.s32 v27, v33  }
0x310: {  	vm0 =	vmand vm4, vm5;
	vm7 =	vlt.f32 v25, v32;
	vm8 =	vgt.s32 v27, $0x0;
	v30 =	vld.idx.msk [tilespmem:v41+s17+$0x0], $0xffff  }
0x311: {  	v25 =	vsel vm0, v62, v43;
	vm0 =	vmor vm2, vm9;
	v27 =	vnsel vm8, $0x0, v27  }
0x312: {  	v61 =	vxor.u32 $0x80000000, v39;
	v62 =	vsel vm0, $0xFFFFFFFF, v7;
	v27 =	vor.u32 $0x80000000, v27  }
0x313: {  	vm1 =	vmand vm7, vm10;
	v63 =	vadd.s32 $0x1, v25;
	v33 =	vadd.s32 v62, v36;
	(xrf0) =	vmin.scan.msk.u32 $0xffff, v27  }
0x314: {  	v27 =	vsel vm1, v55, v35;
	vm12 =	vgt.s32 v33, $0x0;
	(xrf0) =	vmax.scan.msk.u32 $0xffff, v26;
	v26 =	vmin.u32 v63, $0x204  }
0x315: {  	v27 =	vmin.u32 v27, $0x203;
	(xrf0) =	vmax.scan.msk.u32 $0xffff, v28;
	v28 =	vnsel vm12, $0x0, v33;
	vm13 =	vlt.f32 v30, v31  }
0x316: {  	v26 =	vadd.s32 v16, v26;
	(xrf0) =	vmin.scan.msk.u32 $0xffff, v61;
	v28 =	vor.u32 $0x80000000, v28;
	vm0 =	vmand vm13, vm11  }
0x317: {  	v27 =	vor.u32 $0x80000000, v27;
	(xrf0) =	vmin.scan.msk.u32 $0xffff, v28;
	v30 =	vsel vm0, v59, v57  }
0x318: {  	(xrf0) =	vmax.scan.msk.u32 $0xffff, v27;
	v27 =	vxor.u32 $0x80000000, v30;
	_ =	sdelay $0x1  }
0x319: {  	v28, _, _ =	vpop (xrf0);
	(xrf0) =	vmax.scan.msk.u32 $0xffff, v27  }
0x31a: {  	(v2sf) =	vpush v28, $0xF;
	v26 =	vld.idx.msk [tilespmem:v26+s17+$0x0], $0xffff;
	v27, _, _ =	vpop (xrf0)  }
0x31b: {  	v28, _, _ =	vpop (xrf0);
	(v2sf) =	vpush v27, $0xF  }
0x31c: {  	v27, _, _ =	vpop (xrf0);
	(v2sf) =	vpush v28, $0xF  }
0x31d: {  	v28, _, _ =	vpop (xrf0);
	(v2sf) =	vpush v27, $0xF  }
0x31e: {  	v27, _, _ =	vpop (xrf0);
	(v2sf) =	vpush v28, $0xF  }
0x31f: {  	vm15 =	vle.f32 v26, v29;
	(v2sf) =	vpush v27, $0xF;
	v26, _, _ =	vpop (xrf0)  }
0x320: {  	(v2sf) =	vpush v26, $0xF;
	_ =	sdelay $0x1  }
0x321: {  	vm14 =	vlt.u32 v25, $0x204  }
0x322: {  	vm0 =	vmand vm15, vm14  }
0x323: {  	v25 =	vsel vm0, v63, v25  }
0x324: {  	v25 =	vxor.u32 $0x80000000, v25  }
0x325: {  	(xrf0) =	vmin.scan.msk.u32 $0xffff, v25;
	_ =	sdelay $0x2  }
0x326: {  	s0 =	spop (v2sf)  }
0x327: {  	s1 =	spop (v2sf)  }
0x328: {  	s21 =	spop (v2sf)  }
0x329: {  	v25, _, _ =	vpop (xrf0);
	s30 =	spop (v2sf)  }
0x32a: {  	(v2sf) =	vpush v25, $0xF;
	s26 =	spop (v2sf)  }
0x32b: {  	s31 =	sxor.u32 $0x80000000, s0;
	s1 =	sxor.u32 $0x80000000, s1;
	s28 =	spop (v2sf)  }
0x32c: {  	s21 =	sxor.u32 $0x80000000, s21;
	s0 =	sxor.u32 $0x80000000, s26;
	s29 =	spop (v2sf)  }
0x32d: {  	s28 =	sxor.u32 $0x80000000, s28;
	p0 =	slt.s32 s31, s0;
	s29 =	sxor.u32 $0x80000000, s29  }
0x32e: {  	s0 =	smov.u32 @p0 s31;
	p0 =	sgt.s32 s1, s28;
	p1 =	sgt.s32 s21, s29  }
0x32f: {  	s28 =	smov.u32 @p0 s1;
	s29 =	smov.u32 @p1 s21  }
0x330: {  	s26 =	smov.u32 s0;
	p0 =	sgt.s32 s28, s0;
	p1 =	sgt.s32 s0, s29  }
0x331: {  	s26 =	smov.u32 @p0 s28;
	s29 =	smov.u32 @p1 s0  }
0x332: {  	p0 =	slt.s32 s26, s29;
	s31 =	smov.u32 s29  }
0x333: {  	v27 =	vadd.s32 s0, v1;
	s31 =	smov.u32 @p0 s26  }
0x334: {  	v28 =	vadd.s32 s0, v15;
	p0 =	sge.s32 s0, s31  }
.Ltmp18:
0x335: {  	_ = 	snop;
	(pc) =	sbr.rel @p0 .LBB2_30-.Ltmp18, $4  }
0x336: {  	v26 =	vld.idx.msk [tilespmem:v13+s18+$0x0], $0xffff  }
0x337: {  	v25 =	vld.idx.msk [tilespmem:v5+s18+$0x0], $0xffff  }
0x338: {  	s28 =	smov.u32 s26;
	p1 =	slt.s32 s29, s26;
	v30 =	vld.idx.msk [tilespmem:v27+s17+$0x0], $0xffff  }
0x339: {  	v27 =	vimm.f32 $0.0e+00;
	v29 =	vld.idx.msk [tilespmem:v28+s17+$0x0], $0xffff;
	s28 =	smov.u32 @p1 s29;
	s1 =	spop (v2sf)  }
0x33a: {  	s0 =	sadd.s32 $0x1, s0  }
0x33b: {  	v28 =	vadd.s32 s0, v15;
	_ =	sdelay $0x2  }
0x33c: {  	v31 =	vadd.s32 s0, v1;
	_ =	sdelay $0x1  }
0x33d: {  	v32 =	vld.idx.msk [tilespmem:v28+s17+$0x0], $0xffff;
	_ =	sdelay $0x2  }
0x33e: {  	v36 =	vld.idx.msk [tilespmem:v31+s17+$0x0], $0xffff;
	_ =	sdelay $0x1  }
0x33f: {  	v28 =	vadd.f32 v32, v29  }
0x340: {  	p1 =	seq.s32 s28, s0  }
.Ltmp19:
0x341: {  	v28 =	vmul.f32 $5.000000000e-01, v28;
	(pc) =	sbr.rel @p1 .LBB2_36-.Ltmp19, $4  }
0x342: {  	v31 =	vadd.f32 v36, v30  }
0x343: {  	v30 =	vsub.f32 v36, v30;
	v33 =	vmul.f32 v28, v21  }
0x344: {  	v27 =	vimm.f32 $0.0e+00;
	v41 =	vmul.f32 $5.000000000e-01, v31  }
0x345: {  	p0 =	por $0x0, $0x0;
	v30 =	vmul.f32 v30, v25;
	v42 =	vmul.f32 v28, v22;
	v28 =	vadd.f32 v33, v23  }
0x346: {  	_ = 	snop  }
0x347: {  	s0 =	sadd.s32 $0x1, s0;
	v35 =	vmul.f32 v41, v17;
	v34 =	vadd.f32 v42, v24;
	v31 =	vmax.f32 v28, $0.0e+00  }
0x348: {  	v38 =	vmul.f32 v41, v18;
	v33 =	vadd.s32 s0, v15;
	v31 =	vmin.f32 v31, $2.550000000e+02  }
0x349: {  	v29 =	vsub.f32 v32, v29;
	v37 =	vmax.f32 v34, $0.0e+00;
	v31 =	vtrunc.f32 v31  }
0x34a: {  	v39 =	vadd.s32 s0, v1;
	v37 =	vmin.f32 v37, $2.550000000e+02;
	v31 =	vcvt.f32.s32 v31  }
0x34b: {  	vm12 =	vge.f32 v28, $0.0e+00;
	vm14 =	vlt.f32 v28, $2.560000000e+02;
	v37 =	vtrunc.f32 v37  }
0x34c: {  	v35 =	vadd.f32 v35, v19;
	v37 =	vcvt.f32.s32 v37;
	v55 =	vmul.u32 $0x105, v31  }
0x34d: {  	v40 =	vadd.f32 v38, v20;
	v28 =	vmul.f32 v29, v26;
	vm13 =	vge.f32 v34, $0.0e+00;
	v31 =	vld.idx.msk [tilespmem:v33+s17+$0x0], $0xffff  }
0x34e: {  	vm15 =	vlt.f32 v34, $2.560000000e+02;
	v56 =	vmax.f32 v35, $0.0e+00;
	v37 =	vadd.s32 v37, v55  }
0x34f: {  	vm0 =	vge.f32 v35, $0.0e+00;
	vm2 =	vge.f32 v40, $0.0e+00;
	v33 =	vmin.f32 v56, $2.550000000e+02  }
0x350: {  	vm1 =	vlt.f32 v35, $2.560000000e+02;
	vm0 =	vmand vm0, vm2;
	v33 =	vtrunc.f32 v33  }
0x351: {  	vm11 =	vlt.f32 v40, $2.560000000e+02;
	v38 =	vld.idx.msk [tilespmem:v39+s17+$0x0], $0xffff;
	vm0 =	vmand vm0, vm1;
	v33 =	vcvt.f32.s32 v33  }
0x352: {  	v57 =	vmax.f32 v40, $0.0e+00;
	vm0 =	vmand vm11, vm0;
	v58 =	vadd.f32 v31, v32  }
0x353: {  	v35 =	vmin.f32 v57, $2.550000000e+02;
	v59 =	vmul.u32 $0x105, v33;
	v33 =	vnsel vm0, $0x0, v30;
	v30 =	vld.idx.msk [tilespmem:v37+s2+$0x0], $0xffff  }
0x354: {  	p1 =	seq.s32 s28, s0;
	v35 =	vtrunc.f32 v35;
	vm0 =	vmand vm12, vm13;
	v60 =	vmul.f32 $5.000000000e-01, v58  }
.Ltmp20:
0x355: {  	v34 =	vimm.f32 $0.0e+00;
	v35 =	vcvt.f32.s32 v35;
	vm0 =	vmand vm0, vm14;
	(pc) =	sbr.rel @p1 .LBB2_38-.Ltmp20, $4  }
0x356: {  	v29 =	vadd.f32 v38, v36;
	vm0 =	vmand vm15, vm0;
	v61 =	vmul.f32 v60, v21  }
0x357: {  	v62 =	vsub.f32 v38, v36;
	v39 =	vadd.s32 v35, v59;
	v63 =	vnsel vm0, $0x0, v28  }
0x358: {  	v42 =	vmul.f32 v60, v22;
	v28 =	vadd.f32 v61, v23;
	v40 =	vmul.f32 v63, v30  }
0x359: {  	p0 =	por $0x1, $0x1;
	v35 =	vimm.f32 $0.0e+00;
	v41 =	vmul.f32 $5.000000000e-01, v29;
	v37 =	vmovc v31;
	v30 =	vmul.f32 v62, v25  }
.LBB2_39:
0x35a: {  	s0 =	sadd.s32 $0x1, s0;
	v29 =	vadd.f32 v42, v24;
	v36 =	vmax.f32 v28, $0.0e+00;
	v34 =	vadd.f32 v40, v34;
	v40 =	vmovc v31;
	v42 =	vmovc v38  }
0x35b: {  	v38 =	vadd.s32 s0, v1;
	v31 =	vadd.s32 s0, v15;
	p1 =	seq.s32 s28, s0;
	v36 =	vmin.f32 v36, $2.550000000e+02  }
0x35c: {  	v43 =	vmul.f32 v41, v17;
	v36 =	vtrunc.f32 v36;
	v44 =	vmax.f32 v29, $0.0e+00;
	v39 =	vld.idx.msk [tilespmem:v39+s2+$0x0], $0xffff  }
0x35d: {  	v41 =	vmul.f32 v41, v18;
	v36 =	vcvt.f32.s32 v36;
	v44 =	vmin.f32 v44, $2.550000000e+02  }
0x35e: {  	v43 =	vadd.f32 v43, v19;
	v44 =	vtrunc.f32 v44  }
0x35f: {  	v41 =	vadd.f32 v41, v20;
	v44 =	vcvt.f32.s32 v44;
	v36 =	vmul.u32 $0x105, v36  }
0x360: {  	vm0 =	vge.f32 v43, $0.0e+00;
	vm1 =	vlt.f32 v43, $2.560000000e+02;
	v43 =	vmax.f32 v43, $0.0e+00;
	v31 =	vld.idx.msk [tilespmem:v31+s17+$0x0], $0xffff  }
0x361: {  	v45 =	vmax.f32 v41, $0.0e+00;
	v43 =	vmin.f32 v43, $2.550000000e+02;
	v38 =	vld.idx.msk [tilespmem:v38+s17+$0x0], $0xffff;
	v36 =	vadd.s32 v44, v36  }
0x362: {  	vm2 =	vge.f32 v41, $0.0e+00;
	v43 =	vtrunc.f32 v43;
	v44 =	vmin.f32 v45, $2.550000000e+02  }
0x363: {  	vm0 =	vmand vm0, vm2;
	v43 =	vcvt.f32.s32 v43;
	v44 =	vtrunc.f32 v44  }
0x364: {  	vm0 =	vmand vm0, vm1;
	vm1 =	vlt.f32 v41, $2.560000000e+02;
	v41 =	vcvt.f32.s32 v44  }
0x365: {  	vm0 =	vmand vm1, vm0;
	v44 =	vmul.f32 v33, v39;
	v43 =	vmul.u32 $0x105, v43  }
0x366: {  	v33 =	vnsel vm0, $0x0, v30;
	v39 =	vadd.f32 v31, v40;
	v30 =	vld.idx.msk [tilespmem:v36+s2+$0x0], $0xffff  }
0x367: {  	vm1 =	vge.f32 v29, $0.0e+00;
	vm0 =	vge.f32 v28, $0.0e+00;
	v36 =	vsub.f32 v37, v32;
	v37 =	vmovc v31;
	v32 =	vmovc v40  }
0x368: {  	vm2 =	vlt.f32 v28, $2.560000000e+02;
	vm0 =	vmand vm0, vm1;
	v40 =	vmul.f32 $5.000000000e-01, v39  }
.Ltmp21:
0x369: {  	vm1 =	vlt.f32 v29, $2.560000000e+02;
	vm0 =	vmand vm0, vm2;
	v28 =	vmul.f32 v36, v26;
	(pc) =	sbr.rel @!p1 .LBB2_39-.Ltmp21, $4  }
0x36a: {  	v29 =	vadd.f32 v38, v42;
	vm0 =	vmand vm1, vm0;
	v36 =	vmul.f32 v40, v21  }
0x36b: {  	v45 =	vsub.f32 v38, v42;
	v39 =	vadd.s32 v41, v43;
	v41 =	vnsel vm0, $0x0, v28  }
0x36c: {  	v42 =	vmul.f32 v40, v22;
	v28 =	vadd.f32 v36, v23;
	v40 =	vmul.f32 v41, v30  }
0x36d: {  	v35 =	vadd.f32 v44, v35;
	v41 =	vmul.f32 $5.000000000e-01, v29;
	v30 =	vmul.f32 v45, v25  }
0x36e: {  	v36 =	vmov v38;
	v29 =	vmov v32  }
.LBB2_41:
0x36f: {  	v32 =	vmul.f32 v41, v17;
	_ =	sdelay $0x1  }
0x370: {  	v61 =	vmul.f32 v41, v18;
	v32 =	vadd.f32 v32, v19;
	_ =	sdelay $0x1  }
0x371: {  	v38 =	vmax.f32 v28, $0.0e+00;
	v41 =	vadd.f32 v61, v20;
	v43 =	vmax.f32 v32, $0.0e+00  }
0x372: {  	v42 =	vadd.f32 v42, v24;
	v38 =	vmin.f32 v38, $2.550000000e+02;
	v43 =	vmin.f32 v43, $2.550000000e+02  }
0x373: {  	v38 =	vtrunc.f32 v38;
	v45 =	vmax.f32 v41, $0.0e+00;
	v43 =	vtrunc.f32 v43  }
0x374: {  	v44 =	vmax.f32 v42, $0.0e+00;
	v45 =	vmin.f32 v45, $2.550000000e+02;
	v43 =	vcvt.f32.s32 v43  }
0x375: {  	v38 =	vcvt.f32.s32 v38;
	v44 =	vmin.f32 v44, $2.550000000e+02;
	v45 =	vtrunc.f32 v45  }
0x376: {  	v44 =	vtrunc.f32 v44;
	v45 =	vcvt.f32.s32 v45;
	v43 =	vmul.u32 $0x105, v43  }
0x377: {  	v44 =	vcvt.f32.s32 v44;
	v38 =	vmul.u32 $0x105, v38  }
0x378: {  	v43 =	vadd.s32 v45, v43  }
0x379: {  	v38 =	vadd.s32 v44, v38;
	_ =	sdelay $0x1  }
0x37a: {  	v39 =	vld.idx.msk @p0 [tilespmem:v39+s2+$0x0], $0xffff;
	v29 =	vsub.f32 v37, v29  }
0x37b: {  	vm12 =	vge.f32 v28, $0.0e+00;
	vm13 =	vlt.f32 v28, $2.560000000e+02;
	vm3 =	vge.f32 v42, $0.0e+00  }
0x37c: {  	v28 =	vmul.f32 v29, v26;
	vm0 =	vge.f32 v32, $0.0e+00;
	vm1 =	vge.f32 v41, $0.0e+00;
	v63 =	vld.idx.msk [tilespmem:v43+s2+$0x0], $0xffff  }
0x37d: {  	vm14 =	vlt.f32 v42, $2.560000000e+02;
	vm2 =	vlt.f32 v32, $2.560000000e+02;
	vm0 =	vmand vm0, vm1;
	v62 =	vld.idx.msk [tilespmem:v38+s2+$0x0], $0xffff  }
0x37e: {  	vm11 =	vlt.f32 v41, $2.560000000e+02;
	vm0 =	vmand vm0, vm2;
	vm2 =	vmand vm12, vm3  }
0x37f: {  	v33 =	vmul.f32 @p0 v33, v39;
	vm2 =	vmand vm2, vm13;
	vm0 =	vmand vm11, vm0  }
0x380: {  	v29 =	vadd.f32 @p0 v40, v34;
	vm15 =	vmand vm14, vm2;
	v30 =	vnsel vm0, $0x0, v30  }
.Ltmp22:
0x381: {  	v33 =	vadd.f32 @p0 v33, v35;
	v28 =	vnsel vm15, $0x0, v28;
	v30 =	vmul.f32 v30, v63;
	(pc) =	sbr.rel .LBB2_31-.Ltmp22, $4  }
0x382: {  	v29 =	vpsel p0, v29, v27;
	v28 =	vmul.f32 v28, v62  }
0x383: {  	v27 =	vpsel p0, v33, v27  }
0x384: {  	v28 =	vadd.f32 v28, v29;
	v27 =	vadd.f32 v30, v27  }
0x385: {  	v29 =	vmov v31;
	v30 =	vmov v36  }
.LBB2_30:
0x386: {  	v28 =	vimm.f32 $0.0e+00  }
.LBB2_31:
0x387: {  	s0 =	sadd.s32 $0x7FFFFFFF, s30;
	s30 =	sadd.s32 $0x7FFFFFFF, s1  }
0x388: {  	p0 =	slt.s32 s0, s30  }
0x389: {  	s30 =	smov.u32 @p0 s0  }
0x38a: {  	p0 =	sgt.s32 s31, s30;
	s1 =	smov.u32 s30  }
0x38b: {  	s1 =	smov.u32 @p0 s31  }
0x38c: {  	p0 =	slt.s32 s26, s1;
	s0 =	smov.u32 s1  }
0x38d: {  	s0 =	smov.u32 @p0 s26  }
0x38e: {  	p0 =	slt.s32 s29, s0  }
.Ltmp23:
0x38f: {  	_ = 	snop;
	(pc) =	sbr.rel @!p0 .LBB2_32-.Ltmp23, $1  }
0x390: {  	_ =	sdelay $0x3  }
0x391: {  	s29 =	sadd.s32 $0x1, s31  }
0x392: {  	v31 =	vadd.s32 s29, v15  }
0x393: {  	v32 =	vadd.s32 s29, v1;
	p2 =	slt.s32 s29, s0  }
.Ltmp24:
0x394: {  	_ = 	snop;
	(pc) =	sbr.rel @!p2 .LBB2_43-.Ltmp24, $3  }
0x395: {  	_ =	sdelay $0x1  }
0x396: {  	v35 =	vld.idx.msk [tilespmem:v31+s17+$0x0], $0xffff  }
0x397: {  	p0 =	por $0x0, $0x0;
	p1 =	por $0x0, $0x0;
	v36 =	vld.idx.msk [tilespmem:v32+s17+$0x0], $0xffff  }
0x398: {  	_ =	sdelay $0x2  }
0x399: {  	s29 =	sadd.s32 $0x1, s29;
	v31 =	vadd.f32 v35, v29  }
0x39a: {  	v34 =	vadd.s32 s29, v15;
	v32 =	vadd.f32 v36, v30  }
0x39b: {  	v37 =	vadd.s32 s29, v1;
	v31 =	vmul.f32 $5.000000000e-01, v31  }
0x39c: {  	v32 =	vmul.f32 $5.000000000e-01, v32  }
0x39d: {  	p2 =	slt.s32 s29, s0;
	v30 =	vsub.f32 v36, v30;
	v33 =	vmul.f32 v31, v21;
	v31 =	vmul.f32 v31, v22  }
.Ltmp25:
0x39e: {  	v38 =	vmul.f32 v32, v17;
	(pc) =	sbr.rel @!p2 .LBB2_45-.Ltmp25, $4  }
0x39f: {  	v39 =	vadd.f32 v33, v23;
	v33 =	vmul.f32 v30, v25;
	v30 =	vadd.f32 v31, v24;
	v31 =	vld.idx.msk [tilespmem:v34+s17+$0x0], $0xffff  }
0x3a0: {  	v40 =	vmul.f32 v32, v18;
	v32 =	vld.idx.msk [tilespmem:v37+s17+$0x0], $0xffff;
	v38 =	vadd.f32 v38, v19  }
0x3a1: {  	v63 =	vtrunc.f32 v39;
	v46 =	vtrunc.f32 v30  }
0x3a2: {  	p0 =	por $0x1, $0x1;
	v40 =	vadd.f32 v40, v20;
	v43 =	vtrunc.f32 v38;
	v45 =	vcvt.f32.s32 v63  }
0x3a3: {  	_ = 	snop  }
0x3a4: {  	s29 =	sadd.s32 $0x1, s29;
	v34 =	vcvt.f32.s32 v46;
	v30 =	vmul.u32 $0x105, v45;
	v37 =	vadd.f32 v31, v35  }
0x3a5: {  	v38 =	vcvt.f32.s32 v43;
	v39 =	vadd.s32 s29, v15;
	v54 =	vtrunc.f32 v40  }
0x3a6: {  	v41 =	vadd.f32 v32, v36;
	v30 =	vadd.s32 v34, v30;
	v53 =	vmul.f32 $5.000000000e-01, v37  }
0x3a7: {  	v56 =	vadd.s32 s29, v1;
	v38 =	vmul.u32 $0x105, v38;
	v37 =	vcvt.f32.s32 v54  }
0x3a8: {  	v55 =	vmul.f32 $5.000000000e-01, v41;
	v42 =	vmul.f32 v53, v21  }
0x3a9: {  	p2 =	slt.s32 s29, s0;
	v57 =	vsub.f32 v32, v36;
	v38 =	vadd.s32 v37, v38  }
.Ltmp26:
0x3aa: {  	v59 =	vmul.f32 v53, v22;
	v58 =	vmul.f32 v55, v17;
	v34 =	vld.idx.msk [tilespmem:v39+s17+$0x0], $0xffff;
	v42 =	vadd.f32 v42, v23;
	(pc) =	sbr.rel @!p2 .LBB2_47-.Ltmp26, $4  }
0x3ab: {  	v63 =	vsub.f32 v35, v29;
	v44 =	vmul.f32 v57, v25;
	v60 =	vmul.f32 v55, v18;
	v37 =	vld.idx.msk [tilespmem:v30+s2+$0x0], $0xffff  }
0x3ac: {  	v29 =	vld.idx.msk [tilespmem:v56+s17+$0x0], $0xffff;
	v61 =	vadd.f32 v58, v19;
	v30 =	vadd.f32 v59, v24;
	v62 =	vtrunc.f32 v42  }
0x3ad: {  	v36 =	vmov v28;
	v42 =	vmul.f32 v63, v26;
	v45 =	vcvt.f32.s32 v62  }
0x3ae: {  	p1 =	por $0x1, $0x1;
	v39 =	vmovc v31;
	v40 =	vadd.f32 v60, v20;
	v43 =	vtrunc.f32 v61;
	v46 =	vtrunc.f32 v30;
	v41 =	vld.idx.msk [tilespmem:v38+s2+$0x0], $0xffff;
	v38 =	vmovc v27  }
.LBB2_48:
0x3af: {  	s29 =	sadd.s32 $0x1, s29;
	v30 =	vcvt.f32.s32 v43;
	v43 =	vmul.u32 $0x105, v45;
	v45 =	vcvt.f32.s32 v46;
	v46 =	vmovc v34;
	v47 =	vmovc v34  }
0x3b0: {  	v34 =	vadd.s32 s29, v15;
	p2 =	slt.s32 s29, s0;
	v48 =	vadd.f32 v46, v31;
	v37 =	vmul.f32 v42, v37  }
0x3b1: {  	v42 =	vadd.s32 s29, v1;
	v49 =	vadd.f32 v29, v32;
	v43 =	vadd.s32 v45, v43  }
0x3b2: {  	v40 =	vtrunc.f32 v40;
	v45 =	vmul.f32 $5.000000000e-01, v48;
	v36 =	vadd.f32 v37, v36  }
0x3b3: {  	v40 =	vcvt.f32.s32 v40;
	v30 =	vmul.u32 $0x105, v30;
	v37 =	vmul.f32 $5.000000000e-01, v49  }
0x3b4: {  	v51 =	vsub.f32 v29, v32;
	v41 =	vmul.f32 v33, v41;
	v33 =	vmovc v44;
	v48 =	vmul.f32 v45, v21  }
0x3b5: {  	v30 =	vadd.s32 v40, v30;
	v49 =	vmul.f32 v37, v17;
	v50 =	vmul.f32 v37, v18;
	v34 =	vld.idx.msk [tilespmem:v34+s17+$0x0], $0xffff  }
.Ltmp27:
0x3b6: {  	v44 =	vmul.f32 v51, v25;
	v45 =	vmul.f32 v45, v22;
	v48 =	vadd.f32 v48, v23;
	v37 =	vld.idx.msk [tilespmem:v43+s2+$0x0], $0xffff;
	(pc) =	sbr.rel @p2 .LBB2_48-.Ltmp27, $4  }
0x3b7: {  	v32 =	vmov v29;
	v43 =	vadd.f32 v49, v19;
	v40 =	vadd.f32 v50, v20;
	v29 =	vld.idx.msk [tilespmem:v42+s17+$0x0], $0xffff  }
0x3b8: {  	v42 =	vadd.f32 v45, v24;
	v45 =	vtrunc.f32 v48;
	v48 =	vsub.f32 v39, v35;
	v39 =	vmovc v46;
	v35 =	vmovc v31  }
0x3b9: {  	v38 =	vadd.f32 v41, v38;
	v43 =	vtrunc.f32 v43;
	v45 =	vcvt.f32.s32 v45  }
0x3ba: {  	v31 =	vmov v47;
	v46 =	vtrunc.f32 v42;
	v41 =	vld.idx.msk [tilespmem:v30+s2+$0x0], $0xffff;
	v42 =	vmul.f32 v48, v26  }
0x3bb: {  	_ = 	snop  }
0x3bc: {  	v30 =	vmovc v32;
	v47 =	vmovc v33;
	v33 =	vmov v44;
	v32 =	vmov v29;
	v29 =	vmov v35  }
.LBB2_50:
0x3bd: {  	v44 =	vadd.f32 v32, v30  }
0x3be: {  	v35 =	vadd.f32 v34, v31  }
0x3bf: {  	v44 =	vmul.f32 $5.000000000e-01, v44  }
0x3c0: {  	v46 =	vcvt.f32.s32 @p0 v46;
	v35 =	vmul.f32 $5.000000000e-01, v35  }
0x3c1: {  	v45 =	vmul.u32 @p0 $0x105, v45;
	v43 =	vcvt.f32.s32 @p0 v43;
	v60 =	vmul.f32 v44, v17  }
0x3c2: {  	v40 =	vtrunc.f32 @p0 v40;
	v48 =	vmul.f32 v35, v21  }
0x3c3: {  	v45 =	vadd.s32 @p0 v46, v45;
	v44 =	vmul.f32 v44, v18;
	v46 =	vadd.f32 v60, v19  }
0x3c4: {  	v40 =	vcvt.f32.s32 @p0 v40;
	v35 =	vmul.f32 v35, v22;
	v48 =	vadd.f32 v48, v23  }
0x3c5: {  	v43 =	vmul.u32 @p0 $0x105, v43;
	v44 =	vadd.f32 v44, v20;
	v46 =	vtrunc.f32 v46  }
0x3c6: {  	v35 =	vadd.f32 v35, v24;
	v48 =	vtrunc.f32 v48;
	v61 =	vcvt.f32.s32 v46  }
0x3c7: {  	v40 =	vadd.s32 @p0 v40, v43;
	v44 =	vtrunc.f32 v44;
	v48 =	vcvt.f32.s32 v48  }
0x3c8: {  	v35 =	vtrunc.f32 v35;
	v44 =	vcvt.f32.s32 v44;
	v43 =	vmul.u32 $0x105, v61  }
0x3c9: {  	v35 =	vcvt.f32.s32 v35;
	v62 =	vmul.u32 $0x105, v48  }
0x3ca: {  	v43 =	vadd.s32 v44, v43  }
0x3cb: {  	v45 =	vld.idx.msk @p0 [tilespmem:v45+s2+$0x0], $0xffff;
	v35 =	vadd.s32 v35, v62  }
0x3cc: {  	v29 =	vsub.f32 @p0 v39, v29;
	v39 =	vld.idx.msk @p0 [tilespmem:v40+s2+$0x0], $0xffff;
	_ =	sdelay $0x1  }
0x3cd: {  	v37 =	vmul.f32 @p1 v42, v37;
	v30 =	vsub.f32 v32, v30;
	v29 =	vmul.f32 @p0 v29, v26  }
0x3ce: {  	v33 =	vpsel p0, v33, v0;
	v31 =	vsub.f32 v34, v31;
	v40 =	vmul.f32 @p1 v47, v41;
	v63 =	vld.idx.msk [tilespmem:v43+s2+$0x0], $0xffff  }
0x3cf: {  	v36 =	vadd.f32 @p1 v37, v36;
	v30 =	vmul.f32 v30, v25;
	v29 =	vpsel p0, v29, v0;
	v35 =	vld.idx.msk [tilespmem:v35+s2+$0x0], $0xffff  }
0x3d0: {  	v37 =	vadd.f32 @p1 v40, v38;
	v38 =	vpsel p0, v45, v0;
	v39 =	vpsel p0, v39, v0  }
0x3d1: {  	v29 =	vmul.f32 @p0 v29, v38;
	v33 =	vmul.f32 @p0 v33, v39  }
0x3d2: {  	v31 =	vmul.f32 v31, v26;
	v36 =	vpsel p1, v36, v28;
	v37 =	vpsel p1, v37, v27  }
0x3d3: {  	v29 =	vadd.f32 @p0 v29, v36;
	v33 =	vadd.f32 @p0 v33, v37;
	v30 =	vmul.f32 v30, v63  }
0x3d4: {  	v31 =	vmul.f32 v31, v35  }
0x3d5: {  	v28 =	vpsel p0, v29, v28;
	v27 =	vpsel p0, v33, v27  }
0x3d6: {  	v28 =	vadd.f32 v31, v28;
	v27 =	vadd.f32 v30, v27  }
0x3d7: {  	v29 =	vmov v34;
	v30 =	vmov v32  }
.LBB2_32:
0x3d8: {  	p0 =	sge.s32 s1, s26  }
.Ltmp28:
0x3d9: {  	_ = 	snop;
	(pc) =	sbr.rel @p0 .LBB2_56-.Ltmp28, $1  }
0x3da: {  	_ =	sdelay $0x3  }
0x3db: {  	p0 =	sgt.s32 s28, s30  }
0x3dc: {  	s30 =	smov.u32 @p0 s28  }
0x3dd: {  	p0 =	slt.s32 s26, s30  }
0x3de: {  	s30 =	smov.u32 @p0 s26  }
0x3df: {  	s0 =	sadd.s32 $0x1, s30  }
0x3e0: {  	v31 =	vadd.s32 s0, v15  }
0x3e1: {  	v32 =	vadd.s32 s0, v1;
	_ =	sdelay $0x3  }
0x3e2: {  	v35 =	vld.idx.msk [tilespmem:v31+s17+$0x0], $0xffff  }
0x3e3: {  	v33 =	vld.idx.msk [tilespmem:v32+s17+$0x0], $0xffff;
	_ =	sdelay $0x3  }
0x3e4: {  	v31 =	vadd.f32 v35, v29  }
0x3e5: {  	v32 =	vadd.f32 v33, v30  }
0x3e6: {  	p1 =	slt.s32 s0, s26;
	v31 =	vmul.f32 $5.000000000e-01, v31  }
.Ltmp29:
0x3e7: {  	v32 =	vmul.f32 $5.000000000e-01, v32;
	(pc) =	sbr.rel @!p1 .LBB2_34-.Ltmp29, $4  }
0x3e8: {  	v34 =	vmul.f32 v31, v21;
	v36 =	vmul.f32 v31, v22  }
0x3e9: {  	v31 =	vsub.f32 v35, v29;
	v37 =	vmul.f32 v32, v17;
	v38 =	vmul.f32 v32, v18  }
0x3ea: {  	v29 =	vadd.f32 v34, v23;
	v32 =	vadd.f32 v36, v24  }
0x3eb: {  	p0 =	por $0x0, $0x0;
	s0 =	sadd.s32 $0x1, s0;
	v40 =	vadd.f32 v37, v19;
	v42 =	vadd.f32 v38, v20  }
0x3ec: {  	v36 =	vadd.s32 s0, v15  }
0x3ed: {  	v39 =	vadd.s32 s0, v1  }
0x3ee: {  	v34 =	vmax.f32 v29, $0.0e+00;
	v37 =	vmax.f32 v32, $0.0e+00  }
0x3ef: {  	v30 =	vsub.f32 v33, v30;
	vm0 =	vlt.f32 v42, $2.560000000e+02;
	vm1 =	vge.f32 v40, $0.0e+00  }
0x3f0: {  	v38 =	vmax.f32 v40, $0.0e+00;
	v41 =	vmax.f32 v42, $0.0e+00;
	v34 =	vmin.f32 v34, $2.550000000e+02  }
0x3f1: {  	vm2 =	vge.f32 v42, $0.0e+00;
	v55 =	vmin.f32 v38, $2.550000000e+02;
	v34 =	vtrunc.f32 v34;
	v38 =	vld.idx.msk [tilespmem:v36+s17+$0x0], $0xffff  }
0x3f2: {  	vm3 =	vlt.f32 v40, $2.560000000e+02;
	v37 =	vmin.f32 v37, $2.550000000e+02;
	v57 =	vcvt.f32.s32 v34;
	v34 =	vld.idx.msk [tilespmem:v39+s17+$0x0], $0xffff  }
0x3f3: {  	v41 =	vmin.f32 v41, $2.550000000e+02;
	vm1 =	vmand vm1, vm2;
	v37 =	vtrunc.f32 v37  }
0x3f4: {  	v30 =	vmul.f32 v30, v25;
	vm2 =	vge.f32 v32, $0.0e+00;
	v41 =	vtrunc.f32 v41  }
0x3f5: {  	v58 =	vtrunc.f32 v55;
	vm1 =	vmand vm1, vm3;
	v37 =	vcvt.f32.s32 v37  }
0x3f6: {  	vm3 =	vge.f32 v29, $0.0e+00;
	v39 =	vcvt.f32.s32 v58;
	v60 =	vadd.f32 v38, v35  }
0x3f7: {  	v56 =	vcvt.f32.s32 v41;
	v40 =	vmul.u32 $0x105, v57;
	v43 =	vadd.f32 v34, v33  }
0x3f8: {  	vm0 =	vmand vm0, vm1;
	v59 =	vmul.u32 $0x105, v39;
	v61 =	vmul.f32 $5.000000000e-01, v60  }
0x3f9: {  	v40 =	vadd.s32 v37, v40;
	v37 =	vnsel vm0, $0x0, v30;
	v30 =	vmul.f32 $5.000000000e-01, v43  }
0x3fa: {  	p1 =	slt.s32 s0, s26;
	v39 =	vmul.f32 v31, v26;
	v31 =	vsub.f32 v38, v35;
	v35 =	vmul.f32 v61, v22  }
.Ltmp30:
0x3fb: {  	vm1 =	vlt.f32 v29, $2.560000000e+02;
	v63 =	vmul.f32 v30, v17;
	v30 =	vmul.f32 v30, v18;
	(pc) =	sbr.rel @!p1 .LBB2_52-.Ltmp30, $4  }
0x3fc: {  	vm2 =	vmand vm3, vm2;
	v41 =	vadd.s32 v56, v59;
	v62 =	vmul.f32 v61, v21  }
0x3fd: {  	vm1 =	vmand vm2, vm1;
	vm0 =	vlt.f32 v32, $2.560000000e+02  }
0x3fe: {  	v36 =	vmovc v27;
	vm0 =	vmand vm0, vm1;
	v29 =	vadd.f32 v62, v23;
	v32 =	vadd.f32 v35, v24  }
0x3ff: {  	s0 =	sadd.s32 $0x1, s0;
	p0 =	por $0x1, $0x1;
	v43 =	vld.idx.msk [tilespmem:v40+s2+$0x0], $0xffff;
	v40 =	vadd.f32 v63, v19;
	v42 =	vadd.f32 v30, v20;
	v30 =	vmovc v34;
	v35 =	vmov v28  }
.LBB2_53:
0x400: {  	p1 =	slt.s32 s0, s26;
	v44 =	vmax.f32 v29, $0.0e+00;
	v45 =	vmax.f32 v32, $0.0e+00;
	v39 =	vnsel vm0, $0x0, v39;
	v46 =	vmovc v38;
	v47 =	vmovc v30;
	s1 =	smov.u32 s0;
	s0 =	sadd.s32 $0x1, s0  }
0x401: {  	v30 =	vadd.s32 s1, v1;
	v38 =	vadd.s32 s1, v15;
	vm0 =	vlt.f32 v42, $2.560000000e+02;
	v41 =	vld.idx.msk [tilespmem:v41+s2+$0x0], $0xffff  }
0x402: {  	vm1 =	vge.f32 v40, $0.0e+00;
	v48 =	vmax.f32 v40, $0.0e+00;
	v49 =	vmax.f32 v42, $0.0e+00  }
0x403: {  	vm2 =	vge.f32 v42, $0.0e+00;
	v44 =	vmin.f32 v44, $2.550000000e+02;
	v42 =	vmin.f32 v49, $2.550000000e+02  }
0x404: {  	v48 =	vmin.f32 v48, $2.550000000e+02;
	v44 =	vtrunc.f32 v44;
	v39 =	vmul.f32 v39, v43  }
0x405: {  	vm3 =	vlt.f32 v40, $2.560000000e+02;
	v40 =	vtrunc.f32 v42;
	v42 =	vmin.f32 v45, $2.550000000e+02  }
0x406: {  	v43 =	vcvt.f32.s32 v44;
	v40 =	vcvt.f32.s32 v40;
	v35 =	vadd.f32 v39, v35;
	v38 =	vld.idx.msk [tilespmem:v38+s17+$0x0], $0xffff  }
0x407: {  	vm1 =	vmand vm1, vm2;
	v39 =	vtrunc.f32 v48;
	v37 =	vmul.f32 v37, v41;
	v30 =	vld.idx.msk [tilespmem:v30+s17+$0x0], $0xffff  }
0x408: {  	vm1 =	vmand vm1, vm3;
	v41 =	vtrunc.f32 v42;
	v42 =	vmul.u32 $0x105, v43  }
0x409: {  	vm0 =	vmand vm0, vm1;
	v39 =	vcvt.f32.s32 v39;
	v36 =	vadd.f32 v37, v36  }
0x40a: {  	v45 =	vsub.f32 v34, v33;
	v48 =	vcvt.f32.s32 v41  }
0x40b: {  	v37 =	vmul.u32 $0x105, v39;
	v39 =	vmul.f32 v31, v26  }
0x40c: {  	v33 =	vmovc v47;
	v44 =	vmul.f32 v45, v25;
	v42 =	vadd.s32 v48, v42;
	v43 =	vadd.f32 v38, v46  }
0x40d: {  	v41 =	vadd.s32 v40, v37;
	v31 =	vsub.f32 v38, v46;
	v45 =	vadd.f32 v30, v33;
	v34 =	vmovc v30  }
0x40e: {  	v37 =	vnsel vm0, $0x0, v44;
	vm0 =	vlt.f32 v32, $2.560000000e+02;
	v40 =	vmul.f32 $5.000000000e-01, v43  }
.Ltmp31:
0x40f: {  	vm2 =	vge.f32 v32, $0.0e+00;
	vm1 =	vlt.f32 v29, $2.560000000e+02;
	v43 =	vmul.f32 $5.000000000e-01, v45;
	(pc) =	sbr.rel @p1 .LBB2_53-.Ltmp31, $4  }
0x410: {  	vm3 =	vge.f32 v29, $0.0e+00;
	v32 =	vmul.f32 v40, v21;
	v40 =	vmul.f32 v40, v22  }
0x411: {  	vm2 =	vmand vm3, vm2;
	v44 =	vmul.f32 v43, v17;
	v45 =	vmul.f32 v43, v18  }
0x412: {  	vm1 =	vmand vm2, vm1;
	v29 =	vadd.f32 v32, v23;
	v32 =	vadd.f32 v40, v24;
	v43 =	vld.idx.msk [tilespmem:v42+s2+$0x0], $0xffff  }
0x413: {  	vm0 =	vmand vm0, vm1;
	v40 =	vadd.f32 v44, v19;
	v42 =	vadd.f32 v45, v20  }
.Ltmp32:
0x414: {  	(pc) =	sbr.rel .LBB2_55-.Ltmp32, $2  }
0x415: {  	_ =	sdelay $0x2  }
0x416: {  	v30 =	vmov v33  }
.LBB2_9:
.Ltmp33:
0x417: {  	(pc) =	sbr.rel .LBB2_14-.Ltmp33, $2  }
0x418: {  	_ =	sdelay $0x2  }
0x419: {  	v34 =	vimm.f32 $0.0e+00;
	v31 =	vmovc v32;
	v37 =	vmov v32;
	v35 =	vimm.f32 $0.0e+00  }
.LBB2_16:
.Ltmp34:
0x41a: {  	_ = 	snop;
	(pc) =	sbr.rel .LBB2_23-.Ltmp34, $2  }
0x41b: {  	_ =	sdelay $0x2  }
0x41c: {  	v31 =	vmovc v29;
	v38 =	vmovc v27;
	v34 =	vmov v35;
	v32 =	vmov v36;
	v36 =	vmov v28  }
.LBB2_7:
.Ltmp35:
0x41d: {  	(pc) =	sbr.rel .LBB2_28-.Ltmp35, $2  }
0x41e: {  	_ =	sdelay $0x2  }
0x41f: {  	v35 =	vmov v28;
	v36 =	vmov v27;
	v34 =	vmov v33  }
.LBB2_36:
.Ltmp36:
0x420: {  	(pc) =	sbr.rel .LBB2_41-.Ltmp36, $2  }
0x421: {  	_ =	sdelay $0x2  }
0x422: {  	v34 =	vimm.f32 $0.0e+00;
	v31 =	vmovc v32;
	v37 =	vmov v32;
	v35 =	vimm.f32 $0.0e+00  }
.LBB2_43:
.Ltmp37:
0x423: {  	_ = 	snop;
	(pc) =	sbr.rel .LBB2_50-.Ltmp37, $2  }
0x424: {  	_ =	sdelay $0x2  }
0x425: {  	v31 =	vmovc v29;
	v38 =	vmovc v27;
	v34 =	vmov v35;
	v32 =	vmov v36;
	v36 =	vmov v28  }
.LBB2_11:
.Ltmp38:
0x426: {  	(pc) =	sbr.rel .LBB2_14-.Ltmp38, $2  }
0x427: {  	_ =	sdelay $0x2  }
0x428: {  	v34 =	vimm.f32 $0.0e+00;
	v36 =	vmovc v38;
	v37 =	vmovc v31;
	v29 =	vmov v32;
	v35 =	vimm.f32 $0.0e+00  }
.LBB2_18:
.Ltmp39:
0x429: {  	(pc) =	sbr.rel .LBB2_23-.Ltmp39, $3  }
0x42a: {  	_ =	sdelay $0x1  }
0x42b: {  	v30 =	vmov v36  }
0x42c: {  	v36 =	vmovc v28;
	v39 =	vmovc v35;
	v38 =	vmov v27;
	v34 =	vmov v31;
	v31 =	vmov v35  }
.LBB2_25:
.Ltmp40:
0x42d: {  	(pc) =	sbr.rel .LBB2_28-.Ltmp40, $2  }
0x42e: {  	_ =	sdelay $0x2  }
0x42f: {  	v35 =	vmov v28;
	v36 =	vmov v27;
	v30 =	vmov v33  }
.LBB2_38:
.Ltmp41:
0x430: {  	(pc) =	sbr.rel .LBB2_41-.Ltmp41, $2  }
0x431: {  	_ =	sdelay $0x2  }
0x432: {  	v34 =	vimm.f32 $0.0e+00;
	v36 =	vmovc v38;
	v37 =	vmovc v31;
	v29 =	vmov v32;
	v35 =	vimm.f32 $0.0e+00  }
.LBB2_45:
.Ltmp42:
0x433: {  	(pc) =	sbr.rel .LBB2_50-.Ltmp42, $3  }
0x434: {  	_ =	sdelay $0x1  }
0x435: {  	v30 =	vmov v36  }
0x436: {  	v36 =	vmovc v28;
	v39 =	vmovc v35;
	v38 =	vmov v27;
	v34 =	vmov v31;
	v31 =	vmov v35  }
.LBB2_52:
.Ltmp43:
0x437: {  	(pc) =	sbr.rel .LBB2_55-.Ltmp43, $2  }
0x438: {  	_ =	sdelay $0x2  }
0x439: {  	v35 =	vmov v28;
	v36 =	vmov v27;
	v30 =	vmov v33  }
.LBB2_20:
.Ltmp44:
0x43a: {  	(pc) =	sbr.rel .LBB2_23-.Ltmp44, $3  }
0x43b: {  	_ =	sdelay $0x1  }
0x43c: {  	v30 =	vmov v32;
	v47 =	vmov v33;
	v36 =	vmov v28  }
0x43d: {  	v33 =	vmovc v44;
	v39 =	vmovc v31;
	v38 =	vmov v27;
	v32 =	vmov v29;
	v29 =	vmov v35  }
.LBB2_47:
.Ltmp45:
0x43e: {  	(pc) =	sbr.rel .LBB2_50-.Ltmp45, $3  }
0x43f: {  	_ =	sdelay $0x1  }
0x440: {  	v30 =	vmov v32;
	v47 =	vmov v33;
	v36 =	vmov v28  }
0x441: {  	v33 =	vmovc v44;
	v39 =	vmovc v31;
	v38 =	vmov v27;
	v32 =	vmov v29;
	v29 =	vmov v35  }
.LBB2_58:
0x442: {  	_ =	sfence.sel $0x180000  }
0x443: {  	[bflag:$0x0] =	sbarrier.arrive $0xFFFF  }
0x444: {  	_ =	strace $0x90000047  }
0x445: {  	s0 =	stileid.u32;
	[bflag:$0x2] =	sbarrier.arrive $0xFFFF  }
0x446: {  	p0 =	sne.s32 s0, $0x0;
	s0 =	rddreg [dreg:$0x2]  }
0x447: {  	s0 =	sadd.s32 @!p0 $0x100000, s0  }
0x448: {  	[sflag:s0] =	ssyncadd.tile.s32 @!p0 $0x1;
	_ =	shalt  }
.Lfunc_end2:
_tile_overlayer_lowered:
.L_overlay_start_2:
0x449: {  	(tag) =	ssettag $0x2  }
0x44a: {  	s0 =	rddreg [dreg:$0x0];
	s2 =	stileid.u32  }
0x44b: {  	s1 =	rddreg [dreg:$0x1];
	p0 =	sne.s32 s2, $0x0  }
0x44c: {  	s3 =	rddreg [dreg:$0x2];
	[bflag:$0x3] =	sbarrier.arrive $0xFFFF;
	s2 =	simm.s32 @!p0 $0x1C05  }
0x44d: {  	[timem:s3], [sflag:s2] =	dma.local @!p0 [hbm:s0], s1  }
0x44e: {  	s0 =	simm.s32 @!p0 $0x5  }
0x44f: {  	_ =	swait.ge @!p0 [sflag:s0], s1  }
0x450: {  	s1 =	ssub.s32 @!p0 $0x0, s1;
	[sflag:s0] =	ssyncset.done @!p0 $0x0  }
0x451: {  	[sflag:s0] =	ssyncadd.s32 @!p0 s1  }
0x452: {  	[bflag:$0x3] =	sbarrier.arrive $0xFFFF  }
0x453: {  	_ =	shalt  }

</sc_bundles>
